<compile_context>
chip_gen: v7x
topology: tpu7x:2x2x1
jax: 0.10.2.dev20260603
libtpu: 0.0.44.dev20260713+nightly
codegen_flags: <defaults>
</compile_context>

<pallas_src>
import functools

import jax
import jax.numpy as jnp
from jax import lax
from jax.experimental import pallas as pl
from jax.experimental.pallas import tpu as pltpu
from jax.experimental.pallas import tpu_sc as plsc

N = 10000
E = 320000
D_IN = 128
D_HID = 64
D_OUT = 128

NC = 2
NS = 16
NW = NC * NS
EPW = E // NW
K = 80
C = EPW // K
NP = 10240
RPT = NP // NS

_mesh = plsc.VectorSubcoreMesh(core_axis_name="c", subcore_axis_name="s")
_sc_params = pltpu.CompilerParams(use_tc_tiling_on_sc=False)


@functools.partial(
    pl.kernel,
    out_type=jax.ShapeDtypeStruct((NW, NP), jnp.float32),
    mesh=_mesh,
    scratch_types=[
        pltpu.VMEM((EPW,), jnp.int32),
        pltpu.VMEM((NP,), jnp.float32),
    ],
    compiler_params=pltpu.CompilerParams(
        use_tc_tiling_on_sc=False, needs_layout_passes=False
    ),
)
def _deg_sc(dst_hbm, out_hbm, dst_v, hist):
    c = lax.axis_index("c")
    s = lax.axis_index("s")
    wid = c * NS + s
    zero16 = jnp.zeros((16,), jnp.float32)
    ones16 = jnp.ones((16,), jnp.float32)

    def zb(i, carry):
        hist[pl.ds(i * 16, 16)] = zero16
        return carry

    lax.fori_loop(0, NP // 16, zb, 0)
    pltpu.sync_copy(dst_hbm.at[wid], dst_v)

    def body(r, carry):
        for q in range(5):
            ix = dst_v[pl.ds((r * 5 + q) * 16, 16)]
            plsc.addupdate_scatter(hist, [ix], ones16)
        return carry

    lax.fori_loop(0, EPW // 80, body, 0)
    pltpu.sync_copy(hist, out_hbm.at[wid])


@functools.partial(
    pl.kernel,
    out_type=jax.ShapeDtypeStruct((NC, NP, D_HID), jnp.float32),
    mesh=_mesh,
    scratch_types=[
        pltpu.VMEM((C, K), jnp.int32),
        pltpu.VMEM((C, K), jnp.int32),
        [pltpu.VMEM((K, D_HID), jnp.float32) for _ in range(5)],
        pltpu.VMEM_SHARED((NP, D_HID), jnp.float32),
        [pltpu.SemaphoreType.DMA for _ in range(5)],
        [pltpu.SemaphoreType.DMA for _ in range(5)],
        pltpu.SemaphoreType.DMA,
    ],
    compiler_params=_sc_params,
)
def _scatter_sc(src_hbm, dst_hbm, y_hbm, zeros_hbm, out_hbm,
                src_v, dst_v, bufs, acc, gsems, ssems, psem):
    c = lax.axis_index("c")
    s = lax.axis_index("s")
    wid = c * NS + s
    base = s * RPT

    @pl.when(c == 0)
    def _():
        pltpu.async_copy(y_hbm.at[pl.ds(base, RPT)], acc.at[pl.ds(base, RPT)],
                         psem)

    @pl.when(c == 1)
    def _():
        pltpu.async_copy(zeros_hbm.at[pl.ds(base, RPT)],
                         acc.at[pl.ds(base, RPT)], psem)

    pltpu.async_copy(src_hbm.at[wid], src_v, gsems[0])
    pltpu.async_copy(dst_hbm.at[wid], dst_v, gsems[1])
    pltpu.make_async_copy(src_hbm.at[wid], src_v, gsems[0]).wait()
    pltpu.make_async_copy(dst_hbm.at[wid], dst_v, gsems[1]).wait()
    pltpu.make_async_copy(
        zeros_hbm.at[pl.ds(base, RPT)], acc.at[pl.ds(base, RPT)], psem).wait()
    plsc.subcore_barrier()

    U = 5
    for i in range(U):
        pltpu.async_copy(y_hbm.at[src_v.at[i]], bufs[i], gsems[i])

    def body(t, carry):
        for i in range(U):
            j = U * t + i
            pltpu.make_async_copy(y_hbm.at[src_v.at[j]], bufs[i], gsems[i]).wait()
            pltpu.async_copy(bufs[i], acc.at[dst_v.at[j]], ssems[i], add=True)
        for i in range(U):
            jn = U * t + U + i
            pltpu.make_async_copy(bufs[i], acc.at[dst_v.at[jn]], ssems[i]).wait()
            pltpu.async_copy(y_hbm.at[src_v.at[jn]], bufs[i], gsems[i])
        return carry

    lax.fori_loop(0, C // U - 1, body, 0)
    for i in range(U):
        j = C - U + i
        pltpu.make_async_copy(y_hbm.at[src_v.at[j]], bufs[i], gsems[i]).wait()
        pltpu.async_copy(bufs[i], acc.at[dst_v.at[j]], ssems[i], add=True)
    for i in range(U):
        pltpu.make_async_copy(bufs[i], acc.at[dst_v.at[C - U + i]], ssems[i]).wait()
    plsc.subcore_barrier()
    pltpu.sync_copy(acc.at[pl.ds(base, RPT)], out_hbm.at[c, pl.ds(base, RPT)])


HB = RPT // 5


@functools.partial(
    pl.kernel,
    out_type=(
        jax.ShapeDtypeStruct((NC, NP, D_HID), jnp.float32),
        jax.ShapeDtypeStruct((NC, NP, D_HID), jnp.float32),
    ),
    mesh=_mesh,
    scratch_types=[
        pltpu.VMEM((C, K), jnp.int32),
        pltpu.VMEM((C, K), jnp.int32),
        [pltpu.VMEM((HB, D_HID), jnp.float32) for _ in range(2)],
        [pltpu.VMEM((HB, D_HID), jnp.float32) for _ in range(2)],
        pltpu.VMEM((HB, D_HID), jnp.float32),
        pltpu.VMEM((1, D_HID), jnp.float32),
        [pltpu.VMEM((K, D_HID), jnp.float32) for _ in range(5)],
        pltpu.VMEM_SHARED((NP, D_HID), jnp.float32),
        [pltpu.SemaphoreType.DMA for _ in range(5)],
        [pltpu.SemaphoreType.DMA for _ in range(5)],
        pltpu.SemaphoreType.DMA,
    ],
    compiler_params=_sc_params,
)
def _layer2_sc(src_hbm, dst_hbm, z1p_hbm, dinvw_hbm, b1_hbm, zeros_hbm,
               y2_hbm, out_hbm,
               src_v, dst_v, zas, zbs, dvs, b1v,
               bufs, acc, gsems, ssems, psem):
    c = lax.axis_index("c")
    s = lax.axis_index("s")
    wid = c * NS + s
    base = s * RPT

    @pl.when(c == 1)
    def _():
        pltpu.async_copy(zeros_hbm.at[pl.ds(base, RPT)],
                         acc.at[pl.ds(base, RPT)], psem)

    pltpu.async_copy(src_hbm.at[wid], src_v, gsems[0])
    pltpu.async_copy(dst_hbm.at[wid], dst_v, gsems[1])
    pltpu.sync_copy(b1_hbm, b1v)
    b1q = [b1v[0, pl.ds(q * 16, 16)] for q in range(D_HID // 16)]

    def _load(h):
        r0 = base + h * HB
        p = h % 2
        pltpu.async_copy(z1p_hbm.at[0, pl.ds(r0, HB)], zas[p], ssems[p])
        pltpu.async_copy(z1p_hbm.at[1, pl.ds(r0, HB)], zbs[p], ssems[2 + p])

    _load(0)
    for h in range(5):
        r0 = base + h * HB
        p = h % 2
        za, zb, dvp = zas[p], zbs[p], dvs
        pltpu.sync_copy(dinvw_hbm.at[pl.ds(r0, HB)], dvp)
        pltpu.make_async_copy(z1p_hbm.at[0, pl.ds(r0, HB)], za,
                              ssems[p]).wait()
        pltpu.make_async_copy(z1p_hbm.at[1, pl.ds(r0, HB)], zb,
                              ssems[2 + p]).wait()
        if h < 4:
            if h >= 1:
                pltpu.make_async_copy(zas[1 - p],
                                      y2_hbm.at[c, pl.ds(r0 - HB, HB)],
                                      ssems[4]).wait()

                @pl.when(c == 0)
                def _():
                    pltpu.make_async_copy(zas[1 - p],
                                          acc.at[pl.ds(r0 - HB, HB)],
                                          gsems[4]).wait()

            _load(h + 1)

        def ew(r, carry):
            for q in range(D_HID // 16):
                sl = pl.ds(q * 16, 16)
                d = dvp[r, sl]
                v = za[r, sl] + zb[r, sl]
                v = jnp.maximum(v * d + b1q[q], 0.0) * d
                za[r, sl] = v
            return carry

        lax.fori_loop(0, HB, ew, 0)
        pltpu.async_copy(za, y2_hbm.at[c, pl.ds(r0, HB)], ssems[4])

        @pl.when(c == 0)
        def _():
            pltpu.async_copy(za, acc.at[pl.ds(r0, HB)], gsems[4])

    for h in (3, 4):
        r0 = base + h * HB
        pltpu.make_async_copy(zas[h % 2], y2_hbm.at[c, pl.ds(r0, HB)],
                              ssems[4]).wait()

        @pl.when(c == 0)
        def _():
            pltpu.make_async_copy(zas[h % 2], acc.at[pl.ds(r0, HB)],
                                  gsems[4]).wait()

    @pl.when(c == 1)
    def _():
        pltpu.make_async_copy(
            zeros_hbm.at[pl.ds(base, RPT)], acc.at[pl.ds(base, RPT)],
            psem).wait()

    pltpu.make_async_copy(src_hbm.at[wid], src_v, gsems[0]).wait()
    pltpu.make_async_copy(dst_hbm.at[wid], dst_v, gsems[1]).wait()
    plsc.subcore_barrier()

    y2c = y2_hbm.at[c]
    U = 5
    for i in range(U):
        pltpu.async_copy(y2c.at[src_v.at[i]], bufs[i], gsems[i])

    def body(t, carry):
        for i in range(U):
            j = U * t + i
            pltpu.make_async_copy(y2c.at[src_v.at[j]], bufs[i], gsems[i]).wait()
            pltpu.async_copy(bufs[i], acc.at[dst_v.at[j]], ssems[i], add=True)
        for i in range(U):
            jn = U * t + U + i
            pltpu.make_async_copy(bufs[i], acc.at[dst_v.at[jn]], ssems[i]).wait()
            pltpu.async_copy(y2c.at[src_v.at[jn]], bufs[i], gsems[i])
        return carry

    lax.fori_loop(0, C // U - 1, body, 0)
    for i in range(U):
        j = C - U + i
        pltpu.make_async_copy(y2c.at[src_v.at[j]], bufs[i], gsems[i]).wait()
        pltpu.async_copy(bufs[i], acc.at[dst_v.at[j]], ssems[i], add=True)
    for i in range(U):
        pltpu.make_async_copy(bufs[i], acc.at[dst_v.at[C - U + i]], ssems[i]).wait()
    plsc.subcore_barrier()
    pltpu.sync_copy(acc.at[pl.ds(base, RPT)], out_hbm.at[c, pl.ds(base, RPT)])


def _tc1_body(parts_ref, x_ref, w1_ref, dinv_ref, dinvw_ref, y1_ref):
    deg_col = lax.dot_general(
        parts_ref[...],
        jnp.ones((NW, 1), jnp.float32),
        (((0,), (0,)), ((), ())),
        preferred_element_type=jnp.float32,
    )
    dinv = lax.rsqrt(deg_col + 1.0)
    dinv_ref[...] = dinv
    dinvw_ref[...] = jnp.broadcast_to(dinv, (NP, D_HID))
    xw = jnp.dot(x_ref[...], w1_ref[...], preferred_element_type=jnp.float32)
    y1_ref[...] = dinv * xw


def _tc3_body(zp_ref, dinv_ref, w2_ref, b2_ref, out_ref):
    ah = dinv_ref[:N, :] * (zp_ref[0, :N, :] + zp_ref[1, :N, :])
    out_ref[...] = (
        jnp.dot(ah, w2_ref[...], preferred_element_type=jnp.float32)
        + b2_ref[...]
    )


_tc1 = pl.pallas_call(
    _tc1_body,
    out_shape=(
        jax.ShapeDtypeStruct((NP, 1), jnp.float32),
        jax.ShapeDtypeStruct((NP, D_HID), jnp.float32),
        jax.ShapeDtypeStruct((NP, D_HID), jnp.float32),
    ),
)
_tc3 = pl.pallas_call(
    _tc3_body,
    out_shape=jax.ShapeDtypeStruct((N, D_OUT), jnp.float32),
)


def kernel(x, edge_index, W1, b1, W2, b2):
    src = edge_index[0].reshape(NW, C, K)
    dst = edge_index[1].reshape(NW, C, K)
    dst_flat = edge_index[1].reshape(NW, EPW)
    zeros_rows = jnp.zeros((NP, D_HID), jnp.float32)

    xp = jnp.pad(x, ((0, NP - N), (0, 0)))
    deg_parts = _deg_sc(dst_flat)
    dinv, dinvw, y1 = _tc1(deg_parts, xp, W1)
    z1_parts = _scatter_sc(src, dst, y1, zeros_rows)
    y2_copies, z2_parts = _layer2_sc(
        src, dst, z1_parts, dinvw, b1.reshape(1, D_HID), zeros_rows)
    del y2_copies
    return _tc3(z2_parts, dinv, W2, b2.reshape(1, D_OUT))

# --- scband reference (transcript-rebuilt; emitter-appended) ---
"""Pipeline reference for scband-tgn-10840497455789 (READ-ONLY COPY).

The authoritative reference and input builder live on the scoring server;
editing this copy changes nothing except your own understanding.
"""

import jax, jax.numpy as jnp
import numpy as np

N = 10000
E = 320000
D_IN = 128
D_HID = 64
D_OUT = 128


def setup_inputs(seed: int = 0) -> dict:
    key = jax.random.key(seed)
    k1, k2, k3, k4, k5, k6 = jax.random.split(key, 6)
    x = jax.random.normal(k1, (N, D_IN), dtype=jnp.float32)
    edge_index = jax.random.randint(k2, (2, E), 0, N, dtype=jnp.int32)
    W1 = jax.random.normal(k3, (D_IN, D_HID), dtype=jnp.float32) * (1.0 / np.sqrt(D_IN))
    b1 = jax.random.normal(k4, (D_HID,), dtype=jnp.float32) * 0.01
    W2 = jax.random.normal(k5, (D_HID, D_OUT), dtype=jnp.float32) * (1.0 / np.sqrt(D_HID))
    b2 = jax.random.normal(k6, (D_OUT,), dtype=jnp.float32) * 0.01
    return {"x": x, "edge_index": edge_index, "W1": W1, "b1": b1, "W2": W2, "b2": b2}


def _gcn_conv(x, src, dst, W, b, num_nodes):
    # GCNConv: x' = D^-1/2 (A + I) D^-1/2 (x W) + b, with self-loops added
    loop = jnp.arange(num_nodes, dtype=src.dtype)
    src_sl = jnp.concatenate([src, loop])
    dst_sl = jnp.concatenate([dst, loop])
    deg = jnp.zeros((num_nodes,), dtype=x.dtype).at[dst_sl].add(1.0)
    dinv = jnp.where(deg > 0, jax.lax.rsqrt(deg), 0.0)
    norm = dinv[src_sl] * dinv[dst_sl]
    xw = x @ W
    msg = xw[src_sl] * norm[:, None]
    out = jnp.zeros((num_nodes, W.shape[1]), dtype=x.dtype).at[dst_sl].add(msg)
    return out + b


def reference(x, edge_index, W1, b1, W2, b2):
    src, dst = edge_index[0], edge_index[1]
    h = _gcn_conv(x, src, dst, W1, b1, N)
    h = jax.nn.relu(h)
    out = _gcn_conv(h, src, dst, W2, b2, N)
    return out

if __name__ == "__main__":
    import jax
    _d = setup_inputs()
    print(jax.jit(kernel)(*tuple(_d.values())))

</pallas_src>

<mosaic_0001>
#map = affine_map<(d0, d1) -> (0, 0)>
module attributes {stable_mosaic.version = 14 : i64} {
  func.func @_deg_sc(%arg0: i32, %arg1: i32, %arg2: memref<32x10000xi32, #tpu.memory_space<hbm>>, %arg3: memref<32x10240xf32, #tpu.memory_space<hbm>>, %arg4: memref<10000xi32, #tpu.memory_space<vmem>>, %arg5: memref<10240xf32, #tpu.memory_space<vmem>>) attributes {dimension_semantics = [#tpu.dimension_semantics<core_parallel>, #tpu.dimension_semantics<subcore_parallel>], iteration_bounds = array<i64: 2, 16>, scalar_prefetch = 0 : i64, scratch_operands = 2 : i64, tpu.core_type = #tpu.core_type<sc_vector_subcore>, window_params = [{transform_indices = #map}, {transform_indices = #map}]} {
    %mul3A = arith.constant 16 : i32
    %mul3A_0 = arith.muli %arg0, %mul3A : i32
    %add3A = arith.addi %mul3A_0, %arg1 : i32
    %broadcast_in_dim3A = arith.constant 0.000000e+00 : f32
    %broadcast_in_dim3A_1 = vector.broadcast %broadcast_in_dim3A : f32 to vector<16xf32>
    %broadcast_in_dim3A_2 = arith.constant 1.000000e+00 : f32
    %broadcast_in_dim3A_3 = vector.broadcast %broadcast_in_dim3A_2 : f32 to vector<16xf32>
    %scan3A = arith.constant 0 : i32
    %scan3A_4 = arith.constant 0 : i32
    %scan3A_5 = arith.constant 640 : i32
    %scan3A_6 = arith.addi %scan3A_4, %scan3A_5 : i32
    %scan3A_7 = arith.constant 1 : i32
    scf.for %scan3A_15 = %scan3A_4 to %scan3A_6 step %scan3A_7  : i32 {
      %mul3A_16 = arith.constant 16 : i32
      %mul3A_17 = arith.muli %scan3A_15, %mul3A_16 : i32
      %swap3A = arith.index_cast %mul3A_17 : i32 to index
      %swap3A_18 = tpu.vector_load %arg5[%swap3A] {strides = array<i32>} : memref<10240xf32, #tpu.memory_space<vmem>>, vector<16xf32>,
      tpu.vector_store %arg5[%swap3A], %broadcast_in_dim3A_1 {strides = array<i32>} : memref<10240xf32, #tpu.memory_space<vmem>>, vector<16xf32>,
    }
    %scan3A_8 = arith.constant 640 : i32
    "tpu.region"() ({
      %run_scoped3A = tpu.sem_alloc : memref<!tpu.dma_semaphore, #tpu.memory_space<semaphore_mem>>
      %dma_start3A = arith.constant 0 : i32
      %dma_start3A_15 = tpu.memref_slice %arg2[%add3A, %dma_start3A] : memref<32x10000xi32, #tpu.memory_space<hbm>> -> memref<1x10000xi32, #tpu.memory_space<hbm>>
      %dma_start3A_16 = tpu.memref_squeeze %dma_start3A_15 : memref<1x10000xi32, #tpu.memory_space<hbm>> -> memref<10000xi32, #tpu.memory_space<hbm>>
      %dma_start3A_17 = arith.constant 0 : i32
      %dma_start3A_18 = tpu.memref_slice %arg2[%add3A, %dma_start3A_17] : memref<32x10000xi32, #tpu.memory_space<hbm>> -> memref<1x10000xi32, #tpu.memory_space<hbm>>
      %dma_start3A_19 = tpu.memref_squeeze %dma_start3A_18 : memref<1x10000xi32, #tpu.memory_space<hbm>> -> memref<10000xi32, #tpu.memory_space<hbm>>
      tpu.enqueue_dma source(%dma_start3A_19 : memref<10000xi32, #tpu.memory_space<hbm>>) target(%arg4 : memref<10000xi32, #tpu.memory_space<vmem>>) target_semaphore(%run_scoped3A : memref<!tpu.dma_semaphore, #tpu.memory_space<semaphore_mem>>)
      %dma_wait3A = arith.constant 0 : i32
      %dma_wait3A_20 = tpu.memref_slice %arg2[%add3A, %dma_wait3A] : memref<32x10000xi32, #tpu.memory_space<hbm>> -> memref<1x10000xi32, #tpu.memory_space<hbm>>
      %dma_wait3A_21 = tpu.memref_squeeze %dma_wait3A_20 : memref<1x10000xi32, #tpu.memory_space<hbm>> -> memref<10000xi32, #tpu.memory_space<hbm>>
      %dma_wait3A_22 = arith.constant 0 : i32
      %dma_wait3A_23 = tpu.memref_slice %arg2[%add3A, %dma_wait3A_22] : memref<32x10000xi32, #tpu.memory_space<hbm>> -> memref<1x10000xi32, #tpu.memory_space<hbm>>
      %dma_wait3A_24 = tpu.memref_squeeze %dma_wait3A_23 : memref<1x10000xi32, #tpu.memory_space<hbm>> -> memref<10000xi32, #tpu.memory_space<hbm>>
      tpu.wait_dma2 semaphore(%run_scoped3A : memref<!tpu.dma_semaphore, #tpu.memory_space<semaphore_mem>>) src(%dma_wait3A_24 : memref<10000xi32, #tpu.memory_space<hbm>>) dst(%arg4 : memref<10000xi32, #tpu.memory_space<vmem>>)
      tpu.yield
    }) : () -> ()
    %scan3A_9 = arith.constant 0 : i32
    %scan3A_10 = arith.constant 0 : i32
    %scan3A_11 = arith.constant 125 : i32
    %scan3A_12 = arith.addi %scan3A_10, %scan3A_11 : i32
    %scan3A_13 = arith.constant 1 : i32
    scf.for %scan3A_15 = %scan3A_10 to %scan3A_12 step %scan3A_13  : i32 {
      %mul3A_16 = arith.constant 5 : i32
      %mul3A_17 = arith.muli %scan3A_15, %mul3A_16 : i32
      %add3A_18 = arith.constant 0 : i32
      %add3A_19 = arith.addi %mul3A_17, %add3A_18 : i32
      %mul3A_20 = arith.constant 16 : i32
      %mul3A_21 = arith.muli %add3A_19, %mul3A_20 : i32
      %get3A = arith.index_cast %mul3A_21 : i32 to index
      %get3A_22 = tpu.vector_load %arg4[%get3A] {strides = array<i32>} : memref<10000xi32, #tpu.memory_space<vmem>>, vector<16xi32>,
      tpu.vector_store_idx %arg5[%get3A_22], %broadcast_in_dim3A_3 {add = true} : memref<10240xf32, #tpu.memory_space<vmem>>[vector<16xi32>], vector<16xf32>,
      %mul3A_23 = arith.constant 5 : i32
      %mul3A_24 = arith.muli %scan3A_15, %mul3A_23 : i32
      %add3A_25 = arith.constant 1 : i32
      %add3A_26 = arith.addi %mul3A_24, %add3A_25 : i32
      %mul3A_27 = arith.constant 16 : i32
      %mul3A_28 = arith.muli %add3A_26, %mul3A_27 : i32
      %get3A_29 = arith.index_cast %mul3A_28 : i32 to index
      %get3A_30 = tpu.vector_load %arg4[%get3A_29] {strides = array<i32>} : memref<10000xi32, #tpu.memory_space<vmem>>, vector<16xi32>,
      tpu.vector_store_idx %arg5[%get3A_30], %broadcast_in_dim3A_3 {add = true} : memref<10240xf32, #tpu.memory_space<vmem>>[vector<16xi32>], vector<16xf32>,
      %mul3A_31 = arith.constant 5 : i32
      %mul3A_32 = arith.muli %scan3A_15, %mul3A_31 : i32
      %add3A_33 = arith.constant 2 : i32
      %add3A_34 = arith.addi %mul3A_32, %add3A_33 : i32
      %mul3A_35 = arith.constant 16 : i32
      %mul3A_36 = arith.muli %add3A_34, %mul3A_35 : i32
      %get3A_37 = arith.index_cast %mul3A_36 : i32 to index
      %get3A_38 = tpu.vector_load %arg4[%get3A_37] {strides = array<i32>} : memref<10000xi32, #tpu.memory_space<vmem>>, vector<16xi32>,
      tpu.vector_store_idx %arg5[%get3A_38], %broadcast_in_dim3A_3 {add = true} : memref<10240xf32, #tpu.memory_space<vmem>>[vector<16xi32>], vector<16xf32>,
      %mul3A_39 = arith.constant 5 : i32
      %mul3A_40 = arith.muli %scan3A_15, %mul3A_39 : i32
      %add3A_41 = arith.constant 3 : i32
      %add3A_42 = arith.addi %mul3A_40, %add3A_41 : i32
      %mul3A_43 = arith.constant 16 : i32
      %mul3A_44 = arith.muli %add3A_42, %mul3A_43 : i32
      %get3A_45 = arith.index_cast %mul3A_44 : i32 to index
      %get3A_46 = tpu.vector_load %arg4[%get3A_45] {strides = array<i32>} : memref<10000xi32, #tpu.memory_space<vmem>>, vector<16xi32>,
      tpu.vector_store_idx %arg5[%get3A_46], %broadcast_in_dim3A_3 {add = true} : memref<10240xf32, #tpu.memory_space<vmem>>[vector<16xi32>], vector<16xf32>,
      %mul3A_47 = arith.constant 5 : i32
      %mul3A_48 = arith.muli %scan3A_15, %mul3A_47 : i32
      %add3A_49 = arith.constant 4 : i32
      %add3A_50 = arith.addi %mul3A_48, %add3A_49 : i32
      %mul3A_51 = arith.constant 16 : i32
      %mul3A_52 = arith.muli %add3A_50, %mul3A_51 : i32
      %get3A_53 = arith.index_cast %mul3A_52 : i32 to index
      %get3A_54 = tpu.vector_load %arg4[%get3A_53] {strides = array<i32>} : memref<10000xi32, #tpu.memory_space<vmem>>, vector<16xi32>,
      tpu.vector_store_idx %arg5[%get3A_54], %broadcast_in_dim3A_3 {add = true} : memref<10240xf32, #tpu.memory_space<vmem>>[vector<16xi32>], vector<16xf32>,
    }
    %scan3A_14 = arith.constant 125 : i32
    "tpu.region"() ({
      %run_scoped3A = tpu.sem_alloc : memref<!tpu.dma_semaphore, #tpu.memory_space<semaphore_mem>>
      %dma_start3A = arith.constant 0 : i32
      %dma_start3A_15 = tpu.memref_slice %arg3[%add3A, %dma_start3A] : memref<32x10240xf32, #tpu.memory_space<hbm>> -> memref<1x10240xf32, #tpu.memory_space<hbm>>
      %dma_start3A_16 = tpu.memref_squeeze %dma_start3A_15 : memref<1x10240xf32, #tpu.memory_space<hbm>> -> memref<10240xf32, #tpu.memory_space<hbm>>
      %dma_start3A_17 = arith.constant 0 : i32
      %dma_start3A_18 = tpu.memref_slice %arg3[%add3A, %dma_start3A_17] : memref<32x10240xf32, #tpu.memory_space<hbm>> -> memref<1x10240xf32, #tpu.memory_space<hbm>>
      %dma_start3A_19 = tpu.memref_squeeze %dma_start3A_18 : memref<1x10240xf32, #tpu.memory_space<hbm>> -> memref<10240xf32, #tpu.memory_space<hbm>>
      tpu.enqueue_dma source(%arg5 : memref<10240xf32, #tpu.memory_space<vmem>>) target(%dma_start3A_19 : memref<10240xf32, #tpu.memory_space<hbm>>) target_semaphore(%run_scoped3A : memref<!tpu.dma_semaphore, #tpu.memory_space<semaphore_mem>>)
      %dma_wait3A = arith.constant 0 : i32
      %dma_wait3A_20 = tpu.memref_slice %arg3[%add3A, %dma_wait3A] : memref<32x10240xf32, #tpu.memory_space<hbm>> -> memref<1x10240xf32, #tpu.memory_space<hbm>>
      %dma_wait3A_21 = tpu.memref_squeeze %dma_wait3A_20 : memref<1x10240xf32, #tpu.memory_space<hbm>> -> memref<10240xf32, #tpu.memory_space<hbm>>
      %dma_wait3A_22 = arith.constant 0 : i32
      %dma_wait3A_23 = tpu.memref_slice %arg3[%add3A, %dma_wait3A_22] : memref<32x10240xf32, #tpu.memory_space<hbm>> -> memref<1x10240xf32, #tpu.memory_space<hbm>>
      %dma_wait3A_24 = tpu.memref_squeeze %dma_wait3A_23 : memref<1x10240xf32, #tpu.memory_space<hbm>> -> memref<10240xf32, #tpu.memory_space<hbm>>
      tpu.wait_dma2 semaphore(%run_scoped3A : memref<!tpu.dma_semaphore, #tpu.memory_space<semaphore_mem>>) src(%arg5 : memref<10240xf32, #tpu.memory_space<vmem>>) dst(%dma_wait3A_24 : memref<10240xf32, #tpu.memory_space<hbm>>)
      tpu.yield
    }) : () -> ()
    return
  }
}

#map = affine_map<(d0, d1) -> (0, 0, 0)>
#map1 = affine_map<(d0, d1) -> (0, 0)>
module attributes {stable_mosaic.version = 14 : i64} {
  func.func @_scatter_sc(%arg0: i32, %arg1: i32, %arg2: memref<32x125x80xi32, #tpu.memory_space<hbm>>, %arg3: memref<32x125x80xi32, #tpu.memory_space<hbm>>, %arg4: memref<10240x64xf32, #tpu.memory_space<hbm>>, %arg5: memref<10240x64xf32, #tpu.memory_space<hbm>>, %arg6: memref<2x10240x64xf32, #tpu.memory_space<hbm>>, %arg7: memref<125x80xi32, #tpu.memory_space<vmem>>, %arg8: memref<125x80xi32, #tpu.memory_space<vmem>>, %arg9: memref<80x64xf32, #tpu.memory_space<vmem>>, %arg10: memref<80x64xf32, #tpu.memory_space<vmem>>, %arg11: memref<80x64xf32, #tpu.memory_space<vmem>>, %arg12: memref<80x64xf32, #tpu.memory_space<vmem>>, %arg13: memref<80x64xf32, #tpu.memory_space<vmem>>, %arg14: memref<10240x64xf32, #tpu.memory_space<vmem_shared>>, %arg15: memref<!tpu.dma_semaphore, #tpu.memory_space<semaphore_mem>>, %arg16: memref<!tpu.dma_semaphore, #tpu.memory_space<semaphore_mem>>, %arg17: memref<!tpu.dma_semaphore, #tpu.memory_space<semaphore_mem>>, %arg18: memref<!tpu.dma_semaphore, #tpu.memory_space<semaphore_mem>>, %arg19: memref<!tpu.dma_semaphore, #tpu.memory_space<semaphore_mem>>, %arg20: memref<!tpu.dma_semaphore, #tpu.memory_space<semaphore_mem>>, %arg21: memref<!tpu.dma_semaphore, #tpu.memory_space<semaphore_mem>>, %arg22: memref<!tpu.dma_semaphore, #tpu.memory_space<semaphore_mem>>, %arg23: memref<!tpu.dma_semaphore, #tpu.memory_space<semaphore_mem>>, %arg24: memref<!tpu.dma_semaphore, #tpu.memory_space<semaphore_mem>>, %arg25: memref<!tpu.dma_semaphore, #tpu.memory_space<semaphore_mem>>) attributes {dimension_semantics = [#tpu.dimension_semantics<core_parallel>, #tpu.dimension_semantics<subcore_parallel>], iteration_bounds = array<i64: 2, 16>, scalar_prefetch = 0 : i64, scratch_operands = 19 : i64, tpu.core_type = #tpu.core_type<sc_vector_subcore>, window_params = [{transform_indices = #map}, {transform_indices = #map}, {transform_indices = #map1}, {transform_indices = #map1}, {transform_indices = #map}]} {
    %mul3A = arith.constant 16 : i32
    %mul3A_0 = arith.muli %arg0, %mul3A : i32
    %add3A = arith.addi %mul3A_0, %arg1 : i32
    %mul3A_1 = arith.constant 640 : i32
    %mul3A_2 = arith.muli %arg1, %mul3A_1 : i32
    %eq3A = arith.constant 0 : i32
    %eq3A_3 = arith.cmpi eq, %arg0, %eq3A : i32
    %convert_element_type3A = arith.extui %eq3A_3 : i1 to i32
    %cond3A = arith.constant 0 : i32
    %cond3A_4 = arith.cmpi ne, %convert_element_type3A, %cond3A : i32
    scf.if %cond3A_4 {
      %dma_start3A_190 = arith.constant 0 : i32
      %dma_start3A_191 = tpu.memref_slice %arg14[%mul3A_2, %dma_start3A_190] : memref<10240x64xf32, #tpu.memory_space<vmem_shared>> -> memref<640x64xf32, #tpu.memory_space<vmem_shared>>
      %dma_start3A_192 = arith.constant 0 : i32
      %dma_start3A_193 = tpu.memref_slice %arg4[%mul3A_2, %dma_start3A_192] : memref<10240x64xf32, #tpu.memory_space<hbm>> -> memref<640x64xf32, #tpu.memory_space<hbm>>
      tpu.enqueue_dma source(%dma_start3A_193 : memref<640x64xf32, #tpu.memory_space<hbm>>) target(%dma_start3A_191 : memref<640x64xf32, #tpu.memory_space<vmem_shared>>) target_semaphore(%arg25 : memref<!tpu.dma_semaphore, #tpu.memory_space<semaphore_mem>>)
    } else {
    }
    %eq3A_5 = arith.constant 1 : i32
    %eq3A_6 = arith.cmpi eq, %arg0, %eq3A_5 : i32
    %convert_element_type3A_7 = arith.extui %eq3A_6 : i1 to i32
    %cond3A_8 = arith.constant 0 : i32
    %cond3A_9 = arith.cmpi ne, %convert_element_type3A_7, %cond3A_8 : i32
    scf.if %cond3A_9 {
      %dma_start3A_190 = arith.constant 0 : i32
      %dma_start3A_191 = tpu.memref_slice %arg14[%mul3A_2, %dma_start3A_190] : memref<10240x64xf32, #tpu.memory_space<vmem_shared>> -> memref<640x64xf32, #tpu.memory_space<vmem_shared>>
      %dma_start3A_192 = arith.constant 0 : i32
      %dma_start3A_193 = tpu.memref_slice %arg5[%mul3A_2, %dma_start3A_192] : memref<10240x64xf32, #tpu.memory_space<hbm>> -> memref<640x64xf32, #tpu.memory_space<hbm>>
      tpu.enqueue_dma source(%dma_start3A_193 : memref<640x64xf32, #tpu.memory_space<hbm>>) target(%dma_start3A_191 : memref<640x64xf32, #tpu.memory_space<vmem_shared>>) target_semaphore(%arg25 : memref<!tpu.dma_semaphore, #tpu.memory_space<semaphore_mem>>)
    } else {
    }
    %dma_start3A = arith.constant 0 : i32
    %dma_start3A_10 = arith.constant 0 : i32
    %dma_start3A_11 = tpu.memref_slice %arg2[%add3A, %dma_start3A, %dma_start3A_10] : memref<32x125x80xi32, #tpu.memory_space<hbm>> -> memref<1x125x80xi32, #tpu.memory_space<hbm>>
    %dma_start3A_12 = tpu.memref_squeeze %dma_start3A_11 : memref<1x125x80xi32, #tpu.memory_space<hbm>> -> memref<125x80xi32, #tpu.memory_space<hbm>>
    %dma_start3A_13 = arith.constant 0 : i32
    %dma_start3A_14 = arith.constant 0 : i32
    %dma_start3A_15 = tpu.memref_slice %arg2[%add3A, %dma_start3A_13, %dma_start3A_14] : memref<32x125x80xi32, #tpu.memory_space<hbm>> -> memref<1x125x80xi32, #tpu.memory_space<hbm>>
    %dma_start3A_16 = tpu.memref_squeeze %dma_start3A_15 : memref<1x125x80xi32, #tpu.memory_space<hbm>> -> memref<125x80xi32, #tpu.memory_space<hbm>>
    tpu.enqueue_dma source(%dma_start3A_16 : memref<125x80xi32, #tpu.memory_space<hbm>>) target(%arg7 : memref<125x80xi32, #tpu.memory_space<vmem>>) target_semaphore(%arg15 : memref<!tpu.dma_semaphore, #tpu.memory_space<semaphore_mem>>)
    %dma_start3A_17 = arith.constant 0 : i32
    %dma_start3A_18 = arith.constant 0 : i32
    %dma_start3A_19 = tpu.memref_slice %arg3[%add3A, %dma_start3A_17, %dma_start3A_18] : memref<32x125x80xi32, #tpu.memory_space<hbm>> -> memref<1x125x80xi32, #tpu.memory_space<hbm>>
    %dma_start3A_20 = tpu.memref_squeeze %dma_start3A_19 : memref<1x125x80xi32, #tpu.memory_space<hbm>> -> memref<125x80xi32, #tpu.memory_space<hbm>>
    %dma_start3A_21 = arith.constant 0 : i32
    %dma_start3A_22 = arith.constant 0 : i32
    %dma_start3A_23 = tpu.memref_slice %arg3[%add3A, %dma_start3A_21, %dma_start3A_22] : memref<32x125x80xi32, #tpu.memory_space<hbm>> -> memref<1x125x80xi32, #tpu.memory_space<hbm>>
    %dma_start3A_24 = tpu.memref_squeeze %dma_start3A_23 : memref<1x125x80xi32, #tpu.memory_space<hbm>> -> memref<125x80xi32, #tpu.memory_space<hbm>>
    tpu.enqueue_dma source(%dma_start3A_24 : memref<125x80xi32, #tpu.memory_space<hbm>>) target(%arg8 : memref<125x80xi32, #tpu.memory_space<vmem>>) target_semaphore(%arg16 : memref<!tpu.dma_semaphore, #tpu.memory_space<semaphore_mem>>)
    %dma_wait3A = arith.constant 0 : i32
    %dma_wait3A_25 = arith.constant 0 : i32
    %dma_wait3A_26 = tpu.memref_slice %arg2[%add3A, %dma_wait3A, %dma_wait3A_25] : memref<32x125x80xi32, #tpu.memory_space<hbm>> -> memref<1x125x80xi32, #tpu.memory_space<hbm>>
    %dma_wait3A_27 = tpu.memref_squeeze %dma_wait3A_26 : memref<1x125x80xi32, #tpu.memory_space<hbm>> -> memref<125x80xi32, #tpu.memory_space<hbm>>
    %dma_wait3A_28 = arith.constant 0 : i32
    %dma_wait3A_29 = arith.constant 0 : i32
    %dma_wait3A_30 = tpu.memref_slice %arg2[%add3A, %dma_wait3A_28, %dma_wait3A_29] : memref<32x125x80xi32, #tpu.memory_space<hbm>> -> memref<1x125x80xi32, #tpu.memory_space<hbm>>
    %dma_wait3A_31 = tpu.memref_squeeze %dma_wait3A_30 : memref<1x125x80xi32, #tpu.memory_space<hbm>> -> memref<125x80xi32, #tpu.memory_space<hbm>>
    tpu.wait_dma2 semaphore(%arg15 : memref<!tpu.dma_semaphore, #tpu.memory_space<semaphore_mem>>) src(%dma_wait3A_31 : memref<125x80xi32, #tpu.memory_space<hbm>>) dst(%arg7 : memref<125x80xi32, #tpu.memory_space<vmem>>)
    %dma_wait3A_32 = arith.constant 0 : i32
    %dma_wait3A_33 = arith.constant 0 : i32
    %dma_wait3A_34 = tpu.memref_slice %arg3[%add3A, %dma_wait3A_32, %dma_wait3A_33] : memref<32x125x80xi32, #tpu.memory_space<hbm>> -> memref<1x125x80xi32, #tpu.memory_space<hbm>>
    %dma_wait3A_35 = tpu.memref_squeeze %dma_wait3A_34 : memref<1x125x80xi32, #tpu.memory_space<hbm>> -> memref<125x80xi32, #tpu.memory_space<hbm>>
    %dma_wait3A_36 = arith.constant 0 : i32
    %dma_wait3A_37 = arith.constant 0 : i32
    %dma_wait3A_38 = tpu.memref_slice %arg3[%add3A, %dma_wait3A_36, %dma_wait3A_37] : memref<32x125x80xi32, #tpu.memory_space<hbm>> -> memref<1x125x80xi32, #tpu.memory_space<hbm>>
    %dma_wait3A_39 = tpu.memref_squeeze %dma_wait3A_38 : memref<1x125x80xi32, #tpu.memory_space<hbm>> -> memref<125x80xi32, #tpu.memory_space<hbm>>
    tpu.wait_dma2 semaphore(%arg16 : memref<!tpu.dma_semaphore, #tpu.memory_space<semaphore_mem>>) src(%dma_wait3A_39 : memref<125x80xi32, #tpu.memory_space<hbm>>) dst(%arg8 : memref<125x80xi32, #tpu.memory_space<vmem>>)
    %dma_wait3A_40 = arith.constant 0 : i32
    %dma_wait3A_41 = tpu.memref_slice %arg14[%mul3A_2, %dma_wait3A_40] : memref<10240x64xf32, #tpu.memory_space<vmem_shared>> -> memref<640x64xf32, #tpu.memory_space<vmem_shared>>
    %dma_wait3A_42 = arith.constant 0 : i32
    %dma_wait3A_43 = tpu.memref_slice %arg5[%mul3A_2, %dma_wait3A_42] : memref<10240x64xf32, #tpu.memory_space<hbm>> -> memref<640x64xf32, #tpu.memory_space<hbm>>
    tpu.wait_dma2 semaphore(%arg25 : memref<!tpu.dma_semaphore, #tpu.memory_space<semaphore_mem>>) src(%dma_wait3A_43 : memref<640x64xf32, #tpu.memory_space<hbm>>) dst(%dma_wait3A_41 : memref<640x64xf32, #tpu.memory_space<vmem_shared>>)
    %barrier3A = arith.constant 0 : index
    tpu.barrier barrier_id(%barrier3A)
    %dma_start3A_44 = arith.constant 0 : i32
    %dma_start3A_45 = arith.constant 0 : i32
    %dma_start3A_46 = tpu.memref_slice %arg7[%dma_start3A_44, %dma_start3A_45] : memref<125x80xi32, #tpu.memory_space<vmem>> -> memref<1x80xi32, #tpu.memory_space<vmem>>
    %dma_start3A_47 = tpu.memref_squeeze %dma_start3A_46 : memref<1x80xi32, #tpu.memory_space<vmem>> -> memref<80xi32, #tpu.memory_space<vmem>>
    %dma_start3A_48 = arith.constant 0 : i32
    %dma_start3A_49 = arith.constant 0 : i32
    %dma_start3A_50 = tpu.memref_slice %arg4[%dma_start3A_48, %dma_start3A_49] : memref<10240x64xf32, #tpu.memory_space<hbm>> -> memref<10240x64xf32, #tpu.memory_space<hbm>>
    tpu.enqueue_indirect_dma source(%dma_start3A_50 : memref<10240x64xf32, #tpu.memory_space<hbm>>) target(%arg9 : memref<80x64xf32, #tpu.memory_space<vmem>>) offsets(%dma_start3A_47 : memref<80xi32, #tpu.memory_space<vmem>>) semaphore(%arg15 : memref<!tpu.dma_semaphore, #tpu.memory_space<semaphore_mem>>)
    %dma_start3A_51 = arith.constant 1 : i32
    %dma_start3A_52 = arith.constant 0 : i32
    %dma_start3A_53 = tpu.memref_slice %arg7[%dma_start3A_51, %dma_start3A_52] : memref<125x80xi32, #tpu.memory_space<vmem>> -> memref<1x80xi32, #tpu.memory_space<vmem>>
    %dma_start3A_54 = tpu.memref_squeeze %dma_start3A_53 : memref<1x80xi32, #tpu.memory_space<vmem>> -> memref<80xi32, #tpu.memory_space<vmem>>
    %dma_start3A_55 = arith.constant 0 : i32
    %dma_start3A_56 = arith.constant 0 : i32
    %dma_start3A_57 = tpu.memref_slice %arg4[%dma_start3A_55, %dma_start3A_56] : memref<10240x64xf32, #tpu.memory_space<hbm>> -> memref<10240x64xf32, #tpu.memory_space<hbm>>
    tpu.enqueue_indirect_dma source(%dma_start3A_57 : memref<10240x64xf32, #tpu.memory_space<hbm>>) target(%arg10 : memref<80x64xf32, #tpu.memory_space<vmem>>) offsets(%dma_start3A_54 : memref<80xi32, #tpu.memory_space<vmem>>) semaphore(%arg16 : memref<!tpu.dma_semaphore, #tpu.memory_space<semaphore_mem>>)
    %dma_start3A_58 = arith.constant 2 : i32
    %dma_start3A_59 = arith.constant 0 : i32
    %dma_start3A_60 = tpu.memref_slice %arg7[%dma_start3A_58, %dma_start3A_59] : memref<125x80xi32, #tpu.memory_space<vmem>> -> memref<1x80xi32, #tpu.memory_space<vmem>>
    %dma_start3A_61 = tpu.memref_squeeze %dma_start3A_60 : memref<1x80xi32, #tpu.memory_space<vmem>> -> memref<80xi32, #tpu.memory_space<vmem>>
    %dma_start3A_62 = arith.constant 0 : i32
    %dma_start3A_63 = arith.constant 0 : i32
    %dma_start3A_64 = tpu.memref_slice %arg4[%dma_start3A_62, %dma_start3A_63] : memref<10240x64xf32, #tpu.memory_space<hbm>> -> memref<10240x64xf32, #tpu.memory_space<hbm>>
    tpu.enqueue_indirect_dma source(%dma_start3A_64 : memref<10240x64xf32, #tpu.memory_space<hbm>>) target(%arg11 : memref<80x64xf32, #tpu.memory_space<vmem>>) offsets(%dma_start3A_61 : memref<80xi32, #tpu.memory_space<vmem>>) semaphore(%arg17 : memref<!tpu.dma_semaphore, #tpu.memory_space<semaphore_mem>>)
    %dma_start3A_65 = arith.constant 3 : i32
    %dma_start3A_66 = arith.constant 0 : i32
    %dma_start3A_67 = tpu.memref_slice %arg7[%dma_start3A_65, %dma_start3A_66] : memref<125x80xi32, #tpu.memory_space<vmem>> -> memref<1x80xi32, #tpu.memory_space<vmem>>
    %dma_start3A_68 = tpu.memref_squeeze %dma_start3A_67 : memref<1x80xi32, #tpu.memory_space<vmem>> -> memref<80xi32, #tpu.memory_space<vmem>>
    %dma_start3A_69 = arith.constant 0 : i32
    %dma_start3A_70 = arith.constant 0 : i32
    %dma_start3A_71 = tpu.memref_slice %arg4[%dma_start3A_69, %dma_start3A_70] : memref<10240x64xf32, #tpu.memory_space<hbm>> -> memref<10240x64xf32, #tpu.memory_space<hbm>>
    tpu.enqueue_indirect_dma source(%dma_start3A_71 : memref<10240x64xf32, #tpu.memory_space<hbm>>) target(%arg12 : memref<80x64xf32, #tpu.memory_space<vmem>>) offsets(%dma_start3A_68 : memref<80xi32, #tpu.memory_space<vmem>>) semaphore(%arg18 : memref<!tpu.dma_semaphore, #tpu.memory_space<semaphore_mem>>)
    %dma_start3A_72 = arith.constant 4 : i32
    %dma_start3A_73 = arith.constant 0 : i32
    %dma_start3A_74 = tpu.memref_slice %arg7[%dma_start3A_72, %dma_start3A_73] : memref<125x80xi32, #tpu.memory_space<vmem>> -> memref<1x80xi32, #tpu.memory_space<vmem>>
    %dma_start3A_75 = tpu.memref_squeeze %dma_start3A_74 : memref<1x80xi32, #tpu.memory_space<vmem>> -> memref<80xi32, #tpu.memory_space<vmem>>
    %dma_start3A_76 = arith.constant 0 : i32
    %dma_start3A_77 = arith.constant 0 : i32
    %dma_start3A_78 = tpu.memref_slice %arg4[%dma_start3A_76, %dma_start3A_77] : memref<10240x64xf32, #tpu.memory_space<hbm>> -> memref<10240x64xf32, #tpu.memory_space<hbm>>
    tpu.enqueue_indirect_dma source(%dma_start3A_78 : memref<10240x64xf32, #tpu.memory_space<hbm>>) target(%arg13 : memref<80x64xf32, #tpu.memory_space<vmem>>) offsets(%dma_start3A_75 : memref<80xi32, #tpu.memory_space<vmem>>) semaphore(%arg19 : memref<!tpu.dma_semaphore, #tpu.memory_space<semaphore_mem>>)
    %scan3A = arith.constant 0 : i32
    %scan3A_79 = arith.constant 0 : i32
    %scan3A_80 = arith.constant 24 : i32
    %scan3A_81 = arith.addi %scan3A_79, %scan3A_80 : i32
    %scan3A_82 = arith.constant 1 : i32
    scf.for %scan3A_190 = %scan3A_79 to %scan3A_81 step %scan3A_82  : i32 {
      %mul3A_191 = arith.constant 5 : i32
      %mul3A_192 = arith.muli %mul3A_191, %scan3A_190 : i32
      %add3A_193 = arith.constant 0 : i32
      %add3A_194 = arith.addi %mul3A_192, %add3A_193 : i32
      %dma_wait3A_195 = arith.constant 0 : i32
      %dma_wait3A_196 = tpu.memref_slice %arg7[%add3A_194, %dma_wait3A_195] : memref<125x80xi32, #tpu.memory_space<vmem>> -> memref<1x80xi32, #tpu.memory_space<vmem>>
      %dma_wait3A_197 = tpu.memref_squeeze %dma_wait3A_196 : memref<1x80xi32, #tpu.memory_space<vmem>> -> memref<80xi32, #tpu.memory_space<vmem>>
      %dma_wait3A_198 = arith.constant 0 : i32
      %dma_wait3A_199 = arith.constant 0 : i32
      %dma_wait3A_200 = tpu.memref_slice %arg4[%dma_wait3A_198, %dma_wait3A_199] : memref<10240x64xf32, #tpu.memory_space<hbm>> -> memref<10240x64xf32, #tpu.memory_space<hbm>>
      tpu.wait_indirect_dma semaphore(%arg15 : memref<!tpu.dma_semaphore, #tpu.memory_space<semaphore_mem>>) src(%dma_wait3A_200 : memref<10240x64xf32, #tpu.memory_space<hbm>>) dst(%arg9 : memref<80x64xf32, #tpu.memory_space<vmem>>)
      %dma_start3A_201 = arith.constant 0 : i32
      %dma_start3A_202 = tpu.memref_slice %arg8[%add3A_194, %dma_start3A_201] : memref<125x80xi32, #tpu.memory_space<vmem>> -> memref<1x80xi32, #tpu.memory_space<vmem>>
      %dma_start3A_203 = tpu.memref_squeeze %dma_start3A_202 : memref<1x80xi32, #tpu.memory_space<vmem>> -> memref<80xi32, #tpu.memory_space<vmem>>
      %dma_start3A_204 = arith.constant 0 : i32
      %dma_start3A_205 = arith.constant 0 : i32
      %dma_start3A_206 = tpu.memref_slice %arg14[%dma_start3A_204, %dma_start3A_205] : memref<10240x64xf32, #tpu.memory_space<vmem_shared>> -> memref<10240x64xf32, #tpu.memory_space<vmem_shared>>
      tpu.enqueue_indirect_dma source(%arg9 : memref<80x64xf32, #tpu.memory_space<vmem>>) target(%dma_start3A_206 : memref<10240x64xf32, #tpu.memory_space<vmem_shared>>) offsets(%dma_start3A_203 : memref<80xi32, #tpu.memory_space<vmem>>) semaphore(%arg20 : memref<!tpu.dma_semaphore, #tpu.memory_space<semaphore_mem>>) {add = true}
      %mul3A_207 = arith.constant 5 : i32
      %mul3A_208 = arith.muli %mul3A_207, %scan3A_190 : i32
      %add3A_209 = arith.constant 1 : i32
      %add3A_210 = arith.addi %mul3A_208, %add3A_209 : i32
      %dma_wait3A_211 = arith.constant 0 : i32
      %dma_wait3A_212 = tpu.memref_slice %arg7[%add3A_210, %dma_wait3A_211] : memref<125x80xi32, #tpu.memory_space<vmem>> -> memref<1x80xi32, #tpu.memory_space<vmem>>
      %dma_wait3A_213 = tpu.memref_squeeze %dma_wait3A_212 : memref<1x80xi32, #tpu.memory_space<vmem>> -> memref<80xi32, #tpu.memory_space<vmem>>
      %dma_wait3A_214 = arith.constant 0 : i32
      %dma_wait3A_215 = arith.constant 0 : i32
      %dma_wait3A_216 = tpu.memref_slice %arg4[%dma_wait3A_214, %dma_wait3A_215] : memref<10240x64xf32, #tpu.memory_space<hbm>> -> memref<10240x64xf32, #tpu.memory_space<hbm>>
      tpu.wait_indirect_dma semaphore(%arg16 : memref<!tpu.dma_semaphore, #tpu.memory_space<semaphore_mem>>) src(%dma_wait3A_216 : memref<10240x64xf32, #tpu.memory_space<hbm>>) dst(%arg10 : memref<80x64xf32, #tpu.memory_space<vmem>>)
      %dma_start3A_217 = arith.constant 0 : i32
      %dma_start3A_218 = tpu.memref_slice %arg8[%add3A_210, %dma_start3A_217] : memref<125x80xi32, #tpu.memory_space<vmem>> -> memref<1x80xi32, #tpu.memory_space<vmem>>
      %dma_start3A_219 = tpu.memref_squeeze %dma_start3A_218 : memref<1x80xi32, #tpu.memory_space<vmem>> -> memref<80xi32, #tpu.memory_space<vmem>>
      %dma_start3A_220 = arith.constant 0 : i32
      %dma_start3A_221 = arith.constant 0 : i32
      %dma_start3A_222 = tpu.memref_slice %arg14[%dma_start3A_220, %dma_start3A_221] : memref<10240x64xf32, #tpu.memory_space<vmem_shared>> -> memref<10240x64xf32, #tpu.memory_space<vmem_shared>>
      tpu.enqueue_indirect_dma source(%arg10 : memref<80x64xf32, #tpu.memory_space<vmem>>) target(%dma_start3A_222 : memref<10240x64xf32, #tpu.memory_space<vmem_shared>>) offsets(%dma_start3A_219 : memref<80xi32, #tpu.memory_space<vmem>>) semaphore(%arg21 : memref<!tpu.dma_semaphore, #tpu.memory_space<semaphore_mem>>) {add = true}
      %mul3A_223 = arith.constant 5 : i32
      %mul3A_224 = arith.muli %mul3A_223, %scan3A_190 : i32
      %add3A_225 = arith.constant 2 : i32
      %add3A_226 = arith.addi %mul3A_224, %add3A_225 : i32
      %dma_wait3A_227 = arith.constant 0 : i32
      %dma_wait3A_228 = tpu.memref_slice %arg7[%add3A_226, %dma_wait3A_227] : memref<125x80xi32, #tpu.memory_space<vmem>> -> memref<1x80xi32, #tpu.memory_space<vmem>>
      %dma_wait3A_229 = tpu.memref_squeeze %dma_wait3A_228 : memref<1x80xi32, #tpu.memory_space<vmem>> -> memref<80xi32, #tpu.memory_space<vmem>>
      %dma_wait3A_230 = arith.constant 0 : i32
      %dma_wait3A_231 = arith.constant 0 : i32
      %dma_wait3A_232 = tpu.memref_slice %arg4[%dma_wait3A_230, %dma_wait3A_231] : memref<10240x64xf32, #tpu.memory_space<hbm>> -> memref<10240x64xf32, #tpu.memory_space<hbm>>
      tpu.wait_indirect_dma semaphore(%arg17 : memref<!tpu.dma_semaphore, #tpu.memory_space<semaphore_mem>>) src(%dma_wait3A_232 : memref<10240x64xf32, #tpu.memory_space<hbm>>) dst(%arg11 : memref<80x64xf32, #tpu.memory_space<vmem>>)
      %dma_start3A_233 = arith.constant 0 : i32
      %dma_start3A_234 = tpu.memref_slice %arg8[%add3A_226, %dma_start3A_233] : memref<125x80xi32, #tpu.memory_space<vmem>> -> memref<1x80xi32, #tpu.memory_space<vmem>>
      %dma_start3A_235 = tpu.memref_squeeze %dma_start3A_234 : memref<1x80xi32, #tpu.memory_space<vmem>> -> memref<80xi32, #tpu.memory_space<vmem>>
      %dma_start3A_236 = arith.constant 0 : i32
      %dma_start3A_237 = arith.constant 0 : i32
      %dma_start3A_238 = tpu.memref_slice %arg14[%dma_start3A_236, %dma_start3A_237] : memref<10240x64xf32, #tpu.memory_space<vmem_shared>> -> memref<10240x64xf32, #tpu.memory_space<vmem_shared>>
      tpu.enqueue_indirect_dma source(%arg11 : memref<80x64xf32, #tpu.memory_space<vmem>>) target(%dma_start3A_238 : memref<10240x64xf32, #tpu.memory_space<vmem_shared>>) offsets(%dma_start3A_235 : memref<80xi32, #tpu.memory_space<vmem>>) semaphore(%arg22 : memref<!tpu.dma_semaphore, #tpu.memory_space<semaphore_mem>>) {add = true}
      %mul3A_239 = arith.constant 5 : i32
      %mul3A_240 = arith.muli %mul3A_239, %scan3A_190 : i32
      %add3A_241 = arith.constant 3 : i32
      %add3A_242 = arith.addi %mul3A_240, %add3A_241 : i32
      %dma_wait3A_243 = arith.constant 0 : i32
      %dma_wait3A_244 = tpu.memref_slice %arg7[%add3A_242, %dma_wait3A_243] : memref<125x80xi32, #tpu.memory_space<vmem>> -> memref<1x80xi32, #tpu.memory_space<vmem>>
      %dma_wait3A_245 = tpu.memref_squeeze %dma_wait3A_244 : memref<1x80xi32, #tpu.memory_space<vmem>> -> memref<80xi32, #tpu.memory_space<vmem>>
      %dma_wait3A_246 = arith.constant 0 : i32
      %dma_wait3A_247 = arith.constant 0 : i32
      %dma_wait3A_248 = tpu.memref_slice %arg4[%dma_wait3A_246, %dma_wait3A_247] : memref<10240x64xf32, #tpu.memory_space<hbm>> -> memref<10240x64xf32, #tpu.memory_space<hbm>>
      tpu.wait_indirect_dma semaphore(%arg18 : memref<!tpu.dma_semaphore, #tpu.memory_space<semaphore_mem>>) src(%dma_wait3A_248 : memref<10240x64xf32, #tpu.memory_space<hbm>>) dst(%arg12 : memref<80x64xf32, #tpu.memory_space<vmem>>)
      %dma_start3A_249 = arith.constant 0 : i32
      %dma_start3A_250 = tpu.memref_slice %arg8[%add3A_242, %dma_start3A_249] : memref<125x80xi32, #tpu.memory_space<vmem>> -> memref<1x80xi32, #tpu.memory_space<vmem>>
      %dma_start3A_251 = tpu.memref_squeeze %dma_start3A_250 : memref<1x80xi32, #tpu.memory_space<vmem>> -> memref<80xi32, #tpu.memory_space<vmem>>
      %dma_start3A_252 = arith.constant 0 : i32
      %dma_start3A_253 = arith.constant 0 : i32
      %dma_start3A_254 = tpu.memref_slice %arg14[%dma_start3A_252, %dma_start3A_253] : memref<10240x64xf32, #tpu.memory_space<vmem_shared>> -> memref<10240x64xf32, #tpu.memory_space<vmem_shared>>
      tpu.enqueue_indirect_dma source(%arg12 : memref<80x64xf32, #tpu.memory_space<vmem>>) target(%dma_start3A_254 : memref<10240x64xf32, #tpu.memory_space<vmem_shared>>) offsets(%dma_start3A_251 : memref<80xi32, #tpu.memory_space<vmem>>) semaphore(%arg23 : memref<!tpu.dma_semaphore, #tpu.memory_space<semaphore_mem>>) {add = true}
      %mul3A_255 = arith.constant 5 : i32
      %mul3A_256 = arith.muli %mul3A_255, %scan3A_190 : i32
      %add3A_257 = arith.constant 4 : i32
      %add3A_258 = arith.addi %mul3A_256, %add3A_257 : i32
      %dma_wait3A_259 = arith.constant 0 : i32
      %dma_wait3A_260 = tpu.memref_slice %arg7[%add3A_258, %dma_wait3A_259] : memref<125x80xi32, #tpu.memory_space<vmem>> -> memref<1x80xi32, #tpu.memory_space<vmem>>
      %dma_wait3A_261 = tpu.memref_squeeze %dma_wait3A_260 : memref<1x80xi32, #tpu.memory_space<vmem>> -> memref<80xi32, #tpu.memory_space<vmem>>
      %dma_wait3A_262 = arith.constant 0 : i32
      %dma_wait3A_263 = arith.constant 0 : i32
      %dma_wait3A_264 = tpu.memref_slice %arg4[%dma_wait3A_262, %dma_wait3A_263] : memref<10240x64xf32, #tpu.memory_space<hbm>> -> memref<10240x64xf32, #tpu.memory_space<hbm>>
      tpu.wait_indirect_dma semaphore(%arg19 : memref<!tpu.dma_semaphore, #tpu.memory_space<semaphore_mem>>) src(%dma_wait3A_264 : memref<10240x64xf32, #tpu.memory_space<hbm>>) dst(%arg13 : memref<80x64xf32, #tpu.memory_space<vmem>>)
      %dma_start3A_265 = arith.constant 0 : i32
      %dma_start3A_266 = tpu.memref_slice %arg8[%add3A_258, %dma_start3A_265] : memref<125x80xi32, #tpu.memory_space<vmem>> -> memref<1x80xi32, #tpu.memory_space<vmem>>
      %dma_start3A_267 = tpu.memref_squeeze %dma_start3A_266 : memref<1x80xi32, #tpu.memory_space<vmem>> -> memref<80xi32, #tpu.memory_space<vmem>>
      %dma_start3A_268 = arith.constant 0 : i32
      %dma_start3A_269 = arith.constant 0 : i32
      %dma_start3A_270 = tpu.memref_slice %arg14[%dma_start3A_268, %dma_start3A_269] : memref<10240x64xf32, #tpu.memory_space<vmem_shared>> -> memref<10240x64xf32, #tpu.memory_space<vmem_shared>>
      tpu.enqueue_indirect_dma source(%arg13 : memref<80x64xf32, #tpu.memory_space<vmem>>) target(%dma_start3A_270 : memref<10240x64xf32, #tpu.memory_space<vmem_shared>>) offsets(%dma_start3A_267 : memref<80xi32, #tpu.memory_space<vmem>>) semaphore(%arg24 : memref<!tpu.dma_semaphore, #tpu.memory_space<semaphore_mem>>) {add = true}
      %mul3A_271 = arith.constant 5 : i32
      %mul3A_272 = arith.muli %mul3A_271, %scan3A_190 : i32
      %add3A_273 = arith.constant 5 : i32
      %add3A_274 = arith.addi %mul3A_272, %add3A_273 : i32
      %add3A_275 = arith.constant 0 : i32
      %add3A_276 = arith.addi %add3A_274, %add3A_275 : i32
      %dma_wait3A_277 = arith.constant 0 : i32
      %dma_wait3A_278 = tpu.memref_slice %arg8[%add3A_276, %dma_wait3A_277] : memref<125x80xi32, #tpu.memory_space<vmem>> -> memref<1x80xi32, #tpu.memory_space<vmem>>
      %dma_wait3A_279 = tpu.memref_squeeze %dma_wait3A_278 : memref<1x80xi32, #tpu.memory_space<vmem>> -> memref<80xi32, #tpu.memory_space<vmem>>
      %dma_wait3A_280 = arith.constant 0 : i32
      %dma_wait3A_281 = arith.constant 0 : i32
      %dma_wait3A_282 = tpu.memref_slice %arg14[%dma_wait3A_280, %dma_wait3A_281] : memref<10240x64xf32, #tpu.memory_space<vmem_shared>> -> memref<10240x64xf32, #tpu.memory_space<vmem_shared>>
      tpu.wait_indirect_dma semaphore(%arg20 : memref<!tpu.dma_semaphore, #tpu.memory_space<semaphore_mem>>) src(%arg9 : memref<80x64xf32, #tpu.memory_space<vmem>>) dst(%dma_wait3A_282 : memref<10240x64xf32, #tpu.memory_space<vmem_shared>>)
      %dma_start3A_283 = arith.constant 0 : i32
      %dma_start3A_284 = tpu.memref_slice %arg7[%add3A_276, %dma_start3A_283] : memref<125x80xi32, #tpu.memory_space<vmem>> -> memref<1x80xi32, #tpu.memory_space<vmem>>
      %dma_start3A_285 = tpu.memref_squeeze %dma_start3A_284 : memref<1x80xi32, #tpu.memory_space<vmem>> -> memref<80xi32, #tpu.memory_space<vmem>>
      %dma_start3A_286 = arith.constant 0 : i32
      %dma_start3A_287 = arith.constant 0 : i32
      %dma_start3A_288 = tpu.memref_slice %arg4[%dma_start3A_286, %dma_start3A_287] : memref<10240x64xf32, #tpu.memory_space<hbm>> -> memref<10240x64xf32, #tpu.memory_space<hbm>>
      tpu.enqueue_indirect_dma source(%dma_start3A_288 : memref<10240x64xf32, #tpu.memory_space<hbm>>) target(%arg9 : memref<80x64xf32, #tpu.memory_space<vmem>>) offsets(%dma_start3A_285 : memref<80xi32, #tpu.memory_space<vmem>>) semaphore(%arg15 : memref<!tpu.dma_semaphore, #tpu.memory_space<semaphore_mem>>)
      %mul3A_289 = arith.constant 5 : i32
      %mul3A_290 = arith.muli %mul3A_289, %scan3A_190 : i32
      %add3A_291 = arith.constant 5 : i32
      %add3A_292 = arith.addi %mul3A_290, %add3A_291 : i32
      %add3A_293 = arith.constant 1 : i32
      %add3A_294 = arith.addi %add3A_292, %add3A_293 : i32
      %dma_wait3A_295 = arith.constant 0 : i32
      %dma_wait3A_296 = tpu.memref_slice %arg8[%add3A_294, %dma_wait3A_295] : memref<125x80xi32, #tpu.memory_space<vmem>> -> memref<1x80xi32, #tpu.memory_space<vmem>>
      %dma_wait3A_297 = tpu.memref_squeeze %dma_wait3A_296 : memref<1x80xi32, #tpu.memory_space<vmem>> -> memref<80xi32, #tpu.memory_space<vmem>>
      %dma_wait3A_298 = arith.constant 0 : i32
      %dma_wait3A_299 = arith.constant 0 : i32
      %dma_wait3A_300 = tpu.memref_slice %arg14[%dma_wait3A_298, %dma_wait3A_299] : memref<10240x64xf32, #tpu.memory_space<vmem_shared>> -> memref<10240x64xf32, #tpu.memory_space<vmem_shared>>
      tpu.wait_indirect_dma semaphore(%arg21 : memref<!tpu.dma_semaphore, #tpu.memory_space<semaphore_mem>>) src(%arg10 : memref<80x64xf32, #tpu.memory_space<vmem>>) dst(%dma_wait3A_300 : memref<10240x64xf32, #tpu.memory_space<vmem_shared>>)
      %dma_start3A_301 = arith.constant 0 : i32
      %dma_start3A_302 = tpu.memref_slice %arg7[%add3A_294, %dma_start3A_301] : memref<125x80xi32, #tpu.memory_space<vmem>> -> memref<1x80xi32, #tpu.memory_space<vmem>>
      %dma_start3A_303 = tpu.memref_squeeze %dma_start3A_302 : memref<1x80xi32, #tpu.memory_space<vmem>> -> memref<80xi32, #tpu.memory_space<vmem>>
      %dma_start3A_304 = arith.constant 0 : i32
      %dma_start3A_305 = arith.constant 0 : i32
      %dma_start3A_306 = tpu.memref_slice %arg4[%dma_start3A_304, %dma_start3A_305] : memref<10240x64xf32, #tpu.memory_space<hbm>> -> memref<10240x64xf32, #tpu.memory_space<hbm>>
      tpu.enqueue_indirect_dma source(%dma_start3A_306 : memref<10240x64xf32, #tpu.memory_space<hbm>>) target(%arg10 : memref<80x64xf32, #tpu.memory_space<vmem>>) offsets(%dma_start3A_303 : memref<80xi32, #tpu.memory_space<vmem>>) semaphore(%arg16 : memref<!tpu.dma_semaphore, #tpu.memory_space<semaphore_mem>>)
      %mul3A_307 = arith.constant 5 : i32
      %mul3A_308 = arith.muli %mul3A_307, %scan3A_190 : i32
      %add3A_309 = arith.constant 5 : i32
      %add3A_310 = arith.addi %mul3A_308, %add3A_309 : i32
      %add3A_311 = arith.constant 2 : i32
      %add3A_312 = arith.addi %add3A_310, %add3A_311 : i32
      %dma_wait3A_313 = arith.constant 0 : i32
      %dma_wait3A_314 = tpu.memref_slice %arg8[%add3A_312, %dma_wait3A_313] : memref<125x80xi32, #tpu.memory_space<vmem>> -> memref<1x80xi32, #tpu.memory_space<vmem>>
      %dma_wait3A_315 = tpu.memref_squeeze %dma_wait3A_314 : memref<1x80xi32, #tpu.memory_space<vmem>> -> memref<80xi32, #tpu.memory_space<vmem>>
      %dma_wait3A_316 = arith.constant 0 : i32
      %dma_wait3A_317 = arith.constant 0 : i32
      %dma_wait3A_318 = tpu.memref_slice %arg14[%dma_wait3A_316, %dma_wait3A_317] : memref<10240x64xf32, #tpu.memory_space<vmem_shared>> -> memref<10240x64xf32, #tpu.memory_space<vmem_shared>>
      tpu.wait_indirect_dma semaphore(%arg22 : memref<!tpu.dma_semaphore, #tpu.memory_space<semaphore_mem>>) src(%arg11 : memref<80x64xf32, #tpu.memory_space<vmem>>) dst(%dma_wait3A_318 : memref<10240x64xf32, #tpu.memory_space<vmem_shared>>)
      %dma_start3A_319 = arith.constant 0 : i32
      %dma_start3A_320 = tpu.memref_slice %arg7[%add3A_312, %dma_start3A_319] : memref<125x80xi32, #tpu.memory_space<vmem>> -> memref<1x80xi32, #tpu.memory_space<vmem>>
      %dma_start3A_321 = tpu.memref_squeeze %dma_start3A_320 : memref<1x80xi32, #tpu.memory_space<vmem>> -> memref<80xi32, #tpu.memory_space<vmem>>
      %dma_start3A_322 = arith.constant 0 : i32
      %dma_start3A_323 = arith.constant 0 : i32
      %dma_start3A_324 = tpu.memref_slice %arg4[%dma_start3A_322, %dma_start3A_323] : memref<10240x64xf32, #tpu.memory_space<hbm>> -> memref<10240x64xf32, #tpu.memory_space<hbm>>
      tpu.enqueue_indirect_dma source(%dma_start3A_324 : memref<10240x64xf32, #tpu.memory_space<hbm>>) target(%arg11 : memref<80x64xf32, #tpu.memory_space<vmem>>) offsets(%dma_start3A_321 : memref<80xi32, #tpu.memory_space<vmem>>) semaphore(%arg17 : memref<!tpu.dma_semaphore, #tpu.memory_space<semaphore_mem>>)
      %mul3A_325 = arith.constant 5 : i32
      %mul3A_326 = arith.muli %mul3A_325, %scan3A_190 : i32
      %add3A_327 = arith.constant 5 : i32
      %add3A_328 = arith.addi %mul3A_326, %add3A_327 : i32
      %add3A_329 = arith.constant 3 : i32
      %add3A_330 = arith.addi %add3A_328, %add3A_329 : i32
      %dma_wait3A_331 = arith.constant 0 : i32
      %dma_wait3A_332 = tpu.memref_slice %arg8[%add3A_330, %dma_wait3A_331] : memref<125x80xi32, #tpu.memory_space<vmem>> -> memref<1x80xi32, #tpu.memory_space<vmem>>
      %dma_wait3A_333 = tpu.memref_squeeze %dma_wait3A_332 : memref<1x80xi32, #tpu.memory_space<vmem>> -> memref<80xi32, #tpu.memory_space<vmem>>
      %dma_wait3A_334 = arith.constant 0 : i32
      %dma_wait3A_335 = arith.constant 0 : i32
      %dma_wait3A_336 = tpu.memref_slice %arg14[%dma_wait3A_334, %dma_wait3A_335] : memref<10240x64xf32, #tpu.memory_space<vmem_shared>> -> memref<10240x64xf32, #tpu.memory_space<vmem_shared>>
      tpu.wait_indirect_dma semaphore(%arg23 : memref<!tpu.dma_semaphore, #tpu.memory_space<semaphore_mem>>) src(%arg12 : memref<80x64xf32, #tpu.memory_space<vmem>>) dst(%dma_wait3A_336 : memref<10240x64xf32, #tpu.memory_space<vmem_shared>>)
      %dma_start3A_337 = arith.constant 0 : i32
      %dma_start3A_338 = tpu.memref_slice %arg7[%add3A_330, %dma_start3A_337] : memref<125x80xi32, #tpu.memory_space<vmem>> -> memref<1x80xi32, #tpu.memory_space<vmem>>
      %dma_start3A_339 = tpu.memref_squeeze %dma_start3A_338 : memref<1x80xi32, #tpu.memory_space<vmem>> -> memref<80xi32, #tpu.memory_space<vmem>>
      %dma_start3A_340 = arith.constant 0 : i32
      %dma_start3A_341 = arith.constant 0 : i32
      %dma_start3A_342 = tpu.memref_slice %arg4[%dma_start3A_340, %dma_start3A_341] : memref<10240x64xf32, #tpu.memory_space<hbm>> -> memref<10240x64xf32, #tpu.memory_space<hbm>>
      tpu.enqueue_indirect_dma source(%dma_start3A_342 : memref<10240x64xf32, #tpu.memory_space<hbm>>) target(%arg12 : memref<80x64xf32, #tpu.memory_space<vmem>>) offsets(%dma_start3A_339 : memref<80xi32, #tpu.memory_space<vmem>>) semaphore(%arg18 : memref<!tpu.dma_semaphore, #tpu.memory_space<semaphore_mem>>)
      %mul3A_343 = arith.constant 5 : i32
      %mul3A_344 = arith.muli %mul3A_343, %scan3A_190 : i32
      %add3A_345 = arith.constant 5 : i32
      %add3A_346 = arith.addi %mul3A_344, %add3A_345 : i32
      %add3A_347 = arith.constant 4 : i32
      %add3A_348 = arith.addi %add3A_346, %add3A_347 : i32
      %dma_wait3A_349 = arith.constant 0 : i32
      %dma_wait3A_350 = tpu.memref_slice %arg8[%add3A_348, %dma_wait3A_349] : memref<125x80xi32, #tpu.memory_space<vmem>> -> memref<1x80xi32, #tpu.memory_space<vmem>>
      %dma_wait3A_351 = tpu.memref_squeeze %dma_wait3A_350 : memref<1x80xi32, #tpu.memory_space<vmem>> -> memref<80xi32, #tpu.memory_space<vmem>>
      %dma_wait3A_352 = arith.constant 0 : i32
      %dma_wait3A_353 = arith.constant 0 : i32
      %dma_wait3A_354 = tpu.memref_slice %arg14[%dma_wait3A_352, %dma_wait3A_353] : memref<10240x64xf32, #tpu.memory_space<vmem_shared>> -> memref<10240x64xf32, #tpu.memory_space<vmem_shared>>
      tpu.wait_indirect_dma semaphore(%arg24 : memref<!tpu.dma_semaphore, #tpu.memory_space<semaphore_mem>>) src(%arg13 : memref<80x64xf32, #tpu.memory_space<vmem>>) dst(%dma_wait3A_354 : memref<10240x64xf32, #tpu.memory_space<vmem_shared>>)
      %dma_start3A_355 = arith.constant 0 : i32
      %dma_start3A_356 = tpu.memref_slice %arg7[%add3A_348, %dma_start3A_355] : memref<125x80xi32, #tpu.memory_space<vmem>> -> memref<1x80xi32, #tpu.memory_space<vmem>>
      %dma_start3A_357 = tpu.memref_squeeze %dma_start3A_356 : memref<1x80xi32, #tpu.memory_space<vmem>> -> memref<80xi32, #tpu.memory_space<vmem>>
      %dma_start3A_358 = arith.constant 0 : i32
      %dma_start3A_359 = arith.constant 0 : i32
      %dma_start3A_360 = tpu.memref_slice %arg4[%dma_start3A_358, %dma_start3A_359] : memref<10240x64xf32, #tpu.memory_space<hbm>> -> memref<10240x64xf32, #tpu.memory_space<hbm>>
      tpu.enqueue_indirect_dma source(%dma_start3A_360 : memref<10240x64xf32, #tpu.memory_space<hbm>>) target(%arg13 : memref<80x64xf32, #tpu.memory_space<vmem>>) offsets(%dma_start3A_357 : memref<80xi32, #tpu.memory_space<vmem>>) semaphore(%arg19 : memref<!tpu.dma_semaphore, #tpu.memory_space<semaphore_mem>>)
    }
    %scan3A_83 = arith.constant 24 : i32
    %dma_wait3A_84 = arith.constant 120 : i32
    %dma_wait3A_85 = arith.constant 0 : i32
    %dma_wait3A_86 = tpu.memref_slice %arg7[%dma_wait3A_84, %dma_wait3A_85] : memref<125x80xi32, #tpu.memory_space<vmem>> -> memref<1x80xi32, #tpu.memory_space<vmem>>
    %dma_wait3A_87 = tpu.memref_squeeze %dma_wait3A_86 : memref<1x80xi32, #tpu.memory_space<vmem>> -> memref<80xi32, #tpu.memory_space<vmem>>
    %dma_wait3A_88 = arith.constant 0 : i32
    %dma_wait3A_89 = arith.constant 0 : i32
    %dma_wait3A_90 = tpu.memref_slice %arg4[%dma_wait3A_88, %dma_wait3A_89] : memref<10240x64xf32, #tpu.memory_space<hbm>> -> memref<10240x64xf32, #tpu.memory_space<hbm>>
    tpu.wait_indirect_dma semaphore(%arg15 : memref<!tpu.dma_semaphore, #tpu.memory_space<semaphore_mem>>) src(%dma_wait3A_90 : memref<10240x64xf32, #tpu.memory_space<hbm>>) dst(%arg9 : memref<80x64xf32, #tpu.memory_space<vmem>>)
    %dma_start3A_91 = arith.constant 120 : i32
    %dma_start3A_92 = arith.constant 0 : i32
    %dma_start3A_93 = tpu.memref_slice %arg8[%dma_start3A_91, %dma_start3A_92] : memref<125x80xi32, #tpu.memory_space<vmem>> -> memref<1x80xi32, #tpu.memory_space<vmem>>
    %dma_start3A_94 = tpu.memref_squeeze %dma_start3A_93 : memref<1x80xi32, #tpu.memory_space<vmem>> -> memref<80xi32, #tpu.memory_space<vmem>>
    %dma_start3A_95 = arith.constant 0 : i32
    %dma_start3A_96 = arith.constant 0 : i32
    %dma_start3A_97 = tpu.memref_slice %arg14[%dma_start3A_95, %dma_start3A_96] : memref<10240x64xf32, #tpu.memory_space<vmem_shared>> -> memref<10240x64xf32, #tpu.memory_space<vmem_shared>>
    tpu.enqueue_indirect_dma source(%arg9 : memref<80x64xf32, #tpu.memory_space<vmem>>) target(%dma_start3A_97 : memref<10240x64xf32, #tpu.memory_space<vmem_shared>>) offsets(%dma_start3A_94 : memref<80xi32, #tpu.memory_space<vmem>>) semaphore(%arg20 : memref<!tpu.dma_semaphore, #tpu.memory_space<semaphore_mem>>) {add = true}
    %dma_wait3A_98 = arith.constant 121 : i32
    %dma_wait3A_99 = arith.constant 0 : i32
    %dma_wait3A_100 = tpu.memref_slice %arg7[%dma_wait3A_98, %dma_wait3A_99] : memref<125x80xi32, #tpu.memory_space<vmem>> -> memref<1x80xi32, #tpu.memory_space<vmem>>
    %dma_wait3A_101 = tpu.memref_squeeze %dma_wait3A_100 : memref<1x80xi32, #tpu.memory_space<vmem>> -> memref<80xi32, #tpu.memory_space<vmem>>
    %dma_wait3A_102 = arith.constant 0 : i32
    %dma_wait3A_103 = arith.constant 0 : i32
    %dma_wait3A_104 = tpu.memref_slice %arg4[%dma_wait3A_102, %dma_wait3A_103] : memref<10240x64xf32, #tpu.memory_space<hbm>> -> memref<10240x64xf32, #tpu.memory_space<hbm>>
    tpu.wait_indirect_dma semaphore(%arg16 : memref<!tpu.dma_semaphore, #tpu.memory_space<semaphore_mem>>) src(%dma_wait3A_104 : memref<10240x64xf32, #tpu.memory_space<hbm>>) dst(%arg10 : memref<80x64xf32, #tpu.memory_space<vmem>>)
    %dma_start3A_105 = arith.constant 121 : i32
    %dma_start3A_106 = arith.constant 0 : i32
    %dma_start3A_107 = tpu.memref_slice %arg8[%dma_start3A_105, %dma_start3A_106] : memref<125x80xi32, #tpu.memory_space<vmem>> -> memref<1x80xi32, #tpu.memory_space<vmem>>
    %dma_start3A_108 = tpu.memref_squeeze %dma_start3A_107 : memref<1x80xi32, #tpu.memory_space<vmem>> -> memref<80xi32, #tpu.memory_space<vmem>>
    %dma_start3A_109 = arith.constant 0 : i32
    %dma_start3A_110 = arith.constant 0 : i32
    %dma_start3A_111 = tpu.memref_slice %arg14[%dma_start3A_109, %dma_start3A_110] : memref<10240x64xf32, #tpu.memory_space<vmem_shared>> -> memref<10240x64xf32, #tpu.memory_space<vmem_shared>>
    tpu.enqueue_indirect_dma source(%arg10 : memref<80x64xf32, #tpu.memory_space<vmem>>) target(%dma_start3A_111 : memref<10240x64xf32, #tpu.memory_space<vmem_shared>>) offsets(%dma_start3A_108 : memref<80xi32, #tpu.memory_space<vmem>>) semaphore(%arg21 : memref<!tpu.dma_semaphore, #tpu.memory_space<semaphore_mem>>) {add = true}
    %dma_wait3A_112 = arith.constant 122 : i32
    %dma_wait3A_113 = arith.constant 0 : i32
    %dma_wait3A_114 = tpu.memref_slice %arg7[%dma_wait3A_112, %dma_wait3A_113] : memref<125x80xi32, #tpu.memory_space<vmem>> -> memref<1x80xi32, #tpu.memory_space<vmem>>
    %dma_wait3A_115 = tpu.memref_squeeze %dma_wait3A_114 : memref<1x80xi32, #tpu.memory_space<vmem>> -> memref<80xi32, #tpu.memory_space<vmem>>
    %dma_wait3A_116 = arith.constant 0 : i32
    %dma_wait3A_117 = arith.constant 0 : i32
    %dma_wait3A_118 = tpu.memref_slice %arg4[%dma_wait3A_116, %dma_wait3A_117] : memref<10240x64xf32, #tpu.memory_space<hbm>> -> memref<10240x64xf32, #tpu.memory_space<hbm>>
    tpu.wait_indirect_dma semaphore(%arg17 : memref<!tpu.dma_semaphore, #tpu.memory_space<semaphore_mem>>) src(%dma_wait3A_118 : memref<10240x64xf32, #tpu.memory_space<hbm>>) dst(%arg11 : memref<80x64xf32, #tpu.memory_space<vmem>>)
    %dma_start3A_119 = arith.constant 122 : i32
    %dma_start3A_120 = arith.constant 0 : i32
    %dma_start3A_121 = tpu.memref_slice %arg8[%dma_start3A_119, %dma_start3A_120] : memref<125x80xi32, #tpu.memory_space<vmem>> -> memref<1x80xi32, #tpu.memory_space<vmem>>
    %dma_start3A_122 = tpu.memref_squeeze %dma_start3A_121 : memref<1x80xi32, #tpu.memory_space<vmem>> -> memref<80xi32, #tpu.memory_space<vmem>>
    %dma_start3A_123 = arith.constant 0 : i32
    %dma_start3A_124 = arith.constant 0 : i32
    %dma_start3A_125 = tpu.memref_slice %arg14[%dma_start3A_123, %dma_start3A_124] : memref<10240x64xf32, #tpu.memory_space<vmem_shared>> -> memref<10240x64xf32, #tpu.memory_space<vmem_shared>>
    tpu.enqueue_indirect_dma source(%arg11 : memref<80x64xf32, #tpu.memory_space<vmem>>) target(%dma_start3A_125 : memref<10240x64xf32, #tpu.memory_space<vmem_shared>>) offsets(%dma_start3A_122 : memref<80xi32, #tpu.memory_space<vmem>>) semaphore(%arg22 : memref<!tpu.dma_semaphore, #tpu.memory_space<semaphore_mem>>) {add = true}
    %dma_wait3A_126 = arith.constant 123 : i32
    %dma_wait3A_127 = arith.constant 0 : i32
    %dma_wait3A_128 = tpu.memref_slice %arg7[%dma_wait3A_126, %dma_wait3A_127] : memref<125x80xi32, #tpu.memory_space<vmem>> -> memref<1x80xi32, #tpu.memory_space<vmem>>
    %dma_wait3A_129 = tpu.memref_squeeze %dma_wait3A_128 : memref<1x80xi32, #tpu.memory_space<vmem>> -> memref<80xi32, #tpu.memory_space<vmem>>
    %dma_wait3A_130 = arith.constant 0 : i32
    %dma_wait3A_131 = arith.constant 0 : i32
    %dma_wait3A_132 = tpu.memref_slice %arg4[%dma_wait3A_130, %dma_wait3A_131] : memref<10240x64xf32, #tpu.memory_space<hbm>> -> memref<10240x64xf32, #tpu.memory_space<hbm>>
    tpu.wait_indirect_dma semaphore(%arg18 : memref<!tpu.dma_semaphore, #tpu.memory_space<semaphore_mem>>) src(%dma_wait3A_132 : memref<10240x64xf32, #tpu.memory_space<hbm>>) dst(%arg12 : memref<80x64xf32, #tpu.memory_space<vmem>>)
    %dma_start3A_133 = arith.constant 123 : i32
    %dma_start3A_134 = arith.constant 0 : i32
    %dma_start3A_135 = tpu.memref_slice %arg8[%dma_start3A_133, %dma_start3A_134] : memref<125x80xi32, #tpu.memory_space<vmem>> -> memref<1x80xi32, #tpu.memory_space<vmem>>
    %dma_start3A_136 = tpu.memref_squeeze %dma_start3A_135 : memref<1x80xi32, #tpu.memory_space<vmem>> -> memref<80xi32, #tpu.memory_space<vmem>>
    %dma_start3A_137 = arith.constant 0 : i32
    %dma_start3A_138 = arith.constant 0 : i32
    %dma_start3A_139 = tpu.memref_slice %arg14[%dma_start3A_137, %dma_start3A_138] : memref<10240x64xf32, #tpu.memory_space<vmem_shared>> -> memref<10240x64xf32, #tpu.memory_space<vmem_shared>>
    tpu.enqueue_indirect_dma source(%arg12 : memref<80x64xf32, #tpu.memory_space<vmem>>) target(%dma_start3A_139 : memref<10240x64xf32, #tpu.memory_space<vmem_shared>>) offsets(%dma_start3A_136 : memref<80xi32, #tpu.memory_space<vmem>>) semaphore(%arg23 : memref<!tpu.dma_semaphore, #tpu.memory_space<semaphore_mem>>) {add = true}
    %dma_wait3A_140 = arith.constant 124 : i32
    %dma_wait3A_141 = arith.constant 0 : i32
    %dma_wait3A_142 = tpu.memref_slice %arg7[%dma_wait3A_140, %dma_wait3A_141] : memref<125x80xi32, #tpu.memory_space<vmem>> -> memref<1x80xi32, #tpu.memory_space<vmem>>
    %dma_wait3A_143 = tpu.memref_squeeze %dma_wait3A_142 : memref<1x80xi32, #tpu.memory_space<vmem>> -> memref<80xi32, #tpu.memory_space<vmem>>
    %dma_wait3A_144 = arith.constant 0 : i32
    %dma_wait3A_145 = arith.constant 0 : i32
    %dma_wait3A_146 = tpu.memref_slice %arg4[%dma_wait3A_144, %dma_wait3A_145] : memref<10240x64xf32, #tpu.memory_space<hbm>> -> memref<10240x64xf32, #tpu.memory_space<hbm>>
    tpu.wait_indirect_dma semaphore(%arg19 : memref<!tpu.dma_semaphore, #tpu.memory_space<semaphore_mem>>) src(%dma_wait3A_146 : memref<10240x64xf32, #tpu.memory_space<hbm>>) dst(%arg13 : memref<80x64xf32, #tpu.memory_space<vmem>>)
    %dma_start3A_147 = arith.constant 124 : i32
    %dma_start3A_148 = arith.constant 0 : i32
    %dma_start3A_149 = tpu.memref_slice %arg8[%dma_start3A_147, %dma_start3A_148] : memref<125x80xi32, #tpu.memory_space<vmem>> -> memref<1x80xi32, #tpu.memory_space<vmem>>
    %dma_start3A_150 = tpu.memref_squeeze %dma_start3A_149 : memref<1x80xi32, #tpu.memory_space<vmem>> -> memref<80xi32, #tpu.memory_space<vmem>>
    %dma_start3A_151 = arith.constant 0 : i32
    %dma_start3A_152 = arith.constant 0 : i32
    %dma_start3A_153 = tpu.memref_slice %arg14[%dma_start3A_151, %dma_start3A_152] : memref<10240x64xf32, #tpu.memory_space<vmem_shared>> -> memref<10240x64xf32, #tpu.memory_space<vmem_shared>>
    tpu.enqueue_indirect_dma source(%arg13 : memref<80x64xf32, #tpu.memory_space<vmem>>) target(%dma_start3A_153 : memref<10240x64xf32, #tpu.memory_space<vmem_shared>>) offsets(%dma_start3A_150 : memref<80xi32, #tpu.memory_space<vmem>>) semaphore(%arg24 : memref<!tpu.dma_semaphore, #tpu.memory_space<semaphore_mem>>) {add = true}
    %dma_wait3A_154 = arith.constant 120 : i32
    %dma_wait3A_155 = arith.constant 0 : i32
    %dma_wait3A_156 = tpu.memref_slice %arg8[%dma_wait3A_154, %dma_wait3A_155] : memref<125x80xi32, #tpu.memory_space<vmem>> -> memref<1x80xi32, #tpu.memory_space<vmem>>
    %dma_wait3A_157 = tpu.memref_squeeze %dma_wait3A_156 : memref<1x80xi32, #tpu.memory_space<vmem>> -> memref<80xi32, #tpu.memory_space<vmem>>
    %dma_wait3A_158 = arith.constant 0 : i32
    %dma_wait3A_159 = arith.constant 0 : i32
    %dma_wait3A_160 = tpu.memref_slice %arg14[%dma_wait3A_158, %dma_wait3A_159] : memref<10240x64xf32, #tpu.memory_space<vmem_shared>> -> memref<10240x64xf32, #tpu.memory_space<vmem_shared>>
    tpu.wait_indirect_dma semaphore(%arg20 : memref<!tpu.dma_semaphore, #tpu.memory_space<semaphore_mem>>) src(%arg9 : memref<80x64xf32, #tpu.memory_space<vmem>>) dst(%dma_wait3A_160 : memref<10240x64xf32, #tpu.memory_space<vmem_shared>>)
    %dma_wait3A_161 = arith.constant 121 : i32
    %dma_wait3A_162 = arith.constant 0 : i32
    %dma_wait3A_163 = tpu.memref_slice %arg8[%dma_wait3A_161, %dma_wait3A_162] : memref<125x80xi32, #tpu.memory_space<vmem>> -> memref<1x80xi32, #tpu.memory_space<vmem>>
    %dma_wait3A_164 = tpu.memref_squeeze %dma_wait3A_163 : memref<1x80xi32, #tpu.memory_space<vmem>> -> memref<80xi32, #tpu.memory_space<vmem>>
    %dma_wait3A_165 = arith.constant 0 : i32
    %dma_wait3A_166 = arith.constant 0 : i32
    %dma_wait3A_167 = tpu.memref_slice %arg14[%dma_wait3A_165, %dma_wait3A_166] : memref<10240x64xf32, #tpu.memory_space<vmem_shared>> -> memref<10240x64xf32, #tpu.memory_space<vmem_shared>>
    tpu.wait_indirect_dma semaphore(%arg21 : memref<!tpu.dma_semaphore, #tpu.memory_space<semaphore_mem>>) src(%arg10 : memref<80x64xf32, #tpu.memory_space<vmem>>) dst(%dma_wait3A_167 : memref<10240x64xf32, #tpu.memory_space<vmem_shared>>)
    %dma_wait3A_168 = arith.constant 122 : i32
    %dma_wait3A_169 = arith.constant 0 : i32
    %dma_wait3A_170 = tpu.memref_slice %arg8[%dma_wait3A_168, %dma_wait3A_169] : memref<125x80xi32, #tpu.memory_space<vmem>> -> memref<1x80xi32, #tpu.memory_space<vmem>>
    %dma_wait3A_171 = tpu.memref_squeeze %dma_wait3A_170 : memref<1x80xi32, #tpu.memory_space<vmem>> -> memref<80xi32, #tpu.memory_space<vmem>>
    %dma_wait3A_172 = arith.constant 0 : i32
    %dma_wait3A_173 = arith.constant 0 : i32
    %dma_wait3A_174 = tpu.memref_slice %arg14[%dma_wait3A_172, %dma_wait3A_173] : memref<10240x64xf32, #tpu.memory_space<vmem_shared>> -> memref<10240x64xf32, #tpu.memory_space<vmem_shared>>
    tpu.wait_indirect_dma semaphore(%arg22 : memref<!tpu.dma_semaphore, #tpu.memory_space<semaphore_mem>>) src(%arg11 : memref<80x64xf32, #tpu.memory_space<vmem>>) dst(%dma_wait3A_174 : memref<10240x64xf32, #tpu.memory_space<vmem_shared>>)
    %dma_wait3A_175 = arith.constant 123 : i32
    %dma_wait3A_176 = arith.constant 0 : i32
    %dma_wait3A_177 = tpu.memref_slice %arg8[%dma_wait3A_175, %dma_wait3A_176] : memref<125x80xi32, #tpu.memory_space<vmem>> -> memref<1x80xi32, #tpu.memory_space<vmem>>
    %dma_wait3A_178 = tpu.memref_squeeze %dma_wait3A_177 : memref<1x80xi32, #tpu.memory_space<vmem>> -> memref<80xi32, #tpu.memory_space<vmem>>
    %dma_wait3A_179 = arith.constant 0 : i32
    %dma_wait3A_180 = arith.constant 0 : i32
    %dma_wait3A_181 = tpu.memref_slice %arg14[%dma_wait3A_179, %dma_wait3A_180] : memref<10240x64xf32, #tpu.memory_space<vmem_shared>> -> memref<10240x64xf32, #tpu.memory_space<vmem_shared>>
    tpu.wait_indirect_dma semaphore(%arg23 : memref<!tpu.dma_semaphore, #tpu.memory_space<semaphore_mem>>) src(%arg12 : memref<80x64xf32, #tpu.memory_space<vmem>>) dst(%dma_wait3A_181 : memref<10240x64xf32, #tpu.memory_space<vmem_shared>>)
    %dma_wait3A_182 = arith.constant 124 : i32
    %dma_wait3A_183 = arith.constant 0 : i32
    %dma_wait3A_184 = tpu.memref_slice %arg8[%dma_wait3A_182, %dma_wait3A_183] : memref<125x80xi32, #tpu.memory_space<vmem>> -> memref<1x80xi32, #tpu.memory_space<vmem>>
    %dma_wait3A_185 = tpu.memref_squeeze %dma_wait3A_184 : memref<1x80xi32, #tpu.memory_space<vmem>> -> memref<80xi32, #tpu.memory_space<vmem>>
    %dma_wait3A_186 = arith.constant 0 : i32
    %dma_wait3A_187 = arith.constant 0 : i32
    %dma_wait3A_188 = tpu.memref_slice %arg14[%dma_wait3A_186, %dma_wait3A_187] : memref<10240x64xf32, #tpu.memory_space<vmem_shared>> -> memref<10240x64xf32, #tpu.memory_space<vmem_shared>>
    tpu.wait_indirect_dma semaphore(%arg24 : memref<!tpu.dma_semaphore, #tpu.memory_space<semaphore_mem>>) src(%arg13 : memref<80x64xf32, #tpu.memory_space<vmem>>) dst(%dma_wait3A_188 : memref<10240x64xf32, #tpu.memory_space<vmem_shared>>)
    %barrier3A_189 = arith.constant 0 : index
    tpu.barrier barrier_id(%barrier3A_189)
    "tpu.region"() ({
      %run_scoped3A = tpu.sem_alloc : memref<!tpu.dma_semaphore, #tpu.memory_space<semaphore_mem>>
      %dma_start3A_190 = arith.constant 0 : i32
      %dma_start3A_191 = tpu.memref_slice %arg6[%arg0, %mul3A_2, %dma_start3A_190] : memref<2x10240x64xf32, #tpu.memory_space<hbm>> -> memref<1x640x64xf32, #tpu.memory_space<hbm>>
      %dma_start3A_192 = tpu.memref_squeeze %dma_start3A_191 : memref<1x640x64xf32, #tpu.memory_space<hbm>> -> memref<640x64xf32, #tpu.memory_space<hbm>>
      %dma_start3A_193 = arith.constant 0 : i32
      %dma_start3A_194 = tpu.memref_slice %arg14[%mul3A_2, %dma_start3A_193] : memref<10240x64xf32, #tpu.memory_space<vmem_shared>> -> memref<640x64xf32, #tpu.memory_space<vmem_shared>>
      tpu.enqueue_dma source(%dma_start3A_194 : memref<640x64xf32, #tpu.memory_space<vmem_shared>>) target(%dma_start3A_192 : memref<640x64xf32, #tpu.memory_space<hbm>>) target_semaphore(%run_scoped3A : memref<!tpu.dma_semaphore, #tpu.memory_space<semaphore_mem>>)
      %dma_wait3A_195 = arith.constant 0 : i32
      %dma_wait3A_196 = tpu.memref_slice %arg6[%arg0, %mul3A_2, %dma_wait3A_195] : memref<2x10240x64xf32, #tpu.memory_space<hbm>> -> memref<1x640x64xf32, #tpu.memory_space<hbm>>
      %dma_wait3A_197 = tpu.memref_squeeze %dma_wait3A_196 : memref<1x640x64xf32, #tpu.memory_space<hbm>> -> memref<640x64xf32, #tpu.memory_space<hbm>>
      %dma_wait3A_198 = arith.constant 0 : i32
      %dma_wait3A_199 = tpu.memref_slice %arg14[%mul3A_2, %dma_wait3A_198] : memref<10240x64xf32, #tpu.memory_space<vmem_shared>> -> memref<640x64xf32, #tpu.memory_space<vmem_shared>>
      tpu.wait_dma2 semaphore(%run_scoped3A : memref<!tpu.dma_semaphore, #tpu.memory_space<semaphore_mem>>) src(%dma_wait3A_199 : memref<640x64xf32, #tpu.memory_space<vmem_shared>>) dst(%dma_wait3A_197 : memref<640x64xf32, #tpu.memory_space<hbm>>)
      tpu.yield
    }) : () -> ()
    return
  }
}

#map = affine_map<(d0, d1) -> (0, 0, 0)>
#map1 = affine_map<(d0, d1) -> (0, 0)>
module attributes {stable_mosaic.version = 14 : i64} {
  func.func @_layer2_sc(%arg0: i32, %arg1: i32, %arg2: memref<32x125x80xi32, #tpu.memory_space<hbm>>, %arg3: memref<32x125x80xi32, #tpu.memory_space<hbm>>, %arg4: memref<2x10240x64xf32, #tpu.memory_space<hbm>>, %arg5: memref<10240x64xf32, #tpu.memory_space<hbm>>, %arg6: memref<1x64xf32, #tpu.memory_space<hbm>>, %arg7: memref<10240x64xf32, #tpu.memory_space<hbm>>, %arg8: memref<2x10240x64xf32, #tpu.memory_space<hbm>>, %arg9: memref<2x10240x64xf32, #tpu.memory_space<hbm>>, %arg10: memref<125x80xi32, #tpu.memory_space<vmem>>, %arg11: memref<125x80xi32, #tpu.memory_space<vmem>>, %arg12: memref<128x64xf32, #tpu.memory_space<vmem>>, %arg13: memref<128x64xf32, #tpu.memory_space<vmem>>, %arg14: memref<128x64xf32, #tpu.memory_space<vmem>>, %arg15: memref<128x64xf32, #tpu.memory_space<vmem>>, %arg16: memref<128x64xf32, #tpu.memory_space<vmem>>, %arg17: memref<1x64xf32, #tpu.memory_space<vmem>>, %arg18: memref<80x64xf32, #tpu.memory_space<vmem>>, %arg19: memref<80x64xf32, #tpu.memory_space<vmem>>, %arg20: memref<80x64xf32, #tpu.memory_space<vmem>>, %arg21: memref<80x64xf32, #tpu.memory_space<vmem>>, %arg22: memref<80x64xf32, #tpu.memory_space<vmem>>, %arg23: memref<10240x64xf32, #tpu.memory_space<vmem_shared>>, %arg24: memref<!tpu.dma_semaphore, #tpu.memory_space<semaphore_mem>>, %arg25: memref<!tpu.dma_semaphore, #tpu.memory_space<semaphore_mem>>, %arg26: memref<!tpu.dma_semaphore, #tpu.memory_space<semaphore_mem>>, %arg27: memref<!tpu.dma_semaphore, #tpu.memory_space<semaphore_mem>>, %arg28: memref<!tpu.dma_semaphore, #tpu.memory_space<semaphore_mem>>, %arg29: memref<!tpu.dma_semaphore, #tpu.memory_space<semaphore_mem>>, %arg30: memref<!tpu.dma_semaphore, #tpu.memory_space<semaphore_mem>>, %arg31: memref<!tpu.dma_semaphore, #tpu.memory_space<semaphore_mem>>, %arg32: memref<!tpu.dma_semaphore, #tpu.memory_space<semaphore_mem>>, %arg33: memref<!tpu.dma_semaphore, #tpu.memory_space<semaphore_mem>>, %arg34: memref<!tpu.dma_semaphore, #tpu.memory_space<semaphore_mem>>) attributes {dimension_semantics = [#tpu.dimension_semantics<core_parallel>, #tpu.dimension_semantics<subcore_parallel>], iteration_bounds = array<i64: 2, 16>, scalar_prefetch = 0 : i64, scratch_operands = 25 : i64, tpu.core_type = #tpu.core_type<sc_vector_subcore>, window_params = [{transform_indices = #map}, {transform_indices = #map}, {transform_indices = #map}, {transform_indices = #map1}, {transform_indices = #map1}, {transform_indices = #map1}, {transform_indices = #map}, {transform_indices = #map}]} {
    %mul3A = arith.constant 16 : i32
    %mul3A_0 = arith.muli %arg0, %mul3A : i32
    %add3A = arith.addi %mul3A_0, %arg1 : i32
    %mul3A_1 = arith.constant 640 : i32
    %mul3A_2 = arith.muli %arg1, %mul3A_1 : i32
    %eq3A = arith.constant 1 : i32
    %eq3A_3 = arith.cmpi eq, %arg0, %eq3A : i32
    %convert_element_type3A = arith.extui %eq3A_3 : i1 to i32
    %cond3A = arith.constant 0 : i32
    %cond3A_4 = arith.cmpi ne, %convert_element_type3A, %cond3A : i32
    scf.if %cond3A_4 {
      %dma_start3A_554 = arith.constant 0 : i32
      %dma_start3A_555 = tpu.memref_slice %arg23[%mul3A_2, %dma_start3A_554] : memref<10240x64xf32, #tpu.memory_space<vmem_shared>> -> memref<640x64xf32, #tpu.memory_space<vmem_shared>>
      %dma_start3A_556 = arith.constant 0 : i32
      %dma_start3A_557 = tpu.memref_slice %arg7[%mul3A_2, %dma_start3A_556] : memref<10240x64xf32, #tpu.memory_space<hbm>> -> memref<640x64xf32, #tpu.memory_space<hbm>>
      tpu.enqueue_dma source(%dma_start3A_557 : memref<640x64xf32, #tpu.memory_space<hbm>>) target(%dma_start3A_555 : memref<640x64xf32, #tpu.memory_space<vmem_shared>>) target_semaphore(%arg34 : memref<!tpu.dma_semaphore, #tpu.memory_space<semaphore_mem>>)
    } else {
    }
    %dma_start3A = arith.constant 0 : i32
    %dma_start3A_5 = arith.constant 0 : i32
    %dma_start3A_6 = tpu.memref_slice %arg2[%add3A, %dma_start3A, %dma_start3A_5] : memref<32x125x80xi32, #tpu.memory_space<hbm>> -> memref<1x125x80xi32, #tpu.memory_space<hbm>>
    %dma_start3A_7 = tpu.memref_squeeze %dma_start3A_6 : memref<1x125x80xi32, #tpu.memory_space<hbm>> -> memref<125x80xi32, #tpu.memory_space<hbm>>
    %dma_start3A_8 = arith.constant 0 : i32
    %dma_start3A_9 = arith.constant 0 : i32
    %dma_start3A_10 = tpu.memref_slice %arg2[%add3A, %dma_start3A_8, %dma_start3A_9] : memref<32x125x80xi32, #tpu.memory_space<hbm>> -> memref<1x125x80xi32, #tpu.memory_space<hbm>>
    %dma_start3A_11 = tpu.memref_squeeze %dma_start3A_10 : memref<1x125x80xi32, #tpu.memory_space<hbm>> -> memref<125x80xi32, #tpu.memory_space<hbm>>
    tpu.enqueue_dma source(%dma_start3A_11 : memref<125x80xi32, #tpu.memory_space<hbm>>) target(%arg10 : memref<125x80xi32, #tpu.memory_space<vmem>>) target_semaphore(%arg24 : memref<!tpu.dma_semaphore, #tpu.memory_space<semaphore_mem>>)
    %dma_start3A_12 = arith.constant 0 : i32
    %dma_start3A_13 = arith.constant 0 : i32
    %dma_start3A_14 = tpu.memref_slice %arg3[%add3A, %dma_start3A_12, %dma_start3A_13] : memref<32x125x80xi32, #tpu.memory_space<hbm>> -> memref<1x125x80xi32, #tpu.memory_space<hbm>>
    %dma_start3A_15 = tpu.memref_squeeze %dma_start3A_14 : memref<1x125x80xi32, #tpu.memory_space<hbm>> -> memref<125x80xi32, #tpu.memory_space<hbm>>
    %dma_start3A_16 = arith.constant 0 : i32
    %dma_start3A_17 = arith.constant 0 : i32
    %dma_start3A_18 = tpu.memref_slice %arg3[%add3A, %dma_start3A_16, %dma_start3A_17] : memref<32x125x80xi32, #tpu.memory_space<hbm>> -> memref<1x125x80xi32, #tpu.memory_space<hbm>>
    %dma_start3A_19 = tpu.memref_squeeze %dma_start3A_18 : memref<1x125x80xi32, #tpu.memory_space<hbm>> -> memref<125x80xi32, #tpu.memory_space<hbm>>
    tpu.enqueue_dma source(%dma_start3A_19 : memref<125x80xi32, #tpu.memory_space<hbm>>) target(%arg11 : memref<125x80xi32, #tpu.memory_space<vmem>>) target_semaphore(%arg25 : memref<!tpu.dma_semaphore, #tpu.memory_space<semaphore_mem>>)
    "tpu.region"() ({
      %run_scoped3A = tpu.sem_alloc : memref<!tpu.dma_semaphore, #tpu.memory_space<semaphore_mem>>
      tpu.enqueue_dma source(%arg6 : memref<1x64xf32, #tpu.memory_space<hbm>>) target(%arg17 : memref<1x64xf32, #tpu.memory_space<vmem>>) target_semaphore(%run_scoped3A : memref<!tpu.dma_semaphore, #tpu.memory_space<semaphore_mem>>)
      tpu.wait_dma2 semaphore(%run_scoped3A : memref<!tpu.dma_semaphore, #tpu.memory_space<semaphore_mem>>) src(%arg6 : memref<1x64xf32, #tpu.memory_space<hbm>>) dst(%arg17 : memref<1x64xf32, #tpu.memory_space<vmem>>)
      tpu.yield
    }) : () -> ()
    %get3A = arith.constant 0 : i32
    %get3A_20 = arith.index_cast %get3A : i32 to index
    %get3A_21 = arith.constant 0 : index
    %get3A_22 = tpu.vector_load %arg17[%get3A_20, %get3A_21] {strides = array<i32>} : memref<1x64xf32, #tpu.memory_space<vmem>>, vector<1x16xf32>,
    %get3A_23 = vector.shape_cast %get3A_22 : vector<1x16xf32> to vector<16xf32>
    %get3A_24 = arith.constant 0 : i32
    %get3A_25 = arith.index_cast %get3A_24 : i32 to index
    %get3A_26 = arith.constant 16 : index
    %get3A_27 = tpu.vector_load %arg17[%get3A_25, %get3A_26] {strides = array<i32>} : memref<1x64xf32, #tpu.memory_space<vmem>>, vector<1x16xf32>,
    %get3A_28 = vector.shape_cast %get3A_27 : vector<1x16xf32> to vector<16xf32>
    %get3A_29 = arith.constant 0 : i32
    %get3A_30 = arith.index_cast %get3A_29 : i32 to index
    %get3A_31 = arith.constant 32 : index
    %get3A_32 = tpu.vector_load %arg17[%get3A_30, %get3A_31] {strides = array<i32>} : memref<1x64xf32, #tpu.memory_space<vmem>>, vector<1x16xf32>,
    %get3A_33 = vector.shape_cast %get3A_32 : vector<1x16xf32> to vector<16xf32>
    %get3A_34 = arith.constant 0 : i32
    %get3A_35 = arith.index_cast %get3A_34 : i32 to index
    %get3A_36 = arith.constant 48 : index
    %get3A_37 = tpu.vector_load %arg17[%get3A_35, %get3A_36] {strides = array<i32>} : memref<1x64xf32, #tpu.memory_space<vmem>>, vector<1x16xf32>,
    %get3A_38 = vector.shape_cast %get3A_37 : vector<1x16xf32> to vector<16xf32>
    %add3A_39 = arith.constant 0 : i32
    %add3A_40 = arith.addi %mul3A_2, %add3A_39 : i32
    %dma_start3A_41 = arith.constant 0 : i32
    %dma_start3A_42 = arith.constant 0 : i32
    %dma_start3A_43 = tpu.memref_slice %arg4[%dma_start3A_41, %add3A_40, %dma_start3A_42] : memref<2x10240x64xf32, #tpu.memory_space<hbm>> -> memref<1x128x64xf32, #tpu.memory_space<hbm>>
    %dma_start3A_44 = tpu.memref_squeeze %dma_start3A_43 : memref<1x128x64xf32, #tpu.memory_space<hbm>> -> memref<128x64xf32, #tpu.memory_space<hbm>>
    %dma_start3A_45 = arith.constant 0 : i32
    %dma_start3A_46 = tpu.memref_slice %arg4[%dma_start3A_41, %add3A_40, %dma_start3A_45] : memref<2x10240x64xf32, #tpu.memory_space<hbm>> -> memref<1x128x64xf32, #tpu.memory_space<hbm>>
    %dma_start3A_47 = tpu.memref_squeeze %dma_start3A_46 : memref<1x128x64xf32, #tpu.memory_space<hbm>> -> memref<128x64xf32, #tpu.memory_space<hbm>>
    tpu.enqueue_dma source(%dma_start3A_47 : memref<128x64xf32, #tpu.memory_space<hbm>>) target(%arg12 : memref<128x64xf32, #tpu.memory_space<vmem>>) target_semaphore(%arg29 : memref<!tpu.dma_semaphore, #tpu.memory_space<semaphore_mem>>)
    %dma_start3A_48 = arith.constant 1 : i32
    %dma_start3A_49 = arith.constant 0 : i32
    %dma_start3A_50 = tpu.memref_slice %arg4[%dma_start3A_48, %add3A_40, %dma_start3A_49] : memref<2x10240x64xf32, #tpu.memory_space<hbm>> -> memref<1x128x64xf32, #tpu.memory_space<hbm>>
    %dma_start3A_51 = tpu.memref_squeeze %dma_start3A_50 : memref<1x128x64xf32, #tpu.memory_space<hbm>> -> memref<128x64xf32, #tpu.memory_space<hbm>>
    %dma_start3A_52 = arith.constant 0 : i32
    %dma_start3A_53 = tpu.memref_slice %arg4[%dma_start3A_48, %add3A_40, %dma_start3A_52] : memref<2x10240x64xf32, #tpu.memory_space<hbm>> -> memref<1x128x64xf32, #tpu.memory_space<hbm>>
    %dma_start3A_54 = tpu.memref_squeeze %dma_start3A_53 : memref<1x128x64xf32, #tpu.memory_space<hbm>> -> memref<128x64xf32, #tpu.memory_space<hbm>>
    tpu.enqueue_dma source(%dma_start3A_54 : memref<128x64xf32, #tpu.memory_space<hbm>>) target(%arg14 : memref<128x64xf32, #tpu.memory_space<vmem>>) target_semaphore(%arg31 : memref<!tpu.dma_semaphore, #tpu.memory_space<semaphore_mem>>)
    %add3A_55 = arith.constant 0 : i32
    %add3A_56 = arith.addi %mul3A_2, %add3A_55 : i32
    "tpu.region"() ({
      %run_scoped3A = tpu.sem_alloc : memref<!tpu.dma_semaphore, #tpu.memory_space<semaphore_mem>>
      %dma_start3A_554 = arith.constant 0 : i32
      %dma_start3A_555 = tpu.memref_slice %arg5[%add3A_56, %dma_start3A_554] : memref<10240x64xf32, #tpu.memory_space<hbm>> -> memref<128x64xf32, #tpu.memory_space<hbm>>
      %dma_start3A_556 = arith.constant 0 : i32
      %dma_start3A_557 = tpu.memref_slice %arg5[%add3A_56, %dma_start3A_556] : memref<10240x64xf32, #tpu.memory_space<hbm>> -> memref<128x64xf32, #tpu.memory_space<hbm>>
      tpu.enqueue_dma source(%dma_start3A_557 : memref<128x64xf32, #tpu.memory_space<hbm>>) target(%arg16 : memref<128x64xf32, #tpu.memory_space<vmem>>) target_semaphore(%run_scoped3A : memref<!tpu.dma_semaphore, #tpu.memory_space<semaphore_mem>>)
      %dma_wait3A_558 = arith.constant 0 : i32
      %dma_wait3A_559 = tpu.memref_slice %arg5[%add3A_56, %dma_wait3A_558] : memref<10240x64xf32, #tpu.memory_space<hbm>> -> memref<128x64xf32, #tpu.memory_space<hbm>>
      %dma_wait3A_560 = arith.constant 0 : i32
      %dma_wait3A_561 = tpu.memref_slice %arg5[%add3A_56, %dma_wait3A_560] : memref<10240x64xf32, #tpu.memory_space<hbm>> -> memref<128x64xf32, #tpu.memory_space<hbm>>
      tpu.wait_dma2 semaphore(%run_scoped3A : memref<!tpu.dma_semaphore, #tpu.memory_space<semaphore_mem>>) src(%dma_wait3A_561 : memref<128x64xf32, #tpu.memory_space<hbm>>) dst(%arg16 : memref<128x64xf32, #tpu.memory_space<vmem>>)
      tpu.yield
    }) : () -> ()
    %dma_wait3A = arith.constant 0 : i32
    %dma_wait3A_57 = arith.constant 0 : i32
    %dma_wait3A_58 = tpu.memref_slice %arg4[%dma_wait3A, %add3A_56, %dma_wait3A_57] : memref<2x10240x64xf32, #tpu.memory_space<hbm>> -> memref<1x128x64xf32, #tpu.memory_space<hbm>>
    %dma_wait3A_59 = tpu.memref_squeeze %dma_wait3A_58 : memref<1x128x64xf32, #tpu.memory_space<hbm>> -> memref<128x64xf32, #tpu.memory_space<hbm>>
    %dma_wait3A_60 = arith.constant 0 : i32
    %dma_wait3A_61 = tpu.memref_slice %arg4[%dma_wait3A, %add3A_56, %dma_wait3A_60] : memref<2x10240x64xf32, #tpu.memory_space<hbm>> -> memref<1x128x64xf32, #tpu.memory_space<hbm>>
    %dma_wait3A_62 = tpu.memref_squeeze %dma_wait3A_61 : memref<1x128x64xf32, #tpu.memory_space<hbm>> -> memref<128x64xf32, #tpu.memory_space<hbm>>
    tpu.wait_dma2 semaphore(%arg29 : memref<!tpu.dma_semaphore, #tpu.memory_space<semaphore_mem>>) src(%dma_wait3A_62 : memref<128x64xf32, #tpu.memory_space<hbm>>) dst(%arg12 : memref<128x64xf32, #tpu.memory_space<vmem>>)
    %dma_wait3A_63 = arith.constant 1 : i32
    %dma_wait3A_64 = arith.constant 0 : i32
    %dma_wait3A_65 = tpu.memref_slice %arg4[%dma_wait3A_63, %add3A_56, %dma_wait3A_64] : memref<2x10240x64xf32, #tpu.memory_space<hbm>> -> memref<1x128x64xf32, #tpu.memory_space<hbm>>
    %dma_wait3A_66 = tpu.memref_squeeze %dma_wait3A_65 : memref<1x128x64xf32, #tpu.memory_space<hbm>> -> memref<128x64xf32, #tpu.memory_space<hbm>>
    %dma_wait3A_67 = arith.constant 0 : i32
    %dma_wait3A_68 = tpu.memref_slice %arg4[%dma_wait3A_63, %add3A_56, %dma_wait3A_67] : memref<2x10240x64xf32, #tpu.memory_space<hbm>> -> memref<1x128x64xf32, #tpu.memory_space<hbm>>
    %dma_wait3A_69 = tpu.memref_squeeze %dma_wait3A_68 : memref<1x128x64xf32, #tpu.memory_space<hbm>> -> memref<128x64xf32, #tpu.memory_space<hbm>>
    tpu.wait_dma2 semaphore(%arg31 : memref<!tpu.dma_semaphore, #tpu.memory_space<semaphore_mem>>) src(%dma_wait3A_69 : memref<128x64xf32, #tpu.memory_space<hbm>>) dst(%arg14 : memref<128x64xf32, #tpu.memory_space<vmem>>)
    %add3A_70 = arith.constant 128 : i32
    %add3A_71 = arith.addi %mul3A_2, %add3A_70 : i32
    %dma_start3A_72 = arith.constant 0 : i32
    %dma_start3A_73 = arith.constant 0 : i32
    %dma_start3A_74 = tpu.memref_slice %arg4[%dma_start3A_72, %add3A_71, %dma_start3A_73] : memref<2x10240x64xf32, #tpu.memory_space<hbm>> -> memref<1x128x64xf32, #tpu.memory_space<hbm>>
    %dma_start3A_75 = tpu.memref_squeeze %dma_start3A_74 : memref<1x128x64xf32, #tpu.memory_space<hbm>> -> memref<128x64xf32, #tpu.memory_space<hbm>>
    %dma_start3A_76 = arith.constant 0 : i32
    %dma_start3A_77 = tpu.memref_slice %arg4[%dma_start3A_72, %add3A_71, %dma_start3A_76] : memref<2x10240x64xf32, #tpu.memory_space<hbm>> -> memref<1x128x64xf32, #tpu.memory_space<hbm>>
    %dma_start3A_78 = tpu.memref_squeeze %dma_start3A_77 : memref<1x128x64xf32, #tpu.memory_space<hbm>> -> memref<128x64xf32, #tpu.memory_space<hbm>>
    tpu.enqueue_dma source(%dma_start3A_78 : memref<128x64xf32, #tpu.memory_space<hbm>>) target(%arg13 : memref<128x64xf32, #tpu.memory_space<vmem>>) target_semaphore(%arg30 : memref<!tpu.dma_semaphore, #tpu.memory_space<semaphore_mem>>)
    %dma_start3A_79 = arith.constant 1 : i32
    %dma_start3A_80 = arith.constant 0 : i32
    %dma_start3A_81 = tpu.memref_slice %arg4[%dma_start3A_79, %add3A_71, %dma_start3A_80] : memref<2x10240x64xf32, #tpu.memory_space<hbm>> -> memref<1x128x64xf32, #tpu.memory_space<hbm>>
    %dma_start3A_82 = tpu.memref_squeeze %dma_start3A_81 : memref<1x128x64xf32, #tpu.memory_space<hbm>> -> memref<128x64xf32, #tpu.memory_space<hbm>>
    %dma_start3A_83 = arith.constant 0 : i32
    %dma_start3A_84 = tpu.memref_slice %arg4[%dma_start3A_79, %add3A_71, %dma_start3A_83] : memref<2x10240x64xf32, #tpu.memory_space<hbm>> -> memref<1x128x64xf32, #tpu.memory_space<hbm>>
    %dma_start3A_85 = tpu.memref_squeeze %dma_start3A_84 : memref<1x128x64xf32, #tpu.memory_space<hbm>> -> memref<128x64xf32, #tpu.memory_space<hbm>>
    tpu.enqueue_dma source(%dma_start3A_85 : memref<128x64xf32, #tpu.memory_space<hbm>>) target(%arg15 : memref<128x64xf32, #tpu.memory_space<vmem>>) target_semaphore(%arg32 : memref<!tpu.dma_semaphore, #tpu.memory_space<semaphore_mem>>)
    %scan3A = arith.constant 0 : i32
    %scan3A_86 = arith.constant 0 : i32
    %scan3A_87 = arith.constant 128 : i32
    %scan3A_88 = arith.addi %scan3A_86, %scan3A_87 : i32
    %scan3A_89 = arith.constant 1 : i32
    scf.for %scan3A_554 = %scan3A_86 to %scan3A_88 step %scan3A_89  : i32 {
      %get3A_555 = arith.index_cast %scan3A_554 : i32 to index
      %get3A_556 = arith.constant 0 : index
      %get3A_557 = tpu.vector_load %arg16[%get3A_555, %get3A_556] {strides = array<i32>} : memref<128x64xf32, #tpu.memory_space<vmem>>, vector<1x16xf32>,
      %get3A_558 = vector.shape_cast %get3A_557 : vector<1x16xf32> to vector<16xf32>
      %get3A_559 = arith.index_cast %scan3A_554 : i32 to index
      %get3A_560 = arith.constant 0 : index
      %get3A_561 = tpu.vector_load %arg12[%get3A_559, %get3A_560] {strides = array<i32>} : memref<128x64xf32, #tpu.memory_space<vmem>>, vector<1x16xf32>,
      %get3A_562 = vector.shape_cast %get3A_561 : vector<1x16xf32> to vector<16xf32>
      %get3A_563 = arith.index_cast %scan3A_554 : i32 to index
      %get3A_564 = arith.constant 0 : index
      %get3A_565 = tpu.vector_load %arg14[%get3A_563, %get3A_564] {strides = array<i32>} : memref<128x64xf32, #tpu.memory_space<vmem>>, vector<1x16xf32>,
      %get3A_566 = vector.shape_cast %get3A_565 : vector<1x16xf32> to vector<16xf32>
      %add3A_567 = arith.addf %get3A_562, %get3A_566 : vector<16xf32>
      %mul3A_568 = arith.mulf %add3A_567, %get3A_558 : vector<16xf32>
      %add3A_569 = arith.addf %mul3A_568, %get3A_23 : vector<16xf32>
      %max3A = arith.constant 0.000000e+00 : f32
      %max3A_570 = vector.broadcast %max3A : f32 to vector<16xf32>
      %max3A_571 = arith.maximumf %add3A_569, %max3A_570 : vector<16xf32>
      %mul3A_572 = arith.mulf %max3A_571, %get3A_558 : vector<16xf32>
      %swap3A = arith.index_cast %scan3A_554 : i32 to index
      %swap3A_573 = arith.constant 0 : index
      %swap3A_574 = tpu.vector_load %arg12[%swap3A, %swap3A_573] {strides = array<i32>} : memref<128x64xf32, #tpu.memory_space<vmem>>, vector<1x16xf32>,
      %swap3A_575 = vector.shape_cast %swap3A_574 : vector<1x16xf32> to vector<16xf32>
      %swap3A_576 = vector.shape_cast %mul3A_572 : vector<16xf32> to vector<1x16xf32>
      tpu.vector_store %arg12[%swap3A, %swap3A_573], %swap3A_576 {strides = array<i32>} : memref<128x64xf32, #tpu.memory_space<vmem>>, vector<1x16xf32>,
      %get3A_577 = arith.index_cast %scan3A_554 : i32 to index
      %get3A_578 = arith.constant 16 : index
      %get3A_579 = tpu.vector_load %arg16[%get3A_577, %get3A_578] {strides = array<i32>} : memref<128x64xf32, #tpu.memory_space<vmem>>, vector<1x16xf32>,
      %get3A_580 = vector.shape_cast %get3A_579 : vector<1x16xf32> to vector<16xf32>
      %get3A_581 = arith.index_cast %scan3A_554 : i32 to index
      %get3A_582 = arith.constant 16 : index
      %get3A_583 = tpu.vector_load %arg12[%get3A_581, %get3A_582] {strides = array<i32>} : memref<128x64xf32, #tpu.memory_space<vmem>>, vector<1x16xf32>,
      %get3A_584 = vector.shape_cast %get3A_583 : vector<1x16xf32> to vector<16xf32>
      %get3A_585 = arith.index_cast %scan3A_554 : i32 to index
      %get3A_586 = arith.constant 16 : index
      %get3A_587 = tpu.vector_load %arg14[%get3A_585, %get3A_586] {strides = array<i32>} : memref<128x64xf32, #tpu.memory_space<vmem>>, vector<1x16xf32>,
      %get3A_588 = vector.shape_cast %get3A_587 : vector<1x16xf32> to vector<16xf32>
      %add3A_589 = arith.addf %get3A_584, %get3A_588 : vector<16xf32>
      %mul3A_590 = arith.mulf %add3A_589, %get3A_580 : vector<16xf32>
      %add3A_591 = arith.addf %mul3A_590, %get3A_28 : vector<16xf32>
      %max3A_592 = arith.constant 0.000000e+00 : f32
      %max3A_593 = vector.broadcast %max3A_592 : f32 to vector<16xf32>
      %max3A_594 = arith.maximumf %add3A_591, %max3A_593 : vector<16xf32>
      %mul3A_595 = arith.mulf %max3A_594, %get3A_580 : vector<16xf32>
      %swap3A_596 = arith.index_cast %scan3A_554 : i32 to index
      %swap3A_597 = arith.constant 16 : index
      %swap3A_598 = tpu.vector_load %arg12[%swap3A_596, %swap3A_597] {strides = array<i32>} : memref<128x64xf32, #tpu.memory_space<vmem>>, vector<1x16xf32>,
      %swap3A_599 = vector.shape_cast %swap3A_598 : vector<1x16xf32> to vector<16xf32>
      %swap3A_600 = vector.shape_cast %mul3A_595 : vector<16xf32> to vector<1x16xf32>
      tpu.vector_store %arg12[%swap3A_596, %swap3A_597], %swap3A_600 {strides = array<i32>} : memref<128x64xf32, #tpu.memory_space<vmem>>, vector<1x16xf32>,
      %get3A_601 = arith.index_cast %scan3A_554 : i32 to index
      %get3A_602 = arith.constant 32 : index
      %get3A_603 = tpu.vector_load %arg16[%get3A_601, %get3A_602] {strides = array<i32>} : memref<128x64xf32, #tpu.memory_space<vmem>>, vector<1x16xf32>,
      %get3A_604 = vector.shape_cast %get3A_603 : vector<1x16xf32> to vector<16xf32>
      %get3A_605 = arith.index_cast %scan3A_554 : i32 to index
      %get3A_606 = arith.constant 32 : index
      %get3A_607 = tpu.vector_load %arg12[%get3A_605, %get3A_606] {strides = array<i32>} : memref<128x64xf32, #tpu.memory_space<vmem>>, vector<1x16xf32>,
      %get3A_608 = vector.shape_cast %get3A_607 : vector<1x16xf32> to vector<16xf32>
      %get3A_609 = arith.index_cast %scan3A_554 : i32 to index
      %get3A_610 = arith.constant 32 : index
      %get3A_611 = tpu.vector_load %arg14[%get3A_609, %get3A_610] {strides = array<i32>} : memref<128x64xf32, #tpu.memory_space<vmem>>, vector<1x16xf32>,
      %get3A_612 = vector.shape_cast %get3A_611 : vector<1x16xf32> to vector<16xf32>
      %add3A_613 = arith.addf %get3A_608, %get3A_612 : vector<16xf32>
      %mul3A_614 = arith.mulf %add3A_613, %get3A_604 : vector<16xf32>
      %add3A_615 = arith.addf %mul3A_614, %get3A_33 : vector<16xf32>
      %max3A_616 = arith.constant 0.000000e+00 : f32
      %max3A_617 = vector.broadcast %max3A_616 : f32 to vector<16xf32>
      %max3A_618 = arith.maximumf %add3A_615, %max3A_617 : vector<16xf32>
      %mul3A_619 = arith.mulf %max3A_618, %get3A_604 : vector<16xf32>
      %swap3A_620 = arith.index_cast %scan3A_554 : i32 to index
      %swap3A_621 = arith.constant 32 : index
      %swap3A_622 = tpu.vector_load %arg12[%swap3A_620, %swap3A_621] {strides = array<i32>} : memref<128x64xf32, #tpu.memory_space<vmem>>, vector<1x16xf32>,
      %swap3A_623 = vector.shape_cast %swap3A_622 : vector<1x16xf32> to vector<16xf32>
      %swap3A_624 = vector.shape_cast %mul3A_619 : vector<16xf32> to vector<1x16xf32>
      tpu.vector_store %arg12[%swap3A_620, %swap3A_621], %swap3A_624 {strides = array<i32>} : memref<128x64xf32, #tpu.memory_space<vmem>>, vector<1x16xf32>,
      %get3A_625 = arith.index_cast %scan3A_554 : i32 to index
      %get3A_626 = arith.constant 48 : index
      %get3A_627 = tpu.vector_load %arg16[%get3A_625, %get3A_626] {strides = array<i32>} : memref<128x64xf32, #tpu.memory_space<vmem>>, vector<1x16xf32>,
      %get3A_628 = vector.shape_cast %get3A_627 : vector<1x16xf32> to vector<16xf32>
      %get3A_629 = arith.index_cast %scan3A_554 : i32 to index
      %get3A_630 = arith.constant 48 : index
      %get3A_631 = tpu.vector_load %arg12[%get3A_629, %get3A_630] {strides = array<i32>} : memref<128x64xf32, #tpu.memory_space<vmem>>, vector<1x16xf32>,
      %get3A_632 = vector.shape_cast %get3A_631 : vector<1x16xf32> to vector<16xf32>
      %get3A_633 = arith.index_cast %scan3A_554 : i32 to index
      %get3A_634 = arith.constant 48 : index
      %get3A_635 = tpu.vector_load %arg14[%get3A_633, %get3A_634] {strides = array<i32>} : memref<128x64xf32, #tpu.memory_space<vmem>>, vector<1x16xf32>,
      %get3A_636 = vector.shape_cast %get3A_635 : vector<1x16xf32> to vector<16xf32>
      %add3A_637 = arith.addf %get3A_632, %get3A_636 : vector<16xf32>
      %mul3A_638 = arith.mulf %add3A_637, %get3A_628 : vector<16xf32>
      %add3A_639 = arith.addf %mul3A_638, %get3A_38 : vector<16xf32>
      %max3A_640 = arith.constant 0.000000e+00 : f32
      %max3A_641 = vector.broadcast %max3A_640 : f32 to vector<16xf32>
      %max3A_642 = arith.maximumf %add3A_639, %max3A_641 : vector<16xf32>
      %mul3A_643 = arith.mulf %max3A_642, %get3A_628 : vector<16xf32>
      %swap3A_644 = arith.index_cast %scan3A_554 : i32 to index
      %swap3A_645 = arith.constant 48 : index
      %swap3A_646 = tpu.vector_load %arg12[%swap3A_644, %swap3A_645] {strides = array<i32>} : memref<128x64xf32, #tpu.memory_space<vmem>>, vector<1x16xf32>,
      %swap3A_647 = vector.shape_cast %swap3A_646 : vector<1x16xf32> to vector<16xf32>
      %swap3A_648 = vector.shape_cast %mul3A_643 : vector<16xf32> to vector<1x16xf32>
      tpu.vector_store %arg12[%swap3A_644, %swap3A_645], %swap3A_648 {strides = array<i32>} : memref<128x64xf32, #tpu.memory_space<vmem>>, vector<1x16xf32>,
    }
    %scan3A_90 = arith.constant 128 : i32
    %dma_start3A_91 = arith.constant 0 : i32
    %dma_start3A_92 = tpu.memref_slice %arg8[%arg0, %add3A_56, %dma_start3A_91] : memref<2x10240x64xf32, #tpu.memory_space<hbm>> -> memref<1x128x64xf32, #tpu.memory_space<hbm>>
    %dma_start3A_93 = tpu.memref_squeeze %dma_start3A_92 : memref<1x128x64xf32, #tpu.memory_space<hbm>> -> memref<128x64xf32, #tpu.memory_space<hbm>>
    %dma_start3A_94 = arith.constant 0 : i32
    %dma_start3A_95 = tpu.memref_slice %arg8[%arg0, %add3A_56, %dma_start3A_94] : memref<2x10240x64xf32, #tpu.memory_space<hbm>> -> memref<1x128x64xf32, #tpu.memory_space<hbm>>
    %dma_start3A_96 = tpu.memref_squeeze %dma_start3A_95 : memref<1x128x64xf32, #tpu.memory_space<hbm>> -> memref<128x64xf32, #tpu.memory_space<hbm>>
    tpu.enqueue_dma source(%arg12 : memref<128x64xf32, #tpu.memory_space<vmem>>) target(%dma_start3A_96 : memref<128x64xf32, #tpu.memory_space<hbm>>) target_semaphore(%arg33 : memref<!tpu.dma_semaphore, #tpu.memory_space<semaphore_mem>>)
    %eq3A_97 = arith.constant 0 : i32
    %eq3A_98 = arith.cmpi eq, %arg0, %eq3A_97 : i32
    %convert_element_type3A_99 = arith.extui %eq3A_98 : i1 to i32
    %cond3A_100 = arith.constant 0 : i32
    %cond3A_101 = arith.cmpi ne, %convert_element_type3A_99, %cond3A_100 : i32
    scf.if %cond3A_101 {
      %dma_start3A_554 = arith.constant 0 : i32
      %dma_start3A_555 = tpu.memref_slice %arg23[%add3A_56, %dma_start3A_554] : memref<10240x64xf32, #tpu.memory_space<vmem_shared>> -> memref<128x64xf32, #tpu.memory_space<vmem_shared>>
      %dma_start3A_556 = arith.constant 0 : i32
      %dma_start3A_557 = tpu.memref_slice %arg23[%add3A_56, %dma_start3A_556] : memref<10240x64xf32, #tpu.memory_space<vmem_shared>> -> memref<128x64xf32, #tpu.memory_space<vmem_shared>>
      tpu.enqueue_dma source(%arg12 : memref<128x64xf32, #tpu.memory_space<vmem>>) target(%dma_start3A_557 : memref<128x64xf32, #tpu.memory_space<vmem_shared>>) target_semaphore(%arg28 : memref<!tpu.dma_semaphore, #tpu.memory_space<semaphore_mem>>)
    } else {
    }
    %add3A_102 = arith.constant 128 : i32
    %add3A_103 = arith.addi %mul3A_2, %add3A_102 : i32
    "tpu.region"() ({
      %run_scoped3A = tpu.sem_alloc : memref<!tpu.dma_semaphore, #tpu.memory_space<semaphore_mem>>
      %dma_start3A_554 = arith.constant 0 : i32
      %dma_start3A_555 = tpu.memref_slice %arg5[%add3A_103, %dma_start3A_554] : memref<10240x64xf32, #tpu.memory_space<hbm>> -> memref<128x64xf32, #tpu.memory_space<hbm>>
      %dma_start3A_556 = arith.constant 0 : i32
      %dma_start3A_557 = tpu.memref_slice %arg5[%add3A_103, %dma_start3A_556] : memref<10240x64xf32, #tpu.memory_space<hbm>> -> memref<128x64xf32, #tpu.memory_space<hbm>>
      tpu.enqueue_dma source(%dma_start3A_557 : memref<128x64xf32, #tpu.memory_space<hbm>>) target(%arg16 : memref<128x64xf32, #tpu.memory_space<vmem>>) target_semaphore(%run_scoped3A : memref<!tpu.dma_semaphore, #tpu.memory_space<semaphore_mem>>)
      %dma_wait3A_558 = arith.constant 0 : i32
      %dma_wait3A_559 = tpu.memref_slice %arg5[%add3A_103, %dma_wait3A_558] : memref<10240x64xf32, #tpu.memory_space<hbm>> -> memref<128x64xf32, #tpu.memory_space<hbm>>
      %dma_wait3A_560 = arith.constant 0 : i32
      %dma_wait3A_561 = tpu.memref_slice %arg5[%add3A_103, %dma_wait3A_560] : memref<10240x64xf32, #tpu.memory_space<hbm>> -> memref<128x64xf32, #tpu.memory_space<hbm>>
      tpu.wait_dma2 semaphore(%run_scoped3A : memref<!tpu.dma_semaphore, #tpu.memory_space<semaphore_mem>>) src(%dma_wait3A_561 : memref<128x64xf32, #tpu.memory_space<hbm>>) dst(%arg16 : memref<128x64xf32, #tpu.memory_space<vmem>>)
      tpu.yield
    }) : () -> ()
    %dma_wait3A_104 = arith.constant 0 : i32
    %dma_wait3A_105 = arith.constant 0 : i32
    %dma_wait3A_106 = tpu.memref_slice %arg4[%dma_wait3A_104, %add3A_103, %dma_wait3A_105] : memref<2x10240x64xf32, #tpu.memory_space<hbm>> -> memref<1x128x64xf32, #tpu.memory_space<hbm>>
    %dma_wait3A_107 = tpu.memref_squeeze %dma_wait3A_106 : memref<1x128x64xf32, #tpu.memory_space<hbm>> -> memref<128x64xf32, #tpu.memory_space<hbm>>
    %dma_wait3A_108 = arith.constant 0 : i32
    %dma_wait3A_109 = tpu.memref_slice %arg4[%dma_wait3A_104, %add3A_103, %dma_wait3A_108] : memref<2x10240x64xf32, #tpu.memory_space<hbm>> -> memref<1x128x64xf32, #tpu.memory_space<hbm>>
    %dma_wait3A_110 = tpu.memref_squeeze %dma_wait3A_109 : memref<1x128x64xf32, #tpu.memory_space<hbm>> -> memref<128x64xf32, #tpu.memory_space<hbm>>
    tpu.wait_dma2 semaphore(%arg30 : memref<!tpu.dma_semaphore, #tpu.memory_space<semaphore_mem>>) src(%dma_wait3A_110 : memref<128x64xf32, #tpu.memory_space<hbm>>) dst(%arg13 : memref<128x64xf32, #tpu.memory_space<vmem>>)
    %dma_wait3A_111 = arith.constant 1 : i32
    %dma_wait3A_112 = arith.constant 0 : i32
    %dma_wait3A_113 = tpu.memref_slice %arg4[%dma_wait3A_111, %add3A_103, %dma_wait3A_112] : memref<2x10240x64xf32, #tpu.memory_space<hbm>> -> memref<1x128x64xf32, #tpu.memory_space<hbm>>
    %dma_wait3A_114 = tpu.memref_squeeze %dma_wait3A_113 : memref<1x128x64xf32, #tpu.memory_space<hbm>> -> memref<128x64xf32, #tpu.memory_space<hbm>>
    %dma_wait3A_115 = arith.constant 0 : i32
    %dma_wait3A_116 = tpu.memref_slice %arg4[%dma_wait3A_111, %add3A_103, %dma_wait3A_115] : memref<2x10240x64xf32, #tpu.memory_space<hbm>> -> memref<1x128x64xf32, #tpu.memory_space<hbm>>
    %dma_wait3A_117 = tpu.memref_squeeze %dma_wait3A_116 : memref<1x128x64xf32, #tpu.memory_space<hbm>> -> memref<128x64xf32, #tpu.memory_space<hbm>>
    tpu.wait_dma2 semaphore(%arg32 : memref<!tpu.dma_semaphore, #tpu.memory_space<semaphore_mem>>) src(%dma_wait3A_117 : memref<128x64xf32, #tpu.memory_space<hbm>>) dst(%arg15 : memref<128x64xf32, #tpu.memory_space<vmem>>)
    %sub3A = arith.constant 128 : i32
    %sub3A_118 = arith.subi %add3A_103, %sub3A : i32
    %dma_wait3A_119 = arith.constant 0 : i32
    %dma_wait3A_120 = tpu.memref_slice %arg8[%arg0, %sub3A_118, %dma_wait3A_119] : memref<2x10240x64xf32, #tpu.memory_space<hbm>> -> memref<1x128x64xf32, #tpu.memory_space<hbm>>
    %dma_wait3A_121 = tpu.memref_squeeze %dma_wait3A_120 : memref<1x128x64xf32, #tpu.memory_space<hbm>> -> memref<128x64xf32, #tpu.memory_space<hbm>>
    %dma_wait3A_122 = arith.constant 0 : i32
    %dma_wait3A_123 = tpu.memref_slice %arg8[%arg0, %sub3A_118, %dma_wait3A_122] : memref<2x10240x64xf32, #tpu.memory_space<hbm>> -> memref<1x128x64xf32, #tpu.memory_space<hbm>>
    %dma_wait3A_124 = tpu.memref_squeeze %dma_wait3A_123 : memref<1x128x64xf32, #tpu.memory_space<hbm>> -> memref<128x64xf32, #tpu.memory_space<hbm>>
    tpu.wait_dma2 semaphore(%arg33 : memref<!tpu.dma_semaphore, #tpu.memory_space<semaphore_mem>>) src(%arg12 : memref<128x64xf32, #tpu.memory_space<vmem>>) dst(%dma_wait3A_124 : memref<128x64xf32, #tpu.memory_space<hbm>>)
    %eq3A_125 = arith.constant 0 : i32
    %eq3A_126 = arith.cmpi eq, %arg0, %eq3A_125 : i32
    %convert_element_type3A_127 = arith.extui %eq3A_126 : i1 to i32
    %cond3A_128 = arith.constant 0 : i32
    %cond3A_129 = arith.cmpi ne, %convert_element_type3A_127, %cond3A_128 : i32
    scf.if %cond3A_129 {
      %sub3A_554 = arith.constant 128 : i32
      %sub3A_555 = arith.subi %add3A_103, %sub3A_554 : i32
      %dma_wait3A_556 = arith.constant 0 : i32
      %dma_wait3A_557 = tpu.memref_slice %arg23[%sub3A_555, %dma_wait3A_556] : memref<10240x64xf32, #tpu.memory_space<vmem_shared>> -> memref<128x64xf32, #tpu.memory_space<vmem_shared>>
      %dma_wait3A_558 = arith.constant 0 : i32
      %dma_wait3A_559 = tpu.memref_slice %arg23[%sub3A_555, %dma_wait3A_558] : memref<10240x64xf32, #tpu.memory_space<vmem_shared>> -> memref<128x64xf32, #tpu.memory_space<vmem_shared>>
      tpu.wait_dma2 semaphore(%arg28 : memref<!tpu.dma_semaphore, #tpu.memory_space<semaphore_mem>>) src(%arg12 : memref<128x64xf32, #tpu.memory_space<vmem>>) dst(%dma_wait3A_559 : memref<128x64xf32, #tpu.memory_space<vmem_shared>>)
    } else {
    }
    %add3A_130 = arith.constant 256 : i32
    %add3A_131 = arith.addi %mul3A_2, %add3A_130 : i32
    %dma_start3A_132 = arith.constant 0 : i32
    %dma_start3A_133 = arith.constant 0 : i32
    %dma_start3A_134 = tpu.memref_slice %arg4[%dma_start3A_132, %add3A_131, %dma_start3A_133] : memref<2x10240x64xf32, #tpu.memory_space<hbm>> -> memref<1x128x64xf32, #tpu.memory_space<hbm>>
    %dma_start3A_135 = tpu.memref_squeeze %dma_start3A_134 : memref<1x128x64xf32, #tpu.memory_space<hbm>> -> memref<128x64xf32, #tpu.memory_space<hbm>>
    %dma_start3A_136 = arith.constant 0 : i32
    %dma_start3A_137 = tpu.memref_slice %arg4[%dma_start3A_132, %add3A_131, %dma_start3A_136] : memref<2x10240x64xf32, #tpu.memory_space<hbm>> -> memref<1x128x64xf32, #tpu.memory_space<hbm>>
    %dma_start3A_138 = tpu.memref_squeeze %dma_start3A_137 : memref<1x128x64xf32, #tpu.memory_space<hbm>> -> memref<128x64xf32, #tpu.memory_space<hbm>>
    tpu.enqueue_dma source(%dma_start3A_138 : memref<128x64xf32, #tpu.memory_space<hbm>>) target(%arg12 : memref<128x64xf32, #tpu.memory_space<vmem>>) target_semaphore(%arg29 : memref<!tpu.dma_semaphore, #tpu.memory_space<semaphore_mem>>)
    %dma_start3A_139 = arith.constant 1 : i32
    %dma_start3A_140 = arith.constant 0 : i32
    %dma_start3A_141 = tpu.memref_slice %arg4[%dma_start3A_139, %add3A_131, %dma_start3A_140] : memref<2x10240x64xf32, #tpu.memory_space<hbm>> -> memref<1x128x64xf32, #tpu.memory_space<hbm>>
    %dma_start3A_142 = tpu.memref_squeeze %dma_start3A_141 : memref<1x128x64xf32, #tpu.memory_space<hbm>> -> memref<128x64xf32, #tpu.memory_space<hbm>>
    %dma_start3A_143 = arith.constant 0 : i32
    %dma_start3A_144 = tpu.memref_slice %arg4[%dma_start3A_139, %add3A_131, %dma_start3A_143] : memref<2x10240x64xf32, #tpu.memory_space<hbm>> -> memref<1x128x64xf32, #tpu.memory_space<hbm>>
    %dma_start3A_145 = tpu.memref_squeeze %dma_start3A_144 : memref<1x128x64xf32, #tpu.memory_space<hbm>> -> memref<128x64xf32, #tpu.memory_space<hbm>>
    tpu.enqueue_dma source(%dma_start3A_145 : memref<128x64xf32, #tpu.memory_space<hbm>>) target(%arg14 : memref<128x64xf32, #tpu.memory_space<vmem>>) target_semaphore(%arg31 : memref<!tpu.dma_semaphore, #tpu.memory_space<semaphore_mem>>)
    %scan3A_146 = arith.constant 0 : i32
    %scan3A_147 = arith.constant 0 : i32
    %scan3A_148 = arith.constant 128 : i32
    %scan3A_149 = arith.addi %scan3A_147, %scan3A_148 : i32
    %scan3A_150 = arith.constant 1 : i32
    scf.for %scan3A_554 = %scan3A_147 to %scan3A_149 step %scan3A_150  : i32 {
      %get3A_555 = arith.index_cast %scan3A_554 : i32 to index
      %get3A_556 = arith.constant 0 : index
      %get3A_557 = tpu.vector_load %arg16[%get3A_555, %get3A_556] {strides = array<i32>} : memref<128x64xf32, #tpu.memory_space<vmem>>, vector<1x16xf32>,
      %get3A_558 = vector.shape_cast %get3A_557 : vector<1x16xf32> to vector<16xf32>
      %get3A_559 = arith.index_cast %scan3A_554 : i32 to index
      %get3A_560 = arith.constant 0 : index
      %get3A_561 = tpu.vector_load %arg13[%get3A_559, %get3A_560] {strides = array<i32>} : memref<128x64xf32, #tpu.memory_space<vmem>>, vector<1x16xf32>,
      %get3A_562 = vector.shape_cast %get3A_561 : vector<1x16xf32> to vector<16xf32>
      %get3A_563 = arith.index_cast %scan3A_554 : i32 to index
      %get3A_564 = arith.constant 0 : index
      %get3A_565 = tpu.vector_load %arg15[%get3A_563, %get3A_564] {strides = array<i32>} : memref<128x64xf32, #tpu.memory_space<vmem>>, vector<1x16xf32>,
      %get3A_566 = vector.shape_cast %get3A_565 : vector<1x16xf32> to vector<16xf32>
      %add3A_567 = arith.addf %get3A_562, %get3A_566 : vector<16xf32>
      %mul3A_568 = arith.mulf %add3A_567, %get3A_558 : vector<16xf32>
      %add3A_569 = arith.addf %mul3A_568, %get3A_23 : vector<16xf32>
      %max3A = arith.constant 0.000000e+00 : f32
      %max3A_570 = vector.broadcast %max3A : f32 to vector<16xf32>
      %max3A_571 = arith.maximumf %add3A_569, %max3A_570 : vector<16xf32>
      %mul3A_572 = arith.mulf %max3A_571, %get3A_558 : vector<16xf32>
      %swap3A = arith.index_cast %scan3A_554 : i32 to index
      %swap3A_573 = arith.constant 0 : index
      %swap3A_574 = tpu.vector_load %arg13[%swap3A, %swap3A_573] {strides = array<i32>} : memref<128x64xf32, #tpu.memory_space<vmem>>, vector<1x16xf32>,
      %swap3A_575 = vector.shape_cast %swap3A_574 : vector<1x16xf32> to vector<16xf32>
      %swap3A_576 = vector.shape_cast %mul3A_572 : vector<16xf32> to vector<1x16xf32>
      tpu.vector_store %arg13[%swap3A, %swap3A_573], %swap3A_576 {strides = array<i32>} : memref<128x64xf32, #tpu.memory_space<vmem>>, vector<1x16xf32>,
      %get3A_577 = arith.index_cast %scan3A_554 : i32 to index
      %get3A_578 = arith.constant 16 : index
      %get3A_579 = tpu.vector_load %arg16[%get3A_577, %get3A_578] {strides = array<i32>} : memref<128x64xf32, #tpu.memory_space<vmem>>, vector<1x16xf32>,
      %get3A_580 = vector.shape_cast %get3A_579 : vector<1x16xf32> to vector<16xf32>
      %get3A_581 = arith.index_cast %scan3A_554 : i32 to index
      %get3A_582 = arith.constant 16 : index
      %get3A_583 = tpu.vector_load %arg13[%get3A_581, %get3A_582] {strides = array<i32>} : memref<128x64xf32, #tpu.memory_space<vmem>>, vector<1x16xf32>,
      %get3A_584 = vector.shape_cast %get3A_583 : vector<1x16xf32> to vector<16xf32>
      %get3A_585 = arith.index_cast %scan3A_554 : i32 to index
      %get3A_586 = arith.constant 16 : index
      %get3A_587 = tpu.vector_load %arg15[%get3A_585, %get3A_586] {strides = array<i32>} : memref<128x64xf32, #tpu.memory_space<vmem>>, vector<1x16xf32>,
      %get3A_588 = vector.shape_cast %get3A_587 : vector<1x16xf32> to vector<16xf32>
      %add3A_589 = arith.addf %get3A_584, %get3A_588 : vector<16xf32>
      %mul3A_590 = arith.mulf %add3A_589, %get3A_580 : vector<16xf32>
      %add3A_591 = arith.addf %mul3A_590, %get3A_28 : vector<16xf32>
      %max3A_592 = arith.constant 0.000000e+00 : f32
      %max3A_593 = vector.broadcast %max3A_592 : f32 to vector<16xf32>
      %max3A_594 = arith.maximumf %add3A_591, %max3A_593 : vector<16xf32>
      %mul3A_595 = arith.mulf %max3A_594, %get3A_580 : vector<16xf32>
      %swap3A_596 = arith.index_cast %scan3A_554 : i32 to index
      %swap3A_597 = arith.constant 16 : index
      %swap3A_598 = tpu.vector_load %arg13[%swap3A_596, %swap3A_597] {strides = array<i32>} : memref<128x64xf32, #tpu.memory_space<vmem>>, vector<1x16xf32>,
      %swap3A_599 = vector.shape_cast %swap3A_598 : vector<1x16xf32> to vector<16xf32>
      %swap3A_600 = vector.shape_cast %mul3A_595 : vector<16xf32> to vector<1x16xf32>
      tpu.vector_store %arg13[%swap3A_596, %swap3A_597], %swap3A_600 {strides = array<i32>} : memref<128x64xf32, #tpu.memory_space<vmem>>, vector<1x16xf32>,
      %get3A_601 = arith.index_cast %scan3A_554 : i32 to index
      %get3A_602 = arith.constant 32 : index
      %get3A_603 = tpu.vector_load %arg16[%get3A_601, %get3A_602] {strides = array<i32>} : memref<128x64xf32, #tpu.memory_space<vmem>>, vector<1x16xf32>,
      %get3A_604 = vector.shape_cast %get3A_603 : vector<1x16xf32> to vector<16xf32>
      %get3A_605 = arith.index_cast %scan3A_554 : i32 to index
      %get3A_606 = arith.constant 32 : index
      %get3A_607 = tpu.vector_load %arg13[%get3A_605, %get3A_606] {strides = array<i32>} : memref<128x64xf32, #tpu.memory_space<vmem>>, vector<1x16xf32>,
      %get3A_608 = vector.shape_cast %get3A_607 : vector<1x16xf32> to vector<16xf32>
      %get3A_609 = arith.index_cast %scan3A_554 : i32 to index
      %get3A_610 = arith.constant 32 : index
      %get3A_611 = tpu.vector_load %arg15[%get3A_609, %get3A_610] {strides = array<i32>} : memref<128x64xf32, #tpu.memory_space<vmem>>, vector<1x16xf32>,
      %get3A_612 = vector.shape_cast %get3A_611 : vector<1x16xf32> to vector<16xf32>
      %add3A_613 = arith.addf %get3A_608, %get3A_612 : vector<16xf32>
      %mul3A_614 = arith.mulf %add3A_613, %get3A_604 : vector<16xf32>
      %add3A_615 = arith.addf %mul3A_614, %get3A_33 : vector<16xf32>
      %max3A_616 = arith.constant 0.000000e+00 : f32
      %max3A_617 = vector.broadcast %max3A_616 : f32 to vector<16xf32>
      %max3A_618 = arith.maximumf %add3A_615, %max3A_617 : vector<16xf32>
      %mul3A_619 = arith.mulf %max3A_618, %get3A_604 : vector<16xf32>
      %swap3A_620 = arith.index_cast %scan3A_554 : i32 to index
      %swap3A_621 = arith.constant 32 : index
      %swap3A_622 = tpu.vector_load %arg13[%swap3A_620, %swap3A_621] {strides = array<i32>} : memref<128x64xf32, #tpu.memory_space<vmem>>, vector<1x16xf32>,
      %swap3A_623 = vector.shape_cast %swap3A_622 : vector<1x16xf32> to vector<16xf32>
      %swap3A_624 = vector.shape_cast %mul3A_619 : vector<16xf32> to vector<1x16xf32>
      tpu.vector_store %arg13[%swap3A_620, %swap3A_621], %swap3A_624 {strides = array<i32>} : memref<128x64xf32, #tpu.memory_space<vmem>>, vector<1x16xf32>,
      %get3A_625 = arith.index_cast %scan3A_554 : i32 to index
      %get3A_626 = arith.constant 48 : index
      %get3A_627 = tpu.vector_load %arg16[%get3A_625, %get3A_626] {strides = array<i32>} : memref<128x64xf32, #tpu.memory_space<vmem>>, vector<1x16xf32>,
      %get3A_628 = vector.shape_cast %get3A_627 : vector<1x16xf32> to vector<16xf32>
      %get3A_629 = arith.index_cast %scan3A_554 : i32 to index
      %get3A_630 = arith.constant 48 : index
      %get3A_631 = tpu.vector_load %arg13[%get3A_629, %get3A_630] {strides = array<i32>} : memref<128x64xf32, #tpu.memory_space<vmem>>, vector<1x16xf32>,
      %get3A_632 = vector.shape_cast %get3A_631 : vector<1x16xf32> to vector<16xf32>
      %get3A_633 = arith.index_cast %scan3A_554 : i32 to index
      %get3A_634 = arith.constant 48 : index
      %get3A_635 = tpu.vector_load %arg15[%get3A_633, %get3A_634] {strides = array<i32>} : memref<128x64xf32, #tpu.memory_space<vmem>>, vector<1x16xf32>,
      %get3A_636 = vector.shape_cast %get3A_635 : vector<1x16xf32> to vector<16xf32>
      %add3A_637 = arith.addf %get3A_632, %get3A_636 : vector<16xf32>
      %mul3A_638 = arith.mulf %add3A_637, %get3A_628 : vector<16xf32>
      %add3A_639 = arith.addf %mul3A_638, %get3A_38 : vector<16xf32>
      %max3A_640 = arith.constant 0.000000e+00 : f32
      %max3A_641 = vector.broadcast %max3A_640 : f32 to vector<16xf32>
      %max3A_642 = arith.maximumf %add3A_639, %max3A_641 : vector<16xf32>
      %mul3A_643 = arith.mulf %max3A_642, %get3A_628 : vector<16xf32>
      %swap3A_644 = arith.index_cast %scan3A_554 : i32 to index
      %swap3A_645 = arith.constant 48 : index
      %swap3A_646 = tpu.vector_load %arg13[%swap3A_644, %swap3A_645] {strides = array<i32>} : memref<128x64xf32, #tpu.memory_space<vmem>>, vector<1x16xf32>,
      %swap3A_647 = vector.shape_cast %swap3A_646 : vector<1x16xf32> to vector<16xf32>
      %swap3A_648 = vector.shape_cast %mul3A_643 : vector<16xf32> to vector<1x16xf32>
      tpu.vector_store %arg13[%swap3A_644, %swap3A_645], %swap3A_648 {strides = array<i32>} : memref<128x64xf32, #tpu.memory_space<vmem>>, vector<1x16xf32>,
    }
    %scan3A_151 = arith.constant 128 : i32
    %dma_start3A_152 = arith.constant 0 : i32
    %dma_start3A_153 = tpu.memref_slice %arg8[%arg0, %add3A_103, %dma_start3A_152] : memref<2x10240x64xf32, #tpu.memory_space<hbm>> -> memref<1x128x64xf32, #tpu.memory_space<hbm>>
    %dma_start3A_154 = tpu.memref_squeeze %dma_start3A_153 : memref<1x128x64xf32, #tpu.memory_space<hbm>> -> memref<128x64xf32, #tpu.memory_space<hbm>>
    %dma_start3A_155 = arith.constant 0 : i32
    %dma_start3A_156 = tpu.memref_slice %arg8[%arg0, %add3A_103, %dma_start3A_155] : memref<2x10240x64xf32, #tpu.memory_space<hbm>> -> memref<1x128x64xf32, #tpu.memory_space<hbm>>
    %dma_start3A_157 = tpu.memref_squeeze %dma_start3A_156 : memref<1x128x64xf32, #tpu.memory_space<hbm>> -> memref<128x64xf32, #tpu.memory_space<hbm>>
    tpu.enqueue_dma source(%arg13 : memref<128x64xf32, #tpu.memory_space<vmem>>) target(%dma_start3A_157 : memref<128x64xf32, #tpu.memory_space<hbm>>) target_semaphore(%arg33 : memref<!tpu.dma_semaphore, #tpu.memory_space<semaphore_mem>>)
    %eq3A_158 = arith.constant 0 : i32
    %eq3A_159 = arith.cmpi eq, %arg0, %eq3A_158 : i32
    %convert_element_type3A_160 = arith.extui %eq3A_159 : i1 to i32
    %cond3A_161 = arith.constant 0 : i32
    %cond3A_162 = arith.cmpi ne, %convert_element_type3A_160, %cond3A_161 : i32
    scf.if %cond3A_162 {
      %dma_start3A_554 = arith.constant 0 : i32
      %dma_start3A_555 = tpu.memref_slice %arg23[%add3A_103, %dma_start3A_554] : memref<10240x64xf32, #tpu.memory_space<vmem_shared>> -> memref<128x64xf32, #tpu.memory_space<vmem_shared>>
      %dma_start3A_556 = arith.constant 0 : i32
      %dma_start3A_557 = tpu.memref_slice %arg23[%add3A_103, %dma_start3A_556] : memref<10240x64xf32, #tpu.memory_space<vmem_shared>> -> memref<128x64xf32, #tpu.memory_space<vmem_shared>>
      tpu.enqueue_dma source(%arg13 : memref<128x64xf32, #tpu.memory_space<vmem>>) target(%dma_start3A_557 : memref<128x64xf32, #tpu.memory_space<vmem_shared>>) target_semaphore(%arg28 : memref<!tpu.dma_semaphore, #tpu.memory_space<semaphore_mem>>)
    } else {
    }
    %add3A_163 = arith.constant 256 : i32
    %add3A_164 = arith.addi %mul3A_2, %add3A_163 : i32
    "tpu.region"() ({
      %run_scoped3A = tpu.sem_alloc : memref<!tpu.dma_semaphore, #tpu.memory_space<semaphore_mem>>
      %dma_start3A_554 = arith.constant 0 : i32
      %dma_start3A_555 = tpu.memref_slice %arg5[%add3A_164, %dma_start3A_554] : memref<10240x64xf32, #tpu.memory_space<hbm>> -> memref<128x64xf32, #tpu.memory_space<hbm>>
      %dma_start3A_556 = arith.constant 0 : i32
      %dma_start3A_557 = tpu.memref_slice %arg5[%add3A_164, %dma_start3A_556] : memref<10240x64xf32, #tpu.memory_space<hbm>> -> memref<128x64xf32, #tpu.memory_space<hbm>>
      tpu.enqueue_dma source(%dma_start3A_557 : memref<128x64xf32, #tpu.memory_space<hbm>>) target(%arg16 : memref<128x64xf32, #tpu.memory_space<vmem>>) target_semaphore(%run_scoped3A : memref<!tpu.dma_semaphore, #tpu.memory_space<semaphore_mem>>)
      %dma_wait3A_558 = arith.constant 0 : i32
      %dma_wait3A_559 = tpu.memref_slice %arg5[%add3A_164, %dma_wait3A_558] : memref<10240x64xf32, #tpu.memory_space<hbm>> -> memref<128x64xf32, #tpu.memory_space<hbm>>
      %dma_wait3A_560 = arith.constant 0 : i32
      %dma_wait3A_561 = tpu.memref_slice %arg5[%add3A_164, %dma_wait3A_560] : memref<10240x64xf32, #tpu.memory_space<hbm>> -> memref<128x64xf32, #tpu.memory_space<hbm>>
      tpu.wait_dma2 semaphore(%run_scoped3A : memref<!tpu.dma_semaphore, #tpu.memory_space<semaphore_mem>>) src(%dma_wait3A_561 : memref<128x64xf32, #tpu.memory_space<hbm>>) dst(%arg16 : memref<128x64xf32, #tpu.memory_space<vmem>>)
      tpu.yield
    }) : () -> ()
    %dma_wait3A_165 = arith.constant 0 : i32
    %dma_wait3A_166 = arith.constant 0 : i32
    %dma_wait3A_167 = tpu.memref_slice %arg4[%dma_wait3A_165, %add3A_164, %dma_wait3A_166] : memref<2x10240x64xf32, #tpu.memory_space<hbm>> -> memref<1x128x64xf32, #tpu.memory_space<hbm>>
    %dma_wait3A_168 = tpu.memref_squeeze %dma_wait3A_167 : memref<1x128x64xf32, #tpu.memory_space<hbm>> -> memref<128x64xf32, #tpu.memory_space<hbm>>
    %dma_wait3A_169 = arith.constant 0 : i32
    %dma_wait3A_170 = tpu.memref_slice %arg4[%dma_wait3A_165, %add3A_164, %dma_wait3A_169] : memref<2x10240x64xf32, #tpu.memory_space<hbm>> -> memref<1x128x64xf32, #tpu.memory_space<hbm>>
    %dma_wait3A_171 = tpu.memref_squeeze %dma_wait3A_170 : memref<1x128x64xf32, #tpu.memory_space<hbm>> -> memref<128x64xf32, #tpu.memory_space<hbm>>
    tpu.wait_dma2 semaphore(%arg29 : memref<!tpu.dma_semaphore, #tpu.memory_space<semaphore_mem>>) src(%dma_wait3A_171 : memref<128x64xf32, #tpu.memory_space<hbm>>) dst(%arg12 : memref<128x64xf32, #tpu.memory_space<vmem>>)
    %dma_wait3A_172 = arith.constant 1 : i32
    %dma_wait3A_173 = arith.constant 0 : i32
    %dma_wait3A_174 = tpu.memref_slice %arg4[%dma_wait3A_172, %add3A_164, %dma_wait3A_173] : memref<2x10240x64xf32, #tpu.memory_space<hbm>> -> memref<1x128x64xf32, #tpu.memory_space<hbm>>
    %dma_wait3A_175 = tpu.memref_squeeze %dma_wait3A_174 : memref<1x128x64xf32, #tpu.memory_space<hbm>> -> memref<128x64xf32, #tpu.memory_space<hbm>>
    %dma_wait3A_176 = arith.constant 0 : i32
    %dma_wait3A_177 = tpu.memref_slice %arg4[%dma_wait3A_172, %add3A_164, %dma_wait3A_176] : memref<2x10240x64xf32, #tpu.memory_space<hbm>> -> memref<1x128x64xf32, #tpu.memory_space<hbm>>
    %dma_wait3A_178 = tpu.memref_squeeze %dma_wait3A_177 : memref<1x128x64xf32, #tpu.memory_space<hbm>> -> memref<128x64xf32, #tpu.memory_space<hbm>>
    tpu.wait_dma2 semaphore(%arg31 : memref<!tpu.dma_semaphore, #tpu.memory_space<semaphore_mem>>) src(%dma_wait3A_178 : memref<128x64xf32, #tpu.memory_space<hbm>>) dst(%arg14 : memref<128x64xf32, #tpu.memory_space<vmem>>)
    %sub3A_179 = arith.constant 128 : i32
    %sub3A_180 = arith.subi %add3A_164, %sub3A_179 : i32
    %dma_wait3A_181 = arith.constant 0 : i32
    %dma_wait3A_182 = tpu.memref_slice %arg8[%arg0, %sub3A_180, %dma_wait3A_181] : memref<2x10240x64xf32, #tpu.memory_space<hbm>> -> memref<1x128x64xf32, #tpu.memory_space<hbm>>
    %dma_wait3A_183 = tpu.memref_squeeze %dma_wait3A_182 : memref<1x128x64xf32, #tpu.memory_space<hbm>> -> memref<128x64xf32, #tpu.memory_space<hbm>>
    %dma_wait3A_184 = arith.constant 0 : i32
    %dma_wait3A_185 = tpu.memref_slice %arg8[%arg0, %sub3A_180, %dma_wait3A_184] : memref<2x10240x64xf32, #tpu.memory_space<hbm>> -> memref<1x128x64xf32, #tpu.memory_space<hbm>>
    %dma_wait3A_186 = tpu.memref_squeeze %dma_wait3A_185 : memref<1x128x64xf32, #tpu.memory_space<hbm>> -> memref<128x64xf32, #tpu.memory_space<hbm>>
    tpu.wait_dma2 semaphore(%arg33 : memref<!tpu.dma_semaphore, #tpu.memory_space<semaphore_mem>>) src(%arg13 : memref<128x64xf32, #tpu.memory_space<vmem>>) dst(%dma_wait3A_186 : memref<128x64xf32, #tpu.memory_space<hbm>>)
    %eq3A_187 = arith.constant 0 : i32
    %eq3A_188 = arith.cmpi eq, %arg0, %eq3A_187 : i32
    %convert_element_type3A_189 = arith.extui %eq3A_188 : i1 to i32
    %cond3A_190 = arith.constant 0 : i32
    %cond3A_191 = arith.cmpi ne, %convert_element_type3A_189, %cond3A_190 : i32
    scf.if %cond3A_191 {
      %sub3A_554 = arith.constant 128 : i32
      %sub3A_555 = arith.subi %add3A_164, %sub3A_554 : i32
      %dma_wait3A_556 = arith.constant 0 : i32
      %dma_wait3A_557 = tpu.memref_slice %arg23[%sub3A_555, %dma_wait3A_556] : memref<10240x64xf32, #tpu.memory_space<vmem_shared>> -> memref<128x64xf32, #tpu.memory_space<vmem_shared>>
      %dma_wait3A_558 = arith.constant 0 : i32
      %dma_wait3A_559 = tpu.memref_slice %arg23[%sub3A_555, %dma_wait3A_558] : memref<10240x64xf32, #tpu.memory_space<vmem_shared>> -> memref<128x64xf32, #tpu.memory_space<vmem_shared>>
      tpu.wait_dma2 semaphore(%arg28 : memref<!tpu.dma_semaphore, #tpu.memory_space<semaphore_mem>>) src(%arg13 : memref<128x64xf32, #tpu.memory_space<vmem>>) dst(%dma_wait3A_559 : memref<128x64xf32, #tpu.memory_space<vmem_shared>>)
    } else {
    }
    %add3A_192 = arith.constant 384 : i32
    %add3A_193 = arith.addi %mul3A_2, %add3A_192 : i32
    %dma_start3A_194 = arith.constant 0 : i32
    %dma_start3A_195 = arith.constant 0 : i32
    %dma_start3A_196 = tpu.memref_slice %arg4[%dma_start3A_194, %add3A_193, %dma_start3A_195] : memref<2x10240x64xf32, #tpu.memory_space<hbm>> -> memref<1x128x64xf32, #tpu.memory_space<hbm>>
    %dma_start3A_197 = tpu.memref_squeeze %dma_start3A_196 : memref<1x128x64xf32, #tpu.memory_space<hbm>> -> memref<128x64xf32, #tpu.memory_space<hbm>>
    %dma_start3A_198 = arith.constant 0 : i32
    %dma_start3A_199 = tpu.memref_slice %arg4[%dma_start3A_194, %add3A_193, %dma_start3A_198] : memref<2x10240x64xf32, #tpu.memory_space<hbm>> -> memref<1x128x64xf32, #tpu.memory_space<hbm>>
    %dma_start3A_200 = tpu.memref_squeeze %dma_start3A_199 : memref<1x128x64xf32, #tpu.memory_space<hbm>> -> memref<128x64xf32, #tpu.memory_space<hbm>>
    tpu.enqueue_dma source(%dma_start3A_200 : memref<128x64xf32, #tpu.memory_space<hbm>>) target(%arg13 : memref<128x64xf32, #tpu.memory_space<vmem>>) target_semaphore(%arg30 : memref<!tpu.dma_semaphore, #tpu.memory_space<semaphore_mem>>)
    %dma_start3A_201 = arith.constant 1 : i32
    %dma_start3A_202 = arith.constant 0 : i32
    %dma_start3A_203 = tpu.memref_slice %arg4[%dma_start3A_201, %add3A_193, %dma_start3A_202] : memref<2x10240x64xf32, #tpu.memory_space<hbm>> -> memref<1x128x64xf32, #tpu.memory_space<hbm>>
    %dma_start3A_204 = tpu.memref_squeeze %dma_start3A_203 : memref<1x128x64xf32, #tpu.memory_space<hbm>> -> memref<128x64xf32, #tpu.memory_space<hbm>>
    %dma_start3A_205 = arith.constant 0 : i32
    %dma_start3A_206 = tpu.memref_slice %arg4[%dma_start3A_201, %add3A_193, %dma_start3A_205] : memref<2x10240x64xf32, #tpu.memory_space<hbm>> -> memref<1x128x64xf32, #tpu.memory_space<hbm>>
    %dma_start3A_207 = tpu.memref_squeeze %dma_start3A_206 : memref<1x128x64xf32, #tpu.memory_space<hbm>> -> memref<128x64xf32, #tpu.memory_space<hbm>>
    tpu.enqueue_dma source(%dma_start3A_207 : memref<128x64xf32, #tpu.memory_space<hbm>>) target(%arg15 : memref<128x64xf32, #tpu.memory_space<vmem>>) target_semaphore(%arg32 : memref<!tpu.dma_semaphore, #tpu.memory_space<semaphore_mem>>)
    %scan3A_208 = arith.constant 0 : i32
    %scan3A_209 = arith.constant 0 : i32
    %scan3A_210 = arith.constant 128 : i32
    %scan3A_211 = arith.addi %scan3A_209, %scan3A_210 : i32
    %scan3A_212 = arith.constant 1 : i32
    scf.for %scan3A_554 = %scan3A_209 to %scan3A_211 step %scan3A_212  : i32 {
      %get3A_555 = arith.index_cast %scan3A_554 : i32 to index
      %get3A_556 = arith.constant 0 : index
      %get3A_557 = tpu.vector_load %arg16[%get3A_555, %get3A_556] {strides = array<i32>} : memref<128x64xf32, #tpu.memory_space<vmem>>, vector<1x16xf32>,
      %get3A_558 = vector.shape_cast %get3A_557 : vector<1x16xf32> to vector<16xf32>
      %get3A_559 = arith.index_cast %scan3A_554 : i32 to index
      %get3A_560 = arith.constant 0 : index
      %get3A_561 = tpu.vector_load %arg12[%get3A_559, %get3A_560] {strides = array<i32>} : memref<128x64xf32, #tpu.memory_space<vmem>>, vector<1x16xf32>,
      %get3A_562 = vector.shape_cast %get3A_561 : vector<1x16xf32> to vector<16xf32>
      %get3A_563 = arith.index_cast %scan3A_554 : i32 to index
      %get3A_564 = arith.constant 0 : index
      %get3A_565 = tpu.vector_load %arg14[%get3A_563, %get3A_564] {strides = array<i32>} : memref<128x64xf32, #tpu.memory_space<vmem>>, vector<1x16xf32>,
      %get3A_566 = vector.shape_cast %get3A_565 : vector<1x16xf32> to vector<16xf32>
      %add3A_567 = arith.addf %get3A_562, %get3A_566 : vector<16xf32>
      %mul3A_568 = arith.mulf %add3A_567, %get3A_558 : vector<16xf32>
      %add3A_569 = arith.addf %mul3A_568, %get3A_23 : vector<16xf32>
      %max3A = arith.constant 0.000000e+00 : f32
      %max3A_570 = vector.broadcast %max3A : f32 to vector<16xf32>
      %max3A_571 = arith.maximumf %add3A_569, %max3A_570 : vector<16xf32>
      %mul3A_572 = arith.mulf %max3A_571, %get3A_558 : vector<16xf32>
      %swap3A = arith.index_cast %scan3A_554 : i32 to index
      %swap3A_573 = arith.constant 0 : index
      %swap3A_574 = tpu.vector_load %arg12[%swap3A, %swap3A_573] {strides = array<i32>} : memref<128x64xf32, #tpu.memory_space<vmem>>, vector<1x16xf32>,
      %swap3A_575 = vector.shape_cast %swap3A_574 : vector<1x16xf32> to vector<16xf32>
      %swap3A_576 = vector.shape_cast %mul3A_572 : vector<16xf32> to vector<1x16xf32>
      tpu.vector_store %arg12[%swap3A, %swap3A_573], %swap3A_576 {strides = array<i32>} : memref<128x64xf32, #tpu.memory_space<vmem>>, vector<1x16xf32>,
      %get3A_577 = arith.index_cast %scan3A_554 : i32 to index
      %get3A_578 = arith.constant 16 : index
      %get3A_579 = tpu.vector_load %arg16[%get3A_577, %get3A_578] {strides = array<i32>} : memref<128x64xf32, #tpu.memory_space<vmem>>, vector<1x16xf32>,
      %get3A_580 = vector.shape_cast %get3A_579 : vector<1x16xf32> to vector<16xf32>
      %get3A_581 = arith.index_cast %scan3A_554 : i32 to index
      %get3A_582 = arith.constant 16 : index
      %get3A_583 = tpu.vector_load %arg12[%get3A_581, %get3A_582] {strides = array<i32>} : memref<128x64xf32, #tpu.memory_space<vmem>>, vector<1x16xf32>,
      %get3A_584 = vector.shape_cast %get3A_583 : vector<1x16xf32> to vector<16xf32>
      %get3A_585 = arith.index_cast %scan3A_554 : i32 to index
      %get3A_586 = arith.constant 16 : index
      %get3A_587 = tpu.vector_load %arg14[%get3A_585, %get3A_586] {strides = array<i32>} : memref<128x64xf32, #tpu.memory_space<vmem>>, vector<1x16xf32>,
      %get3A_588 = vector.shape_cast %get3A_587 : vector<1x16xf32> to vector<16xf32>
      %add3A_589 = arith.addf %get3A_584, %get3A_588 : vector<16xf32>
      %mul3A_590 = arith.mulf %add3A_589, %get3A_580 : vector<16xf32>
      %add3A_591 = arith.addf %mul3A_590, %get3A_28 : vector<16xf32>
      %max3A_592 = arith.constant 0.000000e+00 : f32
      %max3A_593 = vector.broadcast %max3A_592 : f32 to vector<16xf32>
      %max3A_594 = arith.maximumf %add3A_591, %max3A_593 : vector<16xf32>
      %mul3A_595 = arith.mulf %max3A_594, %get3A_580 : vector<16xf32>
      %swap3A_596 = arith.index_cast %scan3A_554 : i32 to index
      %swap3A_597 = arith.constant 16 : index
      %swap3A_598 = tpu.vector_load %arg12[%swap3A_596, %swap3A_597] {strides = array<i32>} : memref<128x64xf32, #tpu.memory_space<vmem>>, vector<1x16xf32>,
      %swap3A_599 = vector.shape_cast %swap3A_598 : vector<1x16xf32> to vector<16xf32>
      %swap3A_600 = vector.shape_cast %mul3A_595 : vector<16xf32> to vector<1x16xf32>
      tpu.vector_store %arg12[%swap3A_596, %swap3A_597], %swap3A_600 {strides = array<i32>} : memref<128x64xf32, #tpu.memory_space<vmem>>, vector<1x16xf32>,
      %get3A_601 = arith.index_cast %scan3A_554 : i32 to index
      %get3A_602 = arith.constant 32 : index
      %get3A_603 = tpu.vector_load %arg16[%get3A_601, %get3A_602] {strides = array<i32>} : memref<128x64xf32, #tpu.memory_space<vmem>>, vector<1x16xf32>,
      %get3A_604 = vector.shape_cast %get3A_603 : vector<1x16xf32> to vector<16xf32>
      %get3A_605 = arith.index_cast %scan3A_554 : i32 to index
      %get3A_606 = arith.constant 32 : index
      %get3A_607 = tpu.vector_load %arg12[%get3A_605, %get3A_606] {strides = array<i32>} : memref<128x64xf32, #tpu.memory_space<vmem>>, vector<1x16xf32>,
      %get3A_608 = vector.shape_cast %get3A_607 : vector<1x16xf32> to vector<16xf32>
      %get3A_609 = arith.index_cast %scan3A_554 : i32 to index
      %get3A_610 = arith.constant 32 : index
      %get3A_611 = tpu.vector_load %arg14[%get3A_609, %get3A_610] {strides = array<i32>} : memref<128x64xf32, #tpu.memory_space<vmem>>, vector<1x16xf32>,
      %get3A_612 = vector.shape_cast %get3A_611 : vector<1x16xf32> to vector<16xf32>
      %add3A_613 = arith.addf %get3A_608, %get3A_612 : vector<16xf32>
      %mul3A_614 = arith.mulf %add3A_613, %get3A_604 : vector<16xf32>
      %add3A_615 = arith.addf %mul3A_614, %get3A_33 : vector<16xf32>
      %max3A_616 = arith.constant 0.000000e+00 : f32
      %max3A_617 = vector.broadcast %max3A_616 : f32 to vector<16xf32>
      %max3A_618 = arith.maximumf %add3A_615, %max3A_617 : vector<16xf32>
      %mul3A_619 = arith.mulf %max3A_618, %get3A_604 : vector<16xf32>
      %swap3A_620 = arith.index_cast %scan3A_554 : i32 to index
      %swap3A_621 = arith.constant 32 : index
      %swap3A_622 = tpu.vector_load %arg12[%swap3A_620, %swap3A_621] {strides = array<i32>} : memref<128x64xf32, #tpu.memory_space<vmem>>, vector<1x16xf32>,
      %swap3A_623 = vector.shape_cast %swap3A_622 : vector<1x16xf32> to vector<16xf32>
      %swap3A_624 = vector.shape_cast %mul3A_619 : vector<16xf32> to vector<1x16xf32>
      tpu.vector_store %arg12[%swap3A_620, %swap3A_621], %swap3A_624 {strides = array<i32>} : memref<128x64xf32, #tpu.memory_space<vmem>>, vector<1x16xf32>,
      %get3A_625 = arith.index_cast %scan3A_554 : i32 to index
      %get3A_626 = arith.constant 48 : index
      %get3A_627 = tpu.vector_load %arg16[%get3A_625, %get3A_626] {strides = array<i32>} : memref<128x64xf32, #tpu.memory_space<vmem>>, vector<1x16xf32>,
      %get3A_628 = vector.shape_cast %get3A_627 : vector<1x16xf32> to vector<16xf32>
      %get3A_629 = arith.index_cast %scan3A_554 : i32 to index
      %get3A_630 = arith.constant 48 : index
      %get3A_631 = tpu.vector_load %arg12[%get3A_629, %get3A_630] {strides = array<i32>} : memref<128x64xf32, #tpu.memory_space<vmem>>, vector<1x16xf32>,
      %get3A_632 = vector.shape_cast %get3A_631 : vector<1x16xf32> to vector<16xf32>
      %get3A_633 = arith.index_cast %scan3A_554 : i32 to index
      %get3A_634 = arith.constant 48 : index
      %get3A_635 = tpu.vector_load %arg14[%get3A_633, %get3A_634] {strides = array<i32>} : memref<128x64xf32, #tpu.memory_space<vmem>>, vector<1x16xf32>,
      %get3A_636 = vector.shape_cast %get3A_635 : vector<1x16xf32> to vector<16xf32>
      %add3A_637 = arith.addf %get3A_632, %get3A_636 : vector<16xf32>
      %mul3A_638 = arith.mulf %add3A_637, %get3A_628 : vector<16xf32>
      %add3A_639 = arith.addf %mul3A_638, %get3A_38 : vector<16xf32>
      %max3A_640 = arith.constant 0.000000e+00 : f32
      %max3A_641 = vector.broadcast %max3A_640 : f32 to vector<16xf32>
      %max3A_642 = arith.maximumf %add3A_639, %max3A_641 : vector<16xf32>
      %mul3A_643 = arith.mulf %max3A_642, %get3A_628 : vector<16xf32>
      %swap3A_644 = arith.index_cast %scan3A_554 : i32 to index
      %swap3A_645 = arith.constant 48 : index
      %swap3A_646 = tpu.vector_load %arg12[%swap3A_644, %swap3A_645] {strides = array<i32>} : memref<128x64xf32, #tpu.memory_space<vmem>>, vector<1x16xf32>,
      %swap3A_647 = vector.shape_cast %swap3A_646 : vector<1x16xf32> to vector<16xf32>
      %swap3A_648 = vector.shape_cast %mul3A_643 : vector<16xf32> to vector<1x16xf32>
      tpu.vector_store %arg12[%swap3A_644, %swap3A_645], %swap3A_648 {strides = array<i32>} : memref<128x64xf32, #tpu.memory_space<vmem>>, vector<1x16xf32>,
    }
    %scan3A_213 = arith.constant 128 : i32
    %dma_start3A_214 = arith.constant 0 : i32
    %dma_start3A_215 = tpu.memref_slice %arg8[%arg0, %add3A_164, %dma_start3A_214] : memref<2x10240x64xf32, #tpu.memory_space<hbm>> -> memref<1x128x64xf32, #tpu.memory_space<hbm>>
    %dma_start3A_216 = tpu.memref_squeeze %dma_start3A_215 : memref<1x128x64xf32, #tpu.memory_space<hbm>> -> memref<128x64xf32, #tpu.memory_space<hbm>>
    %dma_start3A_217 = arith.constant 0 : i32
    %dma_start3A_218 = tpu.memref_slice %arg8[%arg0, %add3A_164, %dma_start3A_217] : memref<2x10240x64xf32, #tpu.memory_space<hbm>> -> memref<1x128x64xf32, #tpu.memory_space<hbm>>
    %dma_start3A_219 = tpu.memref_squeeze %dma_start3A_218 : memref<1x128x64xf32, #tpu.memory_space<hbm>> -> memref<128x64xf32, #tpu.memory_space<hbm>>
    tpu.enqueue_dma source(%arg12 : memref<128x64xf32, #tpu.memory_space<vmem>>) target(%dma_start3A_219 : memref<128x64xf32, #tpu.memory_space<hbm>>) target_semaphore(%arg33 : memref<!tpu.dma_semaphore, #tpu.memory_space<semaphore_mem>>)
    %eq3A_220 = arith.constant 0 : i32
    %eq3A_221 = arith.cmpi eq, %arg0, %eq3A_220 : i32
    %convert_element_type3A_222 = arith.extui %eq3A_221 : i1 to i32
    %cond3A_223 = arith.constant 0 : i32
    %cond3A_224 = arith.cmpi ne, %convert_element_type3A_222, %cond3A_223 : i32
    scf.if %cond3A_224 {
      %dma_start3A_554 = arith.constant 0 : i32
      %dma_start3A_555 = tpu.memref_slice %arg23[%add3A_164, %dma_start3A_554] : memref<10240x64xf32, #tpu.memory_space<vmem_shared>> -> memref<128x64xf32, #tpu.memory_space<vmem_shared>>
      %dma_start3A_556 = arith.constant 0 : i32
      %dma_start3A_557 = tpu.memref_slice %arg23[%add3A_164, %dma_start3A_556] : memref<10240x64xf32, #tpu.memory_space<vmem_shared>> -> memref<128x64xf32, #tpu.memory_space<vmem_shared>>
      tpu.enqueue_dma source(%arg12 : memref<128x64xf32, #tpu.memory_space<vmem>>) target(%dma_start3A_557 : memref<128x64xf32, #tpu.memory_space<vmem_shared>>) target_semaphore(%arg28 : memref<!tpu.dma_semaphore, #tpu.memory_space<semaphore_mem>>)
    } else {
    }
    %add3A_225 = arith.constant 384 : i32
    %add3A_226 = arith.addi %mul3A_2, %add3A_225 : i32
    "tpu.region"() ({
      %run_scoped3A = tpu.sem_alloc : memref<!tpu.dma_semaphore, #tpu.memory_space<semaphore_mem>>
      %dma_start3A_554 = arith.constant 0 : i32
      %dma_start3A_555 = tpu.memref_slice %arg5[%add3A_226, %dma_start3A_554] : memref<10240x64xf32, #tpu.memory_space<hbm>> -> memref<128x64xf32, #tpu.memory_space<hbm>>
      %dma_start3A_556 = arith.constant 0 : i32
      %dma_start3A_557 = tpu.memref_slice %arg5[%add3A_226, %dma_start3A_556] : memref<10240x64xf32, #tpu.memory_space<hbm>> -> memref<128x64xf32, #tpu.memory_space<hbm>>
      tpu.enqueue_dma source(%dma_start3A_557 : memref<128x64xf32, #tpu.memory_space<hbm>>) target(%arg16 : memref<128x64xf32, #tpu.memory_space<vmem>>) target_semaphore(%run_scoped3A : memref<!tpu.dma_semaphore, #tpu.memory_space<semaphore_mem>>)
      %dma_wait3A_558 = arith.constant 0 : i32
      %dma_wait3A_559 = tpu.memref_slice %arg5[%add3A_226, %dma_wait3A_558] : memref<10240x64xf32, #tpu.memory_space<hbm>> -> memref<128x64xf32, #tpu.memory_space<hbm>>
      %dma_wait3A_560 = arith.constant 0 : i32
      %dma_wait3A_561 = tpu.memref_slice %arg5[%add3A_226, %dma_wait3A_560] : memref<10240x64xf32, #tpu.memory_space<hbm>> -> memref<128x64xf32, #tpu.memory_space<hbm>>
      tpu.wait_dma2 semaphore(%run_scoped3A : memref<!tpu.dma_semaphore, #tpu.memory_space<semaphore_mem>>) src(%dma_wait3A_561 : memref<128x64xf32, #tpu.memory_space<hbm>>) dst(%arg16 : memref<128x64xf32, #tpu.memory_space<vmem>>)
      tpu.yield
    }) : () -> ()
    %dma_wait3A_227 = arith.constant 0 : i32
    %dma_wait3A_228 = arith.constant 0 : i32
    %dma_wait3A_229 = tpu.memref_slice %arg4[%dma_wait3A_227, %add3A_226, %dma_wait3A_228] : memref<2x10240x64xf32, #tpu.memory_space<hbm>> -> memref<1x128x64xf32, #tpu.memory_space<hbm>>
    %dma_wait3A_230 = tpu.memref_squeeze %dma_wait3A_229 : memref<1x128x64xf32, #tpu.memory_space<hbm>> -> memref<128x64xf32, #tpu.memory_space<hbm>>
    %dma_wait3A_231 = arith.constant 0 : i32
    %dma_wait3A_232 = tpu.memref_slice %arg4[%dma_wait3A_227, %add3A_226, %dma_wait3A_231] : memref<2x10240x64xf32, #tpu.memory_space<hbm>> -> memref<1x128x64xf32, #tpu.memory_space<hbm>>
    %dma_wait3A_233 = tpu.memref_squeeze %dma_wait3A_232 : memref<1x128x64xf32, #tpu.memory_space<hbm>> -> memref<128x64xf32, #tpu.memory_space<hbm>>
    tpu.wait_dma2 semaphore(%arg30 : memref<!tpu.dma_semaphore, #tpu.memory_space<semaphore_mem>>) src(%dma_wait3A_233 : memref<128x64xf32, #tpu.memory_space<hbm>>) dst(%arg13 : memref<128x64xf32, #tpu.memory_space<vmem>>)
    %dma_wait3A_234 = arith.constant 1 : i32
    %dma_wait3A_235 = arith.constant 0 : i32
    %dma_wait3A_236 = tpu.memref_slice %arg4[%dma_wait3A_234, %add3A_226, %dma_wait3A_235] : memref<2x10240x64xf32, #tpu.memory_space<hbm>> -> memref<1x128x64xf32, #tpu.memory_space<hbm>>
    %dma_wait3A_237 = tpu.memref_squeeze %dma_wait3A_236 : memref<1x128x64xf32, #tpu.memory_space<hbm>> -> memref<128x64xf32, #tpu.memory_space<hbm>>
    %dma_wait3A_238 = arith.constant 0 : i32
    %dma_wait3A_239 = tpu.memref_slice %arg4[%dma_wait3A_234, %add3A_226, %dma_wait3A_238] : memref<2x10240x64xf32, #tpu.memory_space<hbm>> -> memref<1x128x64xf32, #tpu.memory_space<hbm>>
    %dma_wait3A_240 = tpu.memref_squeeze %dma_wait3A_239 : memref<1x128x64xf32, #tpu.memory_space<hbm>> -> memref<128x64xf32, #tpu.memory_space<hbm>>
    tpu.wait_dma2 semaphore(%arg32 : memref<!tpu.dma_semaphore, #tpu.memory_space<semaphore_mem>>) src(%dma_wait3A_240 : memref<128x64xf32, #tpu.memory_space<hbm>>) dst(%arg15 : memref<128x64xf32, #tpu.memory_space<vmem>>)
    %sub3A_241 = arith.constant 128 : i32
    %sub3A_242 = arith.subi %add3A_226, %sub3A_241 : i32
    %dma_wait3A_243 = arith.constant 0 : i32
    %dma_wait3A_244 = tpu.memref_slice %arg8[%arg0, %sub3A_242, %dma_wait3A_243] : memref<2x10240x64xf32, #tpu.memory_space<hbm>> -> memref<1x128x64xf32, #tpu.memory_space<hbm>>
    %dma_wait3A_245 = tpu.memref_squeeze %dma_wait3A_244 : memref<1x128x64xf32, #tpu.memory_space<hbm>> -> memref<128x64xf32, #tpu.memory_space<hbm>>
    %dma_wait3A_246 = arith.constant 0 : i32
    %dma_wait3A_247 = tpu.memref_slice %arg8[%arg0, %sub3A_242, %dma_wait3A_246] : memref<2x10240x64xf32, #tpu.memory_space<hbm>> -> memref<1x128x64xf32, #tpu.memory_space<hbm>>
    %dma_wait3A_248 = tpu.memref_squeeze %dma_wait3A_247 : memref<1x128x64xf32, #tpu.memory_space<hbm>> -> memref<128x64xf32, #tpu.memory_space<hbm>>
    tpu.wait_dma2 semaphore(%arg33 : memref<!tpu.dma_semaphore, #tpu.memory_space<semaphore_mem>>) src(%arg12 : memref<128x64xf32, #tpu.memory_space<vmem>>) dst(%dma_wait3A_248 : memref<128x64xf32, #tpu.memory_space<hbm>>)
    %eq3A_249 = arith.constant 0 : i32
    %eq3A_250 = arith.cmpi eq, %arg0, %eq3A_249 : i32
    %convert_element_type3A_251 = arith.extui %eq3A_250 : i1 to i32
    %cond3A_252 = arith.constant 0 : i32
    %cond3A_253 = arith.cmpi ne, %convert_element_type3A_251, %cond3A_252 : i32
    scf.if %cond3A_253 {
      %sub3A_554 = arith.constant 128 : i32
      %sub3A_555 = arith.subi %add3A_226, %sub3A_554 : i32
      %dma_wait3A_556 = arith.constant 0 : i32
      %dma_wait3A_557 = tpu.memref_slice %arg23[%sub3A_555, %dma_wait3A_556] : memref<10240x64xf32, #tpu.memory_space<vmem_shared>> -> memref<128x64xf32, #tpu.memory_space<vmem_shared>>
      %dma_wait3A_558 = arith.constant 0 : i32
      %dma_wait3A_559 = tpu.memref_slice %arg23[%sub3A_555, %dma_wait3A_558] : memref<10240x64xf32, #tpu.memory_space<vmem_shared>> -> memref<128x64xf32, #tpu.memory_space<vmem_shared>>
      tpu.wait_dma2 semaphore(%arg28 : memref<!tpu.dma_semaphore, #tpu.memory_space<semaphore_mem>>) src(%arg12 : memref<128x64xf32, #tpu.memory_space<vmem>>) dst(%dma_wait3A_559 : memref<128x64xf32, #tpu.memory_space<vmem_shared>>)
    } else {
    }
    %add3A_254 = arith.constant 512 : i32
    %add3A_255 = arith.addi %mul3A_2, %add3A_254 : i32
    %dma_start3A_256 = arith.constant 0 : i32
    %dma_start3A_257 = arith.constant 0 : i32
    %dma_start3A_258 = tpu.memref_slice %arg4[%dma_start3A_256, %add3A_255, %dma_start3A_257] : memref<2x10240x64xf32, #tpu.memory_space<hbm>> -> memref<1x128x64xf32, #tpu.memory_space<hbm>>
    %dma_start3A_259 = tpu.memref_squeeze %dma_start3A_258 : memref<1x128x64xf32, #tpu.memory_space<hbm>> -> memref<128x64xf32, #tpu.memory_space<hbm>>
    %dma_start3A_260 = arith.constant 0 : i32
    %dma_start3A_261 = tpu.memref_slice %arg4[%dma_start3A_256, %add3A_255, %dma_start3A_260] : memref<2x10240x64xf32, #tpu.memory_space<hbm>> -> memref<1x128x64xf32, #tpu.memory_space<hbm>>
    %dma_start3A_262 = tpu.memref_squeeze %dma_start3A_261 : memref<1x128x64xf32, #tpu.memory_space<hbm>> -> memref<128x64xf32, #tpu.memory_space<hbm>>
    tpu.enqueue_dma source(%dma_start3A_262 : memref<128x64xf32, #tpu.memory_space<hbm>>) target(%arg12 : memref<128x64xf32, #tpu.memory_space<vmem>>) target_semaphore(%arg29 : memref<!tpu.dma_semaphore, #tpu.memory_space<semaphore_mem>>)
    %dma_start3A_263 = arith.constant 1 : i32
    %dma_start3A_264 = arith.constant 0 : i32
    %dma_start3A_265 = tpu.memref_slice %arg4[%dma_start3A_263, %add3A_255, %dma_start3A_264] : memref<2x10240x64xf32, #tpu.memory_space<hbm>> -> memref<1x128x64xf32, #tpu.memory_space<hbm>>
    %dma_start3A_266 = tpu.memref_squeeze %dma_start3A_265 : memref<1x128x64xf32, #tpu.memory_space<hbm>> -> memref<128x64xf32, #tpu.memory_space<hbm>>
    %dma_start3A_267 = arith.constant 0 : i32
    %dma_start3A_268 = tpu.memref_slice %arg4[%dma_start3A_263, %add3A_255, %dma_start3A_267] : memref<2x10240x64xf32, #tpu.memory_space<hbm>> -> memref<1x128x64xf32, #tpu.memory_space<hbm>>
    %dma_start3A_269 = tpu.memref_squeeze %dma_start3A_268 : memref<1x128x64xf32, #tpu.memory_space<hbm>> -> memref<128x64xf32, #tpu.memory_space<hbm>>
    tpu.enqueue_dma source(%dma_start3A_269 : memref<128x64xf32, #tpu.memory_space<hbm>>) target(%arg14 : memref<128x64xf32, #tpu.memory_space<vmem>>) target_semaphore(%arg31 : memref<!tpu.dma_semaphore, #tpu.memory_space<semaphore_mem>>)
    %scan3A_270 = arith.constant 0 : i32
    %scan3A_271 = arith.constant 0 : i32
    %scan3A_272 = arith.constant 128 : i32
    %scan3A_273 = arith.addi %scan3A_271, %scan3A_272 : i32
    %scan3A_274 = arith.constant 1 : i32
    scf.for %scan3A_554 = %scan3A_271 to %scan3A_273 step %scan3A_274  : i32 {
      %get3A_555 = arith.index_cast %scan3A_554 : i32 to index
      %get3A_556 = arith.constant 0 : index
      %get3A_557 = tpu.vector_load %arg16[%get3A_555, %get3A_556] {strides = array<i32>} : memref<128x64xf32, #tpu.memory_space<vmem>>, vector<1x16xf32>,
      %get3A_558 = vector.shape_cast %get3A_557 : vector<1x16xf32> to vector<16xf32>
      %get3A_559 = arith.index_cast %scan3A_554 : i32 to index
      %get3A_560 = arith.constant 0 : index
      %get3A_561 = tpu.vector_load %arg13[%get3A_559, %get3A_560] {strides = array<i32>} : memref<128x64xf32, #tpu.memory_space<vmem>>, vector<1x16xf32>,
      %get3A_562 = vector.shape_cast %get3A_561 : vector<1x16xf32> to vector<16xf32>
      %get3A_563 = arith.index_cast %scan3A_554 : i32 to index
      %get3A_564 = arith.constant 0 : index
      %get3A_565 = tpu.vector_load %arg15[%get3A_563, %get3A_564] {strides = array<i32>} : memref<128x64xf32, #tpu.memory_space<vmem>>, vector<1x16xf32>,
      %get3A_566 = vector.shape_cast %get3A_565 : vector<1x16xf32> to vector<16xf32>
      %add3A_567 = arith.addf %get3A_562, %get3A_566 : vector<16xf32>
      %mul3A_568 = arith.mulf %add3A_567, %get3A_558 : vector<16xf32>
      %add3A_569 = arith.addf %mul3A_568, %get3A_23 : vector<16xf32>
      %max3A = arith.constant 0.000000e+00 : f32
      %max3A_570 = vector.broadcast %max3A : f32 to vector<16xf32>
      %max3A_571 = arith.maximumf %add3A_569, %max3A_570 : vector<16xf32>
      %mul3A_572 = arith.mulf %max3A_571, %get3A_558 : vector<16xf32>
      %swap3A = arith.index_cast %scan3A_554 : i32 to index
      %swap3A_573 = arith.constant 0 : index
      %swap3A_574 = tpu.vector_load %arg13[%swap3A, %swap3A_573] {strides = array<i32>} : memref<128x64xf32, #tpu.memory_space<vmem>>, vector<1x16xf32>,
      %swap3A_575 = vector.shape_cast %swap3A_574 : vector<1x16xf32> to vector<16xf32>
      %swap3A_576 = vector.shape_cast %mul3A_572 : vector<16xf32> to vector<1x16xf32>
      tpu.vector_store %arg13[%swap3A, %swap3A_573], %swap3A_576 {strides = array<i32>} : memref<128x64xf32, #tpu.memory_space<vmem>>, vector<1x16xf32>,
      %get3A_577 = arith.index_cast %scan3A_554 : i32 to index
      %get3A_578 = arith.constant 16 : index
      %get3A_579 = tpu.vector_load %arg16[%get3A_577, %get3A_578] {strides = array<i32>} : memref<128x64xf32, #tpu.memory_space<vmem>>, vector<1x16xf32>,
      %get3A_580 = vector.shape_cast %get3A_579 : vector<1x16xf32> to vector<16xf32>
      %get3A_581 = arith.index_cast %scan3A_554 : i32 to index
      %get3A_582 = arith.constant 16 : index
      %get3A_583 = tpu.vector_load %arg13[%get3A_581, %get3A_582] {strides = array<i32>} : memref<128x64xf32, #tpu.memory_space<vmem>>, vector<1x16xf32>,
      %get3A_584 = vector.shape_cast %get3A_583 : vector<1x16xf32> to vector<16xf32>
      %get3A_585 = arith.index_cast %scan3A_554 : i32 to index
      %get3A_586 = arith.constant 16 : index
      %get3A_587 = tpu.vector_load %arg15[%get3A_585, %get3A_586] {strides = array<i32>} : memref<128x64xf32, #tpu.memory_space<vmem>>, vector<1x16xf32>,
      %get3A_588 = vector.shape_cast %get3A_587 : vector<1x16xf32> to vector<16xf32>
      %add3A_589 = arith.addf %get3A_584, %get3A_588 : vector<16xf32>
      %mul3A_590 = arith.mulf %add3A_589, %get3A_580 : vector<16xf32>
      %add3A_591 = arith.addf %mul3A_590, %get3A_28 : vector<16xf32>
      %max3A_592 = arith.constant 0.000000e+00 : f32
      %max3A_593 = vector.broadcast %max3A_592 : f32 to vector<16xf32>
      %max3A_594 = arith.maximumf %add3A_591, %max3A_593 : vector<16xf32>
      %mul3A_595 = arith.mulf %max3A_594, %get3A_580 : vector<16xf32>
      %swap3A_596 = arith.index_cast %scan3A_554 : i32 to index
      %swap3A_597 = arith.constant 16 : index
      %swap3A_598 = tpu.vector_load %arg13[%swap3A_596, %swap3A_597] {strides = array<i32>} : memref<128x64xf32, #tpu.memory_space<vmem>>, vector<1x16xf32>,
      %swap3A_599 = vector.shape_cast %swap3A_598 : vector<1x16xf32> to vector<16xf32>
      %swap3A_600 = vector.shape_cast %mul3A_595 : vector<16xf32> to vector<1x16xf32>
      tpu.vector_store %arg13[%swap3A_596, %swap3A_597], %swap3A_600 {strides = array<i32>} : memref<128x64xf32, #tpu.memory_space<vmem>>, vector<1x16xf32>,
      %get3A_601 = arith.index_cast %scan3A_554 : i32 to index
      %get3A_602 = arith.constant 32 : index
      %get3A_603 = tpu.vector_load %arg16[%get3A_601, %get3A_602] {strides = array<i32>} : memref<128x64xf32, #tpu.memory_space<vmem>>, vector<1x16xf32>,
      %get3A_604 = vector.shape_cast %get3A_603 : vector<1x16xf32> to vector<16xf32>
      %get3A_605 = arith.index_cast %scan3A_554 : i32 to index
      %get3A_606 = arith.constant 32 : index
      %get3A_607 = tpu.vector_load %arg13[%get3A_605, %get3A_606] {strides = array<i32>} : memref<128x64xf32, #tpu.memory_space<vmem>>, vector<1x16xf32>,
      %get3A_608 = vector.shape_cast %get3A_607 : vector<1x16xf32> to vector<16xf32>
      %get3A_609 = arith.index_cast %scan3A_554 : i32 to index
      %get3A_610 = arith.constant 32 : index
      %get3A_611 = tpu.vector_load %arg15[%get3A_609, %get3A_610] {strides = array<i32>} : memref<128x64xf32, #tpu.memory_space<vmem>>, vector<1x16xf32>,
      %get3A_612 = vector.shape_cast %get3A_611 : vector<1x16xf32> to vector<16xf32>
      %add3A_613 = arith.addf %get3A_608, %get3A_612 : vector<16xf32>
      %mul3A_614 = arith.mulf %add3A_613, %get3A_604 : vector<16xf32>
      %add3A_615 = arith.addf %mul3A_614, %get3A_33 : vector<16xf32>
      %max3A_616 = arith.constant 0.000000e+00 : f32
      %max3A_617 = vector.broadcast %max3A_616 : f32 to vector<16xf32>
      %max3A_618 = arith.maximumf %add3A_615, %max3A_617 : vector<16xf32>
      %mul3A_619 = arith.mulf %max3A_618, %get3A_604 : vector<16xf32>
      %swap3A_620 = arith.index_cast %scan3A_554 : i32 to index
      %swap3A_621 = arith.constant 32 : index
      %swap3A_622 = tpu.vector_load %arg13[%swap3A_620, %swap3A_621] {strides = array<i32>} : memref<128x64xf32, #tpu.memory_space<vmem>>, vector<1x16xf32>,
      %swap3A_623 = vector.shape_cast %swap3A_622 : vector<1x16xf32> to vector<16xf32>
      %swap3A_624 = vector.shape_cast %mul3A_619 : vector<16xf32> to vector<1x16xf32>
      tpu.vector_store %arg13[%swap3A_620, %swap3A_621], %swap3A_624 {strides = array<i32>} : memref<128x64xf32, #tpu.memory_space<vmem>>, vector<1x16xf32>,
      %get3A_625 = arith.index_cast %scan3A_554 : i32 to index
      %get3A_626 = arith.constant 48 : index
      %get3A_627 = tpu.vector_load %arg16[%get3A_625, %get3A_626] {strides = array<i32>} : memref<128x64xf32, #tpu.memory_space<vmem>>, vector<1x16xf32>,
      %get3A_628 = vector.shape_cast %get3A_627 : vector<1x16xf32> to vector<16xf32>
      %get3A_629 = arith.index_cast %scan3A_554 : i32 to index
      %get3A_630 = arith.constant 48 : index
      %get3A_631 = tpu.vector_load %arg13[%get3A_629, %get3A_630] {strides = array<i32>} : memref<128x64xf32, #tpu.memory_space<vmem>>, vector<1x16xf32>,
      %get3A_632 = vector.shape_cast %get3A_631 : vector<1x16xf32> to vector<16xf32>
      %get3A_633 = arith.index_cast %scan3A_554 : i32 to index
      %get3A_634 = arith.constant 48 : index
      %get3A_635 = tpu.vector_load %arg15[%get3A_633, %get3A_634] {strides = array<i32>} : memref<128x64xf32, #tpu.memory_space<vmem>>, vector<1x16xf32>,
      %get3A_636 = vector.shape_cast %get3A_635 : vector<1x16xf32> to vector<16xf32>
      %add3A_637 = arith.addf %get3A_632, %get3A_636 : vector<16xf32>
      %mul3A_638 = arith.mulf %add3A_637, %get3A_628 : vector<16xf32>
      %add3A_639 = arith.addf %mul3A_638, %get3A_38 : vector<16xf32>
      %max3A_640 = arith.constant 0.000000e+00 : f32
      %max3A_641 = vector.broadcast %max3A_640 : f32 to vector<16xf32>
      %max3A_642 = arith.maximumf %add3A_639, %max3A_641 : vector<16xf32>
      %mul3A_643 = arith.mulf %max3A_642, %get3A_628 : vector<16xf32>
      %swap3A_644 = arith.index_cast %scan3A_554 : i32 to index
      %swap3A_645 = arith.constant 48 : index
      %swap3A_646 = tpu.vector_load %arg13[%swap3A_644, %swap3A_645] {strides = array<i32>} : memref<128x64xf32, #tpu.memory_space<vmem>>, vector<1x16xf32>,
      %swap3A_647 = vector.shape_cast %swap3A_646 : vector<1x16xf32> to vector<16xf32>
      %swap3A_648 = vector.shape_cast %mul3A_643 : vector<16xf32> to vector<1x16xf32>
      tpu.vector_store %arg13[%swap3A_644, %swap3A_645], %swap3A_648 {strides = array<i32>} : memref<128x64xf32, #tpu.memory_space<vmem>>, vector<1x16xf32>,
    }
    %scan3A_275 = arith.constant 128 : i32
    %dma_start3A_276 = arith.constant 0 : i32
    %dma_start3A_277 = tpu.memref_slice %arg8[%arg0, %add3A_226, %dma_start3A_276] : memref<2x10240x64xf32, #tpu.memory_space<hbm>> -> memref<1x128x64xf32, #tpu.memory_space<hbm>>
    %dma_start3A_278 = tpu.memref_squeeze %dma_start3A_277 : memref<1x128x64xf32, #tpu.memory_space<hbm>> -> memref<128x64xf32, #tpu.memory_space<hbm>>
    %dma_start3A_279 = arith.constant 0 : i32
    %dma_start3A_280 = tpu.memref_slice %arg8[%arg0, %add3A_226, %dma_start3A_279] : memref<2x10240x64xf32, #tpu.memory_space<hbm>> -> memref<1x128x64xf32, #tpu.memory_space<hbm>>
    %dma_start3A_281 = tpu.memref_squeeze %dma_start3A_280 : memref<1x128x64xf32, #tpu.memory_space<hbm>> -> memref<128x64xf32, #tpu.memory_space<hbm>>
    tpu.enqueue_dma source(%arg13 : memref<128x64xf32, #tpu.memory_space<vmem>>) target(%dma_start3A_281 : memref<128x64xf32, #tpu.memory_space<hbm>>) target_semaphore(%arg33 : memref<!tpu.dma_semaphore, #tpu.memory_space<semaphore_mem>>)
    %eq3A_282 = arith.constant 0 : i32
    %eq3A_283 = arith.cmpi eq, %arg0, %eq3A_282 : i32
    %convert_element_type3A_284 = arith.extui %eq3A_283 : i1 to i32
    %cond3A_285 = arith.constant 0 : i32
    %cond3A_286 = arith.cmpi ne, %convert_element_type3A_284, %cond3A_285 : i32
    scf.if %cond3A_286 {
      %dma_start3A_554 = arith.constant 0 : i32
      %dma_start3A_555 = tpu.memref_slice %arg23[%add3A_226, %dma_start3A_554] : memref<10240x64xf32, #tpu.memory_space<vmem_shared>> -> memref<128x64xf32, #tpu.memory_space<vmem_shared>>
      %dma_start3A_556 = arith.constant 0 : i32
      %dma_start3A_557 = tpu.memref_slice %arg23[%add3A_226, %dma_start3A_556] : memref<10240x64xf32, #tpu.memory_space<vmem_shared>> -> memref<128x64xf32, #tpu.memory_space<vmem_shared>>
      tpu.enqueue_dma source(%arg13 : memref<128x64xf32, #tpu.memory_space<vmem>>) target(%dma_start3A_557 : memref<128x64xf32, #tpu.memory_space<vmem_shared>>) target_semaphore(%arg28 : memref<!tpu.dma_semaphore, #tpu.memory_space<semaphore_mem>>)
    } else {
    }
    %add3A_287 = arith.constant 512 : i32
    %add3A_288 = arith.addi %mul3A_2, %add3A_287 : i32
    "tpu.region"() ({
      %run_scoped3A = tpu.sem_alloc : memref<!tpu.dma_semaphore, #tpu.memory_space<semaphore_mem>>
      %dma_start3A_554 = arith.constant 0 : i32
      %dma_start3A_555 = tpu.memref_slice %arg5[%add3A_288, %dma_start3A_554] : memref<10240x64xf32, #tpu.memory_space<hbm>> -> memref<128x64xf32, #tpu.memory_space<hbm>>
      %dma_start3A_556 = arith.constant 0 : i32
      %dma_start3A_557 = tpu.memref_slice %arg5[%add3A_288, %dma_start3A_556] : memref<10240x64xf32, #tpu.memory_space<hbm>> -> memref<128x64xf32, #tpu.memory_space<hbm>>
      tpu.enqueue_dma source(%dma_start3A_557 : memref<128x64xf32, #tpu.memory_space<hbm>>) target(%arg16 : memref<128x64xf32, #tpu.memory_space<vmem>>) target_semaphore(%run_scoped3A : memref<!tpu.dma_semaphore, #tpu.memory_space<semaphore_mem>>)
      %dma_wait3A_558 = arith.constant 0 : i32
      %dma_wait3A_559 = tpu.memref_slice %arg5[%add3A_288, %dma_wait3A_558] : memref<10240x64xf32, #tpu.memory_space<hbm>> -> memref<128x64xf32, #tpu.memory_space<hbm>>
      %dma_wait3A_560 = arith.constant 0 : i32
      %dma_wait3A_561 = tpu.memref_slice %arg5[%add3A_288, %dma_wait3A_560] : memref<10240x64xf32, #tpu.memory_space<hbm>> -> memref<128x64xf32, #tpu.memory_space<hbm>>
      tpu.wait_dma2 semaphore(%run_scoped3A : memref<!tpu.dma_semaphore, #tpu.memory_space<semaphore_mem>>) src(%dma_wait3A_561 : memref<128x64xf32, #tpu.memory_space<hbm>>) dst(%arg16 : memref<128x64xf32, #tpu.memory_space<vmem>>)
      tpu.yield
    }) : () -> ()
    %dma_wait3A_289 = arith.constant 0 : i32
    %dma_wait3A_290 = arith.constant 0 : i32
    %dma_wait3A_291 = tpu.memref_slice %arg4[%dma_wait3A_289, %add3A_288, %dma_wait3A_290] : memref<2x10240x64xf32, #tpu.memory_space<hbm>> -> memref<1x128x64xf32, #tpu.memory_space<hbm>>
    %dma_wait3A_292 = tpu.memref_squeeze %dma_wait3A_291 : memref<1x128x64xf32, #tpu.memory_space<hbm>> -> memref<128x64xf32, #tpu.memory_space<hbm>>
    %dma_wait3A_293 = arith.constant 0 : i32
    %dma_wait3A_294 = tpu.memref_slice %arg4[%dma_wait3A_289, %add3A_288, %dma_wait3A_293] : memref<2x10240x64xf32, #tpu.memory_space<hbm>> -> memref<1x128x64xf32, #tpu.memory_space<hbm>>
    %dma_wait3A_295 = tpu.memref_squeeze %dma_wait3A_294 : memref<1x128x64xf32, #tpu.memory_space<hbm>> -> memref<128x64xf32, #tpu.memory_space<hbm>>
    tpu.wait_dma2 semaphore(%arg29 : memref<!tpu.dma_semaphore, #tpu.memory_space<semaphore_mem>>) src(%dma_wait3A_295 : memref<128x64xf32, #tpu.memory_space<hbm>>) dst(%arg12 : memref<128x64xf32, #tpu.memory_space<vmem>>)
    %dma_wait3A_296 = arith.constant 1 : i32
    %dma_wait3A_297 = arith.constant 0 : i32
    %dma_wait3A_298 = tpu.memref_slice %arg4[%dma_wait3A_296, %add3A_288, %dma_wait3A_297] : memref<2x10240x64xf32, #tpu.memory_space<hbm>> -> memref<1x128x64xf32, #tpu.memory_space<hbm>>
    %dma_wait3A_299 = tpu.memref_squeeze %dma_wait3A_298 : memref<1x128x64xf32, #tpu.memory_space<hbm>> -> memref<128x64xf32, #tpu.memory_space<hbm>>
    %dma_wait3A_300 = arith.constant 0 : i32
    %dma_wait3A_301 = tpu.memref_slice %arg4[%dma_wait3A_296, %add3A_288, %dma_wait3A_300] : memref<2x10240x64xf32, #tpu.memory_space<hbm>> -> memref<1x128x64xf32, #tpu.memory_space<hbm>>
    %dma_wait3A_302 = tpu.memref_squeeze %dma_wait3A_301 : memref<1x128x64xf32, #tpu.memory_space<hbm>> -> memref<128x64xf32, #tpu.memory_space<hbm>>
    tpu.wait_dma2 semaphore(%arg31 : memref<!tpu.dma_semaphore, #tpu.memory_space<semaphore_mem>>) src(%dma_wait3A_302 : memref<128x64xf32, #tpu.memory_space<hbm>>) dst(%arg14 : memref<128x64xf32, #tpu.memory_space<vmem>>)
    %scan3A_303 = arith.constant 0 : i32
    %scan3A_304 = arith.constant 0 : i32
    %scan3A_305 = arith.constant 128 : i32
    %scan3A_306 = arith.addi %scan3A_304, %scan3A_305 : i32
    %scan3A_307 = arith.constant 1 : i32
    scf.for %scan3A_554 = %scan3A_304 to %scan3A_306 step %scan3A_307  : i32 {
      %get3A_555 = arith.index_cast %scan3A_554 : i32 to index
      %get3A_556 = arith.constant 0 : index
      %get3A_557 = tpu.vector_load %arg16[%get3A_555, %get3A_556] {strides = array<i32>} : memref<128x64xf32, #tpu.memory_space<vmem>>, vector<1x16xf32>,
      %get3A_558 = vector.shape_cast %get3A_557 : vector<1x16xf32> to vector<16xf32>
      %get3A_559 = arith.index_cast %scan3A_554 : i32 to index
      %get3A_560 = arith.constant 0 : index
      %get3A_561 = tpu.vector_load %arg12[%get3A_559, %get3A_560] {strides = array<i32>} : memref<128x64xf32, #tpu.memory_space<vmem>>, vector<1x16xf32>,
      %get3A_562 = vector.shape_cast %get3A_561 : vector<1x16xf32> to vector<16xf32>
      %get3A_563 = arith.index_cast %scan3A_554 : i32 to index
      %get3A_564 = arith.constant 0 : index
      %get3A_565 = tpu.vector_load %arg14[%get3A_563, %get3A_564] {strides = array<i32>} : memref<128x64xf32, #tpu.memory_space<vmem>>, vector<1x16xf32>,
      %get3A_566 = vector.shape_cast %get3A_565 : vector<1x16xf32> to vector<16xf32>
      %add3A_567 = arith.addf %get3A_562, %get3A_566 : vector<16xf32>
      %mul3A_568 = arith.mulf %add3A_567, %get3A_558 : vector<16xf32>
      %add3A_569 = arith.addf %mul3A_568, %get3A_23 : vector<16xf32>
      %max3A = arith.constant 0.000000e+00 : f32
      %max3A_570 = vector.broadcast %max3A : f32 to vector<16xf32>
      %max3A_571 = arith.maximumf %add3A_569, %max3A_570 : vector<16xf32>
      %mul3A_572 = arith.mulf %max3A_571, %get3A_558 : vector<16xf32>
      %swap3A = arith.index_cast %scan3A_554 : i32 to index
      %swap3A_573 = arith.constant 0 : index
      %swap3A_574 = tpu.vector_load %arg12[%swap3A, %swap3A_573] {strides = array<i32>} : memref<128x64xf32, #tpu.memory_space<vmem>>, vector<1x16xf32>,
      %swap3A_575 = vector.shape_cast %swap3A_574 : vector<1x16xf32> to vector<16xf32>
      %swap3A_576 = vector.shape_cast %mul3A_572 : vector<16xf32> to vector<1x16xf32>
      tpu.vector_store %arg12[%swap3A, %swap3A_573], %swap3A_576 {strides = array<i32>} : memref<128x64xf32, #tpu.memory_space<vmem>>, vector<1x16xf32>,
      %get3A_577 = arith.index_cast %scan3A_554 : i32 to index
      %get3A_578 = arith.constant 16 : index
      %get3A_579 = tpu.vector_load %arg16[%get3A_577, %get3A_578] {strides = array<i32>} : memref<128x64xf32, #tpu.memory_space<vmem>>, vector<1x16xf32>,
      %get3A_580 = vector.shape_cast %get3A_579 : vector<1x16xf32> to vector<16xf32>
      %get3A_581 = arith.index_cast %scan3A_554 : i32 to index
      %get3A_582 = arith.constant 16 : index
      %get3A_583 = tpu.vector_load %arg12[%get3A_581, %get3A_582] {strides = array<i32>} : memref<128x64xf32, #tpu.memory_space<vmem>>, vector<1x16xf32>,
      %get3A_584 = vector.shape_cast %get3A_583 : vector<1x16xf32> to vector<16xf32>
      %get3A_585 = arith.index_cast %scan3A_554 : i32 to index
      %get3A_586 = arith.constant 16 : index
      %get3A_587 = tpu.vector_load %arg14[%get3A_585, %get3A_586] {strides = array<i32>} : memref<128x64xf32, #tpu.memory_space<vmem>>, vector<1x16xf32>,
      %get3A_588 = vector.shape_cast %get3A_587 : vector<1x16xf32> to vector<16xf32>
      %add3A_589 = arith.addf %get3A_584, %get3A_588 : vector<16xf32>
      %mul3A_590 = arith.mulf %add3A_589, %get3A_580 : vector<16xf32>
      %add3A_591 = arith.addf %mul3A_590, %get3A_28 : vector<16xf32>
      %max3A_592 = arith.constant 0.000000e+00 : f32
      %max3A_593 = vector.broadcast %max3A_592 : f32 to vector<16xf32>
      %max3A_594 = arith.maximumf %add3A_591, %max3A_593 : vector<16xf32>
      %mul3A_595 = arith.mulf %max3A_594, %get3A_580 : vector<16xf32>
      %swap3A_596 = arith.index_cast %scan3A_554 : i32 to index
      %swap3A_597 = arith.constant 16 : index
      %swap3A_598 = tpu.vector_load %arg12[%swap3A_596, %swap3A_597] {strides = array<i32>} : memref<128x64xf32, #tpu.memory_space<vmem>>, vector<1x16xf32>,
      %swap3A_599 = vector.shape_cast %swap3A_598 : vector<1x16xf32> to vector<16xf32>
      %swap3A_600 = vector.shape_cast %mul3A_595 : vector<16xf32> to vector<1x16xf32>
      tpu.vector_store %arg12[%swap3A_596, %swap3A_597], %swap3A_600 {strides = array<i32>} : memref<128x64xf32, #tpu.memory_space<vmem>>, vector<1x16xf32>,
      %get3A_601 = arith.index_cast %scan3A_554 : i32 to index
      %get3A_602 = arith.constant 32 : index
      %get3A_603 = tpu.vector_load %arg16[%get3A_601, %get3A_602] {strides = array<i32>} : memref<128x64xf32, #tpu.memory_space<vmem>>, vector<1x16xf32>,
      %get3A_604 = vector.shape_cast %get3A_603 : vector<1x16xf32> to vector<16xf32>
      %get3A_605 = arith.index_cast %scan3A_554 : i32 to index
      %get3A_606 = arith.constant 32 : index
      %get3A_607 = tpu.vector_load %arg12[%get3A_605, %get3A_606] {strides = array<i32>} : memref<128x64xf32, #tpu.memory_space<vmem>>, vector<1x16xf32>,
      %get3A_608 = vector.shape_cast %get3A_607 : vector<1x16xf32> to vector<16xf32>
      %get3A_609 = arith.index_cast %scan3A_554 : i32 to index
      %get3A_610 = arith.constant 32 : index
      %get3A_611 = tpu.vector_load %arg14[%get3A_609, %get3A_610] {strides = array<i32>} : memref<128x64xf32, #tpu.memory_space<vmem>>, vector<1x16xf32>,
      %get3A_612 = vector.shape_cast %get3A_611 : vector<1x16xf32> to vector<16xf32>
      %add3A_613 = arith.addf %get3A_608, %get3A_612 : vector<16xf32>
      %mul3A_614 = arith.mulf %add3A_613, %get3A_604 : vector<16xf32>
      %add3A_615 = arith.addf %mul3A_614, %get3A_33 : vector<16xf32>
      %max3A_616 = arith.constant 0.000000e+00 : f32
      %max3A_617 = vector.broadcast %max3A_616 : f32 to vector<16xf32>
      %max3A_618 = arith.maximumf %add3A_615, %max3A_617 : vector<16xf32>
      %mul3A_619 = arith.mulf %max3A_618, %get3A_604 : vector<16xf32>
      %swap3A_620 = arith.index_cast %scan3A_554 : i32 to index
      %swap3A_621 = arith.constant 32 : index
      %swap3A_622 = tpu.vector_load %arg12[%swap3A_620, %swap3A_621] {strides = array<i32>} : memref<128x64xf32, #tpu.memory_space<vmem>>, vector<1x16xf32>,
      %swap3A_623 = vector.shape_cast %swap3A_622 : vector<1x16xf32> to vector<16xf32>
      %swap3A_624 = vector.shape_cast %mul3A_619 : vector<16xf32> to vector<1x16xf32>
      tpu.vector_store %arg12[%swap3A_620, %swap3A_621], %swap3A_624 {strides = array<i32>} : memref<128x64xf32, #tpu.memory_space<vmem>>, vector<1x16xf32>,
      %get3A_625 = arith.index_cast %scan3A_554 : i32 to index
      %get3A_626 = arith.constant 48 : index
      %get3A_627 = tpu.vector_load %arg16[%get3A_625, %get3A_626] {strides = array<i32>} : memref<128x64xf32, #tpu.memory_space<vmem>>, vector<1x16xf32>,
      %get3A_628 = vector.shape_cast %get3A_627 : vector<1x16xf32> to vector<16xf32>
      %get3A_629 = arith.index_cast %scan3A_554 : i32 to index
      %get3A_630 = arith.constant 48 : index
      %get3A_631 = tpu.vector_load %arg12[%get3A_629, %get3A_630] {strides = array<i32>} : memref<128x64xf32, #tpu.memory_space<vmem>>, vector<1x16xf32>,
      %get3A_632 = vector.shape_cast %get3A_631 : vector<1x16xf32> to vector<16xf32>
      %get3A_633 = arith.index_cast %scan3A_554 : i32 to index
      %get3A_634 = arith.constant 48 : index
      %get3A_635 = tpu.vector_load %arg14[%get3A_633, %get3A_634] {strides = array<i32>} : memref<128x64xf32, #tpu.memory_space<vmem>>, vector<1x16xf32>,
      %get3A_636 = vector.shape_cast %get3A_635 : vector<1x16xf32> to vector<16xf32>
      %add3A_637 = arith.addf %get3A_632, %get3A_636 : vector<16xf32>
      %mul3A_638 = arith.mulf %add3A_637, %get3A_628 : vector<16xf32>
      %add3A_639 = arith.addf %mul3A_638, %get3A_38 : vector<16xf32>
      %max3A_640 = arith.constant 0.000000e+00 : f32
      %max3A_641 = vector.broadcast %max3A_640 : f32 to vector<16xf32>
      %max3A_642 = arith.maximumf %add3A_639, %max3A_641 : vector<16xf32>
      %mul3A_643 = arith.mulf %max3A_642, %get3A_628 : vector<16xf32>
      %swap3A_644 = arith.index_cast %scan3A_554 : i32 to index
      %swap3A_645 = arith.constant 48 : index
      %swap3A_646 = tpu.vector_load %arg12[%swap3A_644, %swap3A_645] {strides = array<i32>} : memref<128x64xf32, #tpu.memory_space<vmem>>, vector<1x16xf32>,
      %swap3A_647 = vector.shape_cast %swap3A_646 : vector<1x16xf32> to vector<16xf32>
      %swap3A_648 = vector.shape_cast %mul3A_643 : vector<16xf32> to vector<1x16xf32>
      tpu.vector_store %arg12[%swap3A_644, %swap3A_645], %swap3A_648 {strides = array<i32>} : memref<128x64xf32, #tpu.memory_space<vmem>>, vector<1x16xf32>,
    }
    %scan3A_308 = arith.constant 128 : i32
    %dma_start3A_309 = arith.constant 0 : i32
    %dma_start3A_310 = tpu.memref_slice %arg8[%arg0, %add3A_288, %dma_start3A_309] : memref<2x10240x64xf32, #tpu.memory_space<hbm>> -> memref<1x128x64xf32, #tpu.memory_space<hbm>>
    %dma_start3A_311 = tpu.memref_squeeze %dma_start3A_310 : memref<1x128x64xf32, #tpu.memory_space<hbm>> -> memref<128x64xf32, #tpu.memory_space<hbm>>
    %dma_start3A_312 = arith.constant 0 : i32
    %dma_start3A_313 = tpu.memref_slice %arg8[%arg0, %add3A_288, %dma_start3A_312] : memref<2x10240x64xf32, #tpu.memory_space<hbm>> -> memref<1x128x64xf32, #tpu.memory_space<hbm>>
    %dma_start3A_314 = tpu.memref_squeeze %dma_start3A_313 : memref<1x128x64xf32, #tpu.memory_space<hbm>> -> memref<128x64xf32, #tpu.memory_space<hbm>>
    tpu.enqueue_dma source(%arg12 : memref<128x64xf32, #tpu.memory_space<vmem>>) target(%dma_start3A_314 : memref<128x64xf32, #tpu.memory_space<hbm>>) target_semaphore(%arg33 : memref<!tpu.dma_semaphore, #tpu.memory_space<semaphore_mem>>)
    %eq3A_315 = arith.constant 0 : i32
    %eq3A_316 = arith.cmpi eq, %arg0, %eq3A_315 : i32
    %convert_element_type3A_317 = arith.extui %eq3A_316 : i1 to i32
    %cond3A_318 = arith.constant 0 : i32
    %cond3A_319 = arith.cmpi ne, %convert_element_type3A_317, %cond3A_318 : i32
    scf.if %cond3A_319 {
      %dma_start3A_554 = arith.constant 0 : i32
      %dma_start3A_555 = tpu.memref_slice %arg23[%add3A_288, %dma_start3A_554] : memref<10240x64xf32, #tpu.memory_space<vmem_shared>> -> memref<128x64xf32, #tpu.memory_space<vmem_shared>>
      %dma_start3A_556 = arith.constant 0 : i32
      %dma_start3A_557 = tpu.memref_slice %arg23[%add3A_288, %dma_start3A_556] : memref<10240x64xf32, #tpu.memory_space<vmem_shared>> -> memref<128x64xf32, #tpu.memory_space<vmem_shared>>
      tpu.enqueue_dma source(%arg12 : memref<128x64xf32, #tpu.memory_space<vmem>>) target(%dma_start3A_557 : memref<128x64xf32, #tpu.memory_space<vmem_shared>>) target_semaphore(%arg28 : memref<!tpu.dma_semaphore, #tpu.memory_space<semaphore_mem>>)
    } else {
    }
    %add3A_320 = arith.constant 384 : i32
    %add3A_321 = arith.addi %mul3A_2, %add3A_320 : i32
    %dma_wait3A_322 = arith.constant 0 : i32
    %dma_wait3A_323 = tpu.memref_slice %arg8[%arg0, %add3A_321, %dma_wait3A_322] : memref<2x10240x64xf32, #tpu.memory_space<hbm>> -> memref<1x128x64xf32, #tpu.memory_space<hbm>>
    %dma_wait3A_324 = tpu.memref_squeeze %dma_wait3A_323 : memref<1x128x64xf32, #tpu.memory_space<hbm>> -> memref<128x64xf32, #tpu.memory_space<hbm>>
    %dma_wait3A_325 = arith.constant 0 : i32
    %dma_wait3A_326 = tpu.memref_slice %arg8[%arg0, %add3A_321, %dma_wait3A_325] : memref<2x10240x64xf32, #tpu.memory_space<hbm>> -> memref<1x128x64xf32, #tpu.memory_space<hbm>>
    %dma_wait3A_327 = tpu.memref_squeeze %dma_wait3A_326 : memref<1x128x64xf32, #tpu.memory_space<hbm>> -> memref<128x64xf32, #tpu.memory_space<hbm>>
    tpu.wait_dma2 semaphore(%arg33 : memref<!tpu.dma_semaphore, #tpu.memory_space<semaphore_mem>>) src(%arg13 : memref<128x64xf32, #tpu.memory_space<vmem>>) dst(%dma_wait3A_327 : memref<128x64xf32, #tpu.memory_space<hbm>>)
    %eq3A_328 = arith.constant 0 : i32
    %eq3A_329 = arith.cmpi eq, %arg0, %eq3A_328 : i32
    %convert_element_type3A_330 = arith.extui %eq3A_329 : i1 to i32
    %cond3A_331 = arith.constant 0 : i32
    %cond3A_332 = arith.cmpi ne, %convert_element_type3A_330, %cond3A_331 : i32
    scf.if %cond3A_332 {
      %dma_wait3A_554 = arith.constant 0 : i32
      %dma_wait3A_555 = tpu.memref_slice %arg23[%add3A_321, %dma_wait3A_554] : memref<10240x64xf32, #tpu.memory_space<vmem_shared>> -> memref<128x64xf32, #tpu.memory_space<vmem_shared>>
      %dma_wait3A_556 = arith.constant 0 : i32
      %dma_wait3A_557 = tpu.memref_slice %arg23[%add3A_321, %dma_wait3A_556] : memref<10240x64xf32, #tpu.memory_space<vmem_shared>> -> memref<128x64xf32, #tpu.memory_space<vmem_shared>>
      tpu.wait_dma2 semaphore(%arg28 : memref<!tpu.dma_semaphore, #tpu.memory_space<semaphore_mem>>) src(%arg13 : memref<128x64xf32, #tpu.memory_space<vmem>>) dst(%dma_wait3A_557 : memref<128x64xf32, #tpu.memory_space<vmem_shared>>)
    } else {
    }
    %add3A_333 = arith.constant 512 : i32
    %add3A_334 = arith.addi %mul3A_2, %add3A_333 : i32
    %dma_wait3A_335 = arith.constant 0 : i32
    %dma_wait3A_336 = tpu.memref_slice %arg8[%arg0, %add3A_334, %dma_wait3A_335] : memref<2x10240x64xf32, #tpu.memory_space<hbm>> -> memref<1x128x64xf32, #tpu.memory_space<hbm>>
    %dma_wait3A_337 = tpu.memref_squeeze %dma_wait3A_336 : memref<1x128x64xf32, #tpu.memory_space<hbm>> -> memref<128x64xf32, #tpu.memory_space<hbm>>
    %dma_wait3A_338 = arith.constant 0 : i32
    %dma_wait3A_339 = tpu.memref_slice %arg8[%arg0, %add3A_334, %dma_wait3A_338] : memref<2x10240x64xf32, #tpu.memory_space<hbm>> -> memref<1x128x64xf32, #tpu.memory_space<hbm>>
    %dma_wait3A_340 = tpu.memref_squeeze %dma_wait3A_339 : memref<1x128x64xf32, #tpu.memory_space<hbm>> -> memref<128x64xf32, #tpu.memory_space<hbm>>
    tpu.wait_dma2 semaphore(%arg33 : memref<!tpu.dma_semaphore, #tpu.memory_space<semaphore_mem>>) src(%arg12 : memref<128x64xf32, #tpu.memory_space<vmem>>) dst(%dma_wait3A_340 : memref<128x64xf32, #tpu.memory_space<hbm>>)
    %eq3A_341 = arith.constant 0 : i32
    %eq3A_342 = arith.cmpi eq, %arg0, %eq3A_341 : i32
    %convert_element_type3A_343 = arith.extui %eq3A_342 : i1 to i32
    %cond3A_344 = arith.constant 0 : i32
    %cond3A_345 = arith.cmpi ne, %convert_element_type3A_343, %cond3A_344 : i32
    scf.if %cond3A_345 {
      %dma_wait3A_554 = arith.constant 0 : i32
      %dma_wait3A_555 = tpu.memref_slice %arg23[%add3A_334, %dma_wait3A_554] : memref<10240x64xf32, #tpu.memory_space<vmem_shared>> -> memref<128x64xf32, #tpu.memory_space<vmem_shared>>
      %dma_wait3A_556 = arith.constant 0 : i32
      %dma_wait3A_557 = tpu.memref_slice %arg23[%add3A_334, %dma_wait3A_556] : memref<10240x64xf32, #tpu.memory_space<vmem_shared>> -> memref<128x64xf32, #tpu.memory_space<vmem_shared>>
      tpu.wait_dma2 semaphore(%arg28 : memref<!tpu.dma_semaphore, #tpu.memory_space<semaphore_mem>>) src(%arg12 : memref<128x64xf32, #tpu.memory_space<vmem>>) dst(%dma_wait3A_557 : memref<128x64xf32, #tpu.memory_space<vmem_shared>>)
    } else {
    }
    %eq3A_346 = arith.constant 1 : i32
    %eq3A_347 = arith.cmpi eq, %arg0, %eq3A_346 : i32
    %convert_element_type3A_348 = arith.extui %eq3A_347 : i1 to i32
    %cond3A_349 = arith.constant 0 : i32
    %cond3A_350 = arith.cmpi ne, %convert_element_type3A_348, %cond3A_349 : i32
    scf.if %cond3A_350 {
      %dma_wait3A_554 = arith.constant 0 : i32
      %dma_wait3A_555 = tpu.memref_slice %arg23[%mul3A_2, %dma_wait3A_554] : memref<10240x64xf32, #tpu.memory_space<vmem_shared>> -> memref<640x64xf32, #tpu.memory_space<vmem_shared>>
      %dma_wait3A_556 = arith.constant 0 : i32
      %dma_wait3A_557 = tpu.memref_slice %arg7[%mul3A_2, %dma_wait3A_556] : memref<10240x64xf32, #tpu.memory_space<hbm>> -> memref<640x64xf32, #tpu.memory_space<hbm>>
      tpu.wait_dma2 semaphore(%arg34 : memref<!tpu.dma_semaphore, #tpu.memory_space<semaphore_mem>>) src(%dma_wait3A_557 : memref<640x64xf32, #tpu.memory_space<hbm>>) dst(%dma_wait3A_555 : memref<640x64xf32, #tpu.memory_space<vmem_shared>>)
    } else {
    }
    %dma_wait3A_351 = arith.constant 0 : i32
    %dma_wait3A_352 = arith.constant 0 : i32
    %dma_wait3A_353 = tpu.memref_slice %arg2[%add3A, %dma_wait3A_351, %dma_wait3A_352] : memref<32x125x80xi32, #tpu.memory_space<hbm>> -> memref<1x125x80xi32, #tpu.memory_space<hbm>>
    %dma_wait3A_354 = tpu.memref_squeeze %dma_wait3A_353 : memref<1x125x80xi32, #tpu.memory_space<hbm>> -> memref<125x80xi32, #tpu.memory_space<hbm>>
    %dma_wait3A_355 = arith.constant 0 : i32
    %dma_wait3A_356 = arith.constant 0 : i32
    %dma_wait3A_357 = tpu.memref_slice %arg2[%add3A, %dma_wait3A_355, %dma_wait3A_356] : memref<32x125x80xi32, #tpu.memory_space<hbm>> -> memref<1x125x80xi32, #tpu.memory_space<hbm>>
    %dma_wait3A_358 = tpu.memref_squeeze %dma_wait3A_357 : memref<1x125x80xi32, #tpu.memory_space<hbm>> -> memref<125x80xi32, #tpu.memory_space<hbm>>
    tpu.wait_dma2 semaphore(%arg24 : memref<!tpu.dma_semaphore, #tpu.memory_space<semaphore_mem>>) src(%dma_wait3A_358 : memref<125x80xi32, #tpu.memory_space<hbm>>) dst(%arg10 : memref<125x80xi32, #tpu.memory_space<vmem>>)
    %dma_wait3A_359 = arith.constant 0 : i32
    %dma_wait3A_360 = arith.constant 0 : i32
    %dma_wait3A_361 = tpu.memref_slice %arg3[%add3A, %dma_wait3A_359, %dma_wait3A_360] : memref<32x125x80xi32, #tpu.memory_space<hbm>> -> memref<1x125x80xi32, #tpu.memory_space<hbm>>
    %dma_wait3A_362 = tpu.memref_squeeze %dma_wait3A_361 : memref<1x125x80xi32, #tpu.memory_space<hbm>> -> memref<125x80xi32, #tpu.memory_space<hbm>>
    %dma_wait3A_363 = arith.constant 0 : i32
    %dma_wait3A_364 = arith.constant 0 : i32
    %dma_wait3A_365 = tpu.memref_slice %arg3[%add3A, %dma_wait3A_363, %dma_wait3A_364] : memref<32x125x80xi32, #tpu.memory_space<hbm>> -> memref<1x125x80xi32, #tpu.memory_space<hbm>>
    %dma_wait3A_366 = tpu.memref_squeeze %dma_wait3A_365 : memref<1x125x80xi32, #tpu.memory_space<hbm>> -> memref<125x80xi32, #tpu.memory_space<hbm>>
    tpu.wait_dma2 semaphore(%arg25 : memref<!tpu.dma_semaphore, #tpu.memory_space<semaphore_mem>>) src(%dma_wait3A_366 : memref<125x80xi32, #tpu.memory_space<hbm>>) dst(%arg11 : memref<125x80xi32, #tpu.memory_space<vmem>>)
    %barrier3A = arith.constant 0 : index
    tpu.barrier barrier_id(%barrier3A)
    %dma_start3A_367 = arith.constant 0 : i32
    %dma_start3A_368 = arith.constant 0 : i32
    %dma_start3A_369 = tpu.memref_slice %arg10[%dma_start3A_367, %dma_start3A_368] : memref<125x80xi32, #tpu.memory_space<vmem>> -> memref<1x80xi32, #tpu.memory_space<vmem>>
    %dma_start3A_370 = tpu.memref_squeeze %dma_start3A_369 : memref<1x80xi32, #tpu.memory_space<vmem>> -> memref<80xi32, #tpu.memory_space<vmem>>
    %dma_start3A_371 = arith.constant 0 : i32
    %dma_start3A_372 = arith.constant 0 : i32
    %dma_start3A_373 = tpu.memref_slice %arg8[%arg0, %dma_start3A_371, %dma_start3A_372] : memref<2x10240x64xf32, #tpu.memory_space<hbm>> -> memref<1x10240x64xf32, #tpu.memory_space<hbm>>
    %dma_start3A_374 = tpu.memref_squeeze %dma_start3A_373 : memref<1x10240x64xf32, #tpu.memory_space<hbm>> -> memref<10240x64xf32, #tpu.memory_space<hbm>>
    %dma_start3A_375 = arith.constant 0 : i32
    %dma_start3A_376 = arith.constant 0 : i32
    %dma_start3A_377 = tpu.memref_slice %dma_start3A_374[%dma_start3A_375, %dma_start3A_376] : memref<10240x64xf32, #tpu.memory_space<hbm>> -> memref<10240x64xf32, #tpu.memory_space<hbm>>
    tpu.enqueue_indirect_dma source(%dma_start3A_377 : memref<10240x64xf32, #tpu.memory_space<hbm>>) target(%arg18 : memref<80x64xf32, #tpu.memory_space<vmem>>) offsets(%dma_start3A_370 : memref<80xi32, #tpu.memory_space<vmem>>) semaphore(%arg24 : memref<!tpu.dma_semaphore, #tpu.memory_space<semaphore_mem>>)
    %dma_start3A_378 = arith.constant 1 : i32
    %dma_start3A_379 = arith.constant 0 : i32
    %dma_start3A_380 = tpu.memref_slice %arg10[%dma_start3A_378, %dma_start3A_379] : memref<125x80xi32, #tpu.memory_space<vmem>> -> memref<1x80xi32, #tpu.memory_space<vmem>>
    %dma_start3A_381 = tpu.memref_squeeze %dma_start3A_380 : memref<1x80xi32, #tpu.memory_space<vmem>> -> memref<80xi32, #tpu.memory_space<vmem>>
    %dma_start3A_382 = arith.constant 0 : i32
    %dma_start3A_383 = arith.constant 0 : i32
    %dma_start3A_384 = tpu.memref_slice %arg8[%arg0, %dma_start3A_382, %dma_start3A_383] : memref<2x10240x64xf32, #tpu.memory_space<hbm>> -> memref<1x10240x64xf32, #tpu.memory_space<hbm>>
    %dma_start3A_385 = tpu.memref_squeeze %dma_start3A_384 : memref<1x10240x64xf32, #tpu.memory_space<hbm>> -> memref<10240x64xf32, #tpu.memory_space<hbm>>
    %dma_start3A_386 = arith.constant 0 : i32
    %dma_start3A_387 = arith.constant 0 : i32
    %dma_start3A_388 = tpu.memref_slice %dma_start3A_385[%dma_start3A_386, %dma_start3A_387] : memref<10240x64xf32, #tpu.memory_space<hbm>> -> memref<10240x64xf32, #tpu.memory_space<hbm>>
    tpu.enqueue_indirect_dma source(%dma_start3A_388 : memref<10240x64xf32, #tpu.memory_space<hbm>>) target(%arg19 : memref<80x64xf32, #tpu.memory_space<vmem>>) offsets(%dma_start3A_381 : memref<80xi32, #tpu.memory_space<vmem>>) semaphore(%arg25 : memref<!tpu.dma_semaphore, #tpu.memory_space<semaphore_mem>>)
    %dma_start3A_389 = arith.constant 2 : i32
    %dma_start3A_390 = arith.constant 0 : i32
    %dma_start3A_391 = tpu.memref_slice %arg10[%dma_start3A_389, %dma_start3A_390] : memref<125x80xi32, #tpu.memory_space<vmem>> -> memref<1x80xi32, #tpu.memory_space<vmem>>
    %dma_start3A_392 = tpu.memref_squeeze %dma_start3A_391 : memref<1x80xi32, #tpu.memory_space<vmem>> -> memref<80xi32, #tpu.memory_space<vmem>>
    %dma_start3A_393 = arith.constant 0 : i32
    %dma_start3A_394 = arith.constant 0 : i32
    %dma_start3A_395 = tpu.memref_slice %arg8[%arg0, %dma_start3A_393, %dma_start3A_394] : memref<2x10240x64xf32, #tpu.memory_space<hbm>> -> memref<1x10240x64xf32, #tpu.memory_space<hbm>>
    %dma_start3A_396 = tpu.memref_squeeze %dma_start3A_395 : memref<1x10240x64xf32, #tpu.memory_space<hbm>> -> memref<10240x64xf32, #tpu.memory_space<hbm>>
    %dma_start3A_397 = arith.constant 0 : i32
    %dma_start3A_398 = arith.constant 0 : i32
    %dma_start3A_399 = tpu.memref_slice %dma_start3A_396[%dma_start3A_397, %dma_start3A_398] : memref<10240x64xf32, #tpu.memory_space<hbm>> -> memref<10240x64xf32, #tpu.memory_space<hbm>>
    tpu.enqueue_indirect_dma source(%dma_start3A_399 : memref<10240x64xf32, #tpu.memory_space<hbm>>) target(%arg20 : memref<80x64xf32, #tpu.memory_space<vmem>>) offsets(%dma_start3A_392 : memref<80xi32, #tpu.memory_space<vmem>>) semaphore(%arg26 : memref<!tpu.dma_semaphore, #tpu.memory_space<semaphore_mem>>)
    %dma_start3A_400 = arith.constant 3 : i32
    %dma_start3A_401 = arith.constant 0 : i32
    %dma_start3A_402 = tpu.memref_slice %arg10[%dma_start3A_400, %dma_start3A_401] : memref<125x80xi32, #tpu.memory_space<vmem>> -> memref<1x80xi32, #tpu.memory_space<vmem>>
    %dma_start3A_403 = tpu.memref_squeeze %dma_start3A_402 : memref<1x80xi32, #tpu.memory_space<vmem>> -> memref<80xi32, #tpu.memory_space<vmem>>
    %dma_start3A_404 = arith.constant 0 : i32
    %dma_start3A_405 = arith.constant 0 : i32
    %dma_start3A_406 = tpu.memref_slice %arg8[%arg0, %dma_start3A_404, %dma_start3A_405] : memref<2x10240x64xf32, #tpu.memory_space<hbm>> -> memref<1x10240x64xf32, #tpu.memory_space<hbm>>
    %dma_start3A_407 = tpu.memref_squeeze %dma_start3A_406 : memref<1x10240x64xf32, #tpu.memory_space<hbm>> -> memref<10240x64xf32, #tpu.memory_space<hbm>>
    %dma_start3A_408 = arith.constant 0 : i32
    %dma_start3A_409 = arith.constant 0 : i32
    %dma_start3A_410 = tpu.memref_slice %dma_start3A_407[%dma_start3A_408, %dma_start3A_409] : memref<10240x64xf32, #tpu.memory_space<hbm>> -> memref<10240x64xf32, #tpu.memory_space<hbm>>
    tpu.enqueue_indirect_dma source(%dma_start3A_410 : memref<10240x64xf32, #tpu.memory_space<hbm>>) target(%arg21 : memref<80x64xf32, #tpu.memory_space<vmem>>) offsets(%dma_start3A_403 : memref<80xi32, #tpu.memory_space<vmem>>) semaphore(%arg27 : memref<!tpu.dma_semaphore, #tpu.memory_space<semaphore_mem>>)
    %dma_start3A_411 = arith.constant 4 : i32
    %dma_start3A_412 = arith.constant 0 : i32
    %dma_start3A_413 = tpu.memref_slice %arg10[%dma_start3A_411, %dma_start3A_412] : memref<125x80xi32, #tpu.memory_space<vmem>> -> memref<1x80xi32, #tpu.memory_space<vmem>>
    %dma_start3A_414 = tpu.memref_squeeze %dma_start3A_413 : memref<1x80xi32, #tpu.memory_space<vmem>> -> memref<80xi32, #tpu.memory_space<vmem>>
    %dma_start3A_415 = arith.constant 0 : i32
    %dma_start3A_416 = arith.constant 0 : i32
    %dma_start3A_417 = tpu.memref_slice %arg8[%arg0, %dma_start3A_415, %dma_start3A_416] : memref<2x10240x64xf32, #tpu.memory_space<hbm>> -> memref<1x10240x64xf32, #tpu.memory_space<hbm>>
    %dma_start3A_418 = tpu.memref_squeeze %dma_start3A_417 : memref<1x10240x64xf32, #tpu.memory_space<hbm>> -> memref<10240x64xf32, #tpu.memory_space<hbm>>
    %dma_start3A_419 = arith.constant 0 : i32
    %dma_start3A_420 = arith.constant 0 : i32
    %dma_start3A_421 = tpu.memref_slice %dma_start3A_418[%dma_start3A_419, %dma_start3A_420] : memref<10240x64xf32, #tpu.memory_space<hbm>> -> memref<10240x64xf32, #tpu.memory_space<hbm>>
    tpu.enqueue_indirect_dma source(%dma_start3A_421 : memref<10240x64xf32, #tpu.memory_space<hbm>>) target(%arg22 : memref<80x64xf32, #tpu.memory_space<vmem>>) offsets(%dma_start3A_414 : memref<80xi32, #tpu.memory_space<vmem>>) semaphore(%arg28 : memref<!tpu.dma_semaphore, #tpu.memory_space<semaphore_mem>>)
    %scan3A_422 = arith.constant 0 : i32
    %scan3A_423 = arith.constant 0 : i32
    %scan3A_424 = arith.constant 24 : i32
    %scan3A_425 = arith.addi %scan3A_423, %scan3A_424 : i32
    %scan3A_426 = arith.constant 1 : i32
    scf.for %scan3A_554 = %scan3A_423 to %scan3A_425 step %scan3A_426  : i32 {
      %mul3A_555 = arith.constant 5 : i32
      %mul3A_556 = arith.muli %mul3A_555, %scan3A_554 : i32
      %add3A_557 = arith.constant 0 : i32
      %add3A_558 = arith.addi %mul3A_556, %add3A_557 : i32
      %dma_wait3A_559 = arith.constant 0 : i32
      %dma_wait3A_560 = tpu.memref_slice %arg10[%add3A_558, %dma_wait3A_559] : memref<125x80xi32, #tpu.memory_space<vmem>> -> memref<1x80xi32, #tpu.memory_space<vmem>>
      %dma_wait3A_561 = tpu.memref_squeeze %dma_wait3A_560 : memref<1x80xi32, #tpu.memory_space<vmem>> -> memref<80xi32, #tpu.memory_space<vmem>>
      %dma_wait3A_562 = arith.constant 0 : i32
      %dma_wait3A_563 = arith.constant 0 : i32
      %dma_wait3A_564 = tpu.memref_slice %arg8[%arg0, %dma_wait3A_562, %dma_wait3A_563] : memref<2x10240x64xf32, #tpu.memory_space<hbm>> -> memref<1x10240x64xf32, #tpu.memory_space<hbm>>
      %dma_wait3A_565 = tpu.memref_squeeze %dma_wait3A_564 : memref<1x10240x64xf32, #tpu.memory_space<hbm>> -> memref<10240x64xf32, #tpu.memory_space<hbm>>
      %dma_wait3A_566 = arith.constant 0 : i32
      %dma_wait3A_567 = arith.constant 0 : i32
      %dma_wait3A_568 = tpu.memref_slice %dma_wait3A_565[%dma_wait3A_566, %dma_wait3A_567] : memref<10240x64xf32, #tpu.memory_space<hbm>> -> memref<10240x64xf32, #tpu.memory_space<hbm>>
      tpu.wait_indirect_dma semaphore(%arg24 : memref<!tpu.dma_semaphore, #tpu.memory_space<semaphore_mem>>) src(%dma_wait3A_568 : memref<10240x64xf32, #tpu.memory_space<hbm>>) dst(%arg18 : memref<80x64xf32, #tpu.memory_space<vmem>>)
      %dma_start3A_569 = arith.constant 0 : i32
      %dma_start3A_570 = tpu.memref_slice %arg11[%add3A_558, %dma_start3A_569] : memref<125x80xi32, #tpu.memory_space<vmem>> -> memref<1x80xi32, #tpu.memory_space<vmem>>
      %dma_start3A_571 = tpu.memref_squeeze %dma_start3A_570 : memref<1x80xi32, #tpu.memory_space<vmem>> -> memref<80xi32, #tpu.memory_space<vmem>>
      %dma_start3A_572 = arith.constant 0 : i32
      %dma_start3A_573 = arith.constant 0 : i32
      %dma_start3A_574 = tpu.memref_slice %arg23[%dma_start3A_572, %dma_start3A_573] : memref<10240x64xf32, #tpu.memory_space<vmem_shared>> -> memref<10240x64xf32, #tpu.memory_space<vmem_shared>>
      tpu.enqueue_indirect_dma source(%arg18 : memref<80x64xf32, #tpu.memory_space<vmem>>) target(%dma_start3A_574 : memref<10240x64xf32, #tpu.memory_space<vmem_shared>>) offsets(%dma_start3A_571 : memref<80xi32, #tpu.memory_space<vmem>>) semaphore(%arg29 : memref<!tpu.dma_semaphore, #tpu.memory_space<semaphore_mem>>) {add = true}
      %mul3A_575 = arith.constant 5 : i32
      %mul3A_576 = arith.muli %mul3A_575, %scan3A_554 : i32
      %add3A_577 = arith.constant 1 : i32
      %add3A_578 = arith.addi %mul3A_576, %add3A_577 : i32
      %dma_wait3A_579 = arith.constant 0 : i32
      %dma_wait3A_580 = tpu.memref_slice %arg10[%add3A_578, %dma_wait3A_579] : memref<125x80xi32, #tpu.memory_space<vmem>> -> memref<1x80xi32, #tpu.memory_space<vmem>>
      %dma_wait3A_581 = tpu.memref_squeeze %dma_wait3A_580 : memref<1x80xi32, #tpu.memory_space<vmem>> -> memref<80xi32, #tpu.memory_space<vmem>>
      %dma_wait3A_582 = arith.constant 0 : i32
      %dma_wait3A_583 = arith.constant 0 : i32
      %dma_wait3A_584 = tpu.memref_slice %arg8[%arg0, %dma_wait3A_582, %dma_wait3A_583] : memref<2x10240x64xf32, #tpu.memory_space<hbm>> -> memref<1x10240x64xf32, #tpu.memory_space<hbm>>
      %dma_wait3A_585 = tpu.memref_squeeze %dma_wait3A_584 : memref<1x10240x64xf32, #tpu.memory_space<hbm>> -> memref<10240x64xf32, #tpu.memory_space<hbm>>
      %dma_wait3A_586 = arith.constant 0 : i32
      %dma_wait3A_587 = arith.constant 0 : i32
      %dma_wait3A_588 = tpu.memref_slice %dma_wait3A_585[%dma_wait3A_586, %dma_wait3A_587] : memref<10240x64xf32, #tpu.memory_space<hbm>> -> memref<10240x64xf32, #tpu.memory_space<hbm>>
      tpu.wait_indirect_dma semaphore(%arg25 : memref<!tpu.dma_semaphore, #tpu.memory_space<semaphore_mem>>) src(%dma_wait3A_588 : memref<10240x64xf32, #tpu.memory_space<hbm>>) dst(%arg19 : memref<80x64xf32, #tpu.memory_space<vmem>>)
      %dma_start3A_589 = arith.constant 0 : i32
      %dma_start3A_590 = tpu.memref_slice %arg11[%add3A_578, %dma_start3A_589] : memref<125x80xi32, #tpu.memory_space<vmem>> -> memref<1x80xi32, #tpu.memory_space<vmem>>
      %dma_start3A_591 = tpu.memref_squeeze %dma_start3A_590 : memref<1x80xi32, #tpu.memory_space<vmem>> -> memref<80xi32, #tpu.memory_space<vmem>>
      %dma_start3A_592 = arith.constant 0 : i32
      %dma_start3A_593 = arith.constant 0 : i32
      %dma_start3A_594 = tpu.memref_slice %arg23[%dma_start3A_592, %dma_start3A_593] : memref<10240x64xf32, #tpu.memory_space<vmem_shared>> -> memref<10240x64xf32, #tpu.memory_space<vmem_shared>>
      tpu.enqueue_indirect_dma source(%arg19 : memref<80x64xf32, #tpu.memory_space<vmem>>) target(%dma_start3A_594 : memref<10240x64xf32, #tpu.memory_space<vmem_shared>>) offsets(%dma_start3A_591 : memref<80xi32, #tpu.memory_space<vmem>>) semaphore(%arg30 : memref<!tpu.dma_semaphore, #tpu.memory_space<semaphore_mem>>) {add = true}
      %mul3A_595 = arith.constant 5 : i32
      %mul3A_596 = arith.muli %mul3A_595, %scan3A_554 : i32
      %add3A_597 = arith.constant 2 : i32
      %add3A_598 = arith.addi %mul3A_596, %add3A_597 : i32
      %dma_wait3A_599 = arith.constant 0 : i32
      %dma_wait3A_600 = tpu.memref_slice %arg10[%add3A_598, %dma_wait3A_599] : memref<125x80xi32, #tpu.memory_space<vmem>> -> memref<1x80xi32, #tpu.memory_space<vmem>>
      %dma_wait3A_601 = tpu.memref_squeeze %dma_wait3A_600 : memref<1x80xi32, #tpu.memory_space<vmem>> -> memref<80xi32, #tpu.memory_space<vmem>>
      %dma_wait3A_602 = arith.constant 0 : i32
      %dma_wait3A_603 = arith.constant 0 : i32
      %dma_wait3A_604 = tpu.memref_slice %arg8[%arg0, %dma_wait3A_602, %dma_wait3A_603] : memref<2x10240x64xf32, #tpu.memory_space<hbm>> -> memref<1x10240x64xf32, #tpu.memory_space<hbm>>
      %dma_wait3A_605 = tpu.memref_squeeze %dma_wait3A_604 : memref<1x10240x64xf32, #tpu.memory_space<hbm>> -> memref<10240x64xf32, #tpu.memory_space<hbm>>
      %dma_wait3A_606 = arith.constant 0 : i32
      %dma_wait3A_607 = arith.constant 0 : i32
      %dma_wait3A_608 = tpu.memref_slice %dma_wait3A_605[%dma_wait3A_606, %dma_wait3A_607] : memref<10240x64xf32, #tpu.memory_space<hbm>> -> memref<10240x64xf32, #tpu.memory_space<hbm>>
      tpu.wait_indirect_dma semaphore(%arg26 : memref<!tpu.dma_semaphore, #tpu.memory_space<semaphore_mem>>) src(%dma_wait3A_608 : memref<10240x64xf32, #tpu.memory_space<hbm>>) dst(%arg20 : memref<80x64xf32, #tpu.memory_space<vmem>>)
      %dma_start3A_609 = arith.constant 0 : i32
      %dma_start3A_610 = tpu.memref_slice %arg11[%add3A_598, %dma_start3A_609] : memref<125x80xi32, #tpu.memory_space<vmem>> -> memref<1x80xi32, #tpu.memory_space<vmem>>
      %dma_start3A_611 = tpu.memref_squeeze %dma_start3A_610 : memref<1x80xi32, #tpu.memory_space<vmem>> -> memref<80xi32, #tpu.memory_space<vmem>>
      %dma_start3A_612 = arith.constant 0 : i32
      %dma_start3A_613 = arith.constant 0 : i32
      %dma_start3A_614 = tpu.memref_slice %arg23[%dma_start3A_612, %dma_start3A_613] : memref<10240x64xf32, #tpu.memory_space<vmem_shared>> -> memref<10240x64xf32, #tpu.memory_space<vmem_shared>>
      tpu.enqueue_indirect_dma source(%arg20 : memref<80x64xf32, #tpu.memory_space<vmem>>) target(%dma_start3A_614 : memref<10240x64xf32, #tpu.memory_space<vmem_shared>>) offsets(%dma_start3A_611 : memref<80xi32, #tpu.memory_space<vmem>>) semaphore(%arg31 : memref<!tpu.dma_semaphore, #tpu.memory_space<semaphore_mem>>) {add = true}
      %mul3A_615 = arith.constant 5 : i32
      %mul3A_616 = arith.muli %mul3A_615, %scan3A_554 : i32
      %add3A_617 = arith.constant 3 : i32
      %add3A_618 = arith.addi %mul3A_616, %add3A_617 : i32
      %dma_wait3A_619 = arith.constant 0 : i32
      %dma_wait3A_620 = tpu.memref_slice %arg10[%add3A_618, %dma_wait3A_619] : memref<125x80xi32, #tpu.memory_space<vmem>> -> memref<1x80xi32, #tpu.memory_space<vmem>>
      %dma_wait3A_621 = tpu.memref_squeeze %dma_wait3A_620 : memref<1x80xi32, #tpu.memory_space<vmem>> -> memref<80xi32, #tpu.memory_space<vmem>>
      %dma_wait3A_622 = arith.constant 0 : i32
      %dma_wait3A_623 = arith.constant 0 : i32
      %dma_wait3A_624 = tpu.memref_slice %arg8[%arg0, %dma_wait3A_622, %dma_wait3A_623] : memref<2x10240x64xf32, #tpu.memory_space<hbm>> -> memref<1x10240x64xf32, #tpu.memory_space<hbm>>
      %dma_wait3A_625 = tpu.memref_squeeze %dma_wait3A_624 : memref<1x10240x64xf32, #tpu.memory_space<hbm>> -> memref<10240x64xf32, #tpu.memory_space<hbm>>
      %dma_wait3A_626 = arith.constant 0 : i32
      %dma_wait3A_627 = arith.constant 0 : i32
      %dma_wait3A_628 = tpu.memref_slice %dma_wait3A_625[%dma_wait3A_626, %dma_wait3A_627] : memref<10240x64xf32, #tpu.memory_space<hbm>> -> memref<10240x64xf32, #tpu.memory_space<hbm>>
      tpu.wait_indirect_dma semaphore(%arg27 : memref<!tpu.dma_semaphore, #tpu.memory_space<semaphore_mem>>) src(%dma_wait3A_628 : memref<10240x64xf32, #tpu.memory_space<hbm>>) dst(%arg21 : memref<80x64xf32, #tpu.memory_space<vmem>>)
      %dma_start3A_629 = arith.constant 0 : i32
      %dma_start3A_630 = tpu.memref_slice %arg11[%add3A_618, %dma_start3A_629] : memref<125x80xi32, #tpu.memory_space<vmem>> -> memref<1x80xi32, #tpu.memory_space<vmem>>
      %dma_start3A_631 = tpu.memref_squeeze %dma_start3A_630 : memref<1x80xi32, #tpu.memory_space<vmem>> -> memref<80xi32, #tpu.memory_space<vmem>>
      %dma_start3A_632 = arith.constant 0 : i32
      %dma_start3A_633 = arith.constant 0 : i32
      %dma_start3A_634 = tpu.memref_slice %arg23[%dma_start3A_632, %dma_start3A_633] : memref<10240x64xf32, #tpu.memory_space<vmem_shared>> -> memref<10240x64xf32, #tpu.memory_space<vmem_shared>>
      tpu.enqueue_indirect_dma source(%arg21 : memref<80x64xf32, #tpu.memory_space<vmem>>) target(%dma_start3A_634 : memref<10240x64xf32, #tpu.memory_space<vmem_shared>>) offsets(%dma_start3A_631 : memref<80xi32, #tpu.memory_space<vmem>>) semaphore(%arg32 : memref<!tpu.dma_semaphore, #tpu.memory_space<semaphore_mem>>) {add = true}
      %mul3A_635 = arith.constant 5 : i32
      %mul3A_636 = arith.muli %mul3A_635, %scan3A_554 : i32
      %add3A_637 = arith.constant 4 : i32
      %add3A_638 = arith.addi %mul3A_636, %add3A_637 : i32
      %dma_wait3A_639 = arith.constant 0 : i32
      %dma_wait3A_640 = tpu.memref_slice %arg10[%add3A_638, %dma_wait3A_639] : memref<125x80xi32, #tpu.memory_space<vmem>> -> memref<1x80xi32, #tpu.memory_space<vmem>>
      %dma_wait3A_641 = tpu.memref_squeeze %dma_wait3A_640 : memref<1x80xi32, #tpu.memory_space<vmem>> -> memref<80xi32, #tpu.memory_space<vmem>>
      %dma_wait3A_642 = arith.constant 0 : i32
      %dma_wait3A_643 = arith.constant 0 : i32
      %dma_wait3A_644 = tpu.memref_slice %arg8[%arg0, %dma_wait3A_642, %dma_wait3A_643] : memref<2x10240x64xf32, #tpu.memory_space<hbm>> -> memref<1x10240x64xf32, #tpu.memory_space<hbm>>
      %dma_wait3A_645 = tpu.memref_squeeze %dma_wait3A_644 : memref<1x10240x64xf32, #tpu.memory_space<hbm>> -> memref<10240x64xf32, #tpu.memory_space<hbm>>
      %dma_wait3A_646 = arith.constant 0 : i32
      %dma_wait3A_647 = arith.constant 0 : i32
      %dma_wait3A_648 = tpu.memref_slice %dma_wait3A_645[%dma_wait3A_646, %dma_wait3A_647] : memref<10240x64xf32, #tpu.memory_space<hbm>> -> memref<10240x64xf32, #tpu.memory_space<hbm>>
      tpu.wait_indirect_dma semaphore(%arg28 : memref<!tpu.dma_semaphore, #tpu.memory_space<semaphore_mem>>) src(%dma_wait3A_648 : memref<10240x64xf32, #tpu.memory_space<hbm>>) dst(%arg22 : memref<80x64xf32, #tpu.memory_space<vmem>>)
      %dma_start3A_649 = arith.constant 0 : i32
      %dma_start3A_650 = tpu.memref_slice %arg11[%add3A_638, %dma_start3A_649] : memref<125x80xi32, #tpu.memory_space<vmem>> -> memref<1x80xi32, #tpu.memory_space<vmem>>
      %dma_start3A_651 = tpu.memref_squeeze %dma_start3A_650 : memref<1x80xi32, #tpu.memory_space<vmem>> -> memref<80xi32, #tpu.memory_space<vmem>>
      %dma_start3A_652 = arith.constant 0 : i32
      %dma_start3A_653 = arith.constant 0 : i32
      %dma_start3A_654 = tpu.memref_slice %arg23[%dma_start3A_652, %dma_start3A_653] : memref<10240x64xf32, #tpu.memory_space<vmem_shared>> -> memref<10240x64xf32, #tpu.memory_space<vmem_shared>>
      tpu.enqueue_indirect_dma source(%arg22 : memref<80x64xf32, #tpu.memory_space<vmem>>) target(%dma_start3A_654 : memref<10240x64xf32, #tpu.memory_space<vmem_shared>>) offsets(%dma_start3A_651 : memref<80xi32, #tpu.memory_space<vmem>>) semaphore(%arg33 : memref<!tpu.dma_semaphore, #tpu.memory_space<semaphore_mem>>) {add = true}
      %mul3A_655 = arith.constant 5 : i32
      %mul3A_656 = arith.muli %mul3A_655, %scan3A_554 : i32
      %add3A_657 = arith.constant 5 : i32
      %add3A_658 = arith.addi %mul3A_656, %add3A_657 : i32
      %add3A_659 = arith.constant 0 : i32
      %add3A_660 = arith.addi %add3A_658, %add3A_659 : i32
      %dma_wait3A_661 = arith.constant 0 : i32
      %dma_wait3A_662 = tpu.memref_slice %arg11[%add3A_660, %dma_wait3A_661] : memref<125x80xi32, #tpu.memory_space<vmem>> -> memref<1x80xi32, #tpu.memory_space<vmem>>
      %dma_wait3A_663 = tpu.memref_squeeze %dma_wait3A_662 : memref<1x80xi32, #tpu.memory_space<vmem>> -> memref<80xi32, #tpu.memory_space<vmem>>
      %dma_wait3A_664 = arith.constant 0 : i32
      %dma_wait3A_665 = arith.constant 0 : i32
      %dma_wait3A_666 = tpu.memref_slice %arg23[%dma_wait3A_664, %dma_wait3A_665] : memref<10240x64xf32, #tpu.memory_space<vmem_shared>> -> memref<10240x64xf32, #tpu.memory_space<vmem_shared>>
      tpu.wait_indirect_dma semaphore(%arg29 : memref<!tpu.dma_semaphore, #tpu.memory_space<semaphore_mem>>) src(%arg18 : memref<80x64xf32, #tpu.memory_space<vmem>>) dst(%dma_wait3A_666 : memref<10240x64xf32, #tpu.memory_space<vmem_shared>>)
      %dma_start3A_667 = arith.constant 0 : i32
      %dma_start3A_668 = tpu.memref_slice %arg10[%add3A_660, %dma_start3A_667] : memref<125x80xi32, #tpu.memory_space<vmem>> -> memref<1x80xi32, #tpu.memory_space<vmem>>
      %dma_start3A_669 = tpu.memref_squeeze %dma_start3A_668 : memref<1x80xi32, #tpu.memory_space<vmem>> -> memref<80xi32, #tpu.memory_space<vmem>>
      %dma_start3A_670 = arith.constant 0 : i32
      %dma_start3A_671 = arith.constant 0 : i32
      %dma_start3A_672 = tpu.memref_slice %arg8[%arg0, %dma_start3A_670, %dma_start3A_671] : memref<2x10240x64xf32, #tpu.memory_space<hbm>> -> memref<1x10240x64xf32, #tpu.memory_space<hbm>>
      %dma_start3A_673 = tpu.memref_squeeze %dma_start3A_672 : memref<1x10240x64xf32, #tpu.memory_space<hbm>> -> memref<10240x64xf32, #tpu.memory_space<hbm>>
      %dma_start3A_674 = arith.constant 0 : i32
      %dma_start3A_675 = arith.constant 0 : i32
      %dma_start3A_676 = tpu.memref_slice %dma_start3A_673[%dma_start3A_674, %dma_start3A_675] : memref<10240x64xf32, #tpu.memory_space<hbm>> -> memref<10240x64xf32, #tpu.memory_space<hbm>>
      tpu.enqueue_indirect_dma source(%dma_start3A_676 : memref<10240x64xf32, #tpu.memory_space<hbm>>) target(%arg18 : memref<80x64xf32, #tpu.memory_space<vmem>>) offsets(%dma_start3A_669 : memref<80xi32, #tpu.memory_space<vmem>>) semaphore(%arg24 : memref<!tpu.dma_semaphore, #tpu.memory_space<semaphore_mem>>)
      %mul3A_677 = arith.constant 5 : i32
      %mul3A_678 = arith.muli %mul3A_677, %scan3A_554 : i32
      %add3A_679 = arith.constant 5 : i32
      %add3A_680 = arith.addi %mul3A_678, %add3A_679 : i32
      %add3A_681 = arith.constant 1 : i32
      %add3A_682 = arith.addi %add3A_680, %add3A_681 : i32
      %dma_wait3A_683 = arith.constant 0 : i32
      %dma_wait3A_684 = tpu.memref_slice %arg11[%add3A_682, %dma_wait3A_683] : memref<125x80xi32, #tpu.memory_space<vmem>> -> memref<1x80xi32, #tpu.memory_space<vmem>>
      %dma_wait3A_685 = tpu.memref_squeeze %dma_wait3A_684 : memref<1x80xi32, #tpu.memory_space<vmem>> -> memref<80xi32, #tpu.memory_space<vmem>>
      %dma_wait3A_686 = arith.constant 0 : i32
      %dma_wait3A_687 = arith.constant 0 : i32
      %dma_wait3A_688 = tpu.memref_slice %arg23[%dma_wait3A_686, %dma_wait3A_687] : memref<10240x64xf32, #tpu.memory_space<vmem_shared>> -> memref<10240x64xf32, #tpu.memory_space<vmem_shared>>
      tpu.wait_indirect_dma semaphore(%arg30 : memref<!tpu.dma_semaphore, #tpu.memory_space<semaphore_mem>>) src(%arg19 : memref<80x64xf32, #tpu.memory_space<vmem>>) dst(%dma_wait3A_688 : memref<10240x64xf32, #tpu.memory_space<vmem_shared>>)
      %dma_start3A_689 = arith.constant 0 : i32
      %dma_start3A_690 = tpu.memref_slice %arg10[%add3A_682, %dma_start3A_689] : memref<125x80xi32, #tpu.memory_space<vmem>> -> memref<1x80xi32, #tpu.memory_space<vmem>>
      %dma_start3A_691 = tpu.memref_squeeze %dma_start3A_690 : memref<1x80xi32, #tpu.memory_space<vmem>> -> memref<80xi32, #tpu.memory_space<vmem>>
      %dma_start3A_692 = arith.constant 0 : i32
      %dma_start3A_693 = arith.constant 0 : i32
      %dma_start3A_694 = tpu.memref_slice %arg8[%arg0, %dma_start3A_692, %dma_start3A_693] : memref<2x10240x64xf32, #tpu.memory_space<hbm>> -> memref<1x10240x64xf32, #tpu.memory_space<hbm>>
      %dma_start3A_695 = tpu.memref_squeeze %dma_start3A_694 : memref<1x10240x64xf32, #tpu.memory_space<hbm>> -> memref<10240x64xf32, #tpu.memory_space<hbm>>
      %dma_start3A_696 = arith.constant 0 : i32
      %dma_start3A_697 = arith.constant 0 : i32
      %dma_start3A_698 = tpu.memref_slice %dma_start3A_695[%dma_start3A_696, %dma_start3A_697] : memref<10240x64xf32, #tpu.memory_space<hbm>> -> memref<10240x64xf32, #tpu.memory_space<hbm>>
      tpu.enqueue_indirect_dma source(%dma_start3A_698 : memref<10240x64xf32, #tpu.memory_space<hbm>>) target(%arg19 : memref<80x64xf32, #tpu.memory_space<vmem>>) offsets(%dma_start3A_691 : memref<80xi32, #tpu.memory_space<vmem>>) semaphore(%arg25 : memref<!tpu.dma_semaphore, #tpu.memory_space<semaphore_mem>>)
      %mul3A_699 = arith.constant 5 : i32
      %mul3A_700 = arith.muli %mul3A_699, %scan3A_554 : i32
      %add3A_701 = arith.constant 5 : i32
      %add3A_702 = arith.addi %mul3A_700, %add3A_701 : i32
      %add3A_703 = arith.constant 2 : i32
      %add3A_704 = arith.addi %add3A_702, %add3A_703 : i32
      %dma_wait3A_705 = arith.constant 0 : i32
      %dma_wait3A_706 = tpu.memref_slice %arg11[%add3A_704, %dma_wait3A_705] : memref<125x80xi32, #tpu.memory_space<vmem>> -> memref<1x80xi32, #tpu.memory_space<vmem>>
      %dma_wait3A_707 = tpu.memref_squeeze %dma_wait3A_706 : memref<1x80xi32, #tpu.memory_space<vmem>> -> memref<80xi32, #tpu.memory_space<vmem>>
      %dma_wait3A_708 = arith.constant 0 : i32
      %dma_wait3A_709 = arith.constant 0 : i32
      %dma_wait3A_710 = tpu.memref_slice %arg23[%dma_wait3A_708, %dma_wait3A_709] : memref<10240x64xf32, #tpu.memory_space<vmem_shared>> -> memref<10240x64xf32, #tpu.memory_space<vmem_shared>>
      tpu.wait_indirect_dma semaphore(%arg31 : memref<!tpu.dma_semaphore, #tpu.memory_space<semaphore_mem>>) src(%arg20 : memref<80x64xf32, #tpu.memory_space<vmem>>) dst(%dma_wait3A_710 : memref<10240x64xf32, #tpu.memory_space<vmem_shared>>)
      %dma_start3A_711 = arith.constant 0 : i32
      %dma_start3A_712 = tpu.memref_slice %arg10[%add3A_704, %dma_start3A_711] : memref<125x80xi32, #tpu.memory_space<vmem>> -> memref<1x80xi32, #tpu.memory_space<vmem>>
      %dma_start3A_713 = tpu.memref_squeeze %dma_start3A_712 : memref<1x80xi32, #tpu.memory_space<vmem>> -> memref<80xi32, #tpu.memory_space<vmem>>
      %dma_start3A_714 = arith.constant 0 : i32
      %dma_start3A_715 = arith.constant 0 : i32
      %dma_start3A_716 = tpu.memref_slice %arg8[%arg0, %dma_start3A_714, %dma_start3A_715] : memref<2x10240x64xf32, #tpu.memory_space<hbm>> -> memref<1x10240x64xf32, #tpu.memory_space<hbm>>
      %dma_start3A_717 = tpu.memref_squeeze %dma_start3A_716 : memref<1x10240x64xf32, #tpu.memory_space<hbm>> -> memref<10240x64xf32, #tpu.memory_space<hbm>>
      %dma_start3A_718 = arith.constant 0 : i32
      %dma_start3A_719 = arith.constant 0 : i32
      %dma_start3A_720 = tpu.memref_slice %dma_start3A_717[%dma_start3A_718, %dma_start3A_719] : memref<10240x64xf32, #tpu.memory_space<hbm>> -> memref<10240x64xf32, #tpu.memory_space<hbm>>
      tpu.enqueue_indirect_dma source(%dma_start3A_720 : memref<10240x64xf32, #tpu.memory_space<hbm>>) target(%arg20 : memref<80x64xf32, #tpu.memory_space<vmem>>) offsets(%dma_start3A_713 : memref<80xi32, #tpu.memory_space<vmem>>) semaphore(%arg26 : memref<!tpu.dma_semaphore, #tpu.memory_space<semaphore_mem>>)
      %mul3A_721 = arith.constant 5 : i32
      %mul3A_722 = arith.muli %mul3A_721, %scan3A_554 : i32
      %add3A_723 = arith.constant 5 : i32
      %add3A_724 = arith.addi %mul3A_722, %add3A_723 : i32
      %add3A_725 = arith.constant 3 : i32
      %add3A_726 = arith.addi %add3A_724, %add3A_725 : i32
      %dma_wait3A_727 = arith.constant 0 : i32
      %dma_wait3A_728 = tpu.memref_slice %arg11[%add3A_726, %dma_wait3A_727] : memref<125x80xi32, #tpu.memory_space<vmem>> -> memref<1x80xi32, #tpu.memory_space<vmem>>
      %dma_wait3A_729 = tpu.memref_squeeze %dma_wait3A_728 : memref<1x80xi32, #tpu.memory_space<vmem>> -> memref<80xi32, #tpu.memory_space<vmem>>
      %dma_wait3A_730 = arith.constant 0 : i32
      %dma_wait3A_731 = arith.constant 0 : i32
      %dma_wait3A_732 = tpu.memref_slice %arg23[%dma_wait3A_730, %dma_wait3A_731] : memref<10240x64xf32, #tpu.memory_space<vmem_shared>> -> memref<10240x64xf32, #tpu.memory_space<vmem_shared>>
      tpu.wait_indirect_dma semaphore(%arg32 : memref<!tpu.dma_semaphore, #tpu.memory_space<semaphore_mem>>) src(%arg21 : memref<80x64xf32, #tpu.memory_space<vmem>>) dst(%dma_wait3A_732 : memref<10240x64xf32, #tpu.memory_space<vmem_shared>>)
      %dma_start3A_733 = arith.constant 0 : i32
      %dma_start3A_734 = tpu.memref_slice %arg10[%add3A_726, %dma_start3A_733] : memref<125x80xi32, #tpu.memory_space<vmem>> -> memref<1x80xi32, #tpu.memory_space<vmem>>
      %dma_start3A_735 = tpu.memref_squeeze %dma_start3A_734 : memref<1x80xi32, #tpu.memory_space<vmem>> -> memref<80xi32, #tpu.memory_space<vmem>>
      %dma_start3A_736 = arith.constant 0 : i32
      %dma_start3A_737 = arith.constant 0 : i32
      %dma_start3A_738 = tpu.memref_slice %arg8[%arg0, %dma_start3A_736, %dma_start3A_737] : memref<2x10240x64xf32, #tpu.memory_space<hbm>> -> memref<1x10240x64xf32, #tpu.memory_space<hbm>>
      %dma_start3A_739 = tpu.memref_squeeze %dma_start3A_738 : memref<1x10240x64xf32, #tpu.memory_space<hbm>> -> memref<10240x64xf32, #tpu.memory_space<hbm>>
      %dma_start3A_740 = arith.constant 0 : i32
      %dma_start3A_741 = arith.constant 0 : i32
      %dma_start3A_742 = tpu.memref_slice %dma_start3A_739[%dma_start3A_740, %dma_start3A_741] : memref<10240x64xf32, #tpu.memory_space<hbm>> -> memref<10240x64xf32, #tpu.memory_space<hbm>>
      tpu.enqueue_indirect_dma source(%dma_start3A_742 : memref<10240x64xf32, #tpu.memory_space<hbm>>) target(%arg21 : memref<80x64xf32, #tpu.memory_space<vmem>>) offsets(%dma_start3A_735 : memref<80xi32, #tpu.memory_space<vmem>>) semaphore(%arg27 : memref<!tpu.dma_semaphore, #tpu.memory_space<semaphore_mem>>)
      %mul3A_743 = arith.constant 5 : i32
      %mul3A_744 = arith.muli %mul3A_743, %scan3A_554 : i32
      %add3A_745 = arith.constant 5 : i32
      %add3A_746 = arith.addi %mul3A_744, %add3A_745 : i32
      %add3A_747 = arith.constant 4 : i32
      %add3A_748 = arith.addi %add3A_746, %add3A_747 : i32
      %dma_wait3A_749 = arith.constant 0 : i32
      %dma_wait3A_750 = tpu.memref_slice %arg11[%add3A_748, %dma_wait3A_749] : memref<125x80xi32, #tpu.memory_space<vmem>> -> memref<1x80xi32, #tpu.memory_space<vmem>>
      %dma_wait3A_751 = tpu.memref_squeeze %dma_wait3A_750 : memref<1x80xi32, #tpu.memory_space<vmem>> -> memref<80xi32, #tpu.memory_space<vmem>>
      %dma_wait3A_752 = arith.constant 0 : i32
      %dma_wait3A_753 = arith.constant 0 : i32
      %dma_wait3A_754 = tpu.memref_slice %arg23[%dma_wait3A_752, %dma_wait3A_753] : memref<10240x64xf32, #tpu.memory_space<vmem_shared>> -> memref<10240x64xf32, #tpu.memory_space<vmem_shared>>
      tpu.wait_indirect_dma semaphore(%arg33 : memref<!tpu.dma_semaphore, #tpu.memory_space<semaphore_mem>>) src(%arg22 : memref<80x64xf32, #tpu.memory_space<vmem>>) dst(%dma_wait3A_754 : memref<10240x64xf32, #tpu.memory_space<vmem_shared>>)
      %dma_start3A_755 = arith.constant 0 : i32
      %dma_start3A_756 = tpu.memref_slice %arg10[%add3A_748, %dma_start3A_755] : memref<125x80xi32, #tpu.memory_space<vmem>> -> memref<1x80xi32, #tpu.memory_space<vmem>>
      %dma_start3A_757 = tpu.memref_squeeze %dma_start3A_756 : memref<1x80xi32, #tpu.memory_space<vmem>> -> memref<80xi32, #tpu.memory_space<vmem>>
      %dma_start3A_758 = arith.constant 0 : i32
      %dma_start3A_759 = arith.constant 0 : i32
      %dma_start3A_760 = tpu.memref_slice %arg8[%arg0, %dma_start3A_758, %dma_start3A_759] : memref<2x10240x64xf32, #tpu.memory_space<hbm>> -> memref<1x10240x64xf32, #tpu.memory_space<hbm>>
      %dma_start3A_761 = tpu.memref_squeeze %dma_start3A_760 : memref<1x10240x64xf32, #tpu.memory_space<hbm>> -> memref<10240x64xf32, #tpu.memory_space<hbm>>
      %dma_start3A_762 = arith.constant 0 : i32
      %dma_start3A_763 = arith.constant 0 : i32
      %dma_start3A_764 = tpu.memref_slice %dma_start3A_761[%dma_start3A_762, %dma_start3A_763] : memref<10240x64xf32, #tpu.memory_space<hbm>> -> memref<10240x64xf32, #tpu.memory_space<hbm>>
      tpu.enqueue_indirect_dma source(%dma_start3A_764 : memref<10240x64xf32, #tpu.memory_space<hbm>>) target(%arg22 : memref<80x64xf32, #tpu.memory_space<vmem>>) offsets(%dma_start3A_757 : memref<80xi32, #tpu.memory_space<vmem>>) semaphore(%arg28 : memref<!tpu.dma_semaphore, #tpu.memory_space<semaphore_mem>>)
    }
    %scan3A_427 = arith.constant 24 : i32
    %dma_wait3A_428 = arith.constant 120 : i32
    %dma_wait3A_429 = arith.constant 0 : i32
    %dma_wait3A_430 = tpu.memref_slice %arg10[%dma_wait3A_428, %dma_wait3A_429] : memref<125x80xi32, #tpu.memory_space<vmem>> -> memref<1x80xi32, #tpu.memory_space<vmem>>
    %dma_wait3A_431 = tpu.memref_squeeze %dma_wait3A_430 : memref<1x80xi32, #tpu.memory_space<vmem>> -> memref<80xi32, #tpu.memory_space<vmem>>
    %dma_wait3A_432 = arith.constant 0 : i32
    %dma_wait3A_433 = arith.constant 0 : i32
    %dma_wait3A_434 = tpu.memref_slice %arg8[%arg0, %dma_wait3A_432, %dma_wait3A_433] : memref<2x10240x64xf32, #tpu.memory_space<hbm>> -> memref<1x10240x64xf32, #tpu.memory_space<hbm>>
    %dma_wait3A_435 = tpu.memref_squeeze %dma_wait3A_434 : memref<1x10240x64xf32, #tpu.memory_space<hbm>> -> memref<10240x64xf32, #tpu.memory_space<hbm>>
    %dma_wait3A_436 = arith.constant 0 : i32
    %dma_wait3A_437 = arith.constant 0 : i32
    %dma_wait3A_438 = tpu.memref_slice %dma_wait3A_435[%dma_wait3A_436, %dma_wait3A_437] : memref<10240x64xf32, #tpu.memory_space<hbm>> -> memref<10240x64xf32, #tpu.memory_space<hbm>>
    tpu.wait_indirect_dma semaphore(%arg24 : memref<!tpu.dma_semaphore, #tpu.memory_space<semaphore_mem>>) src(%dma_wait3A_438 : memref<10240x64xf32, #tpu.memory_space<hbm>>) dst(%arg18 : memref<80x64xf32, #tpu.memory_space<vmem>>)
    %dma_start3A_439 = arith.constant 120 : i32
    %dma_start3A_440 = arith.constant 0 : i32
    %dma_start3A_441 = tpu.memref_slice %arg11[%dma_start3A_439, %dma_start3A_440] : memref<125x80xi32, #tpu.memory_space<vmem>> -> memref<1x80xi32, #tpu.memory_space<vmem>>
    %dma_start3A_442 = tpu.memref_squeeze %dma_start3A_441 : memref<1x80xi32, #tpu.memory_space<vmem>> -> memref<80xi32, #tpu.memory_space<vmem>>
    %dma_start3A_443 = arith.constant 0 : i32
    %dma_start3A_444 = arith.constant 0 : i32
    %dma_start3A_445 = tpu.memref_slice %arg23[%dma_start3A_443, %dma_start3A_444] : memref<10240x64xf32, #tpu.memory_space<vmem_shared>> -> memref<10240x64xf32, #tpu.memory_space<vmem_shared>>
    tpu.enqueue_indirect_dma source(%arg18 : memref<80x64xf32, #tpu.memory_space<vmem>>) target(%dma_start3A_445 : memref<10240x64xf32, #tpu.memory_space<vmem_shared>>) offsets(%dma_start3A_442 : memref<80xi32, #tpu.memory_space<vmem>>) semaphore(%arg29 : memref<!tpu.dma_semaphore, #tpu.memory_space<semaphore_mem>>) {add = true}
    %dma_wait3A_446 = arith.constant 121 : i32
    %dma_wait3A_447 = arith.constant 0 : i32
    %dma_wait3A_448 = tpu.memref_slice %arg10[%dma_wait3A_446, %dma_wait3A_447] : memref<125x80xi32, #tpu.memory_space<vmem>> -> memref<1x80xi32, #tpu.memory_space<vmem>>
    %dma_wait3A_449 = tpu.memref_squeeze %dma_wait3A_448 : memref<1x80xi32, #tpu.memory_space<vmem>> -> memref<80xi32, #tpu.memory_space<vmem>>
    %dma_wait3A_450 = arith.constant 0 : i32
    %dma_wait3A_451 = arith.constant 0 : i32
    %dma_wait3A_452 = tpu.memref_slice %arg8[%arg0, %dma_wait3A_450, %dma_wait3A_451] : memref<2x10240x64xf32, #tpu.memory_space<hbm>> -> memref<1x10240x64xf32, #tpu.memory_space<hbm>>
    %dma_wait3A_453 = tpu.memref_squeeze %dma_wait3A_452 : memref<1x10240x64xf32, #tpu.memory_space<hbm>> -> memref<10240x64xf32, #tpu.memory_space<hbm>>
    %dma_wait3A_454 = arith.constant 0 : i32
    %dma_wait3A_455 = arith.constant 0 : i32
    %dma_wait3A_456 = tpu.memref_slice %dma_wait3A_453[%dma_wait3A_454, %dma_wait3A_455] : memref<10240x64xf32, #tpu.memory_space<hbm>> -> memref<10240x64xf32, #tpu.memory_space<hbm>>
    tpu.wait_indirect_dma semaphore(%arg25 : memref<!tpu.dma_semaphore, #tpu.memory_space<semaphore_mem>>) src(%dma_wait3A_456 : memref<10240x64xf32, #tpu.memory_space<hbm>>) dst(%arg19 : memref<80x64xf32, #tpu.memory_space<vmem>>)
    %dma_start3A_457 = arith.constant 121 : i32
    %dma_start3A_458 = arith.constant 0 : i32
    %dma_start3A_459 = tpu.memref_slice %arg11[%dma_start3A_457, %dma_start3A_458] : memref<125x80xi32, #tpu.memory_space<vmem>> -> memref<1x80xi32, #tpu.memory_space<vmem>>
    %dma_start3A_460 = tpu.memref_squeeze %dma_start3A_459 : memref<1x80xi32, #tpu.memory_space<vmem>> -> memref<80xi32, #tpu.memory_space<vmem>>
    %dma_start3A_461 = arith.constant 0 : i32
    %dma_start3A_462 = arith.constant 0 : i32
    %dma_start3A_463 = tpu.memref_slice %arg23[%dma_start3A_461, %dma_start3A_462] : memref<10240x64xf32, #tpu.memory_space<vmem_shared>> -> memref<10240x64xf32, #tpu.memory_space<vmem_shared>>
    tpu.enqueue_indirect_dma source(%arg19 : memref<80x64xf32, #tpu.memory_space<vmem>>) target(%dma_start3A_463 : memref<10240x64xf32, #tpu.memory_space<vmem_shared>>) offsets(%dma_start3A_460 : memref<80xi32, #tpu.memory_space<vmem>>) semaphore(%arg30 : memref<!tpu.dma_semaphore, #tpu.memory_space<semaphore_mem>>) {add = true}
    %dma_wait3A_464 = arith.constant 122 : i32
    %dma_wait3A_465 = arith.constant 0 : i32
    %dma_wait3A_466 = tpu.memref_slice %arg10[%dma_wait3A_464, %dma_wait3A_465] : memref<125x80xi32, #tpu.memory_space<vmem>> -> memref<1x80xi32, #tpu.memory_space<vmem>>
    %dma_wait3A_467 = tpu.memref_squeeze %dma_wait3A_466 : memref<1x80xi32, #tpu.memory_space<vmem>> -> memref<80xi32, #tpu.memory_space<vmem>>
    %dma_wait3A_468 = arith.constant 0 : i32
    %dma_wait3A_469 = arith.constant 0 : i32
    %dma_wait3A_470 = tpu.memref_slice %arg8[%arg0, %dma_wait3A_468, %dma_wait3A_469] : memref<2x10240x64xf32, #tpu.memory_space<hbm>> -> memref<1x10240x64xf32, #tpu.memory_space<hbm>>
    %dma_wait3A_471 = tpu.memref_squeeze %dma_wait3A_470 : memref<1x10240x64xf32, #tpu.memory_space<hbm>> -> memref<10240x64xf32, #tpu.memory_space<hbm>>
    %dma_wait3A_472 = arith.constant 0 : i32
    %dma_wait3A_473 = arith.constant 0 : i32
    %dma_wait3A_474 = tpu.memref_slice %dma_wait3A_471[%dma_wait3A_472, %dma_wait3A_473] : memref<10240x64xf32, #tpu.memory_space<hbm>> -> memref<10240x64xf32, #tpu.memory_space<hbm>>
    tpu.wait_indirect_dma semaphore(%arg26 : memref<!tpu.dma_semaphore, #tpu.memory_space<semaphore_mem>>) src(%dma_wait3A_474 : memref<10240x64xf32, #tpu.memory_space<hbm>>) dst(%arg20 : memref<80x64xf32, #tpu.memory_space<vmem>>)
    %dma_start3A_475 = arith.constant 122 : i32
    %dma_start3A_476 = arith.constant 0 : i32
    %dma_start3A_477 = tpu.memref_slice %arg11[%dma_start3A_475, %dma_start3A_476] : memref<125x80xi32, #tpu.memory_space<vmem>> -> memref<1x80xi32, #tpu.memory_space<vmem>>
    %dma_start3A_478 = tpu.memref_squeeze %dma_start3A_477 : memref<1x80xi32, #tpu.memory_space<vmem>> -> memref<80xi32, #tpu.memory_space<vmem>>
    %dma_start3A_479 = arith.constant 0 : i32
    %dma_start3A_480 = arith.constant 0 : i32
    %dma_start3A_481 = tpu.memref_slice %arg23[%dma_start3A_479, %dma_start3A_480] : memref<10240x64xf32, #tpu.memory_space<vmem_shared>> -> memref<10240x64xf32, #tpu.memory_space<vmem_shared>>
    tpu.enqueue_indirect_dma source(%arg20 : memref<80x64xf32, #tpu.memory_space<vmem>>) target(%dma_start3A_481 : memref<10240x64xf32, #tpu.memory_space<vmem_shared>>) offsets(%dma_start3A_478 : memref<80xi32, #tpu.memory_space<vmem>>) semaphore(%arg31 : memref<!tpu.dma_semaphore, #tpu.memory_space<semaphore_mem>>) {add = true}
    %dma_wait3A_482 = arith.constant 123 : i32
    %dma_wait3A_483 = arith.constant 0 : i32
    %dma_wait3A_484 = tpu.memref_slice %arg10[%dma_wait3A_482, %dma_wait3A_483] : memref<125x80xi32, #tpu.memory_space<vmem>> -> memref<1x80xi32, #tpu.memory_space<vmem>>
    %dma_wait3A_485 = tpu.memref_squeeze %dma_wait3A_484 : memref<1x80xi32, #tpu.memory_space<vmem>> -> memref<80xi32, #tpu.memory_space<vmem>>
    %dma_wait3A_486 = arith.constant 0 : i32
    %dma_wait3A_487 = arith.constant 0 : i32
    %dma_wait3A_488 = tpu.memref_slice %arg8[%arg0, %dma_wait3A_486, %dma_wait3A_487] : memref<2x10240x64xf32, #tpu.memory_space<hbm>> -> memref<1x10240x64xf32, #tpu.memory_space<hbm>>
    %dma_wait3A_489 = tpu.memref_squeeze %dma_wait3A_488 : memref<1x10240x64xf32, #tpu.memory_space<hbm>> -> memref<10240x64xf32, #tpu.memory_space<hbm>>
    %dma_wait3A_490 = arith.constant 0 : i32
    %dma_wait3A_491 = arith.constant 0 : i32
    %dma_wait3A_492 = tpu.memref_slice %dma_wait3A_489[%dma_wait3A_490, %dma_wait3A_491] : memref<10240x64xf32, #tpu.memory_space<hbm>> -> memref<10240x64xf32, #tpu.memory_space<hbm>>
    tpu.wait_indirect_dma semaphore(%arg27 : memref<!tpu.dma_semaphore, #tpu.memory_space<semaphore_mem>>) src(%dma_wait3A_492 : memref<10240x64xf32, #tpu.memory_space<hbm>>) dst(%arg21 : memref<80x64xf32, #tpu.memory_space<vmem>>)
    %dma_start3A_493 = arith.constant 123 : i32
    %dma_start3A_494 = arith.constant 0 : i32
    %dma_start3A_495 = tpu.memref_slice %arg11[%dma_start3A_493, %dma_start3A_494] : memref<125x80xi32, #tpu.memory_space<vmem>> -> memref<1x80xi32, #tpu.memory_space<vmem>>
    %dma_start3A_496 = tpu.memref_squeeze %dma_start3A_495 : memref<1x80xi32, #tpu.memory_space<vmem>> -> memref<80xi32, #tpu.memory_space<vmem>>
    %dma_start3A_497 = arith.constant 0 : i32
    %dma_start3A_498 = arith.constant 0 : i32
    %dma_start3A_499 = tpu.memref_slice %arg23[%dma_start3A_497, %dma_start3A_498] : memref<10240x64xf32, #tpu.memory_space<vmem_shared>> -> memref<10240x64xf32, #tpu.memory_space<vmem_shared>>
    tpu.enqueue_indirect_dma source(%arg21 : memref<80x64xf32, #tpu.memory_space<vmem>>) target(%dma_start3A_499 : memref<10240x64xf32, #tpu.memory_space<vmem_shared>>) offsets(%dma_start3A_496 : memref<80xi32, #tpu.memory_space<vmem>>) semaphore(%arg32 : memref<!tpu.dma_semaphore, #tpu.memory_space<semaphore_mem>>) {add = true}
    %dma_wait3A_500 = arith.constant 124 : i32
    %dma_wait3A_501 = arith.constant 0 : i32
    %dma_wait3A_502 = tpu.memref_slice %arg10[%dma_wait3A_500, %dma_wait3A_501] : memref<125x80xi32, #tpu.memory_space<vmem>> -> memref<1x80xi32, #tpu.memory_space<vmem>>
    %dma_wait3A_503 = tpu.memref_squeeze %dma_wait3A_502 : memref<1x80xi32, #tpu.memory_space<vmem>> -> memref<80xi32, #tpu.memory_space<vmem>>
    %dma_wait3A_504 = arith.constant 0 : i32
    %dma_wait3A_505 = arith.constant 0 : i32
    %dma_wait3A_506 = tpu.memref_slice %arg8[%arg0, %dma_wait3A_504, %dma_wait3A_505] : memref<2x10240x64xf32, #tpu.memory_space<hbm>> -> memref<1x10240x64xf32, #tpu.memory_space<hbm>>
    %dma_wait3A_507 = tpu.memref_squeeze %dma_wait3A_506 : memref<1x10240x64xf32, #tpu.memory_space<hbm>> -> memref<10240x64xf32, #tpu.memory_space<hbm>>
    %dma_wait3A_508 = arith.constant 0 : i32
    %dma_wait3A_509 = arith.constant 0 : i32
    %dma_wait3A_510 = tpu.memref_slice %dma_wait3A_507[%dma_wait3A_508, %dma_wait3A_509] : memref<10240x64xf32, #tpu.memory_space<hbm>> -> memref<10240x64xf32, #tpu.memory_space<hbm>>
    tpu.wait_indirect_dma semaphore(%arg28 : memref<!tpu.dma_semaphore, #tpu.memory_space<semaphore_mem>>) src(%dma_wait3A_510 : memref<10240x64xf32, #tpu.memory_space<hbm>>) dst(%arg22 : memref<80x64xf32, #tpu.memory_space<vmem>>)
    %dma_start3A_511 = arith.constant 124 : i32
    %dma_start3A_512 = arith.constant 0 : i32
    %dma_start3A_513 = tpu.memref_slice %arg11[%dma_start3A_511, %dma_start3A_512] : memref<125x80xi32, #tpu.memory_space<vmem>> -> memref<1x80xi32, #tpu.memory_space<vmem>>
    %dma_start3A_514 = tpu.memref_squeeze %dma_start3A_513 : memref<1x80xi32, #tpu.memory_space<vmem>> -> memref<80xi32, #tpu.memory_space<vmem>>
    %dma_start3A_515 = arith.constant 0 : i32
    %dma_start3A_516 = arith.constant 0 : i32
    %dma_start3A_517 = tpu.memref_slice %arg23[%dma_start3A_515, %dma_start3A_516] : memref<10240x64xf32, #tpu.memory_space<vmem_shared>> -> memref<10240x64xf32, #tpu.memory_space<vmem_shared>>
    tpu.enqueue_indirect_dma source(%arg22 : memref<80x64xf32, #tpu.memory_space<vmem>>) target(%dma_start3A_517 : memref<10240x64xf32, #tpu.memory_space<vmem_shared>>) offsets(%dma_start3A_514 : memref<80xi32, #tpu.memory_space<vmem>>) semaphore(%arg33 : memref<!tpu.dma_semaphore, #tpu.memory_space<semaphore_mem>>) {add = true}
    %dma_wait3A_518 = arith.constant 120 : i32
    %dma_wait3A_519 = arith.constant 0 : i32
    %dma_wait3A_520 = tpu.memref_slice %arg11[%dma_wait3A_518, %dma_wait3A_519] : memref<125x80xi32, #tpu.memory_space<vmem>> -> memref<1x80xi32, #tpu.memory_space<vmem>>
    %dma_wait3A_521 = tpu.memref_squeeze %dma_wait3A_520 : memref<1x80xi32, #tpu.memory_space<vmem>> -> memref<80xi32, #tpu.memory_space<vmem>>
    %dma_wait3A_522 = arith.constant 0 : i32
    %dma_wait3A_523 = arith.constant 0 : i32
    %dma_wait3A_524 = tpu.memref_slice %arg23[%dma_wait3A_522, %dma_wait3A_523] : memref<10240x64xf32, #tpu.memory_space<vmem_shared>> -> memref<10240x64xf32, #tpu.memory_space<vmem_shared>>
    tpu.wait_indirect_dma semaphore(%arg29 : memref<!tpu.dma_semaphore, #tpu.memory_space<semaphore_mem>>) src(%arg18 : memref<80x64xf32, #tpu.memory_space<vmem>>) dst(%dma_wait3A_524 : memref<10240x64xf32, #tpu.memory_space<vmem_shared>>)
    %dma_wait3A_525 = arith.constant 121 : i32
    %dma_wait3A_526 = arith.constant 0 : i32
    %dma_wait3A_527 = tpu.memref_slice %arg11[%dma_wait3A_525, %dma_wait3A_526] : memref<125x80xi32, #tpu.memory_space<vmem>> -> memref<1x80xi32, #tpu.memory_space<vmem>>
    %dma_wait3A_528 = tpu.memref_squeeze %dma_wait3A_527 : memref<1x80xi32, #tpu.memory_space<vmem>> -> memref<80xi32, #tpu.memory_space<vmem>>
    %dma_wait3A_529 = arith.constant 0 : i32
    %dma_wait3A_530 = arith.constant 0 : i32
    %dma_wait3A_531 = tpu.memref_slice %arg23[%dma_wait3A_529, %dma_wait3A_530] : memref<10240x64xf32, #tpu.memory_space<vmem_shared>> -> memref<10240x64xf32, #tpu.memory_space<vmem_shared>>
    tpu.wait_indirect_dma semaphore(%arg30 : memref<!tpu.dma_semaphore, #tpu.memory_space<semaphore_mem>>) src(%arg19 : memref<80x64xf32, #tpu.memory_space<vmem>>) dst(%dma_wait3A_531 : memref<10240x64xf32, #tpu.memory_space<vmem_shared>>)
    %dma_wait3A_532 = arith.constant 122 : i32
    %dma_wait3A_533 = arith.constant 0 : i32
    %dma_wait3A_534 = tpu.memref_slice %arg11[%dma_wait3A_532, %dma_wait3A_533] : memref<125x80xi32, #tpu.memory_space<vmem>> -> memref<1x80xi32, #tpu.memory_space<vmem>>
    %dma_wait3A_535 = tpu.memref_squeeze %dma_wait3A_534 : memref<1x80xi32, #tpu.memory_space<vmem>> -> memref<80xi32, #tpu.memory_space<vmem>>
    %dma_wait3A_536 = arith.constant 0 : i32
    %dma_wait3A_537 = arith.constant 0 : i32
    %dma_wait3A_538 = tpu.memref_slice %arg23[%dma_wait3A_536, %dma_wait3A_537] : memref<10240x64xf32, #tpu.memory_space<vmem_shared>> -> memref<10240x64xf32, #tpu.memory_space<vmem_shared>>
    tpu.wait_indirect_dma semaphore(%arg31 : memref<!tpu.dma_semaphore, #tpu.memory_space<semaphore_mem>>) src(%arg20 : memref<80x64xf32, #tpu.memory_space<vmem>>) dst(%dma_wait3A_538 : memref<10240x64xf32, #tpu.memory_space<vmem_shared>>)
    %dma_wait3A_539 = arith.constant 123 : i32
    %dma_wait3A_540 = arith.constant 0 : i32
    %dma_wait3A_541 = tpu.memref_slice %arg11[%dma_wait3A_539, %dma_wait3A_540] : memref<125x80xi32, #tpu.memory_space<vmem>> -> memref<1x80xi32, #tpu.memory_space<vmem>>
    %dma_wait3A_542 = tpu.memref_squeeze %dma_wait3A_541 : memref<1x80xi32, #tpu.memory_space<vmem>> -> memref<80xi32, #tpu.memory_space<vmem>>
    %dma_wait3A_543 = arith.constant 0 : i32
    %dma_wait3A_544 = arith.constant 0 : i32
    %dma_wait3A_545 = tpu.memref_slice %arg23[%dma_wait3A_543, %dma_wait3A_544] : memref<10240x64xf32, #tpu.memory_space<vmem_shared>> -> memref<10240x64xf32, #tpu.memory_space<vmem_shared>>
    tpu.wait_indirect_dma semaphore(%arg32 : memref<!tpu.dma_semaphore, #tpu.memory_space<semaphore_mem>>) src(%arg21 : memref<80x64xf32, #tpu.memory_space<vmem>>) dst(%dma_wait3A_545 : memref<10240x64xf32, #tpu.memory_space<vmem_shared>>)
    %dma_wait3A_546 = arith.constant 124 : i32
    %dma_wait3A_547 = arith.constant 0 : i32
    %dma_wait3A_548 = tpu.memref_slice %arg11[%dma_wait3A_546, %dma_wait3A_547] : memref<125x80xi32, #tpu.memory_space<vmem>> -> memref<1x80xi32, #tpu.memory_space<vmem>>
    %dma_wait3A_549 = tpu.memref_squeeze %dma_wait3A_548 : memref<1x80xi32, #tpu.memory_space<vmem>> -> memref<80xi32, #tpu.memory_space<vmem>>
    %dma_wait3A_550 = arith.constant 0 : i32
    %dma_wait3A_551 = arith.constant 0 : i32
    %dma_wait3A_552 = tpu.memref_slice %arg23[%dma_wait3A_550, %dma_wait3A_551] : memref<10240x64xf32, #tpu.memory_space<vmem_shared>> -> memref<10240x64xf32, #tpu.memory_space<vmem_shared>>
    tpu.wait_indirect_dma semaphore(%arg33 : memref<!tpu.dma_semaphore, #tpu.memory_space<semaphore_mem>>) src(%arg22 : memref<80x64xf32, #tpu.memory_space<vmem>>) dst(%dma_wait3A_552 : memref<10240x64xf32, #tpu.memory_space<vmem_shared>>)
    %barrier3A_553 = arith.constant 0 : index
    tpu.barrier barrier_id(%barrier3A_553)
    "tpu.region"() ({
      %run_scoped3A = tpu.sem_alloc : memref<!tpu.dma_semaphore, #tpu.memory_space<semaphore_mem>>
      %dma_start3A_554 = arith.constant 0 : i32
      %dma_start3A_555 = tpu.memref_slice %arg9[%arg0, %mul3A_2, %dma_start3A_554] : memref<2x10240x64xf32, #tpu.memory_space<hbm>> -> memref<1x640x64xf32, #tpu.memory_space<hbm>>
      %dma_start3A_556 = tpu.memref_squeeze %dma_start3A_555 : memref<1x640x64xf32, #tpu.memory_space<hbm>> -> memref<640x64xf32, #tpu.memory_space<hbm>>
      %dma_start3A_557 = arith.constant 0 : i32
      %dma_start3A_558 = tpu.memref_slice %arg23[%mul3A_2, %dma_start3A_557] : memref<10240x64xf32, #tpu.memory_space<vmem_shared>> -> memref<640x64xf32, #tpu.memory_space<vmem_shared>>
      tpu.enqueue_dma source(%dma_start3A_558 : memref<640x64xf32, #tpu.memory_space<vmem_shared>>) target(%dma_start3A_556 : memref<640x64xf32, #tpu.memory_space<hbm>>) target_semaphore(%run_scoped3A : memref<!tpu.dma_semaphore, #tpu.memory_space<semaphore_mem>>)
      %dma_wait3A_559 = arith.constant 0 : i32
      %dma_wait3A_560 = tpu.memref_slice %arg9[%arg0, %mul3A_2, %dma_wait3A_559] : memref<2x10240x64xf32, #tpu.memory_space<hbm>> -> memref<1x640x64xf32, #tpu.memory_space<hbm>>
      %dma_wait3A_561 = tpu.memref_squeeze %dma_wait3A_560 : memref<1x640x64xf32, #tpu.memory_space<hbm>> -> memref<640x64xf32, #tpu.memory_space<hbm>>
      %dma_wait3A_562 = arith.constant 0 : i32
      %dma_wait3A_563 = tpu.memref_slice %arg23[%mul3A_2, %dma_wait3A_562] : memref<10240x64xf32, #tpu.memory_space<vmem_shared>> -> memref<640x64xf32, #tpu.memory_space<vmem_shared>>
      tpu.wait_dma2 semaphore(%run_scoped3A : memref<!tpu.dma_semaphore, #tpu.memory_space<semaphore_mem>>) src(%dma_wait3A_563 : memref<640x64xf32, #tpu.memory_space<vmem_shared>>) dst(%dma_wait3A_561 : memref<640x64xf32, #tpu.memory_space<hbm>>)
      tpu.yield
    }) : () -> ()
    return
  }
}

module attributes {stable_mosaic.version = 14 : i64} {
  func.func @_tc1_body(%arg0: memref<32x10240xf32, #tpu.memory_space<vmem>>, %arg1: memref<10240x128xf32, #tpu.memory_space<vmem>>, %arg2: memref<128x64xf32, #tpu.memory_space<vmem>>, %arg3: memref<10240x1xf32, #tpu.memory_space<vmem>>, %arg4: memref<10240x64xf32, #tpu.memory_space<vmem>>, %arg5: memref<10240x64xf32, #tpu.memory_space<vmem>>) attributes {dimension_semantics = [], scalar_prefetch = 0 : i64, scratch_operands = 0 : i64, tpu.core_type = #tpu.core_type<tc>} {
    %get3A = arith.constant 0 : index
    %get3A_0 = arith.constant 0 : index
    %get3A_1 = vector.load %arg0[%get3A, %get3A_0] : memref<32x10240xf32, #tpu.memory_space<vmem>>, vector<32x10240xf32>
    %broadcast_in_dim3A = arith.constant 1.000000e+00 : f32
    %broadcast_in_dim3A_2 = vector.broadcast %broadcast_in_dim3A : f32 to vector<32x1xf32>
    %dot_general3A = arith.constant dense<0.000000e+00> : vector<10240x1xf32>
    %dot_general3A_3 = tpu.matmul %get3A_1, %broadcast_in_dim3A_2, %dot_general3A {dimension_numbers = #tpu.dot_dimension_numbers<[0], [0], [1], [1], [0, 1, 1, 1], [], []>, transpose_lhs_hint = false} : vector<32x10240xf32>, vector<32x1xf32>, vector<10240x1xf32> -> vector<10240x1xf32>
    %add3A = arith.constant 1.000000e+00 : f32
    %add3A_4 = vector.broadcast %add3A : f32 to vector<10240x1xf32>
    %add3A_5 = arith.addf %dot_general3A_3, %add3A_4 : vector<10240x1xf32>
    %rsqrt3A = math.rsqrt %add3A_5 : vector<10240x1xf32>
    %swap3A = arith.constant 0 : index
    %swap3A_6 = arith.constant 0 : index
    %swap3A_7 = vector.load %arg3[%swap3A, %swap3A_6] : memref<10240x1xf32, #tpu.memory_space<vmem>>, vector<10240x1xf32>
    tpu.vector_store %arg3[%swap3A, %swap3A_6], %rsqrt3A {strides = array<i32>} : memref<10240x1xf32, #tpu.memory_space<vmem>>, vector<10240x1xf32>,
    %broadcast_in_dim3A_8 = vector.shape_cast %rsqrt3A : vector<10240x1xf32> to vector<10240x1xf32>
    %broadcast_in_dim3A_9 = vector.broadcast %broadcast_in_dim3A_8 : vector<10240x1xf32> to vector<10240x64xf32>
    %swap3A_10 = arith.constant 0 : index
    %swap3A_11 = arith.constant 0 : index
    %swap3A_12 = vector.load %arg4[%swap3A_10, %swap3A_11] : memref<10240x64xf32, #tpu.memory_space<vmem>>, vector<10240x64xf32>
    tpu.vector_store %arg4[%swap3A_10, %swap3A_11], %broadcast_in_dim3A_9 {strides = array<i32>} : memref<10240x64xf32, #tpu.memory_space<vmem>>, vector<10240x64xf32>,
    %get3A_13 = arith.constant 0 : index
    %get3A_14 = arith.constant 0 : index
    %get3A_15 = vector.load %arg1[%get3A_13, %get3A_14] : memref<10240x128xf32, #tpu.memory_space<vmem>>, vector<10240x128xf32>
    %get3A_16 = arith.constant 0 : index
    %get3A_17 = arith.constant 0 : index
    %get3A_18 = vector.load %arg2[%get3A_16, %get3A_17] : memref<128x64xf32, #tpu.memory_space<vmem>>, vector<128x64xf32>
    %dot_general3A_19 = arith.constant dense<0.000000e+00> : vector<10240x64xf32>
    %dot_general3A_20 = tpu.matmul %get3A_15, %get3A_18, %dot_general3A_19 {dimension_numbers = #tpu.dot_dimension_numbers<[1], [0], [0], [1], [0, 0, 1, 1], [], []>, transpose_lhs_hint = false} : vector<10240x128xf32>, vector<128x64xf32>, vector<10240x64xf32> -> vector<10240x64xf32>
    %mul3A = vector.broadcast %rsqrt3A : vector<10240x1xf32> to vector<10240x64xf32>
    %mul3A_21 = arith.mulf %mul3A, %dot_general3A_20 : vector<10240x64xf32>
    %swap3A_22 = arith.constant 0 : index
    %swap3A_23 = arith.constant 0 : index
    %swap3A_24 = vector.load %arg5[%swap3A_22, %swap3A_23] : memref<10240x64xf32, #tpu.memory_space<vmem>>, vector<10240x64xf32>
    tpu.vector_store %arg5[%swap3A_22, %swap3A_23], %mul3A_21 {strides = array<i32>} : memref<10240x64xf32, #tpu.memory_space<vmem>>, vector<10240x64xf32>,
    return
  }
}

module attributes {stable_mosaic.version = 14 : i64} {
  func.func @_tc3_body(%arg0: memref<2x10240x64xf32, #tpu.memory_space<vmem>>, %arg1: memref<10240x1xf32, #tpu.memory_space<vmem>>, %arg2: memref<64x128xf32, #tpu.memory_space<vmem>>, %arg3: memref<1x128xf32, #tpu.memory_space<vmem>>, %arg4: memref<10000x128xf32, #tpu.memory_space<vmem>>) attributes {dimension_semantics = [], scalar_prefetch = 0 : i64, scratch_operands = 0 : i64, tpu.core_type = #tpu.core_type<tc>} {
    %get3A = arith.constant 0 : index
    %get3A_0 = arith.constant 0 : index
    %get3A_1 = vector.load %arg1[%get3A, %get3A_0] : memref<10240x1xf32, #tpu.memory_space<vmem>>, vector<10000x1xf32>
    %get3A_2 = arith.constant 0 : index
    %get3A_3 = arith.constant 0 : index
    %get3A_4 = arith.constant 0 : index
    %get3A_5 = vector.load %arg0[%get3A_2, %get3A_3, %get3A_4] : memref<2x10240x64xf32, #tpu.memory_space<vmem>>, vector<1x10000x64xf32>
    %get3A_6 = vector.shape_cast %get3A_5 : vector<1x10000x64xf32> to vector<10000x64xf32>
    %get3A_7 = arith.constant 1 : index
    %get3A_8 = arith.constant 0 : index
    %get3A_9 = arith.constant 0 : index
    %get3A_10 = vector.load %arg0[%get3A_7, %get3A_8, %get3A_9] : memref<2x10240x64xf32, #tpu.memory_space<vmem>>, vector<1x10000x64xf32>
    %get3A_11 = vector.shape_cast %get3A_10 : vector<1x10000x64xf32> to vector<10000x64xf32>
    %add3A = arith.addf %get3A_6, %get3A_11 : vector<10000x64xf32>
    %mul3A = vector.broadcast %get3A_1 : vector<10000x1xf32> to vector<10000x64xf32>
    %mul3A_12 = arith.mulf %mul3A, %add3A : vector<10000x64xf32>
    %get3A_13 = arith.constant 0 : index
    %get3A_14 = arith.constant 0 : index
    %get3A_15 = vector.load %arg2[%get3A_13, %get3A_14] : memref<64x128xf32, #tpu.memory_space<vmem>>, vector<64x128xf32>
    %dot_general3A = arith.constant dense<0.000000e+00> : vector<10000x128xf32>
    %dot_general3A_16 = tpu.matmul %mul3A_12, %get3A_15, %dot_general3A {dimension_numbers = #tpu.dot_dimension_numbers<[1], [0], [0], [1], [0, 0, 1, 1], [], []>, transpose_lhs_hint = false} : vector<10000x64xf32>, vector<64x128xf32>, vector<10000x128xf32> -> vector<10000x128xf32>
    %get3A_17 = arith.constant 0 : index
    %get3A_18 = arith.constant 0 : index
    %get3A_19 = vector.load %arg3[%get3A_17, %get3A_18] : memref<1x128xf32, #tpu.memory_space<vmem>>, vector<1x128xf32>
    %add3A_20 = vector.broadcast %get3A_19 : vector<1x128xf32> to vector<10000x128xf32>
    %add3A_21 = arith.addf %dot_general3A_16, %add3A_20 : vector<10000x128xf32>
    %swap3A = arith.constant 0 : index
    %swap3A_22 = arith.constant 0 : index
    %swap3A_23 = vector.load %arg4[%swap3A, %swap3A_22] : memref<10000x128xf32, #tpu.memory_space<vmem>>, vector<10000x128xf32>
    tpu.vector_store %arg4[%swap3A, %swap3A_22], %add3A_21 {strides = array<i32>} : memref<10000x128xf32, #tpu.memory_space<vmem>>, vector<10000x128xf32>,
    return
  }
}

</mosaic_0001>

<sc_bundles>
// kernel: kernel.10.cloned.1.call-start
scs
__scs_entry_jumppad:
0x0: {  	(pc) =	sbr.rel $0x88, $3  }
0x1: {  	(tag) =	ssettag $0x0;
	lr =	simm.s32 $0x1  }
0x2: {  	[smem:$0x3F9B] =	sst lr;
	_ =	strace $0xD0000000  }
0x3: {  	_ = 	snop  }
0x4: {  	_ = 	snop  }
0x5: {  	_ = 	snop  }
0x6: {  	_ = 	snop  }
0x7: {  	_ = 	snop  }
__scs_overlays_trampoline_lowered:
0x8: {  	[smem:$0x3FAA] =	sst s0  }
0x9: {  	[smem:$0x3FAB] =	sst s1  }
0xa: {  	[smem:$0x3FAC] =	sst s2  }
0xb: {  	[smem:$0x3FAD] =	sst s3  }
0xc: {  	[smem:$0x3FAE] =	sst s4  }
0xd: {  	[smem:$0x3FAF] =	sst s5  }
0xe: {  	[smem:$0x3FB0] =	sst s6  }
0xf: {  	[smem:$0x3FB1] =	sst s7  }
0x10: {  	[smem:$0x3FB2] =	sst s8  }
0x11: {  	[smem:$0x3FB3] =	sst s9;
	s0 =	simm.s32 @!p0 $0x0  }
0x12: {  	s1 =	sld [smem:$0x3F99];
	s0 =	simm.s32 @p0 $0x1  }
0x13: {  	[smem:$0x3FB4] =	sst s0;
	s0 =	simm.s32 @!p1 $0x0  }
0x14: {  	s2 =	sld [smem:$0x3F98];
	s0 =	simm.s32 @p1 $0x1  }
0x15: {  	[smem:$0x3FB5] =	sst s0;
	s0 =	simm.s32 @!p2 $0x0  }
0x16: {  	s3 =	sld [smem:$0x3FDB];
	s0 =	simm.s32 @p2 $0x1  }
0x17: {  	s4 =	simm.s32 $0x1BF5;
	[smem:$0x3FB7] =	sst s0  }
0x18: {  	s0 =	sld [smem:$0x3F9A];
	_ =	swait.ge [sflag:s4], $0x0  }
0x19: {  	s7 =	sld [smem:$0x3F9B]  }
0x1a: {  	s8 =	sadd.s32 $0xFFFFE003, lr  }
0x1b: {  	s9 =	sadd.s32 $0xFFFFFEF7, lr;
	s5 =	simm.s32 $0xFFFFFFFF;
	p2 =	slt.u32 s8, $0xFFFFF086  }
0x1c: {  	p1 =	slt.u32 s9, $0xF7A;
	s5 =	simm.s32 @!p2 $0x0  }
0x1d: {  	s5 =	simm.s32 @p1 $0x1;
	p0 =	seq.s32 s7, s2  }
0x1e: {  	s7 =	smul.u32 @!p0 $0xF7A, s2;
	p2 =	seq.s32 @!p0 s5, $0x0  }
0x1f: {  	s9 =	smul.u32 $0xF7A, s1;
	s8 =	simm.s32 @!p0 $0x1BF5;
	p2 =	por !p2, p0  }
0x20: {  	[sflag:s8] =	ssyncset.s32 @!p0 $0xFFFFF086;
	s6 =	sadd.s32 @!p0 s3, s7;
	s7 =	simm.s32 @!p0 $0x108  }
0x21: {  	s3 =	sadd.s32 s3, s9;
	s6 =	sadd.s32 @!p0 $0x88, s6;
	s7 =	simm.s32 @p2 $0x1082  }
0x22: {  	[simem:s7], [sflag:s8] =	dma.local @!p0 [hbm:s6], $0xF7A  }
0x23: {  	s9 =	sor.u32 $0xD0000000, s2;
	s6 =	simm.s32 $0x108;
	_ =	swait.ge @!p0 [sflag:s8], $0x0  }
0x24: {  	s3 =	sadd.s32 $0x88, s3;
	s6 =	simm.s32 @!p1 $0x1082;
	[sflag:s4] =	ssyncset.s32 $0xFFFFF086  }
0x25: {  	[simem:s6], [sflag:s4] =	dma.local [hbm:s3], $0xF7A  }
0x26: {  	[smem:$0x3F9B] =	sst s1;
	(tag) =	ssettag s2;
	_ =	strace s9  }
0x27: {  	s1 =	sld [smem:$0x3FAB]  }
0x28: {  	s2 =	sld [smem:$0x3FAC]  }
0x29: {  	s4 =	sld [smem:$0x3FAE]  }
0x2a: {  	p0 =	seq.s32 s5, $0x0;
	s5 =	sld [smem:$0x3FAF]  }
0x2b: {  	s6 =	sld [smem:$0x3FB0]  }
0x2c: {  	s7 =	sld [smem:$0x3FB1]  }
0x2d: {  	s3 =	simm.s32 $0x108;
	s8 =	sld [smem:$0x3FB2]  }
0x2e: {  	s3 =	simm.s32 @!p0 $0x1082;
	s9 =	sld [smem:$0x3FB3]  }
0x2f: {  	lr =	sadd.s32 s0, s3;
	s0 =	sld [smem:$0x3FAA]  }
0x30: {  	s3 =	sld [smem:$0x3FAD]  }
0x31: {  	[smem:$0x3FB6] =	sst s10  }
0x32: {  	s10 =	sld [smem:$0x3FB4];
	_ =	sdelay $0x3  }
0x33: {  	p0 =	seq.s32 s10, $0x1;
	s10 =	sld [smem:$0x3FB6];
	_ =	sdelay $0x3  }
0x34: {  	[smem:$0x3FB6] =	sst s10  }
0x35: {  	s10 =	sld [smem:$0x3FB5];
	_ =	sdelay $0x3  }
0x36: {  	p1 =	seq.s32 s10, $0x1;
	s10 =	sld [smem:$0x3FB6];
	_ =	sdelay $0x3  }
0x37: {  	[smem:$0x3FB6] =	sst s10  }
0x38: {  	s10 =	sld [smem:$0x3FB7]  }
0x39: {  	_ = 	snop;
	(pc) =	sbr.ind lr, $3  }
0x3a: {  	_ = 	snop  }
0x3b: {  	_ = 	snop  }
0x3c: {  	p2 =	seq.s32 s10, $0x1;
	s10 =	sld [smem:$0x3FB6]  }
0x3d: {  	_ =	shalt  }
0x3e: {  	_ =	shalt  }
0x3f: {  	_ =	shalt  }
0x40: {  	_ =	shalt  }
0x41: {  	_ =	shalt  }
0x42: {  	_ =	shalt  }
0x43: {  	_ =	shalt  }
0x44: {  	_ =	shalt  }
0x45: {  	_ =	shalt  }
0x46: {  	_ =	shalt  }
0x47: {  	_ =	shalt  }
0x48: {  	_ =	shalt  }
0x49: {  	_ =	shalt  }
0x4a: {  	_ =	shalt  }
0x4b: {  	_ =	shalt  }
0x4c: {  	_ =	shalt  }
0x4d: {  	_ =	shalt  }
0x4e: {  	_ =	shalt  }
0x4f: {  	_ =	shalt  }
0x50: {  	_ =	shalt  }
0x51: {  	_ =	shalt  }
0x52: {  	_ =	shalt  }
0x53: {  	_ =	shalt  }
0x54: {  	_ =	shalt  }
0x55: {  	_ =	shalt  }
0x56: {  	_ =	shalt  }
0x57: {  	_ =	shalt  }
0x58: {  	_ =	shalt  }
0x59: {  	_ =	shalt  }
0x5a: {  	_ =	shalt  }
0x5b: {  	_ =	shalt  }
0x5c: {  	_ =	shalt  }
0x5d: {  	_ =	shalt  }
0x5e: {  	_ =	shalt  }
0x5f: {  	_ =	shalt  }
0x60: {  	_ =	shalt  }
0x61: {  	_ =	shalt  }
0x62: {  	_ =	shalt  }
0x63: {  	_ =	shalt  }
0x64: {  	_ =	shalt  }
0x65: {  	_ =	shalt  }
0x66: {  	_ =	shalt  }
0x67: {  	_ =	shalt  }
0x68: {  	_ =	shalt  }
0x69: {  	_ =	shalt  }
0x6a: {  	_ =	shalt  }
0x6b: {  	_ =	shalt  }
0x6c: {  	_ =	shalt  }
0x6d: {  	_ =	shalt  }
0x6e: {  	_ =	shalt  }
0x6f: {  	_ =	shalt  }
0x70: {  	_ =	shalt  }
0x71: {  	_ =	shalt  }
0x72: {  	_ =	shalt  }
0x73: {  	_ =	shalt  }
0x74: {  	_ =	shalt  }
0x75: {  	_ =	shalt  }
0x76: {  	_ =	shalt  }
0x77: {  	_ =	shalt  }
0x78: {  	_ =	shalt  }
0x79: {  	_ =	shalt  }
0x7a: {  	_ =	shalt  }
0x7b: {  	_ =	shalt  }
0x7c: {  	_ =	shalt  }
0x7d: {  	_ =	shalt  }
0x7e: {  	_ =	shalt  }
0x7f: {  	_ =	shalt  }
0x80: {  	_ =	shalt  }
0x81: {  	_ =	shalt  }
0x82: {  	_ =	shalt  }
0x83: {  	_ =	shalt  }
0x84: {  	_ =	shalt  }
0x85: {  	_ =	shalt  }
0x86: {  	_ =	shalt  }
0x87: {  	_ =	shalt  }
.Lfunc_end0:
.L_simem_size_0:
called_computation.1_lowered:
.L_overlay_start_0:
0x88: {  	s2 =	sld [smem:$0x3FD9]  }
0x89: {  	s3 =	sld [smem:$0x3FFE];
	_ =	sdelay $0x1  }
0x8a: {  	s1 =	srdreg.scid  }
0x8b: {  	s0 =	sand.u32 $0x1, s1  }
0x8c: {  	s17 =	sshll.u32 s0, $0xA;
	s2 =	sadd.s32 s3, s2  }
0x8d: {  	s2 =	sadd.s32 s2, s17  }
0x8e: {  	[smem:$0x3FC2] =	sst s2  }
0x8f: {  	_ = 	snop  }
0x90: {  	s2 =	sld [smem:$0x3FD0];
	(tm) =	ssettm $0x1  }
0x91: {  	s18 =	sld [smem:$0x3FFB];
	_ =	sdelay $0x3  }
0x92: {  	_ =	strace s18  }
0x93: {  	s3 =	sld [smem:$0x3FFC];
	_ =	sdelay $0x3  }
0x94: {  	_ =	strace s3  }
0x95: {  	s3 =	sld [smem:$0x3FFD];
	_ =	sdelay $0x3  }
0x96: {  	_ =	strace s3  }
0x97: {  	_ =	strace $0x8FFFFFFF  }
0x98: {  	s19 =	sld [smem:$0x3FDB];
	_ =	sdelay $0x1  }
0x99: {  	s4 =	simm.s32 $_scs_section_size  }
0x9a: {  	s5 =	simm.s32 $_size__tile_overlayer_lowered;
	s6 =	simm.s32 $_tile_overlayer_lowered  }
0x9b: {  	s22 =	simm.s32 $0x1BFF;
	s21 =	sshll.u32 s6, $0x1;
	s3 =	sadd.s32 s4, s19  }
0x9c: {  	s7 =	simm.s32 $0x0;
	s20 =	sshll.u32 s5, $0x1;
	s5 =	sadd.s32 s21, s3  }
0x9d: {  	[timem:s7], [sflag:s22] =	dma.local [hbm:s5], s20  }
0x9e: {  	_ =	swait.ge [sflag:s22], s20  }
0x9f: {  	s4 =	ssub.s32 $0x0, s20;
	[sflag:s22] =	ssyncset.done $0x0  }
0xa0: {  	[sflag:s22] =	ssyncadd.s32 s4;
	_ =	sdelay $0x1  }
0xa1: {  	s23 =	simm.s32 $0x1B8B  }
0xa2: {  	_ =	swait.ge [sflag:s23], $0x1  }
0xa3: {  	[sflag:s23] =	ssyncset.done $0x0  }
0xa4: {  	s25 =	simm.s32 $0x1B8E;
	s24 =	sld [smem:$0x3FFE];
	[sflag:s23] =	ssyncadd.s32 $0xFFFFFFFF  }
0xa5: {  	s26 =	simm.s32 $execute0_lowered;
	[smem:$0x3FD2] =	sst s25  }
0xa6: {  	s5 =	sshll.u32 s26, $0x1;
	_ =	strace $0x80000049;
	[dreg:$0x1] =	wrdreg $0xFFFFFFFF  }
0xa7: {  	s28 =	simm.s32 $_size_execute0_lowered;
	s3 =	sadd.s32 s3, s5;
	[dreg:$0x0] =	wrdreg $0x0  }
0xa8: {  	s5 =	sshll.u32 s28, $0x1;
	[dreg:$0x2] =	wrdreg s3  }
0xa9: {  	[dreg:$0x3] =	wrdreg s5  }
0xaa: {  	[dreg:$0x4] =	wrdreg $0xC0  }
0xab: {  	_ =	task [dreg:s7], $0x5FFFF  }
0xac: {  	[dreg:$0x1] =	wrdreg $0xFFFFFFFF  }
0xad: {  	[dreg:$0x0] =	wrdreg $0x60  }
0xae: {  	[dreg:$0x2] =	wrdreg s24  }
0xaf: {  	[dreg:$0x3] =	wrdreg s2  }
0xb0: {  	[dreg:$0x4] =	wrdreg $0xB2200  }
0xb1: {  	[dreg:$0x5] =	wrdreg $0x9  }
0xb2: {  	_ =	task.clear_ibuf [dreg:s7], $0x6FFFF;
	_ =	strace $0x90000049  }
0xb3: {  	s29 =	simm.s32 $0x9;
	_ =	strace $0x8000004B  }
0xb4: {  	_ =	swait.ge [sflag:s29], $0x1  }
0xb5: {  	[sflag:s29] =	ssyncadd.s32 $0xFFFFFFFF  }
0xb6: {  	_ =	strace $0x9000004B  }
0xb7: {  	_ =	sfence  }
0xb8: {  	s30 =	sld [smem:$0x0];
	_ =	sdelay $0x2  }
0xb9: {  	s31 =	sshll.u32 s1, $0xD;
	s1 =	sshrl.u32 s1, $0x2  }
0xba: {  	s3 =	sand.u32 $0x4000, s31;
	s1 =	sadd.s32 s1, s30  }
0xbb: {  	s0 =	sor.u32 s3, s0;
	s1 =	sshll.u32 s1, $0x11  }
0xbc: {  	s0 =	sor.u32 s1, s0  }
0xbd: {  	s0 =	sadd.s32 $0x8F2B, s0  }
0xbe: {  	[sflag:s0] =	ssyncadd.remote.s32 $0x1  }
0xbf: {  	_ =	sfence.sel $0xFFFF  }
0xc0: {  	[dreg:$0x0] =	wrdreg $0xFFFFFFFF;
	(pc) =	sbr.abs _section_cstart, $3  }
0xc1: {  	[dreg:$0x1] =	wrdreg $0xFFFFFFFF  }
0xc2: {  	_ =	task.clear_ibuf [dreg:s7], $0x2FFFF;
	_ =	strace $0x9FFFFFFF  }
0xc3: {  	(tm) =	ssettm $0x7FFFFFFF  }
tec
execute0_lowered:
.L_overlay_start_1:
0x0: {  	(tag) =	ssettag $0x1  }
0x1: {  	s0 =	srdreg.scid;
	s1 =	rddreg [dreg:$0x0]  }
0x2: {  	s12 =	stileid.u32;
	s2 =	rddreg [dreg:$0x1];
	s14 =	simm.s32 $0x1  }
0x3: {  	s15 =	simm.s32 $0x2;
	s16 =	simm.s32 $0xB;
	s17 =	simm.s32 $0x50  }
0x4: {  	s18 =	simm.s32 $0x4E20;
	s19 =	simm.s32 $0x6220;
	s21 =	simm.s32 $0x7620  }
0x5: {  	s23 =	simm.s32 $0x8A20;
	s28 =	simm.s32 $0x4;
	s29 =	simm.s32 $0x5  }
0x6: {  	s30 =	simm.s32 $0x6;
	s31 =	simm.s32 $0x7;
	s13 =	simm.s32 $0xA  }
0x7: {  	s20 =	simm.s32 $0x0;
	s0 =	sand.u32 $0x1, s0;
	s6 =	smul.u32 $0xA000, s12  }
0x8: {  	s9 =	sadd.s32 $0x15400, s1;
	s11 =	smov.u32 s2;
	s3 =	sshll.u32 s0, $0x4  }
0x9: {  	s7 =	smul.u32 $0xA0000, s0;
	s8 =	ssub.s32 $0x2, s0;
	p0 =	seq.s32 s0, $0x1  }
0xa: {  	s0 =	simm.s32 $0x9;
	s4 =	sor.u32 s12, s3;
	s3 =	rddreg [dreg:$0x2]  }
0xb: {  	s10 =	sshrl.u32 s8, $0x1;
	s25 =	sshrl.u32 s6, $0x3;
	s11 =	smov.u32 @p0 s9  }
0xc: {  	s5 =	smul.u32 $0x4E2, s4;
	s4 =	simm.s32 $0x0;
	s7 =	sadd.s32 s6, s7  }
0xd: {  	s8 =	ssub.s32 s8, s10;
	s24 =	sadd.s32 s6, s3;
	s9 =	sadd.s32 s11, s25  }
0xe: {  	s10 =	sshll.u32 s12, $0x6;
	s25 =	simm.s32 $0x9E20;
	[smem:$0x7FF] =	sst s4  }
0xf: {  	s7 =	sshrl.u32 s7, $0x3;
	s8 =	smax.u32 s8, $0x1;
	s11 =	sor.u32 $0x1C0B, s10  }
0x10: {  	s12 =	sshrl.u32 s24, $0x3;
	s24 =	simm.s32 $0xC;
	s5 =	sadd.s32 s5, s1  }
0x11: {  	_ =	strace $0x8000004A;
	s1 =	sadd.s32 s7, s1;
	s26 =	sadd.s32 $0xB600, s5  }
0x12: {  	s5 =	sadd.s32 $0x1800, s5;
	s7 =	sadd.s32 $0x29400, s1;
	[dreg:$0x4] =	wrdreg s26  }
0x13: {  	s1 =	simm.s32 $0x8;
	[dreg:$0x5] =	wrdreg s5;
	s26 =	simm.s32 $0x3  }
.LBB2_1:
0x14: {  	[spmem:s12], [sflag:s11] =	dma.local [hbm:s9], $0x1400  }
0x15: {  	s5 =	rddreg [dreg:$0x4]  }
0x16: {  	[tilespmem:s4], [sflag:$0x1] =	stream.linear.gather [hbm4b:s5+s4], $0x2710, $0x38;
	[tilespmem:$0x15220] =	vst v63  }
0x17: {  	s6 =	simm.s32 $0x2710;
	s22 =	rddreg [dreg:$0x5]  }
0x18: {  	[tilespmem:s6], [sflag:$0x2] =	stream.linear.gather [hbm4b:s22+s4], $0x2710, $0x38;
	[tilespmem:$0x15220] =	vst v63  }
0x19: {  	_ =	swait.ge [sflag:s14], $0x2710  }
0x1a: {  	[sflag:s14] =	ssyncset.done $0x0  }
0x1b: {  	[sflag:s14] =	ssyncadd.s32 $0xFFFFD8F0  }
0x1c: {  	_ =	swait.ge [sflag:s15], $0x2710  }
0x1d: {  	[sflag:s15] =	ssyncset.done $0x0  }
0x1e: {  	[sflag:s15] =	ssyncadd.s32 $0xFFFFD8F0  }
0x1f: {  	_ =	swait.ge [sflag:s16], $0x1400  }
0x20: {  	[sflag:s16] =	ssyncset.done $0x0  }
0x21: {  	[sflag:s16] =	ssyncadd.s32 $0xFFFFEC00  }
0x22: {  	[bflag:$0x0] =	sbarrier.arrive $0xFFFF  }
0x23: {  	[tilespmem:s18], [sflag:$0x1] =	stream.indirect.gather [hbm4b:s2+s17], $0x40, s4, s17, $0xb8;
	[tilespmem:$0x15220] =	vst v63  }
0x24: {  	_ = 	snop  }
0x25: {  	[tilespmem:s19], [sflag:$0x2] =	stream.indirect.gather [hbm4b:s2+s17], $0x40, s17, s17, $0xb8;
	[tilespmem:$0x15220] =	vst v63  }
0x26: {  	s6 =	simm.s32 $0xA0  }
0x27: {  	[tilespmem:s21], [sflag:$0x3] =	stream.indirect.gather [hbm4b:s2+s17], $0x40, s6, s17, $0xb8;
	[tilespmem:$0x15220] =	vst v63  }
0x28: {  	s22 =	simm.s32 $0xF0  }
0x29: {  	[tilespmem:s23], [sflag:$0x4] =	stream.indirect.gather [hbm4b:s2+s17], $0x40, s22, s17, $0xb8;
	[tilespmem:$0x15220] =	vst v63  }
0x2a: {  	s6 =	simm.s32 $0x140  }
0x2b: {  	[tilespmem:s25], [sflag:$0x5] =	stream.indirect.gather [hbm4b:s2+s17], $0x40, s6, s17, $0xb8;
	[tilespmem:$0x15220] =	vst v63  }
0x2c: {  	_ =	swait.ge [sflag:s14], $0x1400  }
0x2d: {  	[sflag:s14] =	ssyncset.done $0x0  }
0x2e: {  	s22 =	simm.s32 $0x2710;
	[sflag:s14] =	ssyncadd.s32 $0xFFFFEC00  }
0x2f: {  	[spmem:s3] =	stream.indirect.scatter.add.f32 [tilespmem:s18], [sflag:$0x6], $0x40, s22, s17, $0xb8;
	[tilespmem:$0x15220] =	vst v63  }
0x30: {  	_ =	swait.ge [sflag:s15], $0x1400  }
0x31: {  	[sflag:s15] =	ssyncset.done $0x0  }
0x32: {  	s6 =	simm.s32 $0x2760;
	[sflag:s15] =	ssyncadd.s32 $0xFFFFEC00  }
0x33: {  	[spmem:s3] =	stream.indirect.scatter.add.f32 [tilespmem:s19], [sflag:$0x7], $0x40, s6, s17, $0xb8;
	[tilespmem:$0x15220] =	vst v63  }
0x34: {  	_ =	swait.ge [sflag:s26], $0x1400  }
0x35: {  	[sflag:s26] =	ssyncset.done $0x0  }
0x36: {  	s22 =	simm.s32 $0x27B0;
	[sflag:s26] =	ssyncadd.s32 $0xFFFFEC00  }
0x37: {  	[spmem:s3] =	stream.indirect.scatter.add.f32 [tilespmem:s21], [sflag:$0x8], $0x40, s22, s17, $0xb8;
	[tilespmem:$0x15220] =	vst v63  }
0x38: {  	_ =	swait.ge [sflag:s28], $0x1400  }
0x39: {  	[sflag:s28] =	ssyncset.done $0x0  }
0x3a: {  	s6 =	simm.s32 $0x2800;
	[sflag:s28] =	ssyncadd.s32 $0xFFFFEC00  }
0x3b: {  	[spmem:s3] =	stream.indirect.scatter.add.f32 [tilespmem:s23], [sflag:$0x9], $0x40, s6, s17, $0xb8;
	[tilespmem:$0x15220] =	vst v63  }
0x3c: {  	_ =	swait.ge [sflag:s29], $0x1400  }
0x3d: {  	[sflag:s29] =	ssyncset.done $0x0  }
0x3e: {  	s22 =	simm.s32 $0x2850;
	[sflag:s29] =	ssyncadd.s32 $0xFFFFEC00  }
0x3f: {  	[spmem:s3] =	stream.indirect.scatter.add.f32 [tilespmem:s25], [sflag:$0xA], $0x40, s22, s17, $0xb8;
	[tilespmem:$0x15220] =	vst v63  }
0x40: {  	_ =	swait.ge [sflag:s30], $0x1400  }
0x41: {  	[sflag:s30] =	ssyncset.done $0x0  }
0x42: {  	s6 =	simm.s32 $0x190;
	[sflag:s30] =	ssyncadd.s32 $0xFFFFEC00  }
0x43: {  	[tilespmem:s18], [sflag:$0x1] =	stream.indirect.gather [hbm4b:s2+s17], $0x40, s6, s17, $0xb8;
	[tilespmem:$0x15220] =	vst v63  }
0x44: {  	_ =	swait.ge [sflag:s31], $0x1400  }
0x45: {  	[sflag:s31] =	ssyncset.done $0x0  }
0x46: {  	s22 =	simm.s32 $0x1E0;
	[sflag:s31] =	ssyncadd.s32 $0xFFFFEC00  }
0x47: {  	[tilespmem:s19], [sflag:$0x2] =	stream.indirect.gather [hbm4b:s2+s17], $0x40, s22, s17, $0xb8;
	[tilespmem:$0x15220] =	vst v63  }
0x48: {  	_ =	swait.ge [sflag:s1], $0x1400  }
0x49: {  	[sflag:s1] =	ssyncset.done $0x0  }
0x4a: {  	s6 =	simm.s32 $0x230;
	[sflag:s1] =	ssyncadd.s32 $0xFFFFEC00  }
0x4b: {  	[tilespmem:s21], [sflag:$0x3] =	stream.indirect.gather [hbm4b:s2+s17], $0x40, s6, s17, $0xb8;
	[tilespmem:$0x15220] =	vst v63  }
0x4c: {  	_ =	swait.ge [sflag:s0], $0x1400  }
0x4d: {  	[sflag:s0] =	ssyncset.done $0x0  }
0x4e: {  	s22 =	simm.s32 $0x280;
	[sflag:s0] =	ssyncadd.s32 $0xFFFFEC00  }
0x4f: {  	[tilespmem:s23], [sflag:$0x4] =	stream.indirect.gather [hbm4b:s2+s17], $0x40, s22, s17, $0xb8;
	[tilespmem:$0x15220] =	vst v63  }
0x50: {  	_ =	swait.ge [sflag:s13], $0x1400  }
0x51: {  	[sflag:s13] =	ssyncset.done $0x0  }
0x52: {  	s5 =	simm.s32 $0x2D0;
	s22 =	simm.s32 $0x640;
	[sflag:s13] =	ssyncadd.s32 $0xFFFFEC00  }
.LBB2_2:
0x53: {  	[tilespmem:s25], [sflag:$0x5] =	stream.indirect.gather [hbm4b:s2+s17], $0x40, s5, s17, $0xb8;
	[tilespmem:$0x15220] =	vst v63  }
0x54: {  	s5 =	smov.u32 s22  }
0x55: {  	p0 =	sne.s32 s22, $0x8FC0;
	s22 =	sadd.s32 $0x640, s22;
	_ =	swait.ge [sflag:s14], $0x1400  }
0x56: {  	s5 =	sshra.s32 s5, $0x2;
	[sflag:s14] =	ssyncset.done $0x0  }
0x57: {  	s6 =	sadd.s32 $0x2710, s5;
	[sflag:s14] =	ssyncadd.s32 $0xFFFFEC00  }
0x58: {  	[spmem:s3] =	stream.indirect.scatter.add.f32 [tilespmem:s18], [sflag:$0x6], $0x40, s6, s17, $0xb8;
	[tilespmem:$0x15220] =	vst v63  }
0x59: {  	_ =	swait.ge [sflag:s15], $0x1400  }
0x5a: {  	[sflag:s15] =	ssyncset.done $0x0  }
0x5b: {  	s6 =	sadd.s32 $0x2760, s5;
	[sflag:s15] =	ssyncadd.s32 $0xFFFFEC00  }
0x5c: {  	[spmem:s3] =	stream.indirect.scatter.add.f32 [tilespmem:s19], [sflag:$0x7], $0x40, s6, s17, $0xb8;
	[tilespmem:$0x15220] =	vst v63  }
0x5d: {  	_ =	swait.ge [sflag:s26], $0x1400  }
0x5e: {  	[sflag:s26] =	ssyncset.done $0x0  }
0x5f: {  	s6 =	sadd.s32 $0x27B0, s5;
	[sflag:s26] =	ssyncadd.s32 $0xFFFFEC00  }
0x60: {  	[spmem:s3] =	stream.indirect.scatter.add.f32 [tilespmem:s21], [sflag:$0x8], $0x40, s6, s17, $0xb8;
	[tilespmem:$0x15220] =	vst v63  }
0x61: {  	_ =	swait.ge [sflag:s28], $0x1400  }
0x62: {  	[sflag:s28] =	ssyncset.done $0x0  }
0x63: {  	s6 =	sadd.s32 $0x2800, s5;
	[sflag:s28] =	ssyncadd.s32 $0xFFFFEC00  }
0x64: {  	[spmem:s3] =	stream.indirect.scatter.add.f32 [tilespmem:s23], [sflag:$0x9], $0x40, s6, s17, $0xb8;
	[tilespmem:$0x15220] =	vst v63  }
0x65: {  	_ =	swait.ge [sflag:s29], $0x1400  }
0x66: {  	[sflag:s29] =	ssyncset.done $0x0  }
0x67: {  	s6 =	sadd.s32 $0x2850, s5;
	[sflag:s29] =	ssyncadd.s32 $0xFFFFEC00  }
0x68: {  	[spmem:s3] =	stream.indirect.scatter.add.f32 [tilespmem:s25], [sflag:$0xA], $0x40, s6, s17, $0xb8;
	[tilespmem:$0x15220] =	vst v63  }
0x69: {  	_ =	swait.ge [sflag:s30], $0x1400  }
0x6a: {  	[sflag:s30] =	ssyncset.done $0x0  }
0x6b: {  	s6 =	sadd.s32 $0x190, s5;
	[sflag:s30] =	ssyncadd.s32 $0xFFFFEC00  }
0x6c: {  	[tilespmem:s18], [sflag:$0x1] =	stream.indirect.gather [hbm4b:s2+s17], $0x40, s6, s17, $0xb8;
	[tilespmem:$0x15220] =	vst v63  }
0x6d: {  	_ =	swait.ge [sflag:s31], $0x1400  }
0x6e: {  	[sflag:s31] =	ssyncset.done $0x0  }
0x6f: {  	s6 =	sadd.s32 $0x1E0, s5;
	[sflag:s31] =	ssyncadd.s32 $0xFFFFEC00  }
0x70: {  	[tilespmem:s19], [sflag:$0x2] =	stream.indirect.gather [hbm4b:s2+s17], $0x40, s6, s17, $0xb8;
	[tilespmem:$0x15220] =	vst v63  }
0x71: {  	_ =	swait.ge [sflag:s1], $0x1400  }
0x72: {  	[sflag:s1] =	ssyncset.done $0x0  }
0x73: {  	s6 =	sadd.s32 $0x230, s5;
	[sflag:s1] =	ssyncadd.s32 $0xFFFFEC00  }
0x74: {  	[tilespmem:s21], [sflag:$0x3] =	stream.indirect.gather [hbm4b:s2+s17], $0x40, s6, s17, $0xb8;
	[tilespmem:$0x15220] =	vst v63  }
0x75: {  	_ =	swait.ge [sflag:s0], $0x1400  }
0x76: {  	[sflag:s0] =	ssyncset.done $0x0  }
.Ltmp0:
0x77: {  	s6 =	sadd.s32 $0x280, s5;
	[sflag:s0] =	ssyncadd.s32 $0xFFFFEC00;
	(pc) =	sbr.rel @p0 .LBB2_2-.Ltmp0, $4  }
0x78: {  	[tilespmem:s23], [sflag:$0x4] =	stream.indirect.gather [hbm4b:s2+s17], $0x40, s6, s17, $0xb8;
	[tilespmem:$0x15220] =	vst v63  }
0x79: {  	_ =	swait.ge [sflag:s13], $0x1400  }
0x7a: {  	[sflag:s13] =	ssyncset.done $0x0  }
0x7b: {  	s5 =	sadd.s32 $0x2D0, s5;
	[sflag:s13] =	ssyncadd.s32 $0xFFFFEC00  }
0x7c: {  	[tilespmem:s25], [sflag:$0x5] =	stream.indirect.gather [hbm4b:s2+s17], $0x40, s5, s17, $0xb8;
	[tilespmem:$0x15220] =	vst v63  }
0x7d: {  	_ =	swait.ge [sflag:s14], $0x1400  }
0x7e: {  	[sflag:s14] =	ssyncset.done $0x0  }
0x7f: {  	s6 =	simm.s32 $0x4C90;
	[sflag:s14] =	ssyncadd.s32 $0xFFFFEC00  }
0x80: {  	[spmem:s3] =	stream.indirect.scatter.add.f32 [tilespmem:s18], [sflag:$0x6], $0x40, s6, s17, $0xb8;
	[tilespmem:$0x15220] =	vst v63  }
0x81: {  	_ =	swait.ge [sflag:s15], $0x1400  }
0x82: {  	[sflag:s15] =	ssyncset.done $0x0  }
0x83: {  	s22 =	simm.s32 $0x4CE0;
	[sflag:s15] =	ssyncadd.s32 $0xFFFFEC00  }
0x84: {  	[spmem:s3] =	stream.indirect.scatter.add.f32 [tilespmem:s19], [sflag:$0x7], $0x40, s22, s17, $0xb8;
	[tilespmem:$0x15220] =	vst v63  }
0x85: {  	_ =	swait.ge [sflag:s26], $0x1400  }
0x86: {  	[sflag:s26] =	ssyncset.done $0x0  }
0x87: {  	s6 =	simm.s32 $0x4D30;
	[sflag:s26] =	ssyncadd.s32 $0xFFFFEC00  }
0x88: {  	[spmem:s3] =	stream.indirect.scatter.add.f32 [tilespmem:s21], [sflag:$0x8], $0x40, s6, s17, $0xb8;
	[tilespmem:$0x15220] =	vst v63  }
0x89: {  	_ =	swait.ge [sflag:s28], $0x1400  }
0x8a: {  	[sflag:s28] =	ssyncset.done $0x0  }
0x8b: {  	s22 =	simm.s32 $0x4D80;
	[sflag:s28] =	ssyncadd.s32 $0xFFFFEC00  }
0x8c: {  	[spmem:s3] =	stream.indirect.scatter.add.f32 [tilespmem:s23], [sflag:$0x9], $0x40, s22, s17, $0xb8;
	[tilespmem:$0x15220] =	vst v63  }
0x8d: {  	_ =	swait.ge [sflag:s29], $0x1400  }
0x8e: {  	[sflag:s29] =	ssyncset.done $0x0  }
0x8f: {  	s6 =	simm.s32 $0x4DD0;
	[sflag:s29] =	ssyncadd.s32 $0xFFFFEC00  }
0x90: {  	[spmem:s3] =	stream.indirect.scatter.add.f32 [tilespmem:s25], [sflag:$0xA], $0x40, s6, s17, $0xb8;
	[tilespmem:$0x15220] =	vst v63  }
0x91: {  	_ =	swait.ge [sflag:s30], $0x1400  }
0x92: {  	[sflag:s30] =	ssyncset.done $0x0  }
0x93: {  	[sflag:s30] =	ssyncadd.s32 $0xFFFFEC00  }
0x94: {  	_ =	swait.ge [sflag:s31], $0x1400  }
0x95: {  	[sflag:s31] =	ssyncset.done $0x0  }
0x96: {  	[sflag:s31] =	ssyncadd.s32 $0xFFFFEC00  }
0x97: {  	_ =	swait.ge [sflag:s1], $0x1400  }
0x98: {  	[sflag:s1] =	ssyncset.done $0x0  }
0x99: {  	[sflag:s1] =	ssyncadd.s32 $0xFFFFEC00  }
0x9a: {  	_ =	swait.ge [sflag:s0], $0x1400  }
0x9b: {  	[sflag:s0] =	ssyncset.done $0x0  }
0x9c: {  	[sflag:s0] =	ssyncadd.s32 $0xFFFFEC00  }
0x9d: {  	_ =	swait.ge [sflag:s13], $0x1400  }
0x9e: {  	s20 =	sadd.s32 $0x1, s20;
	[sflag:s13] =	ssyncset.done $0x0  }
0x9f: {  	p0 =	sne.s32 s20, s8;
	[sflag:s13] =	ssyncadd.s32 $0xFFFFEC00  }
.Ltmp1:
0xa0: {  	s22 =	sor.u32 $0x1C0C, s10;
	[bflag:$0x0] =	sbarrier.arrive $0xFFFF;
	(pc) =	sbr.rel @p0 .LBB2_1-.Ltmp1, $4  }
0xa1: {  	[hbm:s7], [sflag:s22] =	dma.local [spmem:s12], $0x1400  }
0xa2: {  	_ =	swait.ge [sflag:s24], $0x1400  }
0xa3: {  	[sflag:s24] =	ssyncset.done $0x0  }
0xa4: {  	[sflag:s24] =	ssyncadd.s32 $0xFFFFEC00  }
0xa5: {  	_ =	sfence.sel $0x180000  }
0xa6: {  	[bflag:$0x0] =	sbarrier.arrive $0xFFFF  }
0xa7: {  	_ =	strace $0x9000004A  }
0xa8: {  	s0 =	stileid.u32;
	[bflag:$0x2] =	sbarrier.arrive $0xFFFF  }
0xa9: {  	p0 =	sne.s32 s0, $0x0;
	s0 =	rddreg [dreg:$0x3]  }
0xaa: {  	s0 =	sadd.s32 @!p0 $0x100000, s0  }
0xab: {  	[sflag:s0] =	ssyncadd.tile.s32 @!p0 $0x1;
	_ =	shalt  }
.Lfunc_end2:
_tile_overlayer_lowered:
.L_overlay_start_2:
0xac: {  	(tag) =	ssettag $0x2  }
0xad: {  	s0 =	rddreg [dreg:$0x0];
	s2 =	stileid.u32  }
0xae: {  	s1 =	rddreg [dreg:$0x1];
	p0 =	sne.s32 s2, $0x0  }
0xaf: {  	s3 =	rddreg [dreg:$0x2];
	[bflag:$0x3] =	sbarrier.arrive $0xFFFF;
	s2 =	simm.s32 @!p0 $0x1C0C  }
0xb0: {  	[timem:s3], [sflag:s2] =	dma.local @!p0 [hbm:s0], s1  }
0xb1: {  	s0 =	simm.s32 @!p0 $0xC  }
0xb2: {  	_ =	swait.ge @!p0 [sflag:s0], s1  }
0xb3: {  	s1 =	ssub.s32 @!p0 $0x0, s1;
	[sflag:s0] =	ssyncset.done @!p0 $0x0  }
0xb4: {  	[sflag:s0] =	ssyncadd.s32 @!p0 s1  }
0xb5: {  	[bflag:$0x3] =	sbarrier.arrive $0xFFFF  }
0xb6: {  	_ =	shalt  }

// kernel: kernel.13.cloned.1.call-start
scs
__scs_entry_jumppad:
0x0: {  	(pc) =	sbr.rel $0x88, $3  }
0x1: {  	(tag) =	ssettag $0x0;
	lr =	simm.s32 $0x1  }
0x2: {  	[smem:$0x3F9B] =	sst lr;
	_ =	strace $0xD0000000  }
0x3: {  	_ = 	snop  }
0x4: {  	_ = 	snop  }
0x5: {  	_ = 	snop  }
0x6: {  	_ = 	snop  }
0x7: {  	_ = 	snop  }
__scs_overlays_trampoline_lowered:
0x8: {  	[smem:$0x3FAA] =	sst s0  }
0x9: {  	[smem:$0x3FAB] =	sst s1  }
0xa: {  	[smem:$0x3FAC] =	sst s2  }
0xb: {  	[smem:$0x3FAD] =	sst s3  }
0xc: {  	[smem:$0x3FAE] =	sst s4  }
0xd: {  	[smem:$0x3FAF] =	sst s5  }
0xe: {  	[smem:$0x3FB0] =	sst s6  }
0xf: {  	[smem:$0x3FB1] =	sst s7  }
0x10: {  	[smem:$0x3FB2] =	sst s8  }
0x11: {  	[smem:$0x3FB3] =	sst s9;
	s0 =	simm.s32 @!p0 $0x0  }
0x12: {  	s1 =	sld [smem:$0x3F99];
	s0 =	simm.s32 @p0 $0x1  }
0x13: {  	[smem:$0x3FB4] =	sst s0;
	s0 =	simm.s32 @!p1 $0x0  }
0x14: {  	s2 =	sld [smem:$0x3F98];
	s0 =	simm.s32 @p1 $0x1  }
0x15: {  	[smem:$0x3FB5] =	sst s0;
	s0 =	simm.s32 @!p2 $0x0  }
0x16: {  	s3 =	sld [smem:$0x3FDB];
	s0 =	simm.s32 @p2 $0x1  }
0x17: {  	s4 =	simm.s32 $0x1BF5;
	[smem:$0x3FB7] =	sst s0  }
0x18: {  	s0 =	sld [smem:$0x3F9A];
	_ =	swait.ge [sflag:s4], $0x0  }
0x19: {  	s7 =	sld [smem:$0x3F9B]  }
0x1a: {  	s8 =	sadd.s32 $0xFFFFE003, lr  }
0x1b: {  	s9 =	sadd.s32 $0xFFFFFEF7, lr;
	s5 =	simm.s32 $0xFFFFFFFF;
	p2 =	slt.u32 s8, $0xFFFFF086  }
0x1c: {  	p1 =	slt.u32 s9, $0xF7A;
	s5 =	simm.s32 @!p2 $0x0  }
0x1d: {  	s5 =	simm.s32 @p1 $0x1;
	p0 =	seq.s32 s7, s2  }
0x1e: {  	s7 =	smul.u32 @!p0 $0xF7A, s2;
	p2 =	seq.s32 @!p0 s5, $0x0  }
0x1f: {  	s9 =	smul.u32 $0xF7A, s1;
	s8 =	simm.s32 @!p0 $0x1BF5;
	p2 =	por !p2, p0  }
0x20: {  	[sflag:s8] =	ssyncset.s32 @!p0 $0xFFFFF086;
	s6 =	sadd.s32 @!p0 s3, s7;
	s7 =	simm.s32 @!p0 $0x108  }
0x21: {  	s3 =	sadd.s32 s3, s9;
	s6 =	sadd.s32 @!p0 $0x88, s6;
	s7 =	simm.s32 @p2 $0x1082  }
0x22: {  	[simem:s7], [sflag:s8] =	dma.local @!p0 [hbm:s6], $0xF7A  }
0x23: {  	s9 =	sor.u32 $0xD0000000, s2;
	s6 =	simm.s32 $0x108;
	_ =	swait.ge @!p0 [sflag:s8], $0x0  }
0x24: {  	s3 =	sadd.s32 $0x88, s3;
	s6 =	simm.s32 @!p1 $0x1082;
	[sflag:s4] =	ssyncset.s32 $0xFFFFF086  }
0x25: {  	[simem:s6], [sflag:s4] =	dma.local [hbm:s3], $0xF7A  }
0x26: {  	[smem:$0x3F9B] =	sst s1;
	(tag) =	ssettag s2;
	_ =	strace s9  }
0x27: {  	s1 =	sld [smem:$0x3FAB]  }
0x28: {  	s2 =	sld [smem:$0x3FAC]  }
0x29: {  	s4 =	sld [smem:$0x3FAE]  }
0x2a: {  	p0 =	seq.s32 s5, $0x0;
	s5 =	sld [smem:$0x3FAF]  }
0x2b: {  	s6 =	sld [smem:$0x3FB0]  }
0x2c: {  	s7 =	sld [smem:$0x3FB1]  }
0x2d: {  	s3 =	simm.s32 $0x108;
	s8 =	sld [smem:$0x3FB2]  }
0x2e: {  	s3 =	simm.s32 @!p0 $0x1082;
	s9 =	sld [smem:$0x3FB3]  }
0x2f: {  	lr =	sadd.s32 s0, s3;
	s0 =	sld [smem:$0x3FAA]  }
0x30: {  	s3 =	sld [smem:$0x3FAD]  }
0x31: {  	[smem:$0x3FB6] =	sst s10  }
0x32: {  	s10 =	sld [smem:$0x3FB4];
	_ =	sdelay $0x3  }
0x33: {  	p0 =	seq.s32 s10, $0x1;
	s10 =	sld [smem:$0x3FB6];
	_ =	sdelay $0x3  }
0x34: {  	[smem:$0x3FB6] =	sst s10  }
0x35: {  	s10 =	sld [smem:$0x3FB5];
	_ =	sdelay $0x3  }
0x36: {  	p1 =	seq.s32 s10, $0x1;
	s10 =	sld [smem:$0x3FB6];
	_ =	sdelay $0x3  }
0x37: {  	[smem:$0x3FB6] =	sst s10  }
0x38: {  	s10 =	sld [smem:$0x3FB7]  }
0x39: {  	_ = 	snop;
	(pc) =	sbr.ind lr, $3  }
0x3a: {  	_ = 	snop  }
0x3b: {  	_ = 	snop  }
0x3c: {  	p2 =	seq.s32 s10, $0x1;
	s10 =	sld [smem:$0x3FB6]  }
0x3d: {  	_ =	shalt  }
0x3e: {  	_ =	shalt  }
0x3f: {  	_ =	shalt  }
0x40: {  	_ =	shalt  }
0x41: {  	_ =	shalt  }
0x42: {  	_ =	shalt  }
0x43: {  	_ =	shalt  }
0x44: {  	_ =	shalt  }
0x45: {  	_ =	shalt  }
0x46: {  	_ =	shalt  }
0x47: {  	_ =	shalt  }
0x48: {  	_ =	shalt  }
0x49: {  	_ =	shalt  }
0x4a: {  	_ =	shalt  }
0x4b: {  	_ =	shalt  }
0x4c: {  	_ =	shalt  }
0x4d: {  	_ =	shalt  }
0x4e: {  	_ =	shalt  }
0x4f: {  	_ =	shalt  }
0x50: {  	_ =	shalt  }
0x51: {  	_ =	shalt  }
0x52: {  	_ =	shalt  }
0x53: {  	_ =	shalt  }
0x54: {  	_ =	shalt  }
0x55: {  	_ =	shalt  }
0x56: {  	_ =	shalt  }
0x57: {  	_ =	shalt  }
0x58: {  	_ =	shalt  }
0x59: {  	_ =	shalt  }
0x5a: {  	_ =	shalt  }
0x5b: {  	_ =	shalt  }
0x5c: {  	_ =	shalt  }
0x5d: {  	_ =	shalt  }
0x5e: {  	_ =	shalt  }
0x5f: {  	_ =	shalt  }
0x60: {  	_ =	shalt  }
0x61: {  	_ =	shalt  }
0x62: {  	_ =	shalt  }
0x63: {  	_ =	shalt  }
0x64: {  	_ =	shalt  }
0x65: {  	_ =	shalt  }
0x66: {  	_ =	shalt  }
0x67: {  	_ =	shalt  }
0x68: {  	_ =	shalt  }
0x69: {  	_ =	shalt  }
0x6a: {  	_ =	shalt  }
0x6b: {  	_ =	shalt  }
0x6c: {  	_ =	shalt  }
0x6d: {  	_ =	shalt  }
0x6e: {  	_ =	shalt  }
0x6f: {  	_ =	shalt  }
0x70: {  	_ =	shalt  }
0x71: {  	_ =	shalt  }
0x72: {  	_ =	shalt  }
0x73: {  	_ =	shalt  }
0x74: {  	_ =	shalt  }
0x75: {  	_ =	shalt  }
0x76: {  	_ =	shalt  }
0x77: {  	_ =	shalt  }
0x78: {  	_ =	shalt  }
0x79: {  	_ =	shalt  }
0x7a: {  	_ =	shalt  }
0x7b: {  	_ =	shalt  }
0x7c: {  	_ =	shalt  }
0x7d: {  	_ =	shalt  }
0x7e: {  	_ =	shalt  }
0x7f: {  	_ =	shalt  }
0x80: {  	_ =	shalt  }
0x81: {  	_ =	shalt  }
0x82: {  	_ =	shalt  }
0x83: {  	_ =	shalt  }
0x84: {  	_ =	shalt  }
0x85: {  	_ =	shalt  }
0x86: {  	_ =	shalt  }
0x87: {  	_ =	shalt  }
.Lfunc_end0:
.L_simem_size_0:
called_computation.2_lowered:
.L_overlay_start_0:
0x88: {  	s2 =	sld [smem:$0x3FD9]  }
0x89: {  	s3 =	sld [smem:$0x3FFE];
	_ =	sdelay $0x1  }
0x8a: {  	s1 =	srdreg.scid  }
0x8b: {  	s0 =	sand.u32 $0x1, s1  }
0x8c: {  	s17 =	sshll.u32 s0, $0xA;
	s2 =	sadd.s32 s3, s2  }
0x8d: {  	s2 =	sadd.s32 s2, s17  }
0x8e: {  	[smem:$0x3FC2] =	sst s2  }
0x8f: {  	_ = 	snop  }
0x90: {  	s2 =	sld [smem:$0x3FC6];
	(tm) =	ssettm $0x1  }
0x91: {  	s18 =	sld [smem:$0x3FFB];
	_ =	sdelay $0x3  }
0x92: {  	_ =	strace s18  }
0x93: {  	s3 =	sld [smem:$0x3FFC];
	_ =	sdelay $0x3  }
0x94: {  	_ =	strace s3  }
0x95: {  	s3 =	sld [smem:$0x3FFD];
	_ =	sdelay $0x3  }
0x96: {  	_ =	strace s3  }
0x97: {  	_ =	strace $0x8FFFFFFF  }
0x98: {  	s19 =	sld [smem:$0x3FDB];
	_ =	sdelay $0x1  }
0x99: {  	s4 =	simm.s32 $_scs_section_size  }
0x9a: {  	s5 =	simm.s32 $_size__tile_overlayer_lowered;
	s6 =	simm.s32 $_tile_overlayer_lowered  }
0x9b: {  	s22 =	simm.s32 $0x1BFF;
	s21 =	sshll.u32 s6, $0x1;
	s3 =	sadd.s32 s4, s19  }
0x9c: {  	s7 =	simm.s32 $0x0;
	s20 =	sshll.u32 s5, $0x1;
	s5 =	sadd.s32 s21, s3  }
0x9d: {  	[timem:s7], [sflag:s22] =	dma.local [hbm:s5], s20  }
0x9e: {  	_ =	swait.ge [sflag:s22], s20  }
0x9f: {  	s4 =	ssub.s32 $0x0, s20;
	[sflag:s22] =	ssyncset.done $0x0  }
0xa0: {  	[sflag:s22] =	ssyncadd.s32 s4;
	_ =	sdelay $0x1  }
0xa1: {  	s23 =	simm.s32 $0x1B8B  }
0xa2: {  	_ =	swait.ge [sflag:s23], $0x1  }
0xa3: {  	[sflag:s23] =	ssyncset.done $0x0  }
0xa4: {  	s25 =	simm.s32 $0x1B8E;
	s24 =	sld [smem:$0x3FFE];
	[sflag:s23] =	ssyncadd.s32 $0xFFFFFFFF  }
0xa5: {  	s26 =	simm.s32 $execute0_lowered;
	[smem:$0x3FD2] =	sst s25  }
0xa6: {  	s5 =	sshll.u32 s26, $0x1;
	_ =	strace $0x8000004C;
	[dreg:$0x1] =	wrdreg $0xFFFFFFFF  }
0xa7: {  	s28 =	simm.s32 $_size_execute0_lowered;
	s3 =	sadd.s32 s3, s5;
	[dreg:$0x0] =	wrdreg $0x0  }
0xa8: {  	s5 =	sshll.u32 s28, $0x1;
	[dreg:$0x2] =	wrdreg s3  }
0xa9: {  	[dreg:$0x3] =	wrdreg s5  }
0xaa: {  	[dreg:$0x4] =	wrdreg $0xC0  }
0xab: {  	_ =	task [dreg:s7], $0x5FFFF  }
0xac: {  	[dreg:$0x1] =	wrdreg $0xFFFFFFFF  }
0xad: {  	[dreg:$0x0] =	wrdreg $0x60  }
0xae: {  	[dreg:$0x2] =	wrdreg s24  }
0xaf: {  	[dreg:$0x3] =	wrdreg s2  }
0xb0: {  	[dreg:$0x4] =	wrdreg $0x152600  }
0xb1: {  	[dreg:$0x5] =	wrdreg $0x9  }
0xb2: {  	_ =	task.clear_ibuf [dreg:s7], $0x6FFFF;
	_ =	strace $0x9000004C  }
0xb3: {  	s29 =	simm.s32 $0x9;
	_ =	strace $0x8000004E  }
0xb4: {  	_ =	swait.ge [sflag:s29], $0x1  }
0xb5: {  	[sflag:s29] =	ssyncadd.s32 $0xFFFFFFFF  }
0xb6: {  	_ =	strace $0x9000004E  }
0xb7: {  	_ =	sfence  }
0xb8: {  	s30 =	sld [smem:$0x0];
	_ =	sdelay $0x2  }
0xb9: {  	s31 =	sshll.u32 s1, $0xD;
	s1 =	sshrl.u32 s1, $0x2  }
0xba: {  	s3 =	sand.u32 $0x4000, s31;
	s1 =	sadd.s32 s1, s30  }
0xbb: {  	s0 =	sor.u32 s3, s0;
	s1 =	sshll.u32 s1, $0x11  }
0xbc: {  	s0 =	sor.u32 s1, s0  }
0xbd: {  	s0 =	sadd.s32 $0x8F2B, s0  }
0xbe: {  	[sflag:s0] =	ssyncadd.remote.s32 $0x1  }
0xbf: {  	_ =	sfence.sel $0xFFFF  }
0xc0: {  	[dreg:$0x0] =	wrdreg $0xFFFFFFFF;
	(pc) =	sbr.abs _section_cstart, $3  }
0xc1: {  	[dreg:$0x1] =	wrdreg $0xFFFFFFFF  }
0xc2: {  	_ =	task.clear_ibuf [dreg:s7], $0x2FFFF;
	_ =	strace $0x9FFFFFFF  }
0xc3: {  	(tm) =	ssettm $0x7FFFFFFF  }
tec
execute0_lowered:
.L_overlay_start_1:
0x0: {  	(tag) =	ssettag $0x1  }
0x1: {  	s0 =	srdreg.scid  }
0x2: {  	s4 =	stileid.u32;
	s3 =	rddreg [dreg:$0x0];
	s28 =	simm.s32 $0x12A60  }
0x3: {  	s0 =	sand.u32 $0x1, s0;
	s7 =	sadd.s32 $0x29400, s3;
	s9 =	sadd.s32 $0x51400, s3  }
0x4: {  	s11 =	sadd.s32 $0x65400, s3;
	s1 =	sshll.u32 s0, $0x4;
	s5 =	smul.u32 $0xA0000, s0  }
0x5: {  	s25 =	ssub.s32 $0x2, s0;
	s1 =	sor.u32 s4, s1;
	s4 =	smul.u32 $0xA000, s4  }
0x6: {  	s13 =	sshrl.u32 s25, $0x1;
	s2 =	smul.u32 $0x4E2, s1;
	s1 =	simm.s32 $0x0  }
0x7: {  	s13 =	ssub.s32 s25, s13;
	[smem:$0x7FF] =	sst s1;
	s8 =	sshrl.u32 s4, $0x3  }
0x8: {  	s24 =	sadd.s32 s4, s5;
	s14 =	sadd.s32 $0x2000, s4;
	s6 =	sadd.s32 s2, s3  }
0x9: {  	s10 =	sadd.s32 s8, s3;
	s12 =	sshrl.u32 s24, $0x3;
	s2 =	sadd.s32 s7, s8  }
0xa: {  	s15 =	sshrl.u32 s14, $0x3;
	s8 =	sadd.s32 s9, s8;
	s21 =	sadd.s32 s5, s14  }
0xb: {  	s3 =	sadd.s32 s12, s3;
	[dreg:$0x4] =	wrdreg s8;
	s26 =	sadd.s32 s7, s15  }
0xc: {  	s8 =	sadd.s32 $0x4000, s4;
	s12 =	sadd.s32 s11, s12;
	[dreg:$0x5] =	wrdreg s26  }
0xd: {  	s16 =	sadd.s32 s9, s15;
	[dreg:$0x6] =	wrdreg s12;
	s17 =	sshrl.u32 s8, $0x3  }
0xe: {  	s15 =	sadd.s32 $0x6000, s4;
	[dreg:$0x7] =	wrdreg s16;
	s18 =	sadd.s32 s7, s17  }
0xf: {  	s19 =	sshrl.u32 s15, $0x3;
	s12 =	sadd.s32 s9, s17;
	[dreg:$0x8] =	wrdreg s18  }
0x10: {  	s16 =	sadd.s32 $0x8000, s4;
	[dreg:$0x9] =	wrdreg s12;
	s18 =	sadd.s32 s7, s19  }
0x11: {  	s17 =	sshrl.u32 s16, $0x3;
	s12 =	sadd.s32 s9, s19;
	[dreg:$0xa] =	wrdreg s18  }
0x12: {  	s22 =	sadd.s32 s5, s8;
	s7 =	sadd.s32 s7, s17;
	[dreg:$0xb] =	wrdreg s12  }
0x13: {  	s23 =	sadd.s32 s5, s15;
	s20 =	sadd.s32 s9, s17;
	[dreg:$0xc] =	wrdreg s7  }
0x14: {  	s25 =	sshrl.u32 s23, $0x3;
	[dreg:$0xd] =	wrdreg s20;
	s7 =	sshrl.u32 s21, $0x3  }
0x15: {  	s26 =	sadd.s32 s5, s16;
	s18 =	rddreg [dreg:$0x2];
	s7 =	sadd.s32 s11, s7  }
0x16: {  	s9 =	sshrl.u32 s22, $0x3;
	[dreg:$0xe] =	wrdreg s7;
	s7 =	sadd.s32 s11, s25  }
0x17: {  	s24 =	sadd.s32 s11, s9;
	[dreg:$0x10] =	wrdreg s7;
	s7 =	sshrl.u32 s26, $0x3  }
0x18: {  	s29 =	simm.s32 $0x13E60;
	[dreg:$0xf] =	wrdreg s24;
	s7 =	sadd.s32 s11, s7  }
0x19: {  	s5 =	sshrl.u32 s5, $0x3;
	s9 =	sadd.s32 $0x15400, s10;
	[dreg:$0x11] =	wrdreg s7  }
0x1a: {  	s10 =	sadd.s32 $0xB600, s6;
	_ =	strace $0x8000004D;
	[dreg:$0x12] =	wrdreg s9  }
0x1b: {  	s20 =	sadd.s32 s11, s5;
	s11 =	sadd.s32 $0x1800, s6;
	[dreg:$0x13] =	wrdreg s10  }
0x1c: {  	s30 =	simm.s32 $0x3;
	s12 =	sadd.s32 s14, s18;
	[dreg:$0x14] =	wrdreg s11  }
0x1d: {  	s31 =	simm.s32 $0x4;
	s14 =	sadd.s32 s8, s18;
	[dreg:$0x15] =	wrdreg s12  }
0x1e: {  	p0 =	seq.s32 s0, $0x0;
	s15 =	sadd.s32 s15, s18;
	[dreg:$0x16] =	wrdreg s14  }
0x1f: {  	p1 =	sne.s32 s0, $0x0;
	s16 =	sadd.s32 s16, s18;
	[dreg:$0x17] =	wrdreg s15  }
0x20: {  	s23 =	sadd.s32 $0x14400, s2;
	s17 =	sadd.s32 $0x8D400, s3;
	[dreg:$0x18] =	wrdreg s16  }
0x21: {  	s19 =	smax.u32 s13, $0x1;
	s22 =	sadd.s32 $0x14000, s2;
	[dreg:$0x19] =	wrdreg s17  }
0x22: {  	s13 =	simm.s32 $0x7;
	s5 =	simm.s32 $0xC;
	[dreg:$0x1a] =	wrdreg s19  }
0x23: {  	s21 =	sadd.s32 s4, s18;
	s24 =	sadd.s32 $0x14800, s2;
	[dreg:$0x1b] =	wrdreg s22  }
0x24: {  	s8 =	simm.s32 $0xCE20;
	s4 =	simm.s32 $0xAE20;
	[dreg:$0x1c] =	wrdreg s23  }
0x25: {  	s25 =	sadd.s32 $0x14C00, s2;
	s26 =	sadd.s32 $0x15000, s2;
	[dreg:$0x1d] =	wrdreg s24  }
0x26: {  	s6 =	simm.s32 $0x4E20;
	s7 =	simm.s32 $0x8E20;
	[dreg:$0x1e] =	wrdreg s25  }
0x27: {  	s16 =	stileid.u32;
	[dreg:$0x1f] =	wrdreg s26;
	s9 =	simm.s32 $0x6  }
0x28: {  	s10 =	simm.s32 $0x8;
	s11 =	simm.s32 $0x6E20;
	s14 =	simm.s32 $0x9  }
0x29: {  	s15 =	simm.s32 $0xA;
	s19 =	simm.s32 $0x1;
	s22 =	simm.s32 $0x2  }
0x2a: {  	s23 =	simm.s32 $0x50;
	s24 =	simm.s32 $0xEE60;
	s25 =	simm.s32 $0x10260  }
0x2b: {  	s26 =	simm.s32 $0x11660;
	s17 =	simm.s32 $0x5;
	s12 =	simm.s32 $0x0  }
.LBB2_1:
0x2c: {  	s3 =	sshll.u32 @!p0 s16, $0x6  }
0x2d: {  	s16 =	sshrl.u32 @!p0 s21, $0x3;
	s0 =	rddreg [dreg:$0x12];
	s3 =	sor.u32 @!p0 $0x1C0B, s3  }
0x2e: {  	[spmem:s16], [sflag:s3] =	dma.local @!p0 [hbm:s0], $0x1400  }
0x2f: {  	s0 =	rddreg [dreg:$0x13]  }
0x30: {  	[tilespmem:s1], [sflag:$0x1] =	stream.linear.gather [hbm4b:s0+s1], $0x2710, $0x38;
	[tilespmem:$0x1F260] =	vst v63  }
0x31: {  	s16 =	simm.s32 $0x2710;
	s3 =	rddreg [dreg:$0x14]  }
0x32: {  	[tilespmem:s16], [sflag:$0x2] =	stream.linear.gather [hbm4b:s3+s1], $0x2710, $0x38;
	[tilespmem:$0x1F260] =	vst v63  }
0x33: {  	s3 =	rddreg [dreg:$0x1];
	s16 =	simm.s32 $0xEE20  }
0x34: {  	[tilespmem:s16], [sflag:$0xC] =	stream.linear.gather [hbm4b:s3+s1], $0x40, $0x38;
	[tilespmem:$0x1F260] =	vst v63  }
0x35: {  	_ =	swait.ge [sflag:s5], $0x40  }
0x36: {  	[sflag:s5] =	ssyncset.done $0x0  }
0x37: {  	[sflag:s5] =	ssyncadd.s32 $0xFFFFFFC0  }
0x38: {  	v3 =	vld [tilespmem:$0xEE20]  }
0x39: {  	v2 =	vld [tilespmem:$0xEE30]  }
0x3a: {  	v1 =	vld [tilespmem:$0xEE40]  }
0x3b: {  	v0 =	vld [tilespmem:$0xEE50];
	[tilespmem:s6], [sflag:$0x6] =	stream.linear.gather [hbm4b:s2+s1], $0x2000, $0x38  }
0x3c: {  	s3 =	rddreg [dreg:$0x1b]  }
0x3d: {  	[tilespmem:s7], [sflag:$0x8] =	stream.linear.gather [hbm4b:s3+s1], $0x2000, $0x38;
	[tilespmem:$0x1F260] =	vst v63  }
0x3e: {  	s16 =	rddreg [dreg:$0x4]  }
0x3f: {  	[tilespmem:s8], [sflag:$0xC] =	stream.linear.gather [hbm4b:s16+s1], $0x2000, $0x38;
	[tilespmem:$0x1F260] =	vst v63  }
0x40: {  	_ =	swait.ge [sflag:s5], $0x2000  }
0x41: {  	[sflag:s5] =	ssyncset.done $0x0  }
0x42: {  	[sflag:s5] =	ssyncadd.s32 $0xFFFFE000  }
0x43: {  	_ =	swait.ge [sflag:s9], $0x2000  }
0x44: {  	[sflag:s9] =	ssyncset.done $0x0  }
0x45: {  	[sflag:s9] =	ssyncadd.s32 $0xFFFFE000  }
0x46: {  	_ =	swait.ge [sflag:s10], $0x2000  }
0x47: {  	[sflag:s10] =	ssyncset.done $0x0  }
0x48: {  	s3 =	rddreg [dreg:$0x5];
	[sflag:s10] =	ssyncadd.s32 $0xFFFFE000  }
0x49: {  	[tilespmem:s11], [sflag:$0x7] =	stream.linear.gather [hbm4b:s3+s1], $0x2000, $0x38;
	[tilespmem:$0x1F260] =	vst v63  }
0x4a: {  	s16 =	rddreg [dreg:$0x1c]  }
0x4b: {  	[tilespmem:s4], [sflag:$0x9] =	stream.linear.gather [hbm4b:s16+s1], $0x2000, $0x38;
	[tilespmem:$0x1F260] =	vst v63  }
0x4c: {  	s16 =	simm.s32 $0x0  }
0x4d: {  	v5 =	vld [tilespmem:s16+$0xCE20]  }
0x4e: {  	v4 =	vld [tilespmem:s16+$0xCE30]  }
0x4f: {  	v6 =	vld [tilespmem:s16+$0x8E20]  }
0x50: {  	v7 =	vld [tilespmem:s16+$0x8E30]  }
0x51: {  	v9 =	vld [tilespmem:s16+$0x8E40]  }
0x52: {  	v8 =	vld [tilespmem:s16+$0x8E50]  }
0x53: {  	v10 =	vld [tilespmem:s16+$0x4E20]  }
0x54: {  	v12 =	vld [tilespmem:s16+$0x4E30]  }
0x55: {  	s3 =	simm.s32 $0x100;
	v11 =	vld [tilespmem:s16+$0x4E40]  }
.LBB2_2:
0x56: {  	p2 =	sne.s32 s3, $0x7F00;
	v13 =	vld [tilespmem:s16+$0x4E50]  }
0x57: {  	v14 =	vld [tilespmem:s16+$0xCE40]  }
0x58: {  	v6 =	vadd.f32 v6, v10;
	v15 =	vld [tilespmem:s16+$0xCE50]  }
0x59: {  	v7 =	vadd.f32 v7, v12  }
0x5a: {  	v6 =	vmul.f32 v6, v5;
	v9 =	vadd.f32 v9, v11  }
0x5b: {  	s0 =	sshra.s32 s3, $0x2;
	v7 =	vmul.f32 v7, v4;
	v8 =	vadd.f32 v8, v13  }
0x5c: {  	v10 =	vld [tilespmem:s0+$0xCE20];
	v11 =	vadd.f32 v6, v3;
	v9 =	vmul.f32 v9, v14  }
0x5d: {  	v12 =	vld [tilespmem:s0+$0xCE30];
	v13 =	vadd.f32 v7, v2;
	v8 =	vmul.f32 v8, v15  }
0x5e: {  	v6 =	vld [tilespmem:s0+$0x8E20];
	v11 =	vmax.f32 v11, $0.0e+00;
	v16 =	vadd.f32 v9, v1  }
0x5f: {  	v7 =	vld [tilespmem:s0+$0x8E30];
	v17 =	vmul.f32 v11, v5;
	v11 =	vmax.f32 v13, $0.0e+00;
	v13 =	vadd.f32 v8, v0  }
.Ltmp0:
0x60: {  	v9 =	vld [tilespmem:s0+$0x8E40];
	v18 =	vmul.f32 v11, v4;
	v11 =	vmax.f32 v16, $0.0e+00;
	(pc) =	sbr.rel @p2 .LBB2_2-.Ltmp0, $4  }
0x61: {  	v8 =	vld [tilespmem:s0+$0x8E50];
	[tilespmem:s16+$0x4E20] =	vst v17;
	v11 =	vmul.f32 v11, v14;
	v13 =	vmax.f32 v13, $0.0e+00;
	v5 =	vmov v10  }
0x62: {  	v10 =	vld [tilespmem:s0+$0x4E20];
	[tilespmem:s16+$0x4E30] =	vst v18;
	v13 =	vmul.f32 v13, v15;
	v4 =	vmov v12  }
0x63: {  	v12 =	vld [tilespmem:s0+$0x4E30];
	[tilespmem:s16+$0x4E40] =	vst v11  }
0x64: {  	s3 =	sadd.s32 $0x100, s3;
	v11 =	vld [tilespmem:s0+$0x4E40];
	[tilespmem:s16+$0x4E50] =	vst v13;
	s16 =	smov.u32 s0  }
0x65: {  	v13 =	vld [tilespmem:s16+$0x4E50]  }
0x66: {  	v14 =	vld [tilespmem:s16+$0xCE40]  }
0x67: {  	v6 =	vadd.f32 v6, v10;
	v10 =	vld [tilespmem:s16+$0xCE50]  }
0x68: {  	v7 =	vadd.f32 v7, v12  }
0x69: {  	v6 =	vmul.f32 v6, v5;
	v9 =	vadd.f32 v9, v11  }
0x6a: {  	v7 =	vmul.f32 v7, v4;
	v8 =	vadd.f32 v8, v13  }
0x6b: {  	v6 =	vadd.f32 v6, v3;
	v9 =	vmul.f32 v9, v14  }
0x6c: {  	v7 =	vadd.f32 v7, v2;
	v8 =	vmul.f32 v8, v10  }
0x6d: {  	v6 =	vmax.f32 v6, $0.0e+00;
	v9 =	vadd.f32 v9, v1  }
0x6e: {  	v5 =	vmul.f32 v6, v5;
	v6 =	vmax.f32 v7, $0.0e+00;
	v7 =	vadd.f32 v8, v0  }
0x6f: {  	v4 =	vmul.f32 v6, v4;
	v6 =	vmax.f32 v9, $0.0e+00  }
0x70: {  	[tilespmem:s16+$0x4E20] =	vst v5;
	v5 =	vmul.f32 v6, v14;
	v6 =	vmax.f32 v7, $0.0e+00  }
0x71: {  	[tilespmem:s16+$0x4E30] =	vst v4;
	v4 =	vmul.f32 v6, v10  }
0x72: {  	[tilespmem:s16+$0x4E40] =	vst v5  }
0x73: {  	s0 =	rddreg [dreg:$0x6];
	[tilespmem:s16+$0x4E50] =	vst v4  }
0x74: {  	[hbm4b:s0+s1] =	stream.linear.scatter [tilespmem:s6], [sflag:$0xA], $0x2000, $0x38;
	[tilespmem:$0x1F260] =	vst v63  }
0x75: {  	s0 =	simm.s32 @!p1 $0x4E20  }
0x76: {  	[spmem:s21] =	stream.linear.scatter @!p1 [tilespmem:s0], [sflag:$0x5], $0x2000, $0x38;
	[tilespmem:$0x1F260] =	vst v63  }
0x77: {  	s3 =	rddreg [dreg:$0x7]  }
0x78: {  	[tilespmem:s8], [sflag:$0xC] =	stream.linear.gather [hbm4b:s3+s1], $0x2000, $0x38;
	[tilespmem:$0x1F260] =	vst v63  }
0x79: {  	_ =	swait.ge [sflag:s5], $0x2000  }
0x7a: {  	[sflag:s5] =	ssyncset.done $0x0  }
0x7b: {  	[sflag:s5] =	ssyncadd.s32 $0xFFFFE000  }
0x7c: {  	_ =	swait.ge [sflag:s13], $0x2000  }
0x7d: {  	[sflag:s13] =	ssyncset.done $0x0  }
0x7e: {  	[sflag:s13] =	ssyncadd.s32 $0xFFFFE000  }
0x7f: {  	_ =	swait.ge [sflag:s14], $0x2000  }
0x80: {  	[sflag:s14] =	ssyncset.done $0x0  }
0x81: {  	[sflag:s14] =	ssyncadd.s32 $0xFFFFE000  }
0x82: {  	_ =	swait.ge [sflag:s15], $0x2000  }
0x83: {  	[sflag:s15] =	ssyncset.done $0x0  }
0x84: {  	s0 =	simm.s32 @!p1 $0x5;
	[sflag:s15] =	ssyncadd.s32 $0xFFFFE000  }
0x85: {  	_ =	swait.ge @!p1 [sflag:s0], $0x2000  }
0x86: {  	[sflag:s0] =	ssyncset.done @!p1 $0x0  }
0x87: {  	s3 =	rddreg [dreg:$0x8];
	[sflag:s0] =	ssyncadd.s32 @!p1 $0xFFFFE000;
	s0 =	simm.s32 $0x0  }
0x88: {  	[tilespmem:s6], [sflag:$0x6] =	stream.linear.gather [hbm4b:s3+s0], $0x2000, $0x38;
	[tilespmem:$0x1F260] =	vst v63  }
0x89: {  	s16 =	rddreg [dreg:$0x1d]  }
0x8a: {  	[tilespmem:s7], [sflag:$0x8] =	stream.linear.gather [hbm4b:s16+s0], $0x2000, $0x38;
	[tilespmem:$0x1F260] =	vst v63  }
0x8b: {  	s16 =	simm.s32 $0x0  }
0x8c: {  	v5 =	vld [tilespmem:s16+$0xCE20]  }
0x8d: {  	v4 =	vld [tilespmem:s16+$0xCE30]  }
0x8e: {  	v6 =	vld [tilespmem:s16+$0xAE20]  }
0x8f: {  	v7 =	vld [tilespmem:s16+$0xAE30]  }
0x90: {  	v9 =	vld [tilespmem:s16+$0xAE40]  }
0x91: {  	v8 =	vld [tilespmem:s16+$0xAE50]  }
0x92: {  	v10 =	vld [tilespmem:s16+$0x6E20]  }
0x93: {  	v12 =	vld [tilespmem:s16+$0x6E30]  }
0x94: {  	s3 =	simm.s32 $0x100;
	v11 =	vld [tilespmem:s16+$0x6E40]  }
.LBB2_4:
0x95: {  	p2 =	sne.s32 s3, $0x7F00;
	v13 =	vld [tilespmem:s16+$0x6E50]  }
0x96: {  	v14 =	vld [tilespmem:s16+$0xCE40]  }
0x97: {  	v6 =	vadd.f32 v6, v10;
	v15 =	vld [tilespmem:s16+$0xCE50]  }
0x98: {  	v7 =	vadd.f32 v7, v12  }
0x99: {  	v6 =	vmul.f32 v6, v5;
	v9 =	vadd.f32 v9, v11  }
0x9a: {  	s0 =	sshra.s32 s3, $0x2;
	v7 =	vmul.f32 v7, v4;
	v8 =	vadd.f32 v8, v13  }
0x9b: {  	v10 =	vld [tilespmem:s0+$0xCE20];
	v11 =	vadd.f32 v6, v3;
	v9 =	vmul.f32 v9, v14  }
0x9c: {  	v12 =	vld [tilespmem:s0+$0xCE30];
	v13 =	vadd.f32 v7, v2;
	v8 =	vmul.f32 v8, v15  }
0x9d: {  	v6 =	vld [tilespmem:s0+$0xAE20];
	v11 =	vmax.f32 v11, $0.0e+00;
	v16 =	vadd.f32 v9, v1  }
0x9e: {  	v7 =	vld [tilespmem:s0+$0xAE30];
	v17 =	vmul.f32 v11, v5;
	v11 =	vmax.f32 v13, $0.0e+00;
	v13 =	vadd.f32 v8, v0  }
.Ltmp1:
0x9f: {  	v9 =	vld [tilespmem:s0+$0xAE40];
	v18 =	vmul.f32 v11, v4;
	v11 =	vmax.f32 v16, $0.0e+00;
	(pc) =	sbr.rel @p2 .LBB2_4-.Ltmp1, $4  }
0xa0: {  	v8 =	vld [tilespmem:s0+$0xAE50];
	[tilespmem:s16+$0x6E20] =	vst v17;
	v11 =	vmul.f32 v11, v14;
	v13 =	vmax.f32 v13, $0.0e+00;
	v5 =	vmov v10  }
0xa1: {  	v10 =	vld [tilespmem:s0+$0x6E20];
	[tilespmem:s16+$0x6E30] =	vst v18;
	v13 =	vmul.f32 v13, v15;
	v4 =	vmov v12  }
0xa2: {  	v12 =	vld [tilespmem:s0+$0x6E30];
	[tilespmem:s16+$0x6E40] =	vst v11  }
0xa3: {  	s3 =	sadd.s32 $0x100, s3;
	v11 =	vld [tilespmem:s0+$0x6E40];
	[tilespmem:s16+$0x6E50] =	vst v13;
	s16 =	smov.u32 s0  }
0xa4: {  	v13 =	vld [tilespmem:s16+$0x6E50]  }
0xa5: {  	v14 =	vld [tilespmem:s16+$0xCE40]  }
0xa6: {  	v6 =	vadd.f32 v6, v10;
	v10 =	vld [tilespmem:s16+$0xCE50]  }
0xa7: {  	v7 =	vadd.f32 v7, v12  }
0xa8: {  	v6 =	vmul.f32 v6, v5;
	v9 =	vadd.f32 v9, v11  }
0xa9: {  	v7 =	vmul.f32 v7, v4;
	v8 =	vadd.f32 v8, v13  }
0xaa: {  	v6 =	vadd.f32 v6, v3;
	v9 =	vmul.f32 v9, v14  }
0xab: {  	v7 =	vadd.f32 v7, v2;
	v8 =	vmul.f32 v8, v10  }
0xac: {  	v6 =	vmax.f32 v6, $0.0e+00;
	v9 =	vadd.f32 v9, v1  }
0xad: {  	v5 =	vmul.f32 v6, v5;
	v6 =	vmax.f32 v7, $0.0e+00;
	v7 =	vadd.f32 v8, v0  }
0xae: {  	v4 =	vmul.f32 v6, v4;
	v6 =	vmax.f32 v9, $0.0e+00  }
0xaf: {  	[tilespmem:s16+$0x6E20] =	vst v5;
	v5 =	vmul.f32 v6, v14;
	v6 =	vmax.f32 v7, $0.0e+00  }
0xb0: {  	[tilespmem:s16+$0x6E30] =	vst v4;
	v4 =	vmul.f32 v6, v10  }
0xb1: {  	[tilespmem:s16+$0x6E40] =	vst v5  }
0xb2: {  	s0 =	rddreg [dreg:$0xe];
	[tilespmem:s16+$0x6E50] =	vst v4  }
0xb3: {  	[hbm4b:s0+s1] =	stream.linear.scatter [tilespmem:s11], [sflag:$0xA], $0x2000, $0x38;
	[tilespmem:$0x1F260] =	vst v63  }
0xb4: {  	s3 =	rddreg [dreg:$0x15];
	s0 =	simm.s32 @!p1 $0x6E20  }
0xb5: {  	[spmem:s3] =	stream.linear.scatter @!p1 [tilespmem:s0], [sflag:$0x5], $0x2000, $0x38;
	[tilespmem:$0x1F260] =	vst v63  }
0xb6: {  	s3 =	rddreg [dreg:$0x9]  }
0xb7: {  	[tilespmem:s8], [sflag:$0xC] =	stream.linear.gather [hbm4b:s3+s1], $0x2000, $0x38;
	[tilespmem:$0x1F260] =	vst v63  }
0xb8: {  	_ =	swait.ge [sflag:s5], $0x2000  }
0xb9: {  	[sflag:s5] =	ssyncset.done $0x0  }
0xba: {  	[sflag:s5] =	ssyncadd.s32 $0xFFFFE000  }
0xbb: {  	_ =	swait.ge [sflag:s9], $0x2000  }
0xbc: {  	[sflag:s9] =	ssyncset.done $0x0  }
0xbd: {  	[sflag:s9] =	ssyncadd.s32 $0xFFFFE000  }
0xbe: {  	_ =	swait.ge [sflag:s10], $0x2000  }
0xbf: {  	[sflag:s10] =	ssyncset.done $0x0  }
0xc0: {  	[sflag:s10] =	ssyncadd.s32 $0xFFFFE000  }
0xc1: {  	_ =	swait.ge [sflag:s15], $0x2000  }
0xc2: {  	[sflag:s15] =	ssyncset.done $0x0  }
0xc3: {  	s0 =	simm.s32 @!p1 $0x5;
	[sflag:s15] =	ssyncadd.s32 $0xFFFFE000  }
0xc4: {  	_ =	swait.ge @!p1 [sflag:s0], $0x2000  }
0xc5: {  	[sflag:s0] =	ssyncset.done @!p1 $0x0  }
0xc6: {  	s16 =	rddreg [dreg:$0xa];
	[sflag:s0] =	ssyncadd.s32 @!p1 $0xFFFFE000;
	s0 =	simm.s32 $0x0  }
0xc7: {  	[tilespmem:s11], [sflag:$0x7] =	stream.linear.gather [hbm4b:s16+s0], $0x2000, $0x38;
	[tilespmem:$0x1F260] =	vst v63  }
0xc8: {  	s16 =	rddreg [dreg:$0x1e]  }
0xc9: {  	[tilespmem:s4], [sflag:$0x9] =	stream.linear.gather [hbm4b:s16+s0], $0x2000, $0x38;
	[tilespmem:$0x1F260] =	vst v63  }
0xca: {  	s16 =	simm.s32 $0x0  }
0xcb: {  	v5 =	vld [tilespmem:s16+$0xCE20]  }
0xcc: {  	v4 =	vld [tilespmem:s16+$0xCE30]  }
0xcd: {  	v6 =	vld [tilespmem:s16+$0x8E20]  }
0xce: {  	v7 =	vld [tilespmem:s16+$0x8E30]  }
0xcf: {  	v9 =	vld [tilespmem:s16+$0x8E40]  }
0xd0: {  	v8 =	vld [tilespmem:s16+$0x8E50]  }
0xd1: {  	v10 =	vld [tilespmem:s16+$0x4E20]  }
0xd2: {  	v12 =	vld [tilespmem:s16+$0x4E30]  }
0xd3: {  	s3 =	simm.s32 $0x100;
	v11 =	vld [tilespmem:s16+$0x4E40]  }
.LBB2_6:
0xd4: {  	p2 =	sne.s32 s3, $0x7F00;
	v13 =	vld [tilespmem:s16+$0x4E50]  }
0xd5: {  	v14 =	vld [tilespmem:s16+$0xCE40]  }
0xd6: {  	v6 =	vadd.f32 v6, v10;
	v15 =	vld [tilespmem:s16+$0xCE50]  }
0xd7: {  	v7 =	vadd.f32 v7, v12  }
0xd8: {  	v6 =	vmul.f32 v6, v5;
	v9 =	vadd.f32 v9, v11  }
0xd9: {  	s0 =	sshra.s32 s3, $0x2;
	v7 =	vmul.f32 v7, v4;
	v8 =	vadd.f32 v8, v13  }
0xda: {  	v10 =	vld [tilespmem:s0+$0xCE20];
	v11 =	vadd.f32 v6, v3;
	v9 =	vmul.f32 v9, v14  }
0xdb: {  	v12 =	vld [tilespmem:s0+$0xCE30];
	v13 =	vadd.f32 v7, v2;
	v8 =	vmul.f32 v8, v15  }
0xdc: {  	v6 =	vld [tilespmem:s0+$0x8E20];
	v11 =	vmax.f32 v11, $0.0e+00;
	v16 =	vadd.f32 v9, v1  }
0xdd: {  	v7 =	vld [tilespmem:s0+$0x8E30];
	v17 =	vmul.f32 v11, v5;
	v11 =	vmax.f32 v13, $0.0e+00;
	v13 =	vadd.f32 v8, v0  }
.Ltmp2:
0xde: {  	v9 =	vld [tilespmem:s0+$0x8E40];
	v18 =	vmul.f32 v11, v4;
	v11 =	vmax.f32 v16, $0.0e+00;
	(pc) =	sbr.rel @p2 .LBB2_6-.Ltmp2, $4  }
0xdf: {  	v8 =	vld [tilespmem:s0+$0x8E50];
	[tilespmem:s16+$0x4E20] =	vst v17;
	v11 =	vmul.f32 v11, v14;
	v13 =	vmax.f32 v13, $0.0e+00;
	v5 =	vmov v10  }
0xe0: {  	v10 =	vld [tilespmem:s0+$0x4E20];
	[tilespmem:s16+$0x4E30] =	vst v18;
	v13 =	vmul.f32 v13, v15;
	v4 =	vmov v12  }
0xe1: {  	v12 =	vld [tilespmem:s0+$0x4E30];
	[tilespmem:s16+$0x4E40] =	vst v11  }
0xe2: {  	s3 =	sadd.s32 $0x100, s3;
	v11 =	vld [tilespmem:s0+$0x4E40];
	[tilespmem:s16+$0x4E50] =	vst v13;
	s16 =	smov.u32 s0  }
0xe3: {  	v13 =	vld [tilespmem:s16+$0x4E50]  }
0xe4: {  	v14 =	vld [tilespmem:s16+$0xCE40]  }
0xe5: {  	v6 =	vadd.f32 v6, v10;
	v10 =	vld [tilespmem:s16+$0xCE50]  }
0xe6: {  	v7 =	vadd.f32 v7, v12  }
0xe7: {  	v6 =	vmul.f32 v6, v5;
	v9 =	vadd.f32 v9, v11  }
0xe8: {  	v7 =	vmul.f32 v7, v4;
	v8 =	vadd.f32 v8, v13  }
0xe9: {  	v6 =	vadd.f32 v6, v3;
	v9 =	vmul.f32 v9, v14  }
0xea: {  	v7 =	vadd.f32 v7, v2;
	v8 =	vmul.f32 v8, v10  }
0xeb: {  	v6 =	vmax.f32 v6, $0.0e+00;
	v9 =	vadd.f32 v9, v1  }
0xec: {  	v5 =	vmul.f32 v6, v5;
	v6 =	vmax.f32 v7, $0.0e+00;
	v7 =	vadd.f32 v8, v0  }
0xed: {  	v4 =	vmul.f32 v6, v4;
	v6 =	vmax.f32 v9, $0.0e+00  }
0xee: {  	[tilespmem:s16+$0x4E20] =	vst v5;
	v5 =	vmul.f32 v6, v14;
	v6 =	vmax.f32 v7, $0.0e+00  }
0xef: {  	[tilespmem:s16+$0x4E30] =	vst v4;
	v4 =	vmul.f32 v6, v10  }
0xf0: {  	[tilespmem:s16+$0x4E40] =	vst v5  }
0xf1: {  	s0 =	rddreg [dreg:$0xf];
	[tilespmem:s16+$0x4E50] =	vst v4  }
0xf2: {  	[hbm4b:s0+s1] =	stream.linear.scatter [tilespmem:s6], [sflag:$0xA], $0x2000, $0x38;
	[tilespmem:$0x1F260] =	vst v63  }
0xf3: {  	s3 =	rddreg [dreg:$0x16];
	s0 =	simm.s32 @!p1 $0x4E20  }
0xf4: {  	[spmem:s3] =	stream.linear.scatter @!p1 [tilespmem:s0], [sflag:$0x5], $0x2000, $0x38;
	[tilespmem:$0x1F260] =	vst v63  }
0xf5: {  	s3 =	rddreg [dreg:$0xb]  }
0xf6: {  	[tilespmem:s8], [sflag:$0xC] =	stream.linear.gather [hbm4b:s3+s1], $0x2000, $0x38;
	[tilespmem:$0x1F260] =	vst v63  }
0xf7: {  	_ =	swait.ge [sflag:s5], $0x2000  }
0xf8: {  	[sflag:s5] =	ssyncset.done $0x0  }
0xf9: {  	[sflag:s5] =	ssyncadd.s32 $0xFFFFE000  }
0xfa: {  	_ =	swait.ge [sflag:s13], $0x2000  }
0xfb: {  	[sflag:s13] =	ssyncset.done $0x0  }
0xfc: {  	[sflag:s13] =	ssyncadd.s32 $0xFFFFE000  }
0xfd: {  	_ =	swait.ge [sflag:s14], $0x2000  }
0xfe: {  	[sflag:s14] =	ssyncset.done $0x0  }
0xff: {  	[sflag:s14] =	ssyncadd.s32 $0xFFFFE000  }
0x100: {  	_ =	swait.ge [sflag:s15], $0x2000  }
0x101: {  	[sflag:s15] =	ssyncset.done $0x0  }
0x102: {  	s0 =	simm.s32 @!p1 $0x5;
	[sflag:s15] =	ssyncadd.s32 $0xFFFFE000  }
0x103: {  	_ =	swait.ge @!p1 [sflag:s0], $0x2000  }
0x104: {  	[sflag:s0] =	ssyncset.done @!p1 $0x0  }
0x105: {  	s4 =	rddreg [dreg:$0xc];
	[sflag:s0] =	ssyncadd.s32 @!p1 $0xFFFFE000;
	s0 =	simm.s32 $0x0  }
0x106: {  	[tilespmem:s6], [sflag:$0x6] =	stream.linear.gather [hbm4b:s4+s0], $0x2000, $0x38;
	[tilespmem:$0x1F260] =	vst v63  }
0x107: {  	s16 =	rddreg [dreg:$0x1f]  }
0x108: {  	[tilespmem:s7], [sflag:$0x8] =	stream.linear.gather [hbm4b:s16+s0], $0x2000, $0x38;
	[tilespmem:$0x1F260] =	vst v63  }
0x109: {  	s16 =	simm.s32 $0x0  }
0x10a: {  	v5 =	vld [tilespmem:s16+$0xCE20]  }
0x10b: {  	v4 =	vld [tilespmem:s16+$0xCE30]  }
0x10c: {  	v6 =	vld [tilespmem:s16+$0xAE20]  }
0x10d: {  	v7 =	vld [tilespmem:s16+$0xAE30]  }
0x10e: {  	v9 =	vld [tilespmem:s16+$0xAE40]  }
0x10f: {  	v8 =	vld [tilespmem:s16+$0xAE50]  }
0x110: {  	v10 =	vld [tilespmem:s16+$0x6E20]  }
0x111: {  	v12 =	vld [tilespmem:s16+$0x6E30]  }
0x112: {  	s3 =	simm.s32 $0x100;
	v11 =	vld [tilespmem:s16+$0x6E40]  }
.LBB2_8:
0x113: {  	p2 =	sne.s32 s3, $0x7F00;
	v13 =	vld [tilespmem:s16+$0x6E50]  }
0x114: {  	v14 =	vld [tilespmem:s16+$0xCE40]  }
0x115: {  	v6 =	vadd.f32 v6, v10;
	v15 =	vld [tilespmem:s16+$0xCE50]  }
0x116: {  	v7 =	vadd.f32 v7, v12  }
0x117: {  	v6 =	vmul.f32 v6, v5;
	v9 =	vadd.f32 v9, v11  }
0x118: {  	s0 =	sshra.s32 s3, $0x2;
	v7 =	vmul.f32 v7, v4;
	v8 =	vadd.f32 v8, v13  }
0x119: {  	v10 =	vld [tilespmem:s0+$0xCE20];
	v11 =	vadd.f32 v6, v3;
	v9 =	vmul.f32 v9, v14  }
0x11a: {  	v12 =	vld [tilespmem:s0+$0xCE30];
	v13 =	vadd.f32 v7, v2;
	v8 =	vmul.f32 v8, v15  }
0x11b: {  	v6 =	vld [tilespmem:s0+$0xAE20];
	v11 =	vmax.f32 v11, $0.0e+00;
	v16 =	vadd.f32 v9, v1  }
0x11c: {  	v7 =	vld [tilespmem:s0+$0xAE30];
	v17 =	vmul.f32 v11, v5;
	v11 =	vmax.f32 v13, $0.0e+00;
	v13 =	vadd.f32 v8, v0  }
.Ltmp3:
0x11d: {  	v9 =	vld [tilespmem:s0+$0xAE40];
	v18 =	vmul.f32 v11, v4;
	v11 =	vmax.f32 v16, $0.0e+00;
	(pc) =	sbr.rel @p2 .LBB2_8-.Ltmp3, $4  }
0x11e: {  	v8 =	vld [tilespmem:s0+$0xAE50];
	[tilespmem:s16+$0x6E20] =	vst v17;
	v11 =	vmul.f32 v11, v14;
	v13 =	vmax.f32 v13, $0.0e+00;
	v5 =	vmov v10  }
0x11f: {  	v10 =	vld [tilespmem:s0+$0x6E20];
	[tilespmem:s16+$0x6E30] =	vst v18;
	v13 =	vmul.f32 v13, v15;
	v4 =	vmov v12  }
0x120: {  	v12 =	vld [tilespmem:s0+$0x6E30];
	[tilespmem:s16+$0x6E40] =	vst v11  }
0x121: {  	s3 =	sadd.s32 $0x100, s3;
	v11 =	vld [tilespmem:s0+$0x6E40];
	[tilespmem:s16+$0x6E50] =	vst v13;
	s16 =	smov.u32 s0  }
0x122: {  	v13 =	vld [tilespmem:s16+$0x6E50]  }
0x123: {  	v14 =	vld [tilespmem:s16+$0xCE40]  }
0x124: {  	v6 =	vadd.f32 v6, v10;
	v10 =	vld [tilespmem:s16+$0xCE50]  }
0x125: {  	v7 =	vadd.f32 v7, v12  }
0x126: {  	v6 =	vmul.f32 v6, v5;
	v9 =	vadd.f32 v9, v11  }
0x127: {  	v7 =	vmul.f32 v7, v4;
	v8 =	vadd.f32 v8, v13  }
0x128: {  	v6 =	vadd.f32 v6, v3;
	v9 =	vmul.f32 v9, v14  }
0x129: {  	v7 =	vadd.f32 v7, v2;
	v8 =	vmul.f32 v8, v10  }
0x12a: {  	v6 =	vmax.f32 v6, $0.0e+00;
	v9 =	vadd.f32 v9, v1  }
0x12b: {  	v5 =	vmul.f32 v6, v5;
	v6 =	vmax.f32 v7, $0.0e+00;
	v7 =	vadd.f32 v8, v0  }
0x12c: {  	v4 =	vmul.f32 v6, v4;
	v6 =	vmax.f32 v9, $0.0e+00  }
0x12d: {  	[tilespmem:s16+$0x6E20] =	vst v5;
	v5 =	vmul.f32 v6, v14;
	v6 =	vmax.f32 v7, $0.0e+00  }
0x12e: {  	[tilespmem:s16+$0x6E30] =	vst v4;
	v4 =	vmul.f32 v6, v10  }
0x12f: {  	[tilespmem:s16+$0x6E40] =	vst v5  }
0x130: {  	s0 =	rddreg [dreg:$0x10];
	[tilespmem:s16+$0x6E50] =	vst v4  }
0x131: {  	[hbm4b:s0+s1] =	stream.linear.scatter [tilespmem:s11], [sflag:$0xA], $0x2000, $0x38;
	[tilespmem:$0x1F260] =	vst v63  }
0x132: {  	s3 =	rddreg [dreg:$0x17];
	s0 =	simm.s32 @!p1 $0x6E20  }
0x133: {  	[spmem:s3] =	stream.linear.scatter @!p1 [tilespmem:s0], [sflag:$0x5], $0x2000, $0x38;
	[tilespmem:$0x1F260] =	vst v63  }
0x134: {  	s4 =	simm.s32 $0x0;
	s16 =	rddreg [dreg:$0xd]  }
0x135: {  	[tilespmem:s8], [sflag:$0xC] =	stream.linear.gather [hbm4b:s16+s4], $0x2000, $0x38;
	[tilespmem:$0x1F260] =	vst v63  }
0x136: {  	_ =	swait.ge [sflag:s5], $0x2000  }
0x137: {  	[sflag:s5] =	ssyncset.done $0x0  }
0x138: {  	[sflag:s5] =	ssyncadd.s32 $0xFFFFE000  }
0x139: {  	_ =	swait.ge [sflag:s9], $0x2000  }
0x13a: {  	[sflag:s9] =	ssyncset.done $0x0  }
0x13b: {  	[sflag:s9] =	ssyncadd.s32 $0xFFFFE000  }
0x13c: {  	_ =	swait.ge [sflag:s10], $0x2000  }
0x13d: {  	[sflag:s10] =	ssyncset.done $0x0  }
0x13e: {  	s16 =	simm.s32 $0x0;
	[sflag:s10] =	ssyncadd.s32 $0xFFFFE000  }
0x13f: {  	v5 =	vld [tilespmem:s16+$0xCE20]  }
0x140: {  	v4 =	vld [tilespmem:s16+$0xCE30]  }
0x141: {  	v6 =	vld [tilespmem:s16+$0x8E20]  }
0x142: {  	v7 =	vld [tilespmem:s16+$0x8E30]  }
0x143: {  	v9 =	vld [tilespmem:s16+$0x8E40]  }
0x144: {  	v8 =	vld [tilespmem:s16+$0x8E50]  }
0x145: {  	v10 =	vld [tilespmem:s16+$0x4E20]  }
0x146: {  	v12 =	vld [tilespmem:s16+$0x4E30]  }
0x147: {  	s3 =	simm.s32 $0x100;
	v11 =	vld [tilespmem:s16+$0x4E40]  }
.LBB2_10:
0x148: {  	p2 =	sne.s32 s3, $0x7F00;
	v13 =	vld [tilespmem:s16+$0x4E50]  }
0x149: {  	v14 =	vld [tilespmem:s16+$0xCE40]  }
0x14a: {  	v6 =	vadd.f32 v6, v10;
	v15 =	vld [tilespmem:s16+$0xCE50]  }
0x14b: {  	v7 =	vadd.f32 v7, v12  }
0x14c: {  	v6 =	vmul.f32 v6, v5;
	v9 =	vadd.f32 v9, v11  }
0x14d: {  	s0 =	sshra.s32 s3, $0x2;
	v7 =	vmul.f32 v7, v4;
	v8 =	vadd.f32 v8, v13  }
0x14e: {  	v10 =	vld [tilespmem:s0+$0xCE20];
	v11 =	vadd.f32 v6, v3;
	v9 =	vmul.f32 v9, v14  }
0x14f: {  	v12 =	vld [tilespmem:s0+$0xCE30];
	v13 =	vadd.f32 v7, v2;
	v8 =	vmul.f32 v8, v15  }
0x150: {  	v6 =	vld [tilespmem:s0+$0x8E20];
	v11 =	vmax.f32 v11, $0.0e+00;
	v16 =	vadd.f32 v9, v1  }
0x151: {  	v7 =	vld [tilespmem:s0+$0x8E30];
	v17 =	vmul.f32 v11, v5;
	v11 =	vmax.f32 v13, $0.0e+00;
	v13 =	vadd.f32 v8, v0  }
.Ltmp4:
0x152: {  	v9 =	vld [tilespmem:s0+$0x8E40];
	v18 =	vmul.f32 v11, v4;
	v11 =	vmax.f32 v16, $0.0e+00;
	(pc) =	sbr.rel @p2 .LBB2_10-.Ltmp4, $4  }
0x153: {  	v8 =	vld [tilespmem:s0+$0x8E50];
	[tilespmem:s16+$0x4E20] =	vst v17;
	v11 =	vmul.f32 v11, v14;
	v13 =	vmax.f32 v13, $0.0e+00;
	v5 =	vmov v10  }
0x154: {  	v10 =	vld [tilespmem:s0+$0x4E20];
	[tilespmem:s16+$0x4E30] =	vst v18;
	v13 =	vmul.f32 v13, v15;
	v4 =	vmov v12  }
0x155: {  	v12 =	vld [tilespmem:s0+$0x4E30];
	[tilespmem:s16+$0x4E40] =	vst v11  }
0x156: {  	s3 =	sadd.s32 $0x100, s3;
	v11 =	vld [tilespmem:s0+$0x4E40];
	[tilespmem:s16+$0x4E50] =	vst v13;
	s16 =	smov.u32 s0  }
0x157: {  	v13 =	vld [tilespmem:s16+$0x4E50]  }
0x158: {  	v14 =	vld [tilespmem:s16+$0xCE40]  }
0x159: {  	v61 =	vld [tilespmem:s16+$0xCE50];
	v6 =	vadd.f32 v6, v10  }
0x15a: {  	v7 =	vadd.f32 v7, v12  }
0x15b: {  	v6 =	vmul.f32 v6, v5;
	v9 =	vadd.f32 v9, v11  }
0x15c: {  	v7 =	vmul.f32 v7, v4;
	v8 =	vadd.f32 v8, v13  }
0x15d: {  	v3 =	vadd.f32 v6, v3;
	v62 =	vmul.f32 v9, v14  }
0x15e: {  	v2 =	vadd.f32 v7, v2;
	v63 =	vmul.f32 v8, v61  }
0x15f: {  	v3 =	vmax.f32 v3, $0.0e+00;
	v1 =	vadd.f32 v62, v1  }
0x160: {  	v3 =	vmul.f32 v3, v5;
	v2 =	vmax.f32 v2, $0.0e+00;
	v0 =	vadd.f32 v63, v0  }
0x161: {  	v2 =	vmul.f32 v2, v4;
	v1 =	vmax.f32 v1, $0.0e+00  }
0x162: {  	[tilespmem:s16+$0x4E20] =	vst v3;
	v1 =	vmul.f32 v1, v14;
	v0 =	vmax.f32 v0, $0.0e+00  }
0x163: {  	[tilespmem:s16+$0x4E30] =	vst v2;
	v0 =	vmul.f32 v0, v61  }
0x164: {  	[tilespmem:s16+$0x4E40] =	vst v1  }
0x165: {  	s0 =	rddreg [dreg:$0x11];
	[tilespmem:s16+$0x4E50] =	vst v0  }
0x166: {  	[hbm4b:s0+s1] =	stream.linear.scatter [tilespmem:s6], [sflag:$0xA], $0x2000, $0x38;
	[tilespmem:$0x1F260] =	vst v63  }
0x167: {  	s0 =	simm.s32 @p1 $0xA  }
0x168: {  	_ =	swait.ge @p1 [sflag:s0], $0x2000  }
0x169: {  	[sflag:s0] =	ssyncset.done @p1 $0x0  }
0x16a: {  	[sflag:s0] =	ssyncadd.s32 @p1 $0xFFFFE000  }
0x16b: {  	_ =	swait.ge @p1 [sflag:s0], $0x2000  }
0x16c: {  	[sflag:s0] =	ssyncset.done @p1 $0x0  }
0x16d: {  	[sflag:s0] =	ssyncadd.s32 @p1 $0xFFFFE000;
	s0 =	simm.s32 @p1 $0xB  }
0x16e: {  	_ =	swait.ge @p1 [sflag:s0], $0x1400  }
0x16f: {  	[sflag:s0] =	ssyncset.done @p1 $0x0  }
0x170: {  	s3 =	rddreg [dreg:$0x18];
	[sflag:s0] =	ssyncadd.s32 @p1 $0xFFFFEC00;
	s0 =	simm.s32 @!p1 $0x4E20  }
0x171: {  	[spmem:s3] =	stream.linear.scatter @!p1 [tilespmem:s0], [sflag:$0x5], $0x2000, $0x38;
	[tilespmem:$0x1F260] =	vst v63  }
0x172: {  	s0 =	simm.s32 @!p1 $0xA  }
0x173: {  	_ =	swait.ge @!p1 [sflag:s0], $0x2000  }
0x174: {  	[sflag:s0] =	ssyncset.done @!p1 $0x0  }
0x175: {  	s3 =	simm.s32 @!p1 $0x5;
	[sflag:s0] =	ssyncadd.s32 @!p1 $0xFFFFE000  }
0x176: {  	_ =	swait.ge @!p1 [sflag:s3], $0x2000  }
0x177: {  	[sflag:s3] =	ssyncset.done @!p1 $0x0  }
0x178: {  	[sflag:s3] =	ssyncadd.s32 @!p1 $0xFFFFE000  }
0x179: {  	_ =	swait.ge @!p1 [sflag:s0], $0x2000  }
0x17a: {  	[sflag:s0] =	ssyncset.done @!p1 $0x0  }
0x17b: {  	[sflag:s0] =	ssyncadd.s32 @!p1 $0xFFFFE000  }
0x17c: {  	_ =	swait.ge @!p1 [sflag:s3], $0x2000  }
0x17d: {  	[sflag:s3] =	ssyncset.done @!p1 $0x0  }
0x17e: {  	[sflag:s3] =	ssyncadd.s32 @!p1 $0xFFFFE000  }
0x17f: {  	_ =	swait.ge [sflag:s19], $0x2710  }
0x180: {  	[sflag:s19] =	ssyncset.done $0x0  }
0x181: {  	[sflag:s19] =	ssyncadd.s32 $0xFFFFD8F0  }
0x182: {  	_ =	swait.ge [sflag:s22], $0x2710  }
0x183: {  	[sflag:s22] =	ssyncset.done $0x0  }
0x184: {  	[sflag:s22] =	ssyncadd.s32 $0xFFFFD8F0  }
0x185: {  	s16 =	simm.s32 $0x0;
	[bflag:$0x0] =	sbarrier.arrive $0xFFFF  }
0x186: {  	[tilespmem:s24], [sflag:$0x1] =	stream.indirect.gather [hbm4b:s20+s23], $0x40, s16, s23, $0xb8;
	[tilespmem:$0x1F260] =	vst v63  }
0x187: {  	_ = 	snop  }
0x188: {  	[tilespmem:s25], [sflag:$0x2] =	stream.indirect.gather [hbm4b:s20+s23], $0x40, s23, s23, $0xb8;
	[tilespmem:$0x1F260] =	vst v63  }
0x189: {  	s3 =	simm.s32 $0xA0  }
0x18a: {  	[tilespmem:s26], [sflag:$0x3] =	stream.indirect.gather [hbm4b:s20+s23], $0x40, s3, s23, $0xb8;
	[tilespmem:$0x1F260] =	vst v63  }
0x18b: {  	s4 =	simm.s32 $0xF0  }
0x18c: {  	[tilespmem:s28], [sflag:$0x4] =	stream.indirect.gather [hbm4b:s20+s23], $0x40, s4, s23, $0xb8;
	[tilespmem:$0x1F260] =	vst v63  }
0x18d: {  	s16 =	simm.s32 $0x140  }
0x18e: {  	[tilespmem:s29], [sflag:$0x5] =	stream.indirect.gather [hbm4b:s20+s23], $0x40, s16, s23, $0xb8;
	[tilespmem:$0x1F260] =	vst v63  }
0x18f: {  	_ =	swait.ge [sflag:s19], $0x1400  }
0x190: {  	[sflag:s19] =	ssyncset.done $0x0  }
0x191: {  	s3 =	simm.s32 $0x2710;
	[sflag:s19] =	ssyncadd.s32 $0xFFFFEC00  }
0x192: {  	[spmem:s18] =	stream.indirect.scatter.add.f32 [tilespmem:s24], [sflag:$0x6], $0x40, s3, s23, $0xb8;
	[tilespmem:$0x1F260] =	vst v63  }
0x193: {  	_ =	swait.ge [sflag:s22], $0x1400  }
0x194: {  	[sflag:s22] =	ssyncset.done $0x0  }
0x195: {  	s4 =	simm.s32 $0x2760;
	[sflag:s22] =	ssyncadd.s32 $0xFFFFEC00  }
0x196: {  	[spmem:s18] =	stream.indirect.scatter.add.f32 [tilespmem:s25], [sflag:$0x7], $0x40, s4, s23, $0xb8;
	[tilespmem:$0x1F260] =	vst v63  }
0x197: {  	_ =	swait.ge [sflag:s30], $0x1400  }
0x198: {  	[sflag:s30] =	ssyncset.done $0x0  }
0x199: {  	s16 =	simm.s32 $0x27B0;
	[sflag:s30] =	ssyncadd.s32 $0xFFFFEC00  }
0x19a: {  	[spmem:s18] =	stream.indirect.scatter.add.f32 [tilespmem:s26], [sflag:$0x8], $0x40, s16, s23, $0xb8;
	[tilespmem:$0x1F260] =	vst v63  }
0x19b: {  	_ =	swait.ge [sflag:s31], $0x1400  }
0x19c: {  	[sflag:s31] =	ssyncset.done $0x0  }
0x19d: {  	s3 =	simm.s32 $0x2800;
	[sflag:s31] =	ssyncadd.s32 $0xFFFFEC00  }
0x19e: {  	[spmem:s18] =	stream.indirect.scatter.add.f32 [tilespmem:s28], [sflag:$0x9], $0x40, s3, s23, $0xb8;
	[tilespmem:$0x1F260] =	vst v63  }
0x19f: {  	_ =	swait.ge [sflag:s17], $0x1400  }
0x1a0: {  	[sflag:s17] =	ssyncset.done $0x0  }
0x1a1: {  	s4 =	simm.s32 $0x2850;
	[sflag:s17] =	ssyncadd.s32 $0xFFFFEC00  }
0x1a2: {  	[spmem:s18] =	stream.indirect.scatter.add.f32 [tilespmem:s29], [sflag:$0xA], $0x40, s4, s23, $0xb8;
	[tilespmem:$0x1F260] =	vst v63  }
0x1a3: {  	_ =	swait.ge [sflag:s9], $0x1400  }
0x1a4: {  	[sflag:s9] =	ssyncset.done $0x0  }
0x1a5: {  	s16 =	simm.s32 $0x190;
	[sflag:s9] =	ssyncadd.s32 $0xFFFFEC00  }
0x1a6: {  	[tilespmem:s24], [sflag:$0x1] =	stream.indirect.gather [hbm4b:s20+s23], $0x40, s16, s23, $0xb8;
	[tilespmem:$0x1F260] =	vst v63  }
0x1a7: {  	_ =	swait.ge [sflag:s13], $0x1400  }
0x1a8: {  	[sflag:s13] =	ssyncset.done $0x0  }
0x1a9: {  	s3 =	simm.s32 $0x1E0;
	[sflag:s13] =	ssyncadd.s32 $0xFFFFEC00  }
0x1aa: {  	[tilespmem:s25], [sflag:$0x2] =	stream.indirect.gather [hbm4b:s20+s23], $0x40, s3, s23, $0xb8;
	[tilespmem:$0x1F260] =	vst v63  }
0x1ab: {  	_ =	swait.ge [sflag:s10], $0x1400  }
0x1ac: {  	[sflag:s10] =	ssyncset.done $0x0  }
0x1ad: {  	s4 =	simm.s32 $0x230;
	[sflag:s10] =	ssyncadd.s32 $0xFFFFEC00  }
0x1ae: {  	[tilespmem:s26], [sflag:$0x3] =	stream.indirect.gather [hbm4b:s20+s23], $0x40, s4, s23, $0xb8;
	[tilespmem:$0x1F260] =	vst v63  }
0x1af: {  	_ =	swait.ge [sflag:s14], $0x1400  }
0x1b0: {  	[sflag:s14] =	ssyncset.done $0x0  }
0x1b1: {  	s16 =	simm.s32 $0x280;
	[sflag:s14] =	ssyncadd.s32 $0xFFFFEC00  }
0x1b2: {  	[tilespmem:s28], [sflag:$0x4] =	stream.indirect.gather [hbm4b:s20+s23], $0x40, s16, s23, $0xb8;
	[tilespmem:$0x1F260] =	vst v63  }
0x1b3: {  	_ =	swait.ge [sflag:s15], $0x1400  }
0x1b4: {  	[sflag:s15] =	ssyncset.done $0x0  }
0x1b5: {  	s3 =	simm.s32 $0x2D0;
	s16 =	simm.s32 $0x640;
	[sflag:s15] =	ssyncadd.s32 $0xFFFFEC00  }
.LBB2_12:
0x1b6: {  	[tilespmem:s29], [sflag:$0x5] =	stream.indirect.gather [hbm4b:s20+s23], $0x40, s3, s23, $0xb8;
	[tilespmem:$0x1F260] =	vst v63  }
0x1b7: {  	s0 =	smov.u32 s16  }
0x1b8: {  	p2 =	sne.s32 s16, $0x8FC0;
	s16 =	sadd.s32 $0x640, s16;
	_ =	swait.ge [sflag:s19], $0x1400  }
0x1b9: {  	s3 =	sshra.s32 s0, $0x2;
	[sflag:s19] =	ssyncset.done $0x0  }
0x1ba: {  	s0 =	sadd.s32 $0x2710, s3;
	[sflag:s19] =	ssyncadd.s32 $0xFFFFEC00  }
0x1bb: {  	[spmem:s18] =	stream.indirect.scatter.add.f32 [tilespmem:s24], [sflag:$0x6], $0x40, s0, s23, $0xb8;
	[tilespmem:$0x1F260] =	vst v63  }
0x1bc: {  	_ =	swait.ge [sflag:s22], $0x1400  }
0x1bd: {  	[sflag:s22] =	ssyncset.done $0x0  }
0x1be: {  	s0 =	sadd.s32 $0x2760, s3;
	[sflag:s22] =	ssyncadd.s32 $0xFFFFEC00  }
0x1bf: {  	[spmem:s18] =	stream.indirect.scatter.add.f32 [tilespmem:s25], [sflag:$0x7], $0x40, s0, s23, $0xb8;
	[tilespmem:$0x1F260] =	vst v63  }
0x1c0: {  	_ =	swait.ge [sflag:s30], $0x1400  }
0x1c1: {  	[sflag:s30] =	ssyncset.done $0x0  }
0x1c2: {  	s0 =	sadd.s32 $0x27B0, s3;
	[sflag:s30] =	ssyncadd.s32 $0xFFFFEC00  }
0x1c3: {  	[spmem:s18] =	stream.indirect.scatter.add.f32 [tilespmem:s26], [sflag:$0x8], $0x40, s0, s23, $0xb8;
	[tilespmem:$0x1F260] =	vst v63  }
0x1c4: {  	_ =	swait.ge [sflag:s31], $0x1400  }
0x1c5: {  	[sflag:s31] =	ssyncset.done $0x0  }
0x1c6: {  	s0 =	sadd.s32 $0x2800, s3;
	[sflag:s31] =	ssyncadd.s32 $0xFFFFEC00  }
0x1c7: {  	[spmem:s18] =	stream.indirect.scatter.add.f32 [tilespmem:s28], [sflag:$0x9], $0x40, s0, s23, $0xb8;
	[tilespmem:$0x1F260] =	vst v63  }
0x1c8: {  	_ =	swait.ge [sflag:s17], $0x1400  }
0x1c9: {  	[sflag:s17] =	ssyncset.done $0x0  }
0x1ca: {  	s0 =	sadd.s32 $0x2850, s3;
	[sflag:s17] =	ssyncadd.s32 $0xFFFFEC00  }
0x1cb: {  	[spmem:s18] =	stream.indirect.scatter.add.f32 [tilespmem:s29], [sflag:$0xA], $0x40, s0, s23, $0xb8;
	[tilespmem:$0x1F260] =	vst v63  }
0x1cc: {  	_ =	swait.ge [sflag:s9], $0x1400  }
0x1cd: {  	[sflag:s9] =	ssyncset.done $0x0  }
0x1ce: {  	s0 =	sadd.s32 $0x190, s3;
	[sflag:s9] =	ssyncadd.s32 $0xFFFFEC00  }
0x1cf: {  	[tilespmem:s24], [sflag:$0x1] =	stream.indirect.gather [hbm4b:s20+s23], $0x40, s0, s23, $0xb8;
	[tilespmem:$0x1F260] =	vst v63  }
0x1d0: {  	_ =	swait.ge [sflag:s13], $0x1400  }
0x1d1: {  	[sflag:s13] =	ssyncset.done $0x0  }
0x1d2: {  	s0 =	sadd.s32 $0x1E0, s3;
	[sflag:s13] =	ssyncadd.s32 $0xFFFFEC00  }
0x1d3: {  	[tilespmem:s25], [sflag:$0x2] =	stream.indirect.gather [hbm4b:s20+s23], $0x40, s0, s23, $0xb8;
	[tilespmem:$0x1F260] =	vst v63  }
0x1d4: {  	_ =	swait.ge [sflag:s10], $0x1400  }
0x1d5: {  	[sflag:s10] =	ssyncset.done $0x0  }
0x1d6: {  	s0 =	sadd.s32 $0x230, s3;
	[sflag:s10] =	ssyncadd.s32 $0xFFFFEC00  }
0x1d7: {  	[tilespmem:s26], [sflag:$0x3] =	stream.indirect.gather [hbm4b:s20+s23], $0x40, s0, s23, $0xb8;
	[tilespmem:$0x1F260] =	vst v63  }
0x1d8: {  	_ =	swait.ge [sflag:s14], $0x1400  }
0x1d9: {  	[sflag:s14] =	ssyncset.done $0x0  }
.Ltmp5:
0x1da: {  	s0 =	sadd.s32 $0x280, s3;
	[sflag:s14] =	ssyncadd.s32 $0xFFFFEC00;
	(pc) =	sbr.rel @p2 .LBB2_12-.Ltmp5, $4  }
0x1db: {  	[tilespmem:s28], [sflag:$0x4] =	stream.indirect.gather [hbm4b:s20+s23], $0x40, s0, s23, $0xb8;
	[tilespmem:$0x1F260] =	vst v63  }
0x1dc: {  	_ =	swait.ge [sflag:s15], $0x1400  }
0x1dd: {  	[sflag:s15] =	ssyncset.done $0x0  }
0x1de: {  	s3 =	sadd.s32 $0x2D0, s3;
	[sflag:s15] =	ssyncadd.s32 $0xFFFFEC00  }
0x1df: {  	[tilespmem:s29], [sflag:$0x5] =	stream.indirect.gather [hbm4b:s20+s23], $0x40, s3, s23, $0xb8;
	[tilespmem:$0x1F260] =	vst v63  }
0x1e0: {  	_ =	swait.ge [sflag:s19], $0x1400  }
0x1e1: {  	[sflag:s19] =	ssyncset.done $0x0  }
0x1e2: {  	s0 =	simm.s32 $0x4C90;
	[sflag:s19] =	ssyncadd.s32 $0xFFFFEC00  }
0x1e3: {  	[spmem:s18] =	stream.indirect.scatter.add.f32 [tilespmem:s24], [sflag:$0x6], $0x40, s0, s23, $0xb8;
	[tilespmem:$0x1F260] =	vst v63  }
0x1e4: {  	_ =	swait.ge [sflag:s22], $0x1400  }
0x1e5: {  	[sflag:s22] =	ssyncset.done $0x0  }
0x1e6: {  	s16 =	simm.s32 $0x4CE0;
	[sflag:s22] =	ssyncadd.s32 $0xFFFFEC00  }
0x1e7: {  	[spmem:s18] =	stream.indirect.scatter.add.f32 [tilespmem:s25], [sflag:$0x7], $0x40, s16, s23, $0xb8;
	[tilespmem:$0x1F260] =	vst v63  }
0x1e8: {  	_ =	swait.ge [sflag:s30], $0x1400  }
0x1e9: {  	[sflag:s30] =	ssyncset.done $0x0  }
0x1ea: {  	s3 =	simm.s32 $0x4D30;
	[sflag:s30] =	ssyncadd.s32 $0xFFFFEC00  }
0x1eb: {  	[spmem:s18] =	stream.indirect.scatter.add.f32 [tilespmem:s26], [sflag:$0x8], $0x40, s3, s23, $0xb8;
	[tilespmem:$0x1F260] =	vst v63  }
0x1ec: {  	_ =	swait.ge [sflag:s31], $0x1400  }
0x1ed: {  	[sflag:s31] =	ssyncset.done $0x0  }
0x1ee: {  	s4 =	simm.s32 $0x4D80;
	[sflag:s31] =	ssyncadd.s32 $0xFFFFEC00  }
0x1ef: {  	[spmem:s18] =	stream.indirect.scatter.add.f32 [tilespmem:s28], [sflag:$0x9], $0x40, s4, s23, $0xb8;
	[tilespmem:$0x1F260] =	vst v63  }
0x1f0: {  	_ =	swait.ge [sflag:s17], $0x1400  }
0x1f1: {  	[sflag:s17] =	ssyncset.done $0x0  }
0x1f2: {  	s16 =	simm.s32 $0x4DD0;
	[sflag:s17] =	ssyncadd.s32 $0xFFFFEC00  }
0x1f3: {  	[spmem:s18] =	stream.indirect.scatter.add.f32 [tilespmem:s29], [sflag:$0xA], $0x40, s16, s23, $0xb8;
	[tilespmem:$0x1F260] =	vst v63  }
0x1f4: {  	_ =	swait.ge [sflag:s9], $0x1400  }
0x1f5: {  	[sflag:s9] =	ssyncset.done $0x0  }
0x1f6: {  	[sflag:s9] =	ssyncadd.s32 $0xFFFFEC00  }
0x1f7: {  	_ =	swait.ge [sflag:s13], $0x1400  }
0x1f8: {  	[sflag:s13] =	ssyncset.done $0x0  }
0x1f9: {  	[sflag:s13] =	ssyncadd.s32 $0xFFFFEC00  }
0x1fa: {  	_ =	swait.ge [sflag:s10], $0x1400  }
0x1fb: {  	[sflag:s10] =	ssyncset.done $0x0  }
0x1fc: {  	[sflag:s10] =	ssyncadd.s32 $0xFFFFEC00  }
0x1fd: {  	_ =	swait.ge [sflag:s14], $0x1400  }
0x1fe: {  	[sflag:s14] =	ssyncset.done $0x0  }
0x1ff: {  	[sflag:s14] =	ssyncadd.s32 $0xFFFFEC00  }
0x200: {  	_ =	swait.ge [sflag:s15], $0x1400  }
0x201: {  	[sflag:s15] =	ssyncset.done $0x0  }
0x202: {  	s16 =	stileid.u32;
	[sflag:s15] =	ssyncadd.s32 $0xFFFFEC00  }
0x203: {  	s3 =	sshll.u32 s16, $0x6;
	[bflag:$0x0] =	sbarrier.arrive $0xFFFF  }
0x204: {  	s0 =	sor.u32 $0x1C0C, s3;
	s3 =	sshrl.u32 s21, $0x3;
	s4 =	rddreg [dreg:$0x19]  }
0x205: {  	[hbm:s4], [sflag:s0] =	dma.local [spmem:s3], $0x1400  }
0x206: {  	_ =	swait.ge [sflag:s5], $0x1400  }
0x207: {  	s12 =	sadd.s32 $0x1, s12;
	s4 =	rddreg [dreg:$0x1a]  }
0x208: {  	p2 =	sne.s32 s12, s4  }
.Ltmp6:
0x209: {  	_ = 	snop;
	(pc) =	sbr.rel @p2 .LBB2_1-.Ltmp6, $3  }
0x20a: {  	_ =	sdelay $0x1  }
0x20b: {  	[sflag:s5] =	ssyncset.done $0x0  }
0x20c: {  	[sflag:s5] =	ssyncadd.s32 $0xFFFFEC00;
	s4 =	simm.s32 $0xAE20  }
0x20d: {  	_ =	sfence.sel $0x180000  }
0x20e: {  	[bflag:$0x0] =	sbarrier.arrive $0xFFFF  }
0x20f: {  	_ =	strace $0x9000004D  }
0x210: {  	[bflag:$0x2] =	sbarrier.arrive $0xFFFF  }
0x211: {  	p0 =	sne.s32 s16, $0x0;
	s0 =	rddreg [dreg:$0x3]  }
0x212: {  	s0 =	sadd.s32 @!p0 $0x100000, s0  }
0x213: {  	[sflag:s0] =	ssyncadd.tile.s32 @!p0 $0x1;
	_ =	shalt  }
.Lfunc_end2:
_tile_overlayer_lowered:
.L_overlay_start_2:
0x214: {  	(tag) =	ssettag $0x2  }
0x215: {  	s0 =	rddreg [dreg:$0x0];
	s2 =	stileid.u32  }
0x216: {  	s1 =	rddreg [dreg:$0x1];
	p0 =	sne.s32 s2, $0x0  }
0x217: {  	s3 =	rddreg [dreg:$0x2];
	[bflag:$0x3] =	sbarrier.arrive $0xFFFF;
	s2 =	simm.s32 @!p0 $0x1C0C  }
0x218: {  	[timem:s3], [sflag:s2] =	dma.local @!p0 [hbm:s0], s1  }
0x219: {  	s0 =	simm.s32 @!p0 $0xC  }
0x21a: {  	_ =	swait.ge @!p0 [sflag:s0], s1  }
0x21b: {  	s1 =	ssub.s32 @!p0 $0x0, s1;
	[sflag:s0] =	ssyncset.done @!p0 $0x0  }
0x21c: {  	[sflag:s0] =	ssyncadd.s32 @!p0 s1  }
0x21d: {  	[bflag:$0x3] =	sbarrier.arrive $0xFFFF  }
0x21e: {  	_ =	shalt  }

// kernel: kernel.7.cloned.1.call-start
scs
__scs_entry_jumppad:
0x0: {  	(pc) =	sbr.rel $0x88, $3  }
0x1: {  	(tag) =	ssettag $0x0;
	lr =	simm.s32 $0x1  }
0x2: {  	[smem:$0x3F9B] =	sst lr;
	_ =	strace $0xD0000000  }
0x3: {  	_ = 	snop  }
0x4: {  	_ = 	snop  }
0x5: {  	_ = 	snop  }
0x6: {  	_ = 	snop  }
0x7: {  	_ = 	snop  }
__scs_overlays_trampoline_lowered:
0x8: {  	[smem:$0x3FAA] =	sst s0  }
0x9: {  	[smem:$0x3FAB] =	sst s1  }
0xa: {  	[smem:$0x3FAC] =	sst s2  }
0xb: {  	[smem:$0x3FAD] =	sst s3  }
0xc: {  	[smem:$0x3FAE] =	sst s4  }
0xd: {  	[smem:$0x3FAF] =	sst s5  }
0xe: {  	[smem:$0x3FB0] =	sst s6  }
0xf: {  	[smem:$0x3FB1] =	sst s7  }
0x10: {  	[smem:$0x3FB2] =	sst s8  }
0x11: {  	[smem:$0x3FB3] =	sst s9;
	s0 =	simm.s32 @!p0 $0x0  }
0x12: {  	s1 =	sld [smem:$0x3F99];
	s0 =	simm.s32 @p0 $0x1  }
0x13: {  	[smem:$0x3FB4] =	sst s0;
	s0 =	simm.s32 @!p1 $0x0  }
0x14: {  	s2 =	sld [smem:$0x3F98];
	s0 =	simm.s32 @p1 $0x1  }
0x15: {  	[smem:$0x3FB5] =	sst s0;
	s0 =	simm.s32 @!p2 $0x0  }
0x16: {  	s3 =	sld [smem:$0x3FDB];
	s0 =	simm.s32 @p2 $0x1  }
0x17: {  	s4 =	simm.s32 $0x1BF5;
	[smem:$0x3FB7] =	sst s0  }
0x18: {  	s0 =	sld [smem:$0x3F9A];
	_ =	swait.ge [sflag:s4], $0x0  }
0x19: {  	s7 =	sld [smem:$0x3F9B]  }
0x1a: {  	s8 =	sadd.s32 $0xFFFFE003, lr  }
0x1b: {  	s9 =	sadd.s32 $0xFFFFFEF7, lr;
	s5 =	simm.s32 $0xFFFFFFFF;
	p2 =	slt.u32 s8, $0xFFFFF086  }
0x1c: {  	p1 =	slt.u32 s9, $0xF7A;
	s5 =	simm.s32 @!p2 $0x0  }
0x1d: {  	s5 =	simm.s32 @p1 $0x1;
	p0 =	seq.s32 s7, s2  }
0x1e: {  	s7 =	smul.u32 @!p0 $0xF7A, s2;
	p2 =	seq.s32 @!p0 s5, $0x0  }
0x1f: {  	s9 =	smul.u32 $0xF7A, s1;
	s8 =	simm.s32 @!p0 $0x1BF5;
	p2 =	por !p2, p0  }
0x20: {  	[sflag:s8] =	ssyncset.s32 @!p0 $0xFFFFF086;
	s6 =	sadd.s32 @!p0 s3, s7;
	s7 =	simm.s32 @!p0 $0x108  }
0x21: {  	s3 =	sadd.s32 s3, s9;
	s6 =	sadd.s32 @!p0 $0x88, s6;
	s7 =	simm.s32 @p2 $0x1082  }
0x22: {  	[simem:s7], [sflag:s8] =	dma.local @!p0 [hbm:s6], $0xF7A  }
0x23: {  	s9 =	sor.u32 $0xD0000000, s2;
	s6 =	simm.s32 $0x108;
	_ =	swait.ge @!p0 [sflag:s8], $0x0  }
0x24: {  	s3 =	sadd.s32 $0x88, s3;
	s6 =	simm.s32 @!p1 $0x1082;
	[sflag:s4] =	ssyncset.s32 $0xFFFFF086  }
0x25: {  	[simem:s6], [sflag:s4] =	dma.local [hbm:s3], $0xF7A  }
0x26: {  	[smem:$0x3F9B] =	sst s1;
	(tag) =	ssettag s2;
	_ =	strace s9  }
0x27: {  	s1 =	sld [smem:$0x3FAB]  }
0x28: {  	s2 =	sld [smem:$0x3FAC]  }
0x29: {  	s4 =	sld [smem:$0x3FAE]  }
0x2a: {  	p0 =	seq.s32 s5, $0x0;
	s5 =	sld [smem:$0x3FAF]  }
0x2b: {  	s6 =	sld [smem:$0x3FB0]  }
0x2c: {  	s7 =	sld [smem:$0x3FB1]  }
0x2d: {  	s3 =	simm.s32 $0x108;
	s8 =	sld [smem:$0x3FB2]  }
0x2e: {  	s3 =	simm.s32 @!p0 $0x1082;
	s9 =	sld [smem:$0x3FB3]  }
0x2f: {  	lr =	sadd.s32 s0, s3;
	s0 =	sld [smem:$0x3FAA]  }
0x30: {  	s3 =	sld [smem:$0x3FAD]  }
0x31: {  	[smem:$0x3FB6] =	sst s10  }
0x32: {  	s10 =	sld [smem:$0x3FB4];
	_ =	sdelay $0x3  }
0x33: {  	p0 =	seq.s32 s10, $0x1;
	s10 =	sld [smem:$0x3FB6];
	_ =	sdelay $0x3  }
0x34: {  	[smem:$0x3FB6] =	sst s10  }
0x35: {  	s10 =	sld [smem:$0x3FB5];
	_ =	sdelay $0x3  }
0x36: {  	p1 =	seq.s32 s10, $0x1;
	s10 =	sld [smem:$0x3FB6];
	_ =	sdelay $0x3  }
0x37: {  	[smem:$0x3FB6] =	sst s10  }
0x38: {  	s10 =	sld [smem:$0x3FB7]  }
0x39: {  	_ = 	snop;
	(pc) =	sbr.ind lr, $3  }
0x3a: {  	_ = 	snop  }
0x3b: {  	_ = 	snop  }
0x3c: {  	p2 =	seq.s32 s10, $0x1;
	s10 =	sld [smem:$0x3FB6]  }
0x3d: {  	_ =	shalt  }
0x3e: {  	_ =	shalt  }
0x3f: {  	_ =	shalt  }
0x40: {  	_ =	shalt  }
0x41: {  	_ =	shalt  }
0x42: {  	_ =	shalt  }
0x43: {  	_ =	shalt  }
0x44: {  	_ =	shalt  }
0x45: {  	_ =	shalt  }
0x46: {  	_ =	shalt  }
0x47: {  	_ =	shalt  }
0x48: {  	_ =	shalt  }
0x49: {  	_ =	shalt  }
0x4a: {  	_ =	shalt  }
0x4b: {  	_ =	shalt  }
0x4c: {  	_ =	shalt  }
0x4d: {  	_ =	shalt  }
0x4e: {  	_ =	shalt  }
0x4f: {  	_ =	shalt  }
0x50: {  	_ =	shalt  }
0x51: {  	_ =	shalt  }
0x52: {  	_ =	shalt  }
0x53: {  	_ =	shalt  }
0x54: {  	_ =	shalt  }
0x55: {  	_ =	shalt  }
0x56: {  	_ =	shalt  }
0x57: {  	_ =	shalt  }
0x58: {  	_ =	shalt  }
0x59: {  	_ =	shalt  }
0x5a: {  	_ =	shalt  }
0x5b: {  	_ =	shalt  }
0x5c: {  	_ =	shalt  }
0x5d: {  	_ =	shalt  }
0x5e: {  	_ =	shalt  }
0x5f: {  	_ =	shalt  }
0x60: {  	_ =	shalt  }
0x61: {  	_ =	shalt  }
0x62: {  	_ =	shalt  }
0x63: {  	_ =	shalt  }
0x64: {  	_ =	shalt  }
0x65: {  	_ =	shalt  }
0x66: {  	_ =	shalt  }
0x67: {  	_ =	shalt  }
0x68: {  	_ =	shalt  }
0x69: {  	_ =	shalt  }
0x6a: {  	_ =	shalt  }
0x6b: {  	_ =	shalt  }
0x6c: {  	_ =	shalt  }
0x6d: {  	_ =	shalt  }
0x6e: {  	_ =	shalt  }
0x6f: {  	_ =	shalt  }
0x70: {  	_ =	shalt  }
0x71: {  	_ =	shalt  }
0x72: {  	_ =	shalt  }
0x73: {  	_ =	shalt  }
0x74: {  	_ =	shalt  }
0x75: {  	_ =	shalt  }
0x76: {  	_ =	shalt  }
0x77: {  	_ =	shalt  }
0x78: {  	_ =	shalt  }
0x79: {  	_ =	shalt  }
0x7a: {  	_ =	shalt  }
0x7b: {  	_ =	shalt  }
0x7c: {  	_ =	shalt  }
0x7d: {  	_ =	shalt  }
0x7e: {  	_ =	shalt  }
0x7f: {  	_ =	shalt  }
0x80: {  	_ =	shalt  }
0x81: {  	_ =	shalt  }
0x82: {  	_ =	shalt  }
0x83: {  	_ =	shalt  }
0x84: {  	_ =	shalt  }
0x85: {  	_ =	shalt  }
0x86: {  	_ =	shalt  }
0x87: {  	_ =	shalt  }
.Lfunc_end0:
.L_simem_size_0:
called_computation_lowered:
.L_overlay_start_0:
0x88: {  	s2 =	sld [smem:$0x3FD9]  }
0x89: {  	s3 =	sld [smem:$0x3FFE];
	_ =	sdelay $0x1  }
0x8a: {  	s1 =	srdreg.scid  }
0x8b: {  	s0 =	sand.u32 $0x1, s1  }
0x8c: {  	s17 =	sshll.u32 s0, $0xA;
	s2 =	sadd.s32 s3, s2  }
0x8d: {  	s2 =	sadd.s32 s2, s17  }
0x8e: {  	[smem:$0x3FC2] =	sst s2  }
0x8f: {  	_ = 	snop  }
0x90: {  	s2 =	sld [smem:$0x3FD0];
	(tm) =	ssettm $0x1  }
0x91: {  	s18 =	sld [smem:$0x3FFB];
	_ =	sdelay $0x3  }
0x92: {  	_ =	strace s18  }
0x93: {  	s3 =	sld [smem:$0x3FFC];
	_ =	sdelay $0x3  }
0x94: {  	_ =	strace s3  }
0x95: {  	s3 =	sld [smem:$0x3FFD];
	_ =	sdelay $0x3  }
0x96: {  	_ =	strace s3  }
0x97: {  	_ =	strace $0x8FFFFFFF  }
0x98: {  	s19 =	sld [smem:$0x3FDB];
	_ =	sdelay $0x1  }
0x99: {  	s4 =	simm.s32 $_scs_section_size  }
0x9a: {  	s5 =	simm.s32 $_size__tile_overlayer_lowered;
	s6 =	simm.s32 $_tile_overlayer_lowered  }
0x9b: {  	s22 =	simm.s32 $0x1BFF;
	s21 =	sshll.u32 s6, $0x1;
	s3 =	sadd.s32 s4, s19  }
0x9c: {  	s7 =	simm.s32 $0x0;
	s20 =	sshll.u32 s5, $0x1;
	s5 =	sadd.s32 s21, s3  }
0x9d: {  	[timem:s7], [sflag:s22] =	dma.local [hbm:s5], s20  }
0x9e: {  	_ =	swait.ge [sflag:s22], s20  }
0x9f: {  	s4 =	ssub.s32 $0x0, s20;
	[sflag:s22] =	ssyncset.done $0x0  }
0xa0: {  	[sflag:s22] =	ssyncadd.s32 s4;
	_ =	sdelay $0x1  }
0xa1: {  	s23 =	simm.s32 $0x1B8B  }
0xa2: {  	_ =	swait.ge [sflag:s23], $0x1  }
0xa3: {  	[sflag:s23] =	ssyncset.done $0x0  }
0xa4: {  	s25 =	simm.s32 $0x1B8E;
	s24 =	sld [smem:$0x3FFE];
	[sflag:s23] =	ssyncadd.s32 $0xFFFFFFFF  }
0xa5: {  	s26 =	simm.s32 $execute0_lowered;
	[smem:$0x3FD2] =	sst s25  }
0xa6: {  	s5 =	sshll.u32 s26, $0x1;
	_ =	strace $0x80000046;
	[dreg:$0x1] =	wrdreg $0xFFFFFFFF  }
0xa7: {  	s28 =	simm.s32 $_size_execute0_lowered;
	s3 =	sadd.s32 s3, s5;
	[dreg:$0x0] =	wrdreg $0x0  }
0xa8: {  	s5 =	sshll.u32 s28, $0x1;
	[dreg:$0x2] =	wrdreg s3  }
0xa9: {  	[dreg:$0x3] =	wrdreg s5  }
0xaa: {  	[dreg:$0x4] =	wrdreg $0xC0  }
0xab: {  	_ =	task [dreg:s7], $0x5FFFF  }
0xac: {  	[dreg:$0x1] =	wrdreg $0xFFFFFFFF  }
0xad: {  	[dreg:$0x0] =	wrdreg $0x60  }
0xae: {  	[dreg:$0x2] =	wrdreg s24  }
0xaf: {  	[dreg:$0x3] =	wrdreg s2  }
0xb0: {  	[dreg:$0x4] =	wrdreg $0x9  }
0xb1: {  	_ =	task.clear_ibuf [dreg:s7], $0x5FFFF;
	_ =	strace $0x90000046  }
0xb2: {  	s29 =	simm.s32 $0x9;
	_ =	strace $0x80000048  }
0xb3: {  	_ =	swait.ge [sflag:s29], $0x1  }
0xb4: {  	[sflag:s29] =	ssyncadd.s32 $0xFFFFFFFF  }
0xb5: {  	_ =	strace $0x90000048  }
0xb6: {  	_ =	sfence  }
0xb7: {  	s30 =	sld [smem:$0x0];
	_ =	sdelay $0x2  }
0xb8: {  	s31 =	sshll.u32 s1, $0xD;
	s1 =	sshrl.u32 s1, $0x2  }
0xb9: {  	s3 =	sand.u32 $0x4000, s31;
	s1 =	sadd.s32 s1, s30  }
0xba: {  	s0 =	sor.u32 s3, s0;
	s1 =	sshll.u32 s1, $0x11  }
0xbb: {  	s0 =	sor.u32 s1, s0  }
0xbc: {  	s0 =	sadd.s32 $0x8F2B, s0  }
0xbd: {  	[sflag:s0] =	ssyncadd.remote.s32 $0x1  }
0xbe: {  	_ =	sfence.sel $0xFFFF  }
0xbf: {  	[dreg:$0x0] =	wrdreg $0xFFFFFFFF;
	(pc) =	sbr.abs _section_cstart, $3  }
0xc0: {  	[dreg:$0x1] =	wrdreg $0xFFFFFFFF  }
0xc1: {  	_ =	task.clear_ibuf [dreg:s7], $0x2FFFF;
	_ =	strace $0x9FFFFFFF  }
0xc2: {  	(tm) =	ssettm $0x7FFFFFFF  }
0xc3: {  	_ =	shalt  }
tec
execute0_lowered:
.L_overlay_start_1:
0x0: {  	(tag) =	ssettag $0x1  }
0x1: {  	s0 =	srdreg.scid  }
0x2: {  	s3 =	rddreg [dreg:$0x0];
	s4 =	sand.u32 $0x1, s0  }
0x3: {  	s5 =	rddreg [dreg:$0x1];
	s1 =	stileid.u32;
	s2 =	sshll.u32 s4, $0x4  }
0x4: {  	s0 =	rddreg [dreg:$0x2];
	s6 =	sor.u32 s1, s2  }
0x5: {  	s4 =	ssub.s32 $0x2, s4;
	s2 =	simm.s32 $0x0;
	s7 =	smul.u32 $0x4E2, s6  }
0x6: {  	s8 =	sshrl.u32 s4, $0x1;
	[smem:$0x7FF] =	sst s2;
	s6 =	smul.u32 $0x500, s6  }
0x7: {  	s31 =	ssub.s32 s4, s8;
	s8 =	simm.s32 $0x0;
	_ =	strace $0x80000047  }
0x8: {  	s3 =	sadd.s32 s7, s3;
	s4 =	sadd.s32 s5, s6;
	s5 =	smax.u32 s31, $0x1  }
0x9: {  	v0 =	vimm.f32 $0.0e+00;
	v1 =	vimm.f32 $1.000000000e+00;
	s6 =	simm.s32 $0x1;
	s7 =	simm.s32 $0x2710;
	s3 =	sadd.s32 $0x1800, s3  }
.LBB2_1:
0xa: {  	s9 =	simm.s32 $0x40;
	s10 =	simm.s32 $0x0  }
.LBB2_2:
0xb: {  	p0 =	sne.s32 s9, $0x9FC0;
	[tilespmem:s10+$0x2710] =	vst v0;
	s10 =	smov.u32 s9;
	s9 =	sadd.s32 $0x40, s9  }
.Ltmp0:
0xc: {  	(pc) =	sbr.rel @p0 .LBB2_2-.Ltmp0, $2  }
0xd: {  	_ =	sdelay $0x2  }
0xe: {  	s10 =	sshra.s32 s10, $0x2  }
0xf: {  	[tilespmem:s10+$0x2710] =	vst v0;
	s9 =	simm.s32 $0x0  }
0x10: {  	[tilespmem:s9], [sflag:$0x1] =	stream.linear.gather [hbm4b:s3+s9], $0x2710, $0x38;
	[tilespmem:$0x4F10] =	vst v63  }
0x11: {  	_ =	swait.ge [sflag:s6], $0x2710  }
0x12: {  	[sflag:s6] =	ssyncset.done $0x0  }
0x13: {  	[sflag:s6] =	ssyncadd.s32 $0xFFFFD8F0  }
.LBB2_4:
0x14: {  	s10 =	sshra.s32 s9, $0x2  }
0x15: {  	v2 =	vld [tilespmem:s10+$0x0];
	_ =	sdelay $0x7  }
0x16: {  	[tilespmem:v2+s7+$0x0] =	vst.idx.add.f32.msk $0xffff, v1  }
0x17: {  	v2 =	vld [tilespmem:s10+$0x10];
	_ =	sdelay $0x7  }
0x18: {  	[tilespmem:v2+s7+$0x0] =	vst.idx.add.f32.msk $0xffff, v1  }
0x19: {  	v2 =	vld [tilespmem:s10+$0x20];
	_ =	sdelay $0x7  }
0x1a: {  	[tilespmem:v2+s7+$0x0] =	vst.idx.add.f32.msk $0xffff, v1  }
0x1b: {  	v2 =	vld [tilespmem:s10+$0x30];
	_ =	sdelay $0x7  }
0x1c: {  	[tilespmem:v2+s7+$0x0] =	vst.idx.add.f32.msk $0xffff, v1  }
0x1d: {  	v2 =	vld [tilespmem:s10+$0x40];
	_ =	sdelay $0x2  }
0x1e: {  	p0 =	sne.s32 s9, $0x9B00  }
.Ltmp1:
0x1f: {  	_ = 	snop;
	(pc) =	sbr.rel @p0 .LBB2_4-.Ltmp1, $2  }
0x20: {  	_ =	sdelay $0x2  }
0x21: {  	s9 =	sadd.s32 $0x140, s9;
	[tilespmem:v2+s7+$0x0] =	vst.idx.add.f32.msk $0xffff, v1  }
0x22: {  	s8 =	sadd.s32 $0x1, s8  }
0x23: {  	p0 =	sne.s32 s8, s5  }
.Ltmp2:
0x24: {  	_ = 	snop;
	(pc) =	sbr.rel @p0 .LBB2_1-.Ltmp2, $4  }
0x25: {  	[hbm4b:s4+s2] =	stream.linear.scatter [tilespmem:s7], [sflag:$0x1], $0x2800, $0x38;
	[tilespmem:$0x4F10] =	vst v63  }
0x26: {  	_ =	swait.ge [sflag:s6], $0x2800  }
0x27: {  	[sflag:s6] =	ssyncset.done $0x0  }
0x28: {  	[sflag:s6] =	ssyncadd.s32 $0xFFFFD800  }
0x29: {  	_ =	sfence.sel $0x180000  }
0x2a: {  	[bflag:$0x0] =	sbarrier.arrive $0xFFFF  }
0x2b: {  	p0 =	sne.s32 s1, $0x0;
	_ =	strace $0x90000047  }
0x2c: {  	s0 =	sadd.s32 @!p0 $0x100000, s0;
	[bflag:$0x2] =	sbarrier.arrive $0xFFFF  }
0x2d: {  	[sflag:s0] =	ssyncadd.tile.s32 @!p0 $0x1;
	_ =	shalt  }
.Lfunc_end2:
_tile_overlayer_lowered:
.L_overlay_start_2:
0x2e: {  	(tag) =	ssettag $0x2  }
0x2f: {  	s0 =	rddreg [dreg:$0x0];
	s2 =	stileid.u32  }
0x30: {  	s1 =	rddreg [dreg:$0x1];
	p0 =	sne.s32 s2, $0x0  }
0x31: {  	s3 =	rddreg [dreg:$0x2];
	[bflag:$0x3] =	sbarrier.arrive $0xFFFF;
	s2 =	simm.s32 @!p0 $0x1C01  }
0x32: {  	[timem:s3], [sflag:s2] =	dma.local @!p0 [hbm:s0], s1  }
0x33: {  	s0 =	simm.s32 @!p0 $0x1  }
0x34: {  	_ =	swait.ge @!p0 [sflag:s0], s1  }
0x35: {  	s1 =	ssub.s32 @!p0 $0x0, s1;
	[sflag:s0] =	ssyncset.done @!p0 $0x0  }
0x36: {  	[sflag:s0] =	ssyncadd.s32 @!p0 s1  }
0x37: {  	[bflag:$0x3] =	sbarrier.arrive $0xFFFF  }
0x38: {  	_ =	shalt  }

</sc_bundles>
